<compile_context>
chip_gen: v7x
topology: tpu7x:2x2x1
jax: 0.10.2.dev20260603
libtpu: 0.0.44.dev20260713+nightly
codegen_flags: <defaults>
</compile_context>

<pallas_src>
import functools

import jax
import jax.numpy as jnp
from jax import lax
from jax.experimental import pallas as pl
from jax.experimental.pallas import tpu as pltpu
from jax.experimental.pallas import tpu_sc as plsc

_CYCLES = (7, 30, 91, 365)
_BOUNDS = tuple(c + 1 for c in _CYCLES)
_OFFS = (0, 8, 39, 131)
_ROWS = 504
_STAGE = ((0, 8), (8, 32), (40, 96), (136, 368))
_B = 16384
_D = 64
_NC = 2
_NS = 16
_NW = _NC * _NS
_BPW = _B // _NW
_BLK = 128
_NBLK = _BPW // _BLK
_LANES = 16
_CHUNK_BYTES = _D * _BLK * 4


def _cae_body(x_hbm, tab_hbm,
              o0, o1, o2, o3, o4, o5, o6, o7,
              x_v, idx_v, tab_v, tb_a, tb_b, ssem,
              ts0, ts1, ts2, ts3):
    cid = lax.axis_index("c")
    sid = lax.axis_index("s")
    wid = sid * _NC + cid
    base = wid * _BPW

    tsems = (ts0, ts1, ts2, ts3)
    for j in range(4):
        pltpu.async_copy(
            tab_hbm.at[pl.ds(_STAGE[j][0], _STAGE[j][1])],
            tab_v.at[pl.ds(_STAGE[j][0], _STAGE[j][1])], tsems[j])
    pltpu.sync_copy(x_hbm.at[pl.ds(base, _BPW)], x_v)

    def compute_idx(i, carry):
        v = x_v[pl.ds(i * _LANES, _LANES)]
        vf = v.astype(jnp.float32)
        for ci, c in enumerate(_CYCLES):
            q = (vf * jnp.float32(1.0 / c)).astype(jnp.int32)
            r = v - q * c
            r = jnp.where(r < 0, r + c, r)
            r = jnp.where(r >= c, r - c, r)
            idx_v[ci, pl.ds(i * _LANES, _LANES)] = r + (1 + _OFFS[ci])
        return carry

    lax.fori_loop(0, _BPW // _LANES, compute_idx, 0)

    iota = lax.iota(jnp.int32, _LANES)
    outs = (o0, o1, o2, o3, o4, o5, o6, o7)
    bufs = (tb_a, tb_b)

    def unit(up, carry):
        for half in range(2):
            u = up * 2 + half
            ci = u // _NBLK
            h = u % _NBLK
            tb = bufs[half]

            for j in range(4):
                @pl.when((ci == j) & (h == 0))
                def _(j=j):
                    pltpu.make_async_copy(
                        tab_hbm.at[pl.ds(_STAGE[j][0], _STAGE[j][1])],
                        tab_v.at[pl.ds(_STAGE[j][0], _STAGE[j][1])],
                        tsems[j]).wait()

            @pl.when(u >= 2)
            def _():
                pltpu.make_async_copy(
                    o0.at[pl.ds(0, _D), pl.ds(0, _BLK)],
                    tb.at[pl.ds(0, _D)], ssem).wait()
                pltpu.make_async_copy(
                    o0.at[pl.ds(0, _D), pl.ds(0, _BLK)],
                    tb.at[pl.ds(_D, _D)], ssem).wait()

            def fill(g, c2, tb=tb):
                r16 = idx_v[ci, pl.ds(h * _BLK + g * _LANES, _LANES)]
                b16 = g * _LANES + iota
                for c0 in range(0, 2 * _D, 8):
                    cols = [(c0 + d + iota) & (2 * _D - 1) for d in range(8)]
                    vals = [plsc.load_gather(tab_v, [r16, col])
                            for col in cols]
                    for col, val in zip(cols, vals):
                        plsc.store_scatter(tb, [col, b16], val)
                return c2

            lax.fori_loop(0, _BLK // _LANES, fill, 0)

            dst = pl.ds(base + h * _BLK, _BLK)
            for j in range(4):
                @pl.when(ci == j)
                def _(j=j, tb=tb, dst=dst):
                    pltpu.async_copy(
                        tb.at[pl.ds(0, _D)], outs[2 * j].at[:, dst], ssem)
                    pltpu.async_copy(
                        tb.at[pl.ds(_D, _D)], outs[2 * j + 1].at[:, dst],
                        ssem)
        return carry

    lax.fori_loop(0, 8, unit, 0)

    for tb in bufs:
        pltpu.make_async_copy(
            o0.at[pl.ds(0, _D), pl.ds(0, _BLK)],
            tb.at[pl.ds(0, _D)], ssem).wait()
        pltpu.make_async_copy(
            o0.at[pl.ds(0, _D), pl.ds(0, _BLK)],
            tb.at[pl.ds(_D, _D)], ssem).wait()


@jax.jit
def kernel(x, W0, W1, W2, W3, W4, W5, W6, W7):
    mesh = plsc.VectorSubcoreMesh(core_axis_name="c", subcore_axis_name="s")
    run = functools.partial(
        pl.kernel,
        mesh=mesh,
        out_type=[jax.ShapeDtypeStruct((_D, _B), jnp.float32)] * 8,
        compiler_params=pltpu.CompilerParams(needs_layout_passes=False),
        scratch_types=[
            pltpu.VMEM((_BPW,), jnp.int32),
            pltpu.VMEM((len(_CYCLES), _BPW), jnp.int32),
            pltpu.VMEM((_ROWS, 2 * _D), jnp.float32),
            pltpu.VMEM((2 * _D, _BLK), jnp.float32),
            pltpu.VMEM((2 * _D, _BLK), jnp.float32),
            pltpu.SemaphoreType.DMA,
            pltpu.SemaphoreType.DMA,
            pltpu.SemaphoreType.DMA,
            pltpu.SemaphoreType.DMA,
            pltpu.SemaphoreType.DMA,
        ],
    )(_cae_body)
    tab = jnp.concatenate(
        [jnp.concatenate([ws, wc], axis=1)
         for ws, wc in ((W0, W4), (W1, W5), (W2, W6), (W3, W7))]
        + [jnp.zeros((_ROWS - 497, 2 * _D), jnp.float32)], axis=0)
    res = run(x.astype(jnp.int32), tab)
    return tuple(r.T for r in res)

# --- scband reference (transcript-rebuilt; emitter-appended) ---
"""Pipeline reference for scband-cae-30451318128785 (READ-ONLY COPY).

The authoritative reference and input builder live on the scoring server;
editing this copy changes nothing except your own understanding.
"""

import jax, jax.numpy as jnp
import numpy as np

CYCLES = [7, 30, 91, 365]
BOUNDS = [c + 1 for c in CYCLES]
C_DIM = 64
BATCH = 16384


def setup_inputs(seed: int = 0) -> dict:
    key = jax.random.key(seed)
    keys = jax.random.split(key, 9)
    x = jax.random.randint(keys[0], (BATCH,), 0, 100000)
    inp = {"x": x}
    all_bounds = BOUNDS + BOUNDS  # 4 sin tables then 4 cos tables
    for i, b in enumerate(all_bounds):
        std = float(np.sqrt(2.0 / (b + C_DIM)))  # xavier_normal
        W = jax.random.normal(keys[i + 1], (b, C_DIM), dtype=jnp.float32) * std
        W = W.at[0].set(0.0)  # padding_idx=0
        inp[f"W{i}"] = W
    return inp


def reference(x, W0, W1, W2, W3, W4, W5, W6, W7):
    tables = (W0, W1, W2, W3, W4, W5, W6, W7)
    n = len(CYCLES)
    cae = []
    for i, c in enumerate(CYCLES):
        # Timestamp.get_cycles(tid, c, 1) approximated as phase index within the
        # cycle, shifted by 1 to avoid the padding row (same index feeds the sin
        # table i and the cos table i+n, which are distinct learned tables).
        idx = (x % c + 1).astype(jnp.int32)
        # defaultdict insertion order in the original: key i then key i+n,
        # so the output list ordering is [0,4,1,5,2,6,3,7].
        cae.append(jnp.take(tables[i], idx, axis=0))
        cae.append(jnp.take(tables[i + n], idx, axis=0))
    return tuple(cae)

if __name__ == "__main__":
    import jax
    _d = setup_inputs()
    print(jax.jit(kernel)(*tuple(_d.values())))

</pallas_src>

<mosaic_0001>
#map = affine_map<(d0, d1) -> (0)>
#map1 = affine_map<(d0, d1) -> (0, 0)>
module attributes {stable_mosaic.version = 14 : i64} {
  func.func @_cae_body(%arg0: i32, %arg1: i32, %arg2: memref<16384xi32, #tpu.memory_space<hbm>>, %arg3: memref<504x128xf32, #tpu.memory_space<hbm>>, %arg4: memref<64x16384xf32, #tpu.memory_space<hbm>>, %arg5: memref<64x16384xf32, #tpu.memory_space<hbm>>, %arg6: memref<64x16384xf32, #tpu.memory_space<hbm>>, %arg7: memref<64x16384xf32, #tpu.memory_space<hbm>>, %arg8: memref<64x16384xf32, #tpu.memory_space<hbm>>, %arg9: memref<64x16384xf32, #tpu.memory_space<hbm>>, %arg10: memref<64x16384xf32, #tpu.memory_space<hbm>>, %arg11: memref<64x16384xf32, #tpu.memory_space<hbm>>, %arg12: memref<512xi32, #tpu.memory_space<vmem>>, %arg13: memref<4x512xi32, #tpu.memory_space<vmem>>, %arg14: memref<504x128xf32, #tpu.memory_space<vmem>>, %arg15: memref<128x128xf32, #tpu.memory_space<vmem>>, %arg16: memref<128x128xf32, #tpu.memory_space<vmem>>, %arg17: memref<!tpu.dma_semaphore, #tpu.memory_space<semaphore_mem>>, %arg18: memref<!tpu.dma_semaphore, #tpu.memory_space<semaphore_mem>>, %arg19: memref<!tpu.dma_semaphore, #tpu.memory_space<semaphore_mem>>, %arg20: memref<!tpu.dma_semaphore, #tpu.memory_space<semaphore_mem>>, %arg21: memref<!tpu.dma_semaphore, #tpu.memory_space<semaphore_mem>>) attributes {dimension_semantics = [#tpu.dimension_semantics<core_parallel>, #tpu.dimension_semantics<subcore_parallel>], iteration_bounds = array<i64: 2, 16>, scalar_prefetch = 0 : i64, scratch_operands = 10 : i64, tpu.core_type = #tpu.core_type<sc_vector_subcore>, window_params = [{transform_indices = #map}, {transform_indices = #map1}, {transform_indices = #map1}, {transform_indices = #map1}, {transform_indices = #map1}, {transform_indices = #map1}, {transform_indices = #map1}, {transform_indices = #map1}, {transform_indices = #map1}, {transform_indices = #map1}]} {
    %mul3A = arith.constant 2 : i32
    %mul3A_0 = arith.muli %arg1, %mul3A : i32
    %add3A = arith.addi %mul3A_0, %arg0 : i32
    %mul3A_1 = arith.constant 512 : i32
    %mul3A_2 = arith.muli %add3A, %mul3A_1 : i32
    %dma_start3A = arith.constant 0 : i32
    %dma_start3A_3 = arith.constant 0 : i32
    %dma_start3A_4 = tpu.memref_slice %arg14[%dma_start3A, %dma_start3A_3] : memref<504x128xf32, #tpu.memory_space<vmem>> -> memref<8x128xf32, #tpu.memory_space<vmem>>
    %dma_start3A_5 = arith.constant 0 : i32
    %dma_start3A_6 = arith.constant 0 : i32
    %dma_start3A_7 = tpu.memref_slice %arg3[%dma_start3A_5, %dma_start3A_6] : memref<504x128xf32, #tpu.memory_space<hbm>> -> memref<8x128xf32, #tpu.memory_space<hbm>>
    %dma_start3A_8 = arith.constant 0 : i32
    %dma_start3A_9 = arith.constant 0 : i32
    %dma_start3A_10 = tpu.memref_slice %arg14[%dma_start3A_8, %dma_start3A_9] : memref<504x128xf32, #tpu.memory_space<vmem>> -> memref<8x128xf32, #tpu.memory_space<vmem>>
    %dma_start3A_11 = arith.constant 0 : i32
    %dma_start3A_12 = arith.constant 0 : i32
    %dma_start3A_13 = tpu.memref_slice %arg3[%dma_start3A_11, %dma_start3A_12] : memref<504x128xf32, #tpu.memory_space<hbm>> -> memref<8x128xf32, #tpu.memory_space<hbm>>
    tpu.enqueue_dma source(%dma_start3A_13 : memref<8x128xf32, #tpu.memory_space<hbm>>) target(%dma_start3A_10 : memref<8x128xf32, #tpu.memory_space<vmem>>) target_semaphore(%arg18 : memref<!tpu.dma_semaphore, #tpu.memory_space<semaphore_mem>>)
    %dma_start3A_14 = arith.constant 8 : i32
    %dma_start3A_15 = arith.constant 0 : i32
    %dma_start3A_16 = tpu.memref_slice %arg14[%dma_start3A_14, %dma_start3A_15] : memref<504x128xf32, #tpu.memory_space<vmem>> -> memref<32x128xf32, #tpu.memory_space<vmem>>
    %dma_start3A_17 = arith.constant 8 : i32
    %dma_start3A_18 = arith.constant 0 : i32
    %dma_start3A_19 = tpu.memref_slice %arg3[%dma_start3A_17, %dma_start3A_18] : memref<504x128xf32, #tpu.memory_space<hbm>> -> memref<32x128xf32, #tpu.memory_space<hbm>>
    %dma_start3A_20 = arith.constant 8 : i32
    %dma_start3A_21 = arith.constant 0 : i32
    %dma_start3A_22 = tpu.memref_slice %arg14[%dma_start3A_20, %dma_start3A_21] : memref<504x128xf32, #tpu.memory_space<vmem>> -> memref<32x128xf32, #tpu.memory_space<vmem>>
    %dma_start3A_23 = arith.constant 8 : i32
    %dma_start3A_24 = arith.constant 0 : i32
    %dma_start3A_25 = tpu.memref_slice %arg3[%dma_start3A_23, %dma_start3A_24] : memref<504x128xf32, #tpu.memory_space<hbm>> -> memref<32x128xf32, #tpu.memory_space<hbm>>
    tpu.enqueue_dma source(%dma_start3A_25 : memref<32x128xf32, #tpu.memory_space<hbm>>) target(%dma_start3A_22 : memref<32x128xf32, #tpu.memory_space<vmem>>) target_semaphore(%arg19 : memref<!tpu.dma_semaphore, #tpu.memory_space<semaphore_mem>>)
    %dma_start3A_26 = arith.constant 40 : i32
    %dma_start3A_27 = arith.constant 0 : i32
    %dma_start3A_28 = tpu.memref_slice %arg14[%dma_start3A_26, %dma_start3A_27] : memref<504x128xf32, #tpu.memory_space<vmem>> -> memref<96x128xf32, #tpu.memory_space<vmem>>
    %dma_start3A_29 = arith.constant 40 : i32
    %dma_start3A_30 = arith.constant 0 : i32
    %dma_start3A_31 = tpu.memref_slice %arg3[%dma_start3A_29, %dma_start3A_30] : memref<504x128xf32, #tpu.memory_space<hbm>> -> memref<96x128xf32, #tpu.memory_space<hbm>>
    %dma_start3A_32 = arith.constant 40 : i32
    %dma_start3A_33 = arith.constant 0 : i32
    %dma_start3A_34 = tpu.memref_slice %arg14[%dma_start3A_32, %dma_start3A_33] : memref<504x128xf32, #tpu.memory_space<vmem>> -> memref<96x128xf32, #tpu.memory_space<vmem>>
    %dma_start3A_35 = arith.constant 40 : i32
    %dma_start3A_36 = arith.constant 0 : i32
    %dma_start3A_37 = tpu.memref_slice %arg3[%dma_start3A_35, %dma_start3A_36] : memref<504x128xf32, #tpu.memory_space<hbm>> -> memref<96x128xf32, #tpu.memory_space<hbm>>
    tpu.enqueue_dma source(%dma_start3A_37 : memref<96x128xf32, #tpu.memory_space<hbm>>) target(%dma_start3A_34 : memref<96x128xf32, #tpu.memory_space<vmem>>) target_semaphore(%arg20 : memref<!tpu.dma_semaphore, #tpu.memory_space<semaphore_mem>>)
    %dma_start3A_38 = arith.constant 136 : i32
    %dma_start3A_39 = arith.constant 0 : i32
    %dma_start3A_40 = tpu.memref_slice %arg14[%dma_start3A_38, %dma_start3A_39] : memref<504x128xf32, #tpu.memory_space<vmem>> -> memref<368x128xf32, #tpu.memory_space<vmem>>
    %dma_start3A_41 = arith.constant 136 : i32
    %dma_start3A_42 = arith.constant 0 : i32
    %dma_start3A_43 = tpu.memref_slice %arg3[%dma_start3A_41, %dma_start3A_42] : memref<504x128xf32, #tpu.memory_space<hbm>> -> memref<368x128xf32, #tpu.memory_space<hbm>>
    %dma_start3A_44 = arith.constant 136 : i32
    %dma_start3A_45 = arith.constant 0 : i32
    %dma_start3A_46 = tpu.memref_slice %arg14[%dma_start3A_44, %dma_start3A_45] : memref<504x128xf32, #tpu.memory_space<vmem>> -> memref<368x128xf32, #tpu.memory_space<vmem>>
    %dma_start3A_47 = arith.constant 136 : i32
    %dma_start3A_48 = arith.constant 0 : i32
    %dma_start3A_49 = tpu.memref_slice %arg3[%dma_start3A_47, %dma_start3A_48] : memref<504x128xf32, #tpu.memory_space<hbm>> -> memref<368x128xf32, #tpu.memory_space<hbm>>
    tpu.enqueue_dma source(%dma_start3A_49 : memref<368x128xf32, #tpu.memory_space<hbm>>) target(%dma_start3A_46 : memref<368x128xf32, #tpu.memory_space<vmem>>) target_semaphore(%arg21 : memref<!tpu.dma_semaphore, #tpu.memory_space<semaphore_mem>>)
    "tpu.region"() ({
      %run_scoped3A = tpu.sem_alloc : memref<!tpu.dma_semaphore, #tpu.memory_space<semaphore_mem>>
      %dma_start3A_108 = tpu.memref_slice %arg2[%mul3A_2] : memref<16384xi32, #tpu.memory_space<hbm>> -> memref<512xi32, #tpu.memory_space<hbm>>
      %dma_start3A_109 = tpu.memref_slice %arg2[%mul3A_2] : memref<16384xi32, #tpu.memory_space<hbm>> -> memref<512xi32, #tpu.memory_space<hbm>>
      tpu.enqueue_dma source(%dma_start3A_109 : memref<512xi32, #tpu.memory_space<hbm>>) target(%arg12 : memref<512xi32, #tpu.memory_space<vmem>>) target_semaphore(%run_scoped3A : memref<!tpu.dma_semaphore, #tpu.memory_space<semaphore_mem>>)
      %dma_wait3A_110 = tpu.memref_slice %arg2[%mul3A_2] : memref<16384xi32, #tpu.memory_space<hbm>> -> memref<512xi32, #tpu.memory_space<hbm>>
      %dma_wait3A_111 = tpu.memref_slice %arg2[%mul3A_2] : memref<16384xi32, #tpu.memory_space<hbm>> -> memref<512xi32, #tpu.memory_space<hbm>>
      tpu.wait_dma2 semaphore(%run_scoped3A : memref<!tpu.dma_semaphore, #tpu.memory_space<semaphore_mem>>) src(%dma_wait3A_111 : memref<512xi32, #tpu.memory_space<hbm>>) dst(%arg12 : memref<512xi32, #tpu.memory_space<vmem>>)
      tpu.yield
    }) : () -> ()
    %scan3A = arith.constant 0 : i32
    %scan3A_50 = arith.constant 0 : i32
    %scan3A_51 = arith.constant 32 : i32
    %scan3A_52 = arith.addi %scan3A_50, %scan3A_51 : i32
    %scan3A_53 = arith.constant 1 : i32
    scf.for %scan3A_108 = %scan3A_50 to %scan3A_52 step %scan3A_53  : i32 {
      %mul3A_109 = arith.constant 16 : i32
      %mul3A_110 = arith.muli %scan3A_108, %mul3A_109 : i32
      %get3A = arith.index_cast %mul3A_110 : i32 to index
      %get3A_111 = tpu.vector_load %arg12[%get3A] {strides = array<i32>} : memref<512xi32, #tpu.memory_space<vmem>>, vector<16xi32>,
      %convert_element_type3A = arith.sitofp %get3A_111 : vector<16xi32> to vector<16xf32>
      %mul3A_112 = arith.constant 0.142857149 : f32
      %mul3A_113 = vector.broadcast %mul3A_112 : f32 to vector<16xf32>
      %mul3A_114 = arith.mulf %convert_element_type3A, %mul3A_113 : vector<16xf32>
      %convert_element_type3A_115 = arith.fptosi %mul3A_114 : vector<16xf32> to vector<16xi32>
      %mul3A_116 = arith.constant 7 : i32
      %mul3A_117 = vector.broadcast %mul3A_116 : i32 to vector<16xi32>
      %mul3A_118 = arith.muli %convert_element_type3A_115, %mul3A_117 : vector<16xi32>
      %sub3A = arith.subi %get3A_111, %mul3A_118 : vector<16xi32>
      %lt3A = arith.constant 0 : i32
      %lt3A_119 = vector.broadcast %lt3A : i32 to vector<16xi32>
      %lt3A_120 = arith.cmpi slt, %sub3A, %lt3A_119 : vector<16xi32>
      %add3A_121 = arith.constant 7 : i32
      %add3A_122 = vector.broadcast %add3A_121 : i32 to vector<16xi32>
      %add3A_123 = arith.addi %sub3A, %add3A_122 : vector<16xi32>
      %select_n3A = arith.select %lt3A_120, %add3A_123, %sub3A : vector<16xi1>, vector<16xi32>
      %ge3A = arith.constant 7 : i32
      %ge3A_124 = vector.broadcast %ge3A : i32 to vector<16xi32>
      %ge3A_125 = arith.cmpi sge, %select_n3A, %ge3A_124 : vector<16xi32>
      %sub3A_126 = arith.constant 7 : i32
      %sub3A_127 = vector.broadcast %sub3A_126 : i32 to vector<16xi32>
      %sub3A_128 = arith.subi %select_n3A, %sub3A_127 : vector<16xi32>
      %select_n3A_129 = arith.select %ge3A_125, %sub3A_128, %select_n3A : vector<16xi1>, vector<16xi32>
      %add3A_130 = arith.constant 1 : i32
      %add3A_131 = vector.broadcast %add3A_130 : i32 to vector<16xi32>
      %add3A_132 = arith.addi %select_n3A_129, %add3A_131 : vector<16xi32>
      %mul3A_133 = arith.constant 16 : i32
      %mul3A_134 = arith.muli %scan3A_108, %mul3A_133 : i32
      %swap3A = arith.constant 0 : i32
      %swap3A_135 = arith.index_cast %swap3A : i32 to index
      %swap3A_136 = arith.index_cast %mul3A_134 : i32 to index
      %swap3A_137 = tpu.vector_load %arg13[%swap3A_135, %swap3A_136] {strides = array<i32>} : memref<4x512xi32, #tpu.memory_space<vmem>>, vector<16xi32>,
      tpu.vector_store %arg13[%swap3A_135, %swap3A_136], %add3A_132 {strides = array<i32>} : memref<4x512xi32, #tpu.memory_space<vmem>>, vector<16xi32>,
      %mul3A_138 = arith.constant 0.0333333351 : f32
      %mul3A_139 = vector.broadcast %mul3A_138 : f32 to vector<16xf32>
      %mul3A_140 = arith.mulf %convert_element_type3A, %mul3A_139 : vector<16xf32>
      %convert_element_type3A_141 = arith.fptosi %mul3A_140 : vector<16xf32> to vector<16xi32>
      %mul3A_142 = arith.constant 30 : i32
      %mul3A_143 = vector.broadcast %mul3A_142 : i32 to vector<16xi32>
      %mul3A_144 = arith.muli %convert_element_type3A_141, %mul3A_143 : vector<16xi32>
      %sub3A_145 = arith.subi %get3A_111, %mul3A_144 : vector<16xi32>
      %lt3A_146 = arith.constant 0 : i32
      %lt3A_147 = vector.broadcast %lt3A_146 : i32 to vector<16xi32>
      %lt3A_148 = arith.cmpi slt, %sub3A_145, %lt3A_147 : vector<16xi32>
      %add3A_149 = arith.constant 30 : i32
      %add3A_150 = vector.broadcast %add3A_149 : i32 to vector<16xi32>
      %add3A_151 = arith.addi %sub3A_145, %add3A_150 : vector<16xi32>
      %select_n3A_152 = arith.select %lt3A_148, %add3A_151, %sub3A_145 : vector<16xi1>, vector<16xi32>
      %ge3A_153 = arith.constant 30 : i32
      %ge3A_154 = vector.broadcast %ge3A_153 : i32 to vector<16xi32>
      %ge3A_155 = arith.cmpi sge, %select_n3A_152, %ge3A_154 : vector<16xi32>
      %sub3A_156 = arith.constant 30 : i32
      %sub3A_157 = vector.broadcast %sub3A_156 : i32 to vector<16xi32>
      %sub3A_158 = arith.subi %select_n3A_152, %sub3A_157 : vector<16xi32>
      %select_n3A_159 = arith.select %ge3A_155, %sub3A_158, %select_n3A_152 : vector<16xi1>, vector<16xi32>
      %add3A_160 = arith.constant 9 : i32
      %add3A_161 = vector.broadcast %add3A_160 : i32 to vector<16xi32>
      %add3A_162 = arith.addi %select_n3A_159, %add3A_161 : vector<16xi32>
      %mul3A_163 = arith.constant 16 : i32
      %mul3A_164 = arith.muli %scan3A_108, %mul3A_163 : i32
      %swap3A_165 = arith.constant 1 : i32
      %swap3A_166 = arith.index_cast %swap3A_165 : i32 to index
      %swap3A_167 = arith.index_cast %mul3A_164 : i32 to index
      %swap3A_168 = tpu.vector_load %arg13[%swap3A_166, %swap3A_167] {strides = array<i32>} : memref<4x512xi32, #tpu.memory_space<vmem>>, vector<16xi32>,
      tpu.vector_store %arg13[%swap3A_166, %swap3A_167], %add3A_162 {strides = array<i32>} : memref<4x512xi32, #tpu.memory_space<vmem>>, vector<16xi32>,
      %mul3A_169 = arith.constant 0.0109890113 : f32
      %mul3A_170 = vector.broadcast %mul3A_169 : f32 to vector<16xf32>
      %mul3A_171 = arith.mulf %convert_element_type3A, %mul3A_170 : vector<16xf32>
      %convert_element_type3A_172 = arith.fptosi %mul3A_171 : vector<16xf32> to vector<16xi32>
      %mul3A_173 = arith.constant 91 : i32
      %mul3A_174 = vector.broadcast %mul3A_173 : i32 to vector<16xi32>
      %mul3A_175 = arith.muli %convert_element_type3A_172, %mul3A_174 : vector<16xi32>
      %sub3A_176 = arith.subi %get3A_111, %mul3A_175 : vector<16xi32>
      %lt3A_177 = arith.constant 0 : i32
      %lt3A_178 = vector.broadcast %lt3A_177 : i32 to vector<16xi32>
      %lt3A_179 = arith.cmpi slt, %sub3A_176, %lt3A_178 : vector<16xi32>
      %add3A_180 = arith.constant 91 : i32
      %add3A_181 = vector.broadcast %add3A_180 : i32 to vector<16xi32>
      %add3A_182 = arith.addi %sub3A_176, %add3A_181 : vector<16xi32>
      %select_n3A_183 = arith.select %lt3A_179, %add3A_182, %sub3A_176 : vector<16xi1>, vector<16xi32>
      %ge3A_184 = arith.constant 91 : i32
      %ge3A_185 = vector.broadcast %ge3A_184 : i32 to vector<16xi32>
      %ge3A_186 = arith.cmpi sge, %select_n3A_183, %ge3A_185 : vector<16xi32>
      %sub3A_187 = arith.constant 91 : i32
      %sub3A_188 = vector.broadcast %sub3A_187 : i32 to vector<16xi32>
      %sub3A_189 = arith.subi %select_n3A_183, %sub3A_188 : vector<16xi32>
      %select_n3A_190 = arith.select %ge3A_186, %sub3A_189, %select_n3A_183 : vector<16xi1>, vector<16xi32>
      %add3A_191 = arith.constant 40 : i32
      %add3A_192 = vector.broadcast %add3A_191 : i32 to vector<16xi32>
      %add3A_193 = arith.addi %select_n3A_190, %add3A_192 : vector<16xi32>
      %mul3A_194 = arith.constant 16 : i32
      %mul3A_195 = arith.muli %scan3A_108, %mul3A_194 : i32
      %swap3A_196 = arith.constant 2 : i32
      %swap3A_197 = arith.index_cast %swap3A_196 : i32 to index
      %swap3A_198 = arith.index_cast %mul3A_195 : i32 to index
      %swap3A_199 = tpu.vector_load %arg13[%swap3A_197, %swap3A_198] {strides = array<i32>} : memref<4x512xi32, #tpu.memory_space<vmem>>, vector<16xi32>,
      tpu.vector_store %arg13[%swap3A_197, %swap3A_198], %add3A_193 {strides = array<i32>} : memref<4x512xi32, #tpu.memory_space<vmem>>, vector<16xi32>,
      %mul3A_200 = arith.constant 0.0027397261 : f32
      %mul3A_201 = vector.broadcast %mul3A_200 : f32 to vector<16xf32>
      %mul3A_202 = arith.mulf %convert_element_type3A, %mul3A_201 : vector<16xf32>
      %convert_element_type3A_203 = arith.fptosi %mul3A_202 : vector<16xf32> to vector<16xi32>
      %mul3A_204 = arith.constant 365 : i32
      %mul3A_205 = vector.broadcast %mul3A_204 : i32 to vector<16xi32>
      %mul3A_206 = arith.muli %convert_element_type3A_203, %mul3A_205 : vector<16xi32>
      %sub3A_207 = arith.subi %get3A_111, %mul3A_206 : vector<16xi32>
      %lt3A_208 = arith.constant 0 : i32
      %lt3A_209 = vector.broadcast %lt3A_208 : i32 to vector<16xi32>
      %lt3A_210 = arith.cmpi slt, %sub3A_207, %lt3A_209 : vector<16xi32>
      %add3A_211 = arith.constant 365 : i32
      %add3A_212 = vector.broadcast %add3A_211 : i32 to vector<16xi32>
      %add3A_213 = arith.addi %sub3A_207, %add3A_212 : vector<16xi32>
      %select_n3A_214 = arith.select %lt3A_210, %add3A_213, %sub3A_207 : vector<16xi1>, vector<16xi32>
      %ge3A_215 = arith.constant 365 : i32
      %ge3A_216 = vector.broadcast %ge3A_215 : i32 to vector<16xi32>
      %ge3A_217 = arith.cmpi sge, %select_n3A_214, %ge3A_216 : vector<16xi32>
      %sub3A_218 = arith.constant 365 : i32
      %sub3A_219 = vector.broadcast %sub3A_218 : i32 to vector<16xi32>
      %sub3A_220 = arith.subi %select_n3A_214, %sub3A_219 : vector<16xi32>
      %select_n3A_221 = arith.select %ge3A_217, %sub3A_220, %select_n3A_214 : vector<16xi1>, vector<16xi32>
      %add3A_222 = arith.constant 132 : i32
      %add3A_223 = vector.broadcast %add3A_222 : i32 to vector<16xi32>
      %add3A_224 = arith.addi %select_n3A_221, %add3A_223 : vector<16xi32>
      %mul3A_225 = arith.constant 16 : i32
      %mul3A_226 = arith.muli %scan3A_108, %mul3A_225 : i32
      %swap3A_227 = arith.constant 3 : i32
      %swap3A_228 = arith.index_cast %swap3A_227 : i32 to index
      %swap3A_229 = arith.index_cast %mul3A_226 : i32 to index
      %swap3A_230 = tpu.vector_load %arg13[%swap3A_228, %swap3A_229] {strides = array<i32>} : memref<4x512xi32, #tpu.memory_space<vmem>>, vector<16xi32>,
      tpu.vector_store %arg13[%swap3A_228, %swap3A_229], %add3A_224 {strides = array<i32>} : memref<4x512xi32, #tpu.memory_space<vmem>>, vector<16xi32>,
    }
    %scan3A_54 = arith.constant 32 : i32
    %iota3A = tpu.iota {dimensions = array<i32: 0>} : vector<16xi32>
    %scan3A_55 = arith.constant 0 : i32
    %scan3A_56 = arith.constant 0 : i32
    %scan3A_57 = arith.constant 8 : i32
    %scan3A_58 = arith.addi %scan3A_56, %scan3A_57 : i32
    %scan3A_59 = arith.constant 1 : i32
    scf.for %scan3A_108 = %scan3A_56 to %scan3A_58 step %scan3A_59  : i32 {
      %mul3A_109 = arith.constant 2 : i32
      %mul3A_110 = arith.muli %scan3A_108, %mul3A_109 : i32
      %add3A_111 = arith.constant 0 : i32
      %add3A_112 = arith.addi %mul3A_110, %add3A_111 : i32
      %jit3A = arith.constant 4 : i32
      %div3A = arith.divsi %add3A_112, %jit3A : i32
      %sign3A = arith.constant 0 : i32
      %sign3A_113 = arith.cmpi sgt, %add3A_112, %sign3A : i32
      %sign3A_114 = arith.extui %sign3A_113 : i1 to i32
      %sign3A_115 = arith.constant 0 : i32
      %sign3A_116 = arith.cmpi slt, %add3A_112, %sign3A_115 : i32
      %sign3A_117 = arith.extui %sign3A_116 : i1 to i32
      %sign3A_118 = arith.subi %sign3A_114, %sign3A_117 : i32
      %sign3A_119 = arith.constant 0 : i32
      %sign3A_120 = arith.cmpi sgt, %jit3A, %sign3A_119 : i32
      %sign3A_121 = arith.extui %sign3A_120 : i1 to i32
      %sign3A_122 = arith.constant 0 : i32
      %sign3A_123 = arith.cmpi slt, %jit3A, %sign3A_122 : i32
      %sign3A_124 = arith.extui %sign3A_123 : i1 to i32
      %sign3A_125 = arith.subi %sign3A_121, %sign3A_124 : i32
      %ne3A = arith.cmpi ne, %sign3A_118, %sign3A_125 : i32
      %rem3A = arith.remsi %add3A_112, %jit3A : i32
      %ne3A_126 = arith.constant 0 : i32
      %ne3A_127 = arith.cmpi ne, %rem3A, %ne3A_126 : i32
      %and3A = arith.andi %ne3A, %ne3A_127 : i1
      %sub3A = arith.constant 1 : i32
      %sub3A_128 = arith.subi %div3A, %sub3A : i32
      %select_n3A = arith.select %and3A, %sub3A_128, %div3A : i32
      %jit3A_129 = arith.constant 4 : i32
      %eq3A = arith.constant 0 : i32
      %eq3A_130 = arith.cmpi eq, %jit3A_129, %eq3A : i32
      %jit3A_131 = arith.constant 1 : i32
      %select_n3A_132 = arith.select %eq3A_130, %jit3A_131, %jit3A_129 : i32
      %rem3A_133 = arith.remsi %add3A_112, %select_n3A_132 : i32
      %ne3A_134 = arith.constant 0 : i32
      %ne3A_135 = arith.cmpi ne, %rem3A_133, %ne3A_134 : i32
      %lt3A = arith.constant 0 : i32
      %lt3A_136 = arith.cmpi slt, %rem3A_133, %lt3A : i32
      %lt3A_137 = arith.constant 0 : i32
      %lt3A_138 = arith.cmpi slt, %select_n3A_132, %lt3A_137 : i32
      %ne3A_139 = arith.xori %lt3A_136, %lt3A_138 : i1
      %and3A_140 = arith.andi %ne3A_139, %ne3A_135 : i1
      %add3A_141 = arith.addi %rem3A_133, %select_n3A_132 : i32
      %select_n3A_142 = arith.select %and3A_140, %add3A_141, %rem3A_133 : i32
      %eq3A_143 = arith.constant 0 : i32
      %eq3A_144 = arith.cmpi eq, %select_n3A, %eq3A_143 : i32
      %eq3A_145 = arith.constant 0 : i32
      %eq3A_146 = arith.cmpi eq, %select_n3A_142, %eq3A_145 : i32
      %and3A_147 = arith.andi %eq3A_144, %eq3A_146 : i1
      %convert_element_type3A = arith.extui %and3A_147 : i1 to i32
      %cond3A = arith.constant 0 : i32
      %cond3A_148 = arith.cmpi ne, %convert_element_type3A, %cond3A : i32
      scf.if %cond3A_148 {
        %dma_wait3A_316 = arith.constant 0 : i32
        %dma_wait3A_317 = arith.constant 0 : i32
        %dma_wait3A_318 = tpu.memref_slice %arg14[%dma_wait3A_316, %dma_wait3A_317] : memref<504x128xf32, #tpu.memory_space<vmem>> -> memref<8x128xf32, #tpu.memory_space<vmem>>
        %dma_wait3A_319 = arith.constant 0 : i32
        %dma_wait3A_320 = arith.constant 0 : i32
        %dma_wait3A_321 = tpu.memref_slice %arg3[%dma_wait3A_319, %dma_wait3A_320] : memref<504x128xf32, #tpu.memory_space<hbm>> -> memref<8x128xf32, #tpu.memory_space<hbm>>
        %dma_wait3A_322 = arith.constant 0 : i32
        %dma_wait3A_323 = arith.constant 0 : i32
        %dma_wait3A_324 = tpu.memref_slice %arg14[%dma_wait3A_322, %dma_wait3A_323] : memref<504x128xf32, #tpu.memory_space<vmem>> -> memref<8x128xf32, #tpu.memory_space<vmem>>
        %dma_wait3A_325 = arith.constant 0 : i32
        %dma_wait3A_326 = arith.constant 0 : i32
        %dma_wait3A_327 = tpu.memref_slice %arg3[%dma_wait3A_325, %dma_wait3A_326] : memref<504x128xf32, #tpu.memory_space<hbm>> -> memref<8x128xf32, #tpu.memory_space<hbm>>
        tpu.wait_dma2 semaphore(%arg18 : memref<!tpu.dma_semaphore, #tpu.memory_space<semaphore_mem>>) src(%dma_wait3A_327 : memref<8x128xf32, #tpu.memory_space<hbm>>) dst(%dma_wait3A_324 : memref<8x128xf32, #tpu.memory_space<vmem>>)
      } else {
      }
      %eq3A_149 = arith.constant 1 : i32
      %eq3A_150 = arith.cmpi eq, %select_n3A, %eq3A_149 : i32
      %eq3A_151 = arith.constant 0 : i32
      %eq3A_152 = arith.cmpi eq, %select_n3A_142, %eq3A_151 : i32
      %and3A_153 = arith.andi %eq3A_150, %eq3A_152 : i1
      %convert_element_type3A_154 = arith.extui %and3A_153 : i1 to i32
      %cond3A_155 = arith.constant 0 : i32
      %cond3A_156 = arith.cmpi ne, %convert_element_type3A_154, %cond3A_155 : i32
      scf.if %cond3A_156 {
        %dma_wait3A_316 = arith.constant 8 : i32
        %dma_wait3A_317 = arith.constant 0 : i32
        %dma_wait3A_318 = tpu.memref_slice %arg14[%dma_wait3A_316, %dma_wait3A_317] : memref<504x128xf32, #tpu.memory_space<vmem>> -> memref<32x128xf32, #tpu.memory_space<vmem>>
        %dma_wait3A_319 = arith.constant 8 : i32
        %dma_wait3A_320 = arith.constant 0 : i32
        %dma_wait3A_321 = tpu.memref_slice %arg3[%dma_wait3A_319, %dma_wait3A_320] : memref<504x128xf32, #tpu.memory_space<hbm>> -> memref<32x128xf32, #tpu.memory_space<hbm>>
        %dma_wait3A_322 = arith.constant 8 : i32
        %dma_wait3A_323 = arith.constant 0 : i32
        %dma_wait3A_324 = tpu.memref_slice %arg14[%dma_wait3A_322, %dma_wait3A_323] : memref<504x128xf32, #tpu.memory_space<vmem>> -> memref<32x128xf32, #tpu.memory_space<vmem>>
        %dma_wait3A_325 = arith.constant 8 : i32
        %dma_wait3A_326 = arith.constant 0 : i32
        %dma_wait3A_327 = tpu.memref_slice %arg3[%dma_wait3A_325, %dma_wait3A_326] : memref<504x128xf32, #tpu.memory_space<hbm>> -> memref<32x128xf32, #tpu.memory_space<hbm>>
        tpu.wait_dma2 semaphore(%arg19 : memref<!tpu.dma_semaphore, #tpu.memory_space<semaphore_mem>>) src(%dma_wait3A_327 : memref<32x128xf32, #tpu.memory_space<hbm>>) dst(%dma_wait3A_324 : memref<32x128xf32, #tpu.memory_space<vmem>>)
      } else {
      }
      %eq3A_157 = arith.constant 2 : i32
      %eq3A_158 = arith.cmpi eq, %select_n3A, %eq3A_157 : i32
      %eq3A_159 = arith.constant 0 : i32
      %eq3A_160 = arith.cmpi eq, %select_n3A_142, %eq3A_159 : i32
      %and3A_161 = arith.andi %eq3A_158, %eq3A_160 : i1
      %convert_element_type3A_162 = arith.extui %and3A_161 : i1 to i32
      %cond3A_163 = arith.constant 0 : i32
      %cond3A_164 = arith.cmpi ne, %convert_element_type3A_162, %cond3A_163 : i32
      scf.if %cond3A_164 {
        %dma_wait3A_316 = arith.constant 40 : i32
        %dma_wait3A_317 = arith.constant 0 : i32
        %dma_wait3A_318 = tpu.memref_slice %arg14[%dma_wait3A_316, %dma_wait3A_317] : memref<504x128xf32, #tpu.memory_space<vmem>> -> memref<96x128xf32, #tpu.memory_space<vmem>>
        %dma_wait3A_319 = arith.constant 40 : i32
        %dma_wait3A_320 = arith.constant 0 : i32
        %dma_wait3A_321 = tpu.memref_slice %arg3[%dma_wait3A_319, %dma_wait3A_320] : memref<504x128xf32, #tpu.memory_space<hbm>> -> memref<96x128xf32, #tpu.memory_space<hbm>>
        %dma_wait3A_322 = arith.constant 40 : i32
        %dma_wait3A_323 = arith.constant 0 : i32
        %dma_wait3A_324 = tpu.memref_slice %arg14[%dma_wait3A_322, %dma_wait3A_323] : memref<504x128xf32, #tpu.memory_space<vmem>> -> memref<96x128xf32, #tpu.memory_space<vmem>>
        %dma_wait3A_325 = arith.constant 40 : i32
        %dma_wait3A_326 = arith.constant 0 : i32
        %dma_wait3A_327 = tpu.memref_slice %arg3[%dma_wait3A_325, %dma_wait3A_326] : memref<504x128xf32, #tpu.memory_space<hbm>> -> memref<96x128xf32, #tpu.memory_space<hbm>>
        tpu.wait_dma2 semaphore(%arg20 : memref<!tpu.dma_semaphore, #tpu.memory_space<semaphore_mem>>) src(%dma_wait3A_327 : memref<96x128xf32, #tpu.memory_space<hbm>>) dst(%dma_wait3A_324 : memref<96x128xf32, #tpu.memory_space<vmem>>)
      } else {
      }
      %eq3A_165 = arith.constant 3 : i32
      %eq3A_166 = arith.cmpi eq, %select_n3A, %eq3A_165 : i32
      %eq3A_167 = arith.constant 0 : i32
      %eq3A_168 = arith.cmpi eq, %select_n3A_142, %eq3A_167 : i32
      %and3A_169 = arith.andi %eq3A_166, %eq3A_168 : i1
      %convert_element_type3A_170 = arith.extui %and3A_169 : i1 to i32
      %cond3A_171 = arith.constant 0 : i32
      %cond3A_172 = arith.cmpi ne, %convert_element_type3A_170, %cond3A_171 : i32
      scf.if %cond3A_172 {
        %dma_wait3A_316 = arith.constant 136 : i32
        %dma_wait3A_317 = arith.constant 0 : i32
        %dma_wait3A_318 = tpu.memref_slice %arg14[%dma_wait3A_316, %dma_wait3A_317] : memref<504x128xf32, #tpu.memory_space<vmem>> -> memref<368x128xf32, #tpu.memory_space<vmem>>
        %dma_wait3A_319 = arith.constant 136 : i32
        %dma_wait3A_320 = arith.constant 0 : i32
        %dma_wait3A_321 = tpu.memref_slice %arg3[%dma_wait3A_319, %dma_wait3A_320] : memref<504x128xf32, #tpu.memory_space<hbm>> -> memref<368x128xf32, #tpu.memory_space<hbm>>
        %dma_wait3A_322 = arith.constant 136 : i32
        %dma_wait3A_323 = arith.constant 0 : i32
        %dma_wait3A_324 = tpu.memref_slice %arg14[%dma_wait3A_322, %dma_wait3A_323] : memref<504x128xf32, #tpu.memory_space<vmem>> -> memref<368x128xf32, #tpu.memory_space<vmem>>
        %dma_wait3A_325 = arith.constant 136 : i32
        %dma_wait3A_326 = arith.constant 0 : i32
        %dma_wait3A_327 = tpu.memref_slice %arg3[%dma_wait3A_325, %dma_wait3A_326] : memref<504x128xf32, #tpu.memory_space<hbm>> -> memref<368x128xf32, #tpu.memory_space<hbm>>
        tpu.wait_dma2 semaphore(%arg21 : memref<!tpu.dma_semaphore, #tpu.memory_space<semaphore_mem>>) src(%dma_wait3A_327 : memref<368x128xf32, #tpu.memory_space<hbm>>) dst(%dma_wait3A_324 : memref<368x128xf32, #tpu.memory_space<vmem>>)
      } else {
      }
      %ge3A = arith.constant 2 : i32
      %ge3A_173 = arith.cmpi sge, %add3A_112, %ge3A : i32
      %convert_element_type3A_174 = arith.extui %ge3A_173 : i1 to i32
      %cond3A_175 = arith.constant 0 : i32
      %cond3A_176 = arith.cmpi ne, %convert_element_type3A_174, %cond3A_175 : i32
      scf.if %cond3A_176 {
        %dma_wait3A_316 = arith.constant 0 : i32
        %dma_wait3A_317 = arith.constant 0 : i32
        %dma_wait3A_318 = tpu.memref_slice %arg15[%dma_wait3A_316, %dma_wait3A_317] : memref<128x128xf32, #tpu.memory_space<vmem>> -> memref<64x128xf32, #tpu.memory_space<vmem>>
        %dma_wait3A_319 = arith.constant 0 : i32
        %dma_wait3A_320 = arith.constant 0 : i32
        %dma_wait3A_321 = tpu.memref_slice %arg4[%dma_wait3A_319, %dma_wait3A_320] : memref<64x16384xf32, #tpu.memory_space<hbm>> -> memref<64x128xf32, #tpu.memory_space<hbm>>
        %dma_wait3A_322 = arith.constant 0 : i32
        %dma_wait3A_323 = arith.constant 0 : i32
        %dma_wait3A_324 = tpu.memref_slice %arg15[%dma_wait3A_322, %dma_wait3A_323] : memref<128x128xf32, #tpu.memory_space<vmem>> -> memref<64x128xf32, #tpu.memory_space<vmem>>
        %dma_wait3A_325 = arith.constant 0 : i32
        %dma_wait3A_326 = arith.constant 0 : i32
        %dma_wait3A_327 = tpu.memref_slice %arg4[%dma_wait3A_325, %dma_wait3A_326] : memref<64x16384xf32, #tpu.memory_space<hbm>> -> memref<64x128xf32, #tpu.memory_space<hbm>>
        tpu.wait_dma2 semaphore(%arg17 : memref<!tpu.dma_semaphore, #tpu.memory_space<semaphore_mem>>) src(%dma_wait3A_327 : memref<64x128xf32, #tpu.memory_space<hbm>>) dst(%dma_wait3A_324 : memref<64x128xf32, #tpu.memory_space<vmem>>)
        %dma_wait3A_328 = arith.constant 64 : i32
        %dma_wait3A_329 = arith.constant 0 : i32
        %dma_wait3A_330 = tpu.memref_slice %arg15[%dma_wait3A_328, %dma_wait3A_329] : memref<128x128xf32, #tpu.memory_space<vmem>> -> memref<64x128xf32, #tpu.memory_space<vmem>>
        %dma_wait3A_331 = arith.constant 0 : i32
        %dma_wait3A_332 = arith.constant 0 : i32
        %dma_wait3A_333 = tpu.memref_slice %arg4[%dma_wait3A_331, %dma_wait3A_332] : memref<64x16384xf32, #tpu.memory_space<hbm>> -> memref<64x128xf32, #tpu.memory_space<hbm>>
        %dma_wait3A_334 = arith.constant 64 : i32
        %dma_wait3A_335 = arith.constant 0 : i32
        %dma_wait3A_336 = tpu.memref_slice %arg15[%dma_wait3A_334, %dma_wait3A_335] : memref<128x128xf32, #tpu.memory_space<vmem>> -> memref<64x128xf32, #tpu.memory_space<vmem>>
        %dma_wait3A_337 = arith.constant 0 : i32
        %dma_wait3A_338 = arith.constant 0 : i32
        %dma_wait3A_339 = tpu.memref_slice %arg4[%dma_wait3A_337, %dma_wait3A_338] : memref<64x16384xf32, #tpu.memory_space<hbm>> -> memref<64x128xf32, #tpu.memory_space<hbm>>
        tpu.wait_dma2 semaphore(%arg17 : memref<!tpu.dma_semaphore, #tpu.memory_space<semaphore_mem>>) src(%dma_wait3A_339 : memref<64x128xf32, #tpu.memory_space<hbm>>) dst(%dma_wait3A_336 : memref<64x128xf32, #tpu.memory_space<vmem>>)
      } else {
      }
      %scan3A_177 = arith.constant 0 : i32
      %scan3A_178 = arith.constant 0 : i32
      %scan3A_179 = arith.constant 8 : i32
      %scan3A_180 = arith.addi %scan3A_178, %scan3A_179 : i32
      %scan3A_181 = arith.constant 1 : i32
      scf.for %scan3A_316 = %scan3A_178 to %scan3A_180 step %scan3A_181  : i32 {
        %mul3A_317 = arith.constant 128 : i32
        %mul3A_318 = arith.muli %select_n3A_142, %mul3A_317 : i32
        %mul3A_319 = arith.constant 16 : i32
        %mul3A_320 = arith.muli %scan3A_316, %mul3A_319 : i32
        %add3A_321 = arith.addi %mul3A_318, %mul3A_320 : i32
        %get3A = arith.index_cast %select_n3A : i32 to index
        %get3A_322 = arith.index_cast %add3A_321 : i32 to index
        %get3A_323 = tpu.vector_load %arg13[%get3A, %get3A_322] {strides = array<i32>} : memref<4x512xi32, #tpu.memory_space<vmem>>, vector<16xi32>,
        %mul3A_324 = arith.constant 16 : i32
        %mul3A_325 = arith.muli %scan3A_316, %mul3A_324 : i32
        %add3A_326 = vector.broadcast %mul3A_325 : i32 to vector<16xi32>
        %add3A_327 = arith.addi %add3A_326, %iota3A : vector<16xi32>
        %add3A_328 = arith.constant 0 : i32
        %add3A_329 = vector.broadcast %add3A_328 : i32 to vector<16xi32>
        %add3A_330 = arith.addi %add3A_329, %iota3A : vector<16xi32>
        %and3A_331 = arith.constant 127 : i32
        %and3A_332 = vector.broadcast %and3A_331 : i32 to vector<16xi32>
        %and3A_333 = arith.andi %add3A_330, %and3A_332 : vector<16xi32>
        %add3A_334 = arith.constant 1 : i32
        %add3A_335 = vector.broadcast %add3A_334 : i32 to vector<16xi32>
        %add3A_336 = arith.addi %add3A_335, %iota3A : vector<16xi32>
        %and3A_337 = arith.constant 127 : i32
        %and3A_338 = vector.broadcast %and3A_337 : i32 to vector<16xi32>
        %and3A_339 = arith.andi %add3A_336, %and3A_338 : vector<16xi32>
        %add3A_340 = arith.constant 2 : i32
        %add3A_341 = vector.broadcast %add3A_340 : i32 to vector<16xi32>
        %add3A_342 = arith.addi %add3A_341, %iota3A : vector<16xi32>
        %and3A_343 = arith.constant 127 : i32
        %and3A_344 = vector.broadcast %and3A_343 : i32 to vector<16xi32>
        %and3A_345 = arith.andi %add3A_342, %and3A_344 : vector<16xi32>
        %add3A_346 = arith.constant 3 : i32
        %add3A_347 = vector.broadcast %add3A_346 : i32 to vector<16xi32>
        %add3A_348 = arith.addi %add3A_347, %iota3A : vector<16xi32>
        %and3A_349 = arith.constant 127 : i32
        %and3A_350 = vector.broadcast %and3A_349 : i32 to vector<16xi32>
        %and3A_351 = arith.andi %add3A_348, %and3A_350 : vector<16xi32>
        %add3A_352 = arith.constant 4 : i32
        %add3A_353 = vector.broadcast %add3A_352 : i32 to vector<16xi32>
        %add3A_354 = arith.addi %add3A_353, %iota3A : vector<16xi32>
        %and3A_355 = arith.constant 127 : i32
        %and3A_356 = vector.broadcast %and3A_355 : i32 to vector<16xi32>
        %and3A_357 = arith.andi %add3A_354, %and3A_356 : vector<16xi32>
        %add3A_358 = arith.constant 5 : i32
        %add3A_359 = vector.broadcast %add3A_358 : i32 to vector<16xi32>
        %add3A_360 = arith.addi %add3A_359, %iota3A : vector<16xi32>
        %and3A_361 = arith.constant 127 : i32
        %and3A_362 = vector.broadcast %and3A_361 : i32 to vector<16xi32>
        %and3A_363 = arith.andi %add3A_360, %and3A_362 : vector<16xi32>
        %add3A_364 = arith.constant 6 : i32
        %add3A_365 = vector.broadcast %add3A_364 : i32 to vector<16xi32>
        %add3A_366 = arith.addi %add3A_365, %iota3A : vector<16xi32>
        %and3A_367 = arith.constant 127 : i32
        %and3A_368 = vector.broadcast %and3A_367 : i32 to vector<16xi32>
        %and3A_369 = arith.andi %add3A_366, %and3A_368 : vector<16xi32>
        %add3A_370 = arith.constant 7 : i32
        %add3A_371 = vector.broadcast %add3A_370 : i32 to vector<16xi32>
        %add3A_372 = arith.addi %add3A_371, %iota3A : vector<16xi32>
        %and3A_373 = arith.constant 127 : i32
        %and3A_374 = vector.broadcast %and3A_373 : i32 to vector<16xi32>
        %and3A_375 = arith.andi %add3A_372, %and3A_374 : vector<16xi32>
        %gather3A = tpu.vector_load_idx %arg14[%get3A_323, %and3A_333] : memref<504x128xf32, #tpu.memory_space<vmem>>[vector<16xi32>, vector<16xi32>], vector<16xf32>,
        %gather3A_376 = tpu.vector_load_idx %arg14[%get3A_323, %and3A_339] : memref<504x128xf32, #tpu.memory_space<vmem>>[vector<16xi32>, vector<16xi32>], vector<16xf32>,
        %gather3A_377 = tpu.vector_load_idx %arg14[%get3A_323, %and3A_345] : memref<504x128xf32, #tpu.memory_space<vmem>>[vector<16xi32>, vector<16xi32>], vector<16xf32>,
        %gather3A_378 = tpu.vector_load_idx %arg14[%get3A_323, %and3A_351] : memref<504x128xf32, #tpu.memory_space<vmem>>[vector<16xi32>, vector<16xi32>], vector<16xf32>,
        %gather3A_379 = tpu.vector_load_idx %arg14[%get3A_323, %and3A_357] : memref<504x128xf32, #tpu.memory_space<vmem>>[vector<16xi32>, vector<16xi32>], vector<16xf32>,
        %gather3A_380 = tpu.vector_load_idx %arg14[%get3A_323, %and3A_363] : memref<504x128xf32, #tpu.memory_space<vmem>>[vector<16xi32>, vector<16xi32>], vector<16xf32>,
        %gather3A_381 = tpu.vector_load_idx %arg14[%get3A_323, %and3A_369] : memref<504x128xf32, #tpu.memory_space<vmem>>[vector<16xi32>, vector<16xi32>], vector<16xf32>,
        %gather3A_382 = tpu.vector_load_idx %arg14[%get3A_323, %and3A_375] : memref<504x128xf32, #tpu.memory_space<vmem>>[vector<16xi32>, vector<16xi32>], vector<16xf32>,
        tpu.vector_store_idx %arg15[%and3A_333, %add3A_327], %gather3A : memref<128x128xf32, #tpu.memory_space<vmem>>[vector<16xi32>, vector<16xi32>], vector<16xf32>,
        tpu.vector_store_idx %arg15[%and3A_339, %add3A_327], %gather3A_376 : memref<128x128xf32, #tpu.memory_space<vmem>>[vector<16xi32>, vector<16xi32>], vector<16xf32>,
        tpu.vector_store_idx %arg15[%and3A_345, %add3A_327], %gather3A_377 : memref<128x128xf32, #tpu.memory_space<vmem>>[vector<16xi32>, vector<16xi32>], vector<16xf32>,
        tpu.vector_store_idx %arg15[%and3A_351, %add3A_327], %gather3A_378 : memref<128x128xf32, #tpu.memory_space<vmem>>[vector<16xi32>, vector<16xi32>], vector<16xf32>,
        tpu.vector_store_idx %arg15[%and3A_357, %add3A_327], %gather3A_379 : memref<128x128xf32, #tpu.memory_space<vmem>>[vector<16xi32>, vector<16xi32>], vector<16xf32>,
        tpu.vector_store_idx %arg15[%and3A_363, %add3A_327], %gather3A_380 : memref<128x128xf32, #tpu.memory_space<vmem>>[vector<16xi32>, vector<16xi32>], vector<16xf32>,
        tpu.vector_store_idx %arg15[%and3A_369, %add3A_327], %gather3A_381 : memref<128x128xf32, #tpu.memory_space<vmem>>[vector<16xi32>, vector<16xi32>], vector<16xf32>,
        tpu.vector_store_idx %arg15[%and3A_375, %add3A_327], %gather3A_382 : memref<128x128xf32, #tpu.memory_space<vmem>>[vector<16xi32>, vector<16xi32>], vector<16xf32>,
        %add3A_383 = arith.constant 8 : i32
        %add3A_384 = vector.broadcast %add3A_383 : i32 to vector<16xi32>
        %add3A_385 = arith.addi %add3A_384, %iota3A : vector<16xi32>
        %and3A_386 = arith.constant 127 : i32
        %and3A_387 = vector.broadcast %and3A_386 : i32 to vector<16xi32>
        %and3A_388 = arith.andi %add3A_385, %and3A_387 : vector<16xi32>
        %add3A_389 = arith.constant 9 : i32
        %add3A_390 = vector.broadcast %add3A_389 : i32 to vector<16xi32>
        %add3A_391 = arith.addi %add3A_390, %iota3A : vector<16xi32>
        %and3A_392 = arith.constant 127 : i32
        %and3A_393 = vector.broadcast %and3A_392 : i32 to vector<16xi32>
        %and3A_394 = arith.andi %add3A_391, %and3A_393 : vector<16xi32>
        %add3A_395 = arith.constant 10 : i32
        %add3A_396 = vector.broadcast %add3A_395 : i32 to vector<16xi32>
        %add3A_397 = arith.addi %add3A_396, %iota3A : vector<16xi32>
        %and3A_398 = arith.constant 127 : i32
        %and3A_399 = vector.broadcast %and3A_398 : i32 to vector<16xi32>
        %and3A_400 = arith.andi %add3A_397, %and3A_399 : vector<16xi32>
        %add3A_401 = arith.constant 11 : i32
        %add3A_402 = vector.broadcast %add3A_401 : i32 to vector<16xi32>
        %add3A_403 = arith.addi %add3A_402, %iota3A : vector<16xi32>
        %and3A_404 = arith.constant 127 : i32
        %and3A_405 = vector.broadcast %and3A_404 : i32 to vector<16xi32>
        %and3A_406 = arith.andi %add3A_403, %and3A_405 : vector<16xi32>
        %add3A_407 = arith.constant 12 : i32
        %add3A_408 = vector.broadcast %add3A_407 : i32 to vector<16xi32>
        %add3A_409 = arith.addi %add3A_408, %iota3A : vector<16xi32>
        %and3A_410 = arith.constant 127 : i32
        %and3A_411 = vector.broadcast %and3A_410 : i32 to vector<16xi32>
        %and3A_412 = arith.andi %add3A_409, %and3A_411 : vector<16xi32>
        %add3A_413 = arith.constant 13 : i32
        %add3A_414 = vector.broadcast %add3A_413 : i32 to vector<16xi32>
        %add3A_415 = arith.addi %add3A_414, %iota3A : vector<16xi32>
        %and3A_416 = arith.constant 127 : i32
        %and3A_417 = vector.broadcast %and3A_416 : i32 to vector<16xi32>
        %and3A_418 = arith.andi %add3A_415, %and3A_417 : vector<16xi32>
        %add3A_419 = arith.constant 14 : i32
        %add3A_420 = vector.broadcast %add3A_419 : i32 to vector<16xi32>
        %add3A_421 = arith.addi %add3A_420, %iota3A : vector<16xi32>
        %and3A_422 = arith.constant 127 : i32
        %and3A_423 = vector.broadcast %and3A_422 : i32 to vector<16xi32>
        %and3A_424 = arith.andi %add3A_421, %and3A_423 : vector<16xi32>
        %add3A_425 = arith.constant 15 : i32
        %add3A_426 = vector.broadcast %add3A_425 : i32 to vector<16xi32>
        %add3A_427 = arith.addi %add3A_426, %iota3A : vector<16xi32>
        %and3A_428 = arith.constant 127 : i32
        %and3A_429 = vector.broadcast %and3A_428 : i32 to vector<16xi32>
        %and3A_430 = arith.andi %add3A_427, %and3A_429 : vector<16xi32>
        %gather3A_431 = tpu.vector_load_idx %arg14[%get3A_323, %and3A_388] : memref<504x128xf32, #tpu.memory_space<vmem>>[vector<16xi32>, vector<16xi32>], vector<16xf32>,
        %gather3A_432 = tpu.vector_load_idx %arg14[%get3A_323, %and3A_394] : memref<504x128xf32, #tpu.memory_space<vmem>>[vector<16xi32>, vector<16xi32>], vector<16xf32>,
        %gather3A_433 = tpu.vector_load_idx %arg14[%get3A_323, %and3A_400] : memref<504x128xf32, #tpu.memory_space<vmem>>[vector<16xi32>, vector<16xi32>], vector<16xf32>,
        %gather3A_434 = tpu.vector_load_idx %arg14[%get3A_323, %and3A_406] : memref<504x128xf32, #tpu.memory_space<vmem>>[vector<16xi32>, vector<16xi32>], vector<16xf32>,
        %gather3A_435 = tpu.vector_load_idx %arg14[%get3A_323, %and3A_412] : memref<504x128xf32, #tpu.memory_space<vmem>>[vector<16xi32>, vector<16xi32>], vector<16xf32>,
        %gather3A_436 = tpu.vector_load_idx %arg14[%get3A_323, %and3A_418] : memref<504x128xf32, #tpu.memory_space<vmem>>[vector<16xi32>, vector<16xi32>], vector<16xf32>,
        %gather3A_437 = tpu.vector_load_idx %arg14[%get3A_323, %and3A_424] : memref<504x128xf32, #tpu.memory_space<vmem>>[vector<16xi32>, vector<16xi32>], vector<16xf32>,
        %gather3A_438 = tpu.vector_load_idx %arg14[%get3A_323, %and3A_430] : memref<504x128xf32, #tpu.memory_space<vmem>>[vector<16xi32>, vector<16xi32>], vector<16xf32>,
        tpu.vector_store_idx %arg15[%and3A_388, %add3A_327], %gather3A_431 : memref<128x128xf32, #tpu.memory_space<vmem>>[vector<16xi32>, vector<16xi32>], vector<16xf32>,
        tpu.vector_store_idx %arg15[%and3A_394, %add3A_327], %gather3A_432 : memref<128x128xf32, #tpu.memory_space<vmem>>[vector<16xi32>, vector<16xi32>], vector<16xf32>,
        tpu.vector_store_idx %arg15[%and3A_400, %add3A_327], %gather3A_433 : memref<128x128xf32, #tpu.memory_space<vmem>>[vector<16xi32>, vector<16xi32>], vector<16xf32>,
        tpu.vector_store_idx %arg15[%and3A_406, %add3A_327], %gather3A_434 : memref<128x128xf32, #tpu.memory_space<vmem>>[vector<16xi32>, vector<16xi32>], vector<16xf32>,
        tpu.vector_store_idx %arg15[%and3A_412, %add3A_327], %gather3A_435 : memref<128x128xf32, #tpu.memory_space<vmem>>[vector<16xi32>, vector<16xi32>], vector<16xf32>,
        tpu.vector_store_idx %arg15[%and3A_418, %add3A_327], %gather3A_436 : memref<128x128xf32, #tpu.memory_space<vmem>>[vector<16xi32>, vector<16xi32>], vector<16xf32>,
        tpu.vector_store_idx %arg15[%and3A_424, %add3A_327], %gather3A_437 : memref<128x128xf32, #tpu.memory_space<vmem>>[vector<16xi32>, vector<16xi32>], vector<16xf32>,
        tpu.vector_store_idx %arg15[%and3A_430, %add3A_327], %gather3A_438 : memref<128x128xf32, #tpu.memory_space<vmem>>[vector<16xi32>, vector<16xi32>], vector<16xf32>,
        %add3A_439 = arith.constant 16 : i32
        %add3A_440 = vector.broadcast %add3A_439 : i32 to vector<16xi32>
        %add3A_441 = arith.addi %add3A_440, %iota3A : vector<16xi32>
        %and3A_442 = arith.constant 127 : i32
        %and3A_443 = vector.broadcast %and3A_442 : i32 to vector<16xi32>
        %and3A_444 = arith.andi %add3A_441, %and3A_443 : vector<16xi32>
        %add3A_445 = arith.constant 17 : i32
        %add3A_446 = vector.broadcast %add3A_445 : i32 to vector<16xi32>
        %add3A_447 = arith.addi %add3A_446, %iota3A : vector<16xi32>
        %and3A_448 = arith.constant 127 : i32
        %and3A_449 = vector.broadcast %and3A_448 : i32 to vector<16xi32>
        %and3A_450 = arith.andi %add3A_447, %and3A_449 : vector<16xi32>
        %add3A_451 = arith.constant 18 : i32
        %add3A_452 = vector.broadcast %add3A_451 : i32 to vector<16xi32>
        %add3A_453 = arith.addi %add3A_452, %iota3A : vector<16xi32>
        %and3A_454 = arith.constant 127 : i32
        %and3A_455 = vector.broadcast %and3A_454 : i32 to vector<16xi32>
        %and3A_456 = arith.andi %add3A_453, %and3A_455 : vector<16xi32>
        %add3A_457 = arith.constant 19 : i32
        %add3A_458 = vector.broadcast %add3A_457 : i32 to vector<16xi32>
        %add3A_459 = arith.addi %add3A_458, %iota3A : vector<16xi32>
        %and3A_460 = arith.constant 127 : i32
        %and3A_461 = vector.broadcast %and3A_460 : i32 to vector<16xi32>
        %and3A_462 = arith.andi %add3A_459, %and3A_461 : vector<16xi32>
        %add3A_463 = arith.constant 20 : i32
        %add3A_464 = vector.broadcast %add3A_463 : i32 to vector<16xi32>
        %add3A_465 = arith.addi %add3A_464, %iota3A : vector<16xi32>
        %and3A_466 = arith.constant 127 : i32
        %and3A_467 = vector.broadcast %and3A_466 : i32 to vector<16xi32>
        %and3A_468 = arith.andi %add3A_465, %and3A_467 : vector<16xi32>
        %add3A_469 = arith.constant 21 : i32
        %add3A_470 = vector.broadcast %add3A_469 : i32 to vector<16xi32>
        %add3A_471 = arith.addi %add3A_470, %iota3A : vector<16xi32>
        %and3A_472 = arith.constant 127 : i32
        %and3A_473 = vector.broadcast %and3A_472 : i32 to vector<16xi32>
        %and3A_474 = arith.andi %add3A_471, %and3A_473 : vector<16xi32>
        %add3A_475 = arith.constant 22 : i32
        %add3A_476 = vector.broadcast %add3A_475 : i32 to vector<16xi32>
        %add3A_477 = arith.addi %add3A_476, %iota3A : vector<16xi32>
        %and3A_478 = arith.constant 127 : i32
        %and3A_479 = vector.broadcast %and3A_478 : i32 to vector<16xi32>
        %and3A_480 = arith.andi %add3A_477, %and3A_479 : vector<16xi32>
        %add3A_481 = arith.constant 23 : i32
        %add3A_482 = vector.broadcast %add3A_481 : i32 to vector<16xi32>
        %add3A_483 = arith.addi %add3A_482, %iota3A : vector<16xi32>
        %and3A_484 = arith.constant 127 : i32
        %and3A_485 = vector.broadcast %and3A_484 : i32 to vector<16xi32>
        %and3A_486 = arith.andi %add3A_483, %and3A_485 : vector<16xi32>
        %gather3A_487 = tpu.vector_load_idx %arg14[%get3A_323, %and3A_444] : memref<504x128xf32, #tpu.memory_space<vmem>>[vector<16xi32>, vector<16xi32>], vector<16xf32>,
        %gather3A_488 = tpu.vector_load_idx %arg14[%get3A_323, %and3A_450] : memref<504x128xf32, #tpu.memory_space<vmem>>[vector<16xi32>, vector<16xi32>], vector<16xf32>,
        %gather3A_489 = tpu.vector_load_idx %arg14[%get3A_323, %and3A_456] : memref<504x128xf32, #tpu.memory_space<vmem>>[vector<16xi32>, vector<16xi32>], vector<16xf32>,
        %gather3A_490 = tpu.vector_load_idx %arg14[%get3A_323, %and3A_462] : memref<504x128xf32, #tpu.memory_space<vmem>>[vector<16xi32>, vector<16xi32>], vector<16xf32>,
        %gather3A_491 = tpu.vector_load_idx %arg14[%get3A_323, %and3A_468] : memref<504x128xf32, #tpu.memory_space<vmem>>[vector<16xi32>, vector<16xi32>], vector<16xf32>,
        %gather3A_492 = tpu.vector_load_idx %arg14[%get3A_323, %and3A_474] : memref<504x128xf32, #tpu.memory_space<vmem>>[vector<16xi32>, vector<16xi32>], vector<16xf32>,
        %gather3A_493 = tpu.vector_load_idx %arg14[%get3A_323, %and3A_480] : memref<504x128xf32, #tpu.memory_space<vmem>>[vector<16xi32>, vector<16xi32>], vector<16xf32>,
        %gather3A_494 = tpu.vector_load_idx %arg14[%get3A_323, %and3A_486] : memref<504x128xf32, #tpu.memory_space<vmem>>[vector<16xi32>, vector<16xi32>], vector<16xf32>,
        tpu.vector_store_idx %arg15[%and3A_444, %add3A_327], %gather3A_487 : memref<128x128xf32, #tpu.memory_space<vmem>>[vector<16xi32>, vector<16xi32>], vector<16xf32>,
        tpu.vector_store_idx %arg15[%and3A_450, %add3A_327], %gather3A_488 : memref<128x128xf32, #tpu.memory_space<vmem>>[vector<16xi32>, vector<16xi32>], vector<16xf32>,
        tpu.vector_store_idx %arg15[%and3A_456, %add3A_327], %gather3A_489 : memref<128x128xf32, #tpu.memory_space<vmem>>[vector<16xi32>, vector<16xi32>], vector<16xf32>,
        tpu.vector_store_idx %arg15[%and3A_462, %add3A_327], %gather3A_490 : memref<128x128xf32, #tpu.memory_space<vmem>>[vector<16xi32>, vector<16xi32>], vector<16xf32>,
        tpu.vector_store_idx %arg15[%and3A_468, %add3A_327], %gather3A_491 : memref<128x128xf32, #tpu.memory_space<vmem>>[vector<16xi32>, vector<16xi32>], vector<16xf32>,
        tpu.vector_store_idx %arg15[%and3A_474, %add3A_327], %gather3A_492 : memref<128x128xf32, #tpu.memory_space<vmem>>[vector<16xi32>, vector<16xi32>], vector<16xf32>,
        tpu.vector_store_idx %arg15[%and3A_480, %add3A_327], %gather3A_493 : memref<128x128xf32, #tpu.memory_space<vmem>>[vector<16xi32>, vector<16xi32>], vector<16xf32>,
        tpu.vector_store_idx %arg15[%and3A_486, %add3A_327], %gather3A_494 : memref<128x128xf32, #tpu.memory_space<vmem>>[vector<16xi32>, vector<16xi32>], vector<16xf32>,
        %add3A_495 = arith.constant 24 : i32
        %add3A_496 = vector.broadcast %add3A_495 : i32 to vector<16xi32>
        %add3A_497 = arith.addi %add3A_496, %iota3A : vector<16xi32>
        %and3A_498 = arith.constant 127 : i32
        %and3A_499 = vector.broadcast %and3A_498 : i32 to vector<16xi32>
        %and3A_500 = arith.andi %add3A_497, %and3A_499 : vector<16xi32>
        %add3A_501 = arith.constant 25 : i32
        %add3A_502 = vector.broadcast %add3A_501 : i32 to vector<16xi32>
        %add3A_503 = arith.addi %add3A_502, %iota3A : vector<16xi32>
        %and3A_504 = arith.constant 127 : i32
        %and3A_505 = vector.broadcast %and3A_504 : i32 to vector<16xi32>
        %and3A_506 = arith.andi %add3A_503, %and3A_505 : vector<16xi32>
        %add3A_507 = arith.constant 26 : i32
        %add3A_508 = vector.broadcast %add3A_507 : i32 to vector<16xi32>
        %add3A_509 = arith.addi %add3A_508, %iota3A : vector<16xi32>
        %and3A_510 = arith.constant 127 : i32
        %and3A_511 = vector.broadcast %and3A_510 : i32 to vector<16xi32>
        %and3A_512 = arith.andi %add3A_509, %and3A_511 : vector<16xi32>
        %add3A_513 = arith.constant 27 : i32
        %add3A_514 = vector.broadcast %add3A_513 : i32 to vector<16xi32>
        %add3A_515 = arith.addi %add3A_514, %iota3A : vector<16xi32>
        %and3A_516 = arith.constant 127 : i32
        %and3A_517 = vector.broadcast %and3A_516 : i32 to vector<16xi32>
        %and3A_518 = arith.andi %add3A_515, %and3A_517 : vector<16xi32>
        %add3A_519 = arith.constant 28 : i32
        %add3A_520 = vector.broadcast %add3A_519 : i32 to vector<16xi32>
        %add3A_521 = arith.addi %add3A_520, %iota3A : vector<16xi32>
        %and3A_522 = arith.constant 127 : i32
        %and3A_523 = vector.broadcast %and3A_522 : i32 to vector<16xi32>
        %and3A_524 = arith.andi %add3A_521, %and3A_523 : vector<16xi32>
        %add3A_525 = arith.constant 29 : i32
        %add3A_526 = vector.broadcast %add3A_525 : i32 to vector<16xi32>
        %add3A_527 = arith.addi %add3A_526, %iota3A : vector<16xi32>
        %and3A_528 = arith.constant 127 : i32
        %and3A_529 = vector.broadcast %and3A_528 : i32 to vector<16xi32>
        %and3A_530 = arith.andi %add3A_527, %and3A_529 : vector<16xi32>
        %add3A_531 = arith.constant 30 : i32
        %add3A_532 = vector.broadcast %add3A_531 : i32 to vector<16xi32>
        %add3A_533 = arith.addi %add3A_532, %iota3A : vector<16xi32>
        %and3A_534 = arith.constant 127 : i32
        %and3A_535 = vector.broadcast %and3A_534 : i32 to vector<16xi32>
        %and3A_536 = arith.andi %add3A_533, %and3A_535 : vector<16xi32>
        %add3A_537 = arith.constant 31 : i32
        %add3A_538 = vector.broadcast %add3A_537 : i32 to vector<16xi32>
        %add3A_539 = arith.addi %add3A_538, %iota3A : vector<16xi32>
        %and3A_540 = arith.constant 127 : i32
        %and3A_541 = vector.broadcast %and3A_540 : i32 to vector<16xi32>
        %and3A_542 = arith.andi %add3A_539, %and3A_541 : vector<16xi32>
        %gather3A_543 = tpu.vector_load_idx %arg14[%get3A_323, %and3A_500] : memref<504x128xf32, #tpu.memory_space<vmem>>[vector<16xi32>, vector<16xi32>], vector<16xf32>,
        %gather3A_544 = tpu.vector_load_idx %arg14[%get3A_323, %and3A_506] : memref<504x128xf32, #tpu.memory_space<vmem>>[vector<16xi32>, vector<16xi32>], vector<16xf32>,
        %gather3A_545 = tpu.vector_load_idx %arg14[%get3A_323, %and3A_512] : memref<504x128xf32, #tpu.memory_space<vmem>>[vector<16xi32>, vector<16xi32>], vector<16xf32>,
        %gather3A_546 = tpu.vector_load_idx %arg14[%get3A_323, %and3A_518] : memref<504x128xf32, #tpu.memory_space<vmem>>[vector<16xi32>, vector<16xi32>], vector<16xf32>,
        %gather3A_547 = tpu.vector_load_idx %arg14[%get3A_323, %and3A_524] : memref<504x128xf32, #tpu.memory_space<vmem>>[vector<16xi32>, vector<16xi32>], vector<16xf32>,
        %gather3A_548 = tpu.vector_load_idx %arg14[%get3A_323, %and3A_530] : memref<504x128xf32, #tpu.memory_space<vmem>>[vector<16xi32>, vector<16xi32>], vector<16xf32>,
        %gather3A_549 = tpu.vector_load_idx %arg14[%get3A_323, %and3A_536] : memref<504x128xf32, #tpu.memory_space<vmem>>[vector<16xi32>, vector<16xi32>], vector<16xf32>,
        %gather3A_550 = tpu.vector_load_idx %arg14[%get3A_323, %and3A_542] : memref<504x128xf32, #tpu.memory_space<vmem>>[vector<16xi32>, vector<16xi32>], vector<16xf32>,
        tpu.vector_store_idx %arg15[%and3A_500, %add3A_327], %gather3A_543 : memref<128x128xf32, #tpu.memory_space<vmem>>[vector<16xi32>, vector<16xi32>], vector<16xf32>,
        tpu.vector_store_idx %arg15[%and3A_506, %add3A_327], %gather3A_544 : memref<128x128xf32, #tpu.memory_space<vmem>>[vector<16xi32>, vector<16xi32>], vector<16xf32>,
        tpu.vector_store_idx %arg15[%and3A_512, %add3A_327], %gather3A_545 : memref<128x128xf32, #tpu.memory_space<vmem>>[vector<16xi32>, vector<16xi32>], vector<16xf32>,
        tpu.vector_store_idx %arg15[%and3A_518, %add3A_327], %gather3A_546 : memref<128x128xf32, #tpu.memory_space<vmem>>[vector<16xi32>, vector<16xi32>], vector<16xf32>,
        tpu.vector_store_idx %arg15[%and3A_524, %add3A_327], %gather3A_547 : memref<128x128xf32, #tpu.memory_space<vmem>>[vector<16xi32>, vector<16xi32>], vector<16xf32>,
        tpu.vector_store_idx %arg15[%and3A_530, %add3A_327], %gather3A_548 : memref<128x128xf32, #tpu.memory_space<vmem>>[vector<16xi32>, vector<16xi32>], vector<16xf32>,
        tpu.vector_store_idx %arg15[%and3A_536, %add3A_327], %gather3A_549 : memref<128x128xf32, #tpu.memory_space<vmem>>[vector<16xi32>, vector<16xi32>], vector<16xf32>,
        tpu.vector_store_idx %arg15[%and3A_542, %add3A_327], %gather3A_550 : memref<128x128xf32, #tpu.memory_space<vmem>>[vector<16xi32>, vector<16xi32>], vector<16xf32>,
        %add3A_551 = arith.constant 32 : i32
        %add3A_552 = vector.broadcast %add3A_551 : i32 to vector<16xi32>
        %add3A_553 = arith.addi %add3A_552, %iota3A : vector<16xi32>
        %and3A_554 = arith.constant 127 : i32
        %and3A_555 = vector.broadcast %and3A_554 : i32 to vector<16xi32>
        %and3A_556 = arith.andi %add3A_553, %and3A_555 : vector<16xi32>
        %add3A_557 = arith.constant 33 : i32
        %add3A_558 = vector.broadcast %add3A_557 : i32 to vector<16xi32>
        %add3A_559 = arith.addi %add3A_558, %iota3A : vector<16xi32>
        %and3A_560 = arith.constant 127 : i32
        %and3A_561 = vector.broadcast %and3A_560 : i32 to vector<16xi32>
        %and3A_562 = arith.andi %add3A_559, %and3A_561 : vector<16xi32>
        %add3A_563 = arith.constant 34 : i32
        %add3A_564 = vector.broadcast %add3A_563 : i32 to vector<16xi32>
        %add3A_565 = arith.addi %add3A_564, %iota3A : vector<16xi32>
        %and3A_566 = arith.constant 127 : i32
        %and3A_567 = vector.broadcast %and3A_566 : i32 to vector<16xi32>
        %and3A_568 = arith.andi %add3A_565, %and3A_567 : vector<16xi32>
        %add3A_569 = arith.constant 35 : i32
        %add3A_570 = vector.broadcast %add3A_569 : i32 to vector<16xi32>
        %add3A_571 = arith.addi %add3A_570, %iota3A : vector<16xi32>
        %and3A_572 = arith.constant 127 : i32
        %and3A_573 = vector.broadcast %and3A_572 : i32 to vector<16xi32>
        %and3A_574 = arith.andi %add3A_571, %and3A_573 : vector<16xi32>
        %add3A_575 = arith.constant 36 : i32
        %add3A_576 = vector.broadcast %add3A_575 : i32 to vector<16xi32>
        %add3A_577 = arith.addi %add3A_576, %iota3A : vector<16xi32>
        %and3A_578 = arith.constant 127 : i32
        %and3A_579 = vector.broadcast %and3A_578 : i32 to vector<16xi32>
        %and3A_580 = arith.andi %add3A_577, %and3A_579 : vector<16xi32>
        %add3A_581 = arith.constant 37 : i32
        %add3A_582 = vector.broadcast %add3A_581 : i32 to vector<16xi32>
        %add3A_583 = arith.addi %add3A_582, %iota3A : vector<16xi32>
        %and3A_584 = arith.constant 127 : i32
        %and3A_585 = vector.broadcast %and3A_584 : i32 to vector<16xi32>
        %and3A_586 = arith.andi %add3A_583, %and3A_585 : vector<16xi32>
        %add3A_587 = arith.constant 38 : i32
        %add3A_588 = vector.broadcast %add3A_587 : i32 to vector<16xi32>
        %add3A_589 = arith.addi %add3A_588, %iota3A : vector<16xi32>
        %and3A_590 = arith.constant 127 : i32
        %and3A_591 = vector.broadcast %and3A_590 : i32 to vector<16xi32>
        %and3A_592 = arith.andi %add3A_589, %and3A_591 : vector<16xi32>
        %add3A_593 = arith.constant 39 : i32
        %add3A_594 = vector.broadcast %add3A_593 : i32 to vector<16xi32>
        %add3A_595 = arith.addi %add3A_594, %iota3A : vector<16xi32>
        %and3A_596 = arith.constant 127 : i32
        %and3A_597 = vector.broadcast %and3A_596 : i32 to vector<16xi32>
        %and3A_598 = arith.andi %add3A_595, %and3A_597 : vector<16xi32>
        %gather3A_599 = tpu.vector_load_idx %arg14[%get3A_323, %and3A_556] : memref<504x128xf32, #tpu.memory_space<vmem>>[vector<16xi32>, vector<16xi32>], vector<16xf32>,
        %gather3A_600 = tpu.vector_load_idx %arg14[%get3A_323, %and3A_562] : memref<504x128xf32, #tpu.memory_space<vmem>>[vector<16xi32>, vector<16xi32>], vector<16xf32>,
        %gather3A_601 = tpu.vector_load_idx %arg14[%get3A_323, %and3A_568] : memref<504x128xf32, #tpu.memory_space<vmem>>[vector<16xi32>, vector<16xi32>], vector<16xf32>,
        %gather3A_602 = tpu.vector_load_idx %arg14[%get3A_323, %and3A_574] : memref<504x128xf32, #tpu.memory_space<vmem>>[vector<16xi32>, vector<16xi32>], vector<16xf32>,
        %gather3A_603 = tpu.vector_load_idx %arg14[%get3A_323, %and3A_580] : memref<504x128xf32, #tpu.memory_space<vmem>>[vector<16xi32>, vector<16xi32>], vector<16xf32>,
        %gather3A_604 = tpu.vector_load_idx %arg14[%get3A_323, %and3A_586] : memref<504x128xf32, #tpu.memory_space<vmem>>[vector<16xi32>, vector<16xi32>], vector<16xf32>,
        %gather3A_605 = tpu.vector_load_idx %arg14[%get3A_323, %and3A_592] : memref<504x128xf32, #tpu.memory_space<vmem>>[vector<16xi32>, vector<16xi32>], vector<16xf32>,
        %gather3A_606 = tpu.vector_load_idx %arg14[%get3A_323, %and3A_598] : memref<504x128xf32, #tpu.memory_space<vmem>>[vector<16xi32>, vector<16xi32>], vector<16xf32>,
        tpu.vector_store_idx %arg15[%and3A_556, %add3A_327], %gather3A_599 : memref<128x128xf32, #tpu.memory_space<vmem>>[vector<16xi32>, vector<16xi32>], vector<16xf32>,
        tpu.vector_store_idx %arg15[%and3A_562, %add3A_327], %gather3A_600 : memref<128x128xf32, #tpu.memory_space<vmem>>[vector<16xi32>, vector<16xi32>], vector<16xf32>,
        tpu.vector_store_idx %arg15[%and3A_568, %add3A_327], %gather3A_601 : memref<128x128xf32, #tpu.memory_space<vmem>>[vector<16xi32>, vector<16xi32>], vector<16xf32>,
        tpu.vector_store_idx %arg15[%and3A_574, %add3A_327], %gather3A_602 : memref<128x128xf32, #tpu.memory_space<vmem>>[vector<16xi32>, vector<16xi32>], vector<16xf32>,
        tpu.vector_store_idx %arg15[%and3A_580, %add3A_327], %gather3A_603 : memref<128x128xf32, #tpu.memory_space<vmem>>[vector<16xi32>, vector<16xi32>], vector<16xf32>,
        tpu.vector_store_idx %arg15[%and3A_586, %add3A_327], %gather3A_604 : memref<128x128xf32, #tpu.memory_space<vmem>>[vector<16xi32>, vector<16xi32>], vector<16xf32>,
        tpu.vector_store_idx %arg15[%and3A_592, %add3A_327], %gather3A_605 : memref<128x128xf32, #tpu.memory_space<vmem>>[vector<16xi32>, vector<16xi32>], vector<16xf32>,
        tpu.vector_store_idx %arg15[%and3A_598, %add3A_327], %gather3A_606 : memref<128x128xf32, #tpu.memory_space<vmem>>[vector<16xi32>, vector<16xi32>], vector<16xf32>,
        %add3A_607 = arith.constant 40 : i32
        %add3A_608 = vector.broadcast %add3A_607 : i32 to vector<16xi32>
        %add3A_609 = arith.addi %add3A_608, %iota3A : vector<16xi32>
        %and3A_610 = arith.constant 127 : i32
        %and3A_611 = vector.broadcast %and3A_610 : i32 to vector<16xi32>
        %and3A_612 = arith.andi %add3A_609, %and3A_611 : vector<16xi32>
        %add3A_613 = arith.constant 41 : i32
        %add3A_614 = vector.broadcast %add3A_613 : i32 to vector<16xi32>
        %add3A_615 = arith.addi %add3A_614, %iota3A : vector<16xi32>
        %and3A_616 = arith.constant 127 : i32
        %and3A_617 = vector.broadcast %and3A_616 : i32 to vector<16xi32>
        %and3A_618 = arith.andi %add3A_615, %and3A_617 : vector<16xi32>
        %add3A_619 = arith.constant 42 : i32
        %add3A_620 = vector.broadcast %add3A_619 : i32 to vector<16xi32>
        %add3A_621 = arith.addi %add3A_620, %iota3A : vector<16xi32>
        %and3A_622 = arith.constant 127 : i32
        %and3A_623 = vector.broadcast %and3A_622 : i32 to vector<16xi32>
        %and3A_624 = arith.andi %add3A_621, %and3A_623 : vector<16xi32>
        %add3A_625 = arith.constant 43 : i32
        %add3A_626 = vector.broadcast %add3A_625 : i32 to vector<16xi32>
        %add3A_627 = arith.addi %add3A_626, %iota3A : vector<16xi32>
        %and3A_628 = arith.constant 127 : i32
        %and3A_629 = vector.broadcast %and3A_628 : i32 to vector<16xi32>
        %and3A_630 = arith.andi %add3A_627, %and3A_629 : vector<16xi32>
        %add3A_631 = arith.constant 44 : i32
        %add3A_632 = vector.broadcast %add3A_631 : i32 to vector<16xi32>
        %add3A_633 = arith.addi %add3A_632, %iota3A : vector<16xi32>
        %and3A_634 = arith.constant 127 : i32
        %and3A_635 = vector.broadcast %and3A_634 : i32 to vector<16xi32>
        %and3A_636 = arith.andi %add3A_633, %and3A_635 : vector<16xi32>
        %add3A_637 = arith.constant 45 : i32
        %add3A_638 = vector.broadcast %add3A_637 : i32 to vector<16xi32>
        %add3A_639 = arith.addi %add3A_638, %iota3A : vector<16xi32>
        %and3A_640 = arith.constant 127 : i32
        %and3A_641 = vector.broadcast %and3A_640 : i32 to vector<16xi32>
        %and3A_642 = arith.andi %add3A_639, %and3A_641 : vector<16xi32>
        %add3A_643 = arith.constant 46 : i32
        %add3A_644 = vector.broadcast %add3A_643 : i32 to vector<16xi32>
        %add3A_645 = arith.addi %add3A_644, %iota3A : vector<16xi32>
        %and3A_646 = arith.constant 127 : i32
        %and3A_647 = vector.broadcast %and3A_646 : i32 to vector<16xi32>
        %and3A_648 = arith.andi %add3A_645, %and3A_647 : vector<16xi32>
        %add3A_649 = arith.constant 47 : i32
        %add3A_650 = vector.broadcast %add3A_649 : i32 to vector<16xi32>
        %add3A_651 = arith.addi %add3A_650, %iota3A : vector<16xi32>
        %and3A_652 = arith.constant 127 : i32
        %and3A_653 = vector.broadcast %and3A_652 : i32 to vector<16xi32>
        %and3A_654 = arith.andi %add3A_651, %and3A_653 : vector<16xi32>
        %gather3A_655 = tpu.vector_load_idx %arg14[%get3A_323, %and3A_612] : memref<504x128xf32, #tpu.memory_space<vmem>>[vector<16xi32>, vector<16xi32>], vector<16xf32>,
        %gather3A_656 = tpu.vector_load_idx %arg14[%get3A_323, %and3A_618] : memref<504x128xf32, #tpu.memory_space<vmem>>[vector<16xi32>, vector<16xi32>], vector<16xf32>,
        %gather3A_657 = tpu.vector_load_idx %arg14[%get3A_323, %and3A_624] : memref<504x128xf32, #tpu.memory_space<vmem>>[vector<16xi32>, vector<16xi32>], vector<16xf32>,
        %gather3A_658 = tpu.vector_load_idx %arg14[%get3A_323, %and3A_630] : memref<504x128xf32, #tpu.memory_space<vmem>>[vector<16xi32>, vector<16xi32>], vector<16xf32>,
        %gather3A_659 = tpu.vector_load_idx %arg14[%get3A_323, %and3A_636] : memref<504x128xf32, #tpu.memory_space<vmem>>[vector<16xi32>, vector<16xi32>], vector<16xf32>,
        %gather3A_660 = tpu.vector_load_idx %arg14[%get3A_323, %and3A_642] : memref<504x128xf32, #tpu.memory_space<vmem>>[vector<16xi32>, vector<16xi32>], vector<16xf32>,
        %gather3A_661 = tpu.vector_load_idx %arg14[%get3A_323, %and3A_648] : memref<504x128xf32, #tpu.memory_space<vmem>>[vector<16xi32>, vector<16xi32>], vector<16xf32>,
        %gather3A_662 = tpu.vector_load_idx %arg14[%get3A_323, %and3A_654] : memref<504x128xf32, #tpu.memory_space<vmem>>[vector<16xi32>, vector<16xi32>], vector<16xf32>,
        tpu.vector_store_idx %arg15[%and3A_612, %add3A_327], %gather3A_655 : memref<128x128xf32, #tpu.memory_space<vmem>>[vector<16xi32>, vector<16xi32>], vector<16xf32>,
        tpu.vector_store_idx %arg15[%and3A_618, %add3A_327], %gather3A_656 : memref<128x128xf32, #tpu.memory_space<vmem>>[vector<16xi32>, vector<16xi32>], vector<16xf32>,
        tpu.vector_store_idx %arg15[%and3A_624, %add3A_327], %gather3A_657 : memref<128x128xf32, #tpu.memory_space<vmem>>[vector<16xi32>, vector<16xi32>], vector<16xf32>,
        tpu.vector_store_idx %arg15[%and3A_630, %add3A_327], %gather3A_658 : memref<128x128xf32, #tpu.memory_space<vmem>>[vector<16xi32>, vector<16xi32>], vector<16xf32>,
        tpu.vector_store_idx %arg15[%and3A_636, %add3A_327], %gather3A_659 : memref<128x128xf32, #tpu.memory_space<vmem>>[vector<16xi32>, vector<16xi32>], vector<16xf32>,
        tpu.vector_store_idx %arg15[%and3A_642, %add3A_327], %gather3A_660 : memref<128x128xf32, #tpu.memory_space<vmem>>[vector<16xi32>, vector<16xi32>], vector<16xf32>,
        tpu.vector_store_idx %arg15[%and3A_648, %add3A_327], %gather3A_661 : memref<128x128xf32, #tpu.memory_space<vmem>>[vector<16xi32>, vector<16xi32>], vector<16xf32>,
        tpu.vector_store_idx %arg15[%and3A_654, %add3A_327], %gather3A_662 : memref<128x128xf32, #tpu.memory_space<vmem>>[vector<16xi32>, vector<16xi32>], vector<16xf32>,
        %add3A_663 = arith.constant 48 : i32
        %add3A_664 = vector.broadcast %add3A_663 : i32 to vector<16xi32>
        %add3A_665 = arith.addi %add3A_664, %iota3A : vector<16xi32>
        %and3A_666 = arith.constant 127 : i32
        %and3A_667 = vector.broadcast %and3A_666 : i32 to vector<16xi32>
        %and3A_668 = arith.andi %add3A_665, %and3A_667 : vector<16xi32>
        %add3A_669 = arith.constant 49 : i32
        %add3A_670 = vector.broadcast %add3A_669 : i32 to vector<16xi32>
        %add3A_671 = arith.addi %add3A_670, %iota3A : vector<16xi32>
        %and3A_672 = arith.constant 127 : i32
        %and3A_673 = vector.broadcast %and3A_672 : i32 to vector<16xi32>
        %and3A_674 = arith.andi %add3A_671, %and3A_673 : vector<16xi32>
        %add3A_675 = arith.constant 50 : i32
        %add3A_676 = vector.broadcast %add3A_675 : i32 to vector<16xi32>
        %add3A_677 = arith.addi %add3A_676, %iota3A : vector<16xi32>
        %and3A_678 = arith.constant 127 : i32
        %and3A_679 = vector.broadcast %and3A_678 : i32 to vector<16xi32>
        %and3A_680 = arith.andi %add3A_677, %and3A_679 : vector<16xi32>
        %add3A_681 = arith.constant 51 : i32
        %add3A_682 = vector.broadcast %add3A_681 : i32 to vector<16xi32>
        %add3A_683 = arith.addi %add3A_682, %iota3A : vector<16xi32>
        %and3A_684 = arith.constant 127 : i32
        %and3A_685 = vector.broadcast %and3A_684 : i32 to vector<16xi32>
        %and3A_686 = arith.andi %add3A_683, %and3A_685 : vector<16xi32>
        %add3A_687 = arith.constant 52 : i32
        %add3A_688 = vector.broadcast %add3A_687 : i32 to vector<16xi32>
        %add3A_689 = arith.addi %add3A_688, %iota3A : vector<16xi32>
        %and3A_690 = arith.constant 127 : i32
        %and3A_691 = vector.broadcast %and3A_690 : i32 to vector<16xi32>
        %and3A_692 = arith.andi %add3A_689, %and3A_691 : vector<16xi32>
        %add3A_693 = arith.constant 53 : i32
        %add3A_694 = vector.broadcast %add3A_693 : i32 to vector<16xi32>
        %add3A_695 = arith.addi %add3A_694, %iota3A : vector<16xi32>
        %and3A_696 = arith.constant 127 : i32
        %and3A_697 = vector.broadcast %and3A_696 : i32 to vector<16xi32>
        %and3A_698 = arith.andi %add3A_695, %and3A_697 : vector<16xi32>
        %add3A_699 = arith.constant 54 : i32
        %add3A_700 = vector.broadcast %add3A_699 : i32 to vector<16xi32>
        %add3A_701 = arith.addi %add3A_700, %iota3A : vector<16xi32>
        %and3A_702 = arith.constant 127 : i32
        %and3A_703 = vector.broadcast %and3A_702 : i32 to vector<16xi32>
        %and3A_704 = arith.andi %add3A_701, %and3A_703 : vector<16xi32>
        %add3A_705 = arith.constant 55 : i32
        %add3A_706 = vector.broadcast %add3A_705 : i32 to vector<16xi32>
        %add3A_707 = arith.addi %add3A_706, %iota3A : vector<16xi32>
        %and3A_708 = arith.constant 127 : i32
        %and3A_709 = vector.broadcast %and3A_708 : i32 to vector<16xi32>
        %and3A_710 = arith.andi %add3A_707, %and3A_709 : vector<16xi32>
        %gather3A_711 = tpu.vector_load_idx %arg14[%get3A_323, %and3A_668] : memref<504x128xf32, #tpu.memory_space<vmem>>[vector<16xi32>, vector<16xi32>], vector<16xf32>,
        %gather3A_712 = tpu.vector_load_idx %arg14[%get3A_323, %and3A_674] : memref<504x128xf32, #tpu.memory_space<vmem>>[vector<16xi32>, vector<16xi32>], vector<16xf32>,
        %gather3A_713 = tpu.vector_load_idx %arg14[%get3A_323, %and3A_680] : memref<504x128xf32, #tpu.memory_space<vmem>>[vector<16xi32>, vector<16xi32>], vector<16xf32>,
        %gather3A_714 = tpu.vector_load_idx %arg14[%get3A_323, %and3A_686] : memref<504x128xf32, #tpu.memory_space<vmem>>[vector<16xi32>, vector<16xi32>], vector<16xf32>,
        %gather3A_715 = tpu.vector_load_idx %arg14[%get3A_323, %and3A_692] : memref<504x128xf32, #tpu.memory_space<vmem>>[vector<16xi32>, vector<16xi32>], vector<16xf32>,
        %gather3A_716 = tpu.vector_load_idx %arg14[%get3A_323, %and3A_698] : memref<504x128xf32, #tpu.memory_space<vmem>>[vector<16xi32>, vector<16xi32>], vector<16xf32>,
        %gather3A_717 = tpu.vector_load_idx %arg14[%get3A_323, %and3A_704] : memref<504x128xf32, #tpu.memory_space<vmem>>[vector<16xi32>, vector<16xi32>], vector<16xf32>,
        %gather3A_718 = tpu.vector_load_idx %arg14[%get3A_323, %and3A_710] : memref<504x128xf32, #tpu.memory_space<vmem>>[vector<16xi32>, vector<16xi32>], vector<16xf32>,
        tpu.vector_store_idx %arg15[%and3A_668, %add3A_327], %gather3A_711 : memref<128x128xf32, #tpu.memory_space<vmem>>[vector<16xi32>, vector<16xi32>], vector<16xf32>,
        tpu.vector_store_idx %arg15[%and3A_674, %add3A_327], %gather3A_712 : memref<128x128xf32, #tpu.memory_space<vmem>>[vector<16xi32>, vector<16xi32>], vector<16xf32>,
        tpu.vector_store_idx %arg15[%and3A_680, %add3A_327], %gather3A_713 : memref<128x128xf32, #tpu.memory_space<vmem>>[vector<16xi32>, vector<16xi32>], vector<16xf32>,
        tpu.vector_store_idx %arg15[%and3A_686, %add3A_327], %gather3A_714 : memref<128x128xf32, #tpu.memory_space<vmem>>[vector<16xi32>, vector<16xi32>], vector<16xf32>,
        tpu.vector_store_idx %arg15[%and3A_692, %add3A_327], %gather3A_715 : memref<128x128xf32, #tpu.memory_space<vmem>>[vector<16xi32>, vector<16xi32>], vector<16xf32>,
        tpu.vector_store_idx %arg15[%and3A_698, %add3A_327], %gather3A_716 : memref<128x128xf32, #tpu.memory_space<vmem>>[vector<16xi32>, vector<16xi32>], vector<16xf32>,
        tpu.vector_store_idx %arg15[%and3A_704, %add3A_327], %gather3A_717 : memref<128x128xf32, #tpu.memory_space<vmem>>[vector<16xi32>, vector<16xi32>], vector<16xf32>,
        tpu.vector_store_idx %arg15[%and3A_710, %add3A_327], %gather3A_718 : memref<128x128xf32, #tpu.memory_space<vmem>>[vector<16xi32>, vector<16xi32>], vector<16xf32>,
        %add3A_719 = arith.constant 56 : i32
        %add3A_720 = vector.broadcast %add3A_719 : i32 to vector<16xi32>
        %add3A_721 = arith.addi %add3A_720, %iota3A : vector<16xi32>
        %and3A_722 = arith.constant 127 : i32
        %and3A_723 = vector.broadcast %and3A_722 : i32 to vector<16xi32>
        %and3A_724 = arith.andi %add3A_721, %and3A_723 : vector<16xi32>
        %add3A_725 = arith.constant 57 : i32
        %add3A_726 = vector.broadcast %add3A_725 : i32 to vector<16xi32>
        %add3A_727 = arith.addi %add3A_726, %iota3A : vector<16xi32>
        %and3A_728 = arith.constant 127 : i32
        %and3A_729 = vector.broadcast %and3A_728 : i32 to vector<16xi32>
        %and3A_730 = arith.andi %add3A_727, %and3A_729 : vector<16xi32>
        %add3A_731 = arith.constant 58 : i32
        %add3A_732 = vector.broadcast %add3A_731 : i32 to vector<16xi32>
        %add3A_733 = arith.addi %add3A_732, %iota3A : vector<16xi32>
        %and3A_734 = arith.constant 127 : i32
        %and3A_735 = vector.broadcast %and3A_734 : i32 to vector<16xi32>
        %and3A_736 = arith.andi %add3A_733, %and3A_735 : vector<16xi32>
        %add3A_737 = arith.constant 59 : i32
        %add3A_738 = vector.broadcast %add3A_737 : i32 to vector<16xi32>
        %add3A_739 = arith.addi %add3A_738, %iota3A : vector<16xi32>
        %and3A_740 = arith.constant 127 : i32
        %and3A_741 = vector.broadcast %and3A_740 : i32 to vector<16xi32>
        %and3A_742 = arith.andi %add3A_739, %and3A_741 : vector<16xi32>
        %add3A_743 = arith.constant 60 : i32
        %add3A_744 = vector.broadcast %add3A_743 : i32 to vector<16xi32>
        %add3A_745 = arith.addi %add3A_744, %iota3A : vector<16xi32>
        %and3A_746 = arith.constant 127 : i32
        %and3A_747 = vector.broadcast %and3A_746 : i32 to vector<16xi32>
        %and3A_748 = arith.andi %add3A_745, %and3A_747 : vector<16xi32>
        %add3A_749 = arith.constant 61 : i32
        %add3A_750 = vector.broadcast %add3A_749 : i32 to vector<16xi32>
        %add3A_751 = arith.addi %add3A_750, %iota3A : vector<16xi32>
        %and3A_752 = arith.constant 127 : i32
        %and3A_753 = vector.broadcast %and3A_752 : i32 to vector<16xi32>
        %and3A_754 = arith.andi %add3A_751, %and3A_753 : vector<16xi32>
        %add3A_755 = arith.constant 62 : i32
        %add3A_756 = vector.broadcast %add3A_755 : i32 to vector<16xi32>
        %add3A_757 = arith.addi %add3A_756, %iota3A : vector<16xi32>
        %and3A_758 = arith.constant 127 : i32
        %and3A_759 = vector.broadcast %and3A_758 : i32 to vector<16xi32>
        %and3A_760 = arith.andi %add3A_757, %and3A_759 : vector<16xi32>
        %add3A_761 = arith.constant 63 : i32
        %add3A_762 = vector.broadcast %add3A_761 : i32 to vector<16xi32>
        %add3A_763 = arith.addi %add3A_762, %iota3A : vector<16xi32>
        %and3A_764 = arith.constant 127 : i32
        %and3A_765 = vector.broadcast %and3A_764 : i32 to vector<16xi32>
        %and3A_766 = arith.andi %add3A_763, %and3A_765 : vector<16xi32>
        %gather3A_767 = tpu.vector_load_idx %arg14[%get3A_323, %and3A_724] : memref<504x128xf32, #tpu.memory_space<vmem>>[vector<16xi32>, vector<16xi32>], vector<16xf32>,
        %gather3A_768 = tpu.vector_load_idx %arg14[%get3A_323, %and3A_730] : memref<504x128xf32, #tpu.memory_space<vmem>>[vector<16xi32>, vector<16xi32>], vector<16xf32>,
        %gather3A_769 = tpu.vector_load_idx %arg14[%get3A_323, %and3A_736] : memref<504x128xf32, #tpu.memory_space<vmem>>[vector<16xi32>, vector<16xi32>], vector<16xf32>,
        %gather3A_770 = tpu.vector_load_idx %arg14[%get3A_323, %and3A_742] : memref<504x128xf32, #tpu.memory_space<vmem>>[vector<16xi32>, vector<16xi32>], vector<16xf32>,
        %gather3A_771 = tpu.vector_load_idx %arg14[%get3A_323, %and3A_748] : memref<504x128xf32, #tpu.memory_space<vmem>>[vector<16xi32>, vector<16xi32>], vector<16xf32>,
        %gather3A_772 = tpu.vector_load_idx %arg14[%get3A_323, %and3A_754] : memref<504x128xf32, #tpu.memory_space<vmem>>[vector<16xi32>, vector<16xi32>], vector<16xf32>,
        %gather3A_773 = tpu.vector_load_idx %arg14[%get3A_323, %and3A_760] : memref<504x128xf32, #tpu.memory_space<vmem>>[vector<16xi32>, vector<16xi32>], vector<16xf32>,
        %gather3A_774 = tpu.vector_load_idx %arg14[%get3A_323, %and3A_766] : memref<504x128xf32, #tpu.memory_space<vmem>>[vector<16xi32>, vector<16xi32>], vector<16xf32>,
        tpu.vector_store_idx %arg15[%and3A_724, %add3A_327], %gather3A_767 : memref<128x128xf32, #tpu.memory_space<vmem>>[vector<16xi32>, vector<16xi32>], vector<16xf32>,
        tpu.vector_store_idx %arg15[%and3A_730, %add3A_327], %gather3A_768 : memref<128x128xf32, #tpu.memory_space<vmem>>[vector<16xi32>, vector<16xi32>], vector<16xf32>,
        tpu.vector_store_idx %arg15[%and3A_736, %add3A_327], %gather3A_769 : memref<128x128xf32, #tpu.memory_space<vmem>>[vector<16xi32>, vector<16xi32>], vector<16xf32>,
        tpu.vector_store_idx %arg15[%and3A_742, %add3A_327], %gather3A_770 : memref<128x128xf32, #tpu.memory_space<vmem>>[vector<16xi32>, vector<16xi32>], vector<16xf32>,
        tpu.vector_store_idx %arg15[%and3A_748, %add3A_327], %gather3A_771 : memref<128x128xf32, #tpu.memory_space<vmem>>[vector<16xi32>, vector<16xi32>], vector<16xf32>,
        tpu.vector_store_idx %arg15[%and3A_754, %add3A_327], %gather3A_772 : memref<128x128xf32, #tpu.memory_space<vmem>>[vector<16xi32>, vector<16xi32>], vector<16xf32>,
        tpu.vector_store_idx %arg15[%and3A_760, %add3A_327], %gather3A_773 : memref<128x128xf32, #tpu.memory_space<vmem>>[vector<16xi32>, vector<16xi32>], vector<16xf32>,
        tpu.vector_store_idx %arg15[%and3A_766, %add3A_327], %gather3A_774 : memref<128x128xf32, #tpu.memory_space<vmem>>[vector<16xi32>, vector<16xi32>], vector<16xf32>,
        %add3A_775 = arith.constant 64 : i32
        %add3A_776 = vector.broadcast %add3A_775 : i32 to vector<16xi32>
        %add3A_777 = arith.addi %add3A_776, %iota3A : vector<16xi32>
        %and3A_778 = arith.constant 127 : i32
        %and3A_779 = vector.broadcast %and3A_778 : i32 to vector<16xi32>
        %and3A_780 = arith.andi %add3A_777, %and3A_779 : vector<16xi32>
        %add3A_781 = arith.constant 65 : i32
        %add3A_782 = vector.broadcast %add3A_781 : i32 to vector<16xi32>
        %add3A_783 = arith.addi %add3A_782, %iota3A : vector<16xi32>
        %and3A_784 = arith.constant 127 : i32
        %and3A_785 = vector.broadcast %and3A_784 : i32 to vector<16xi32>
        %and3A_786 = arith.andi %add3A_783, %and3A_785 : vector<16xi32>
        %add3A_787 = arith.constant 66 : i32
        %add3A_788 = vector.broadcast %add3A_787 : i32 to vector<16xi32>
        %add3A_789 = arith.addi %add3A_788, %iota3A : vector<16xi32>
        %and3A_790 = arith.constant 127 : i32
        %and3A_791 = vector.broadcast %and3A_790 : i32 to vector<16xi32>
        %and3A_792 = arith.andi %add3A_789, %and3A_791 : vector<16xi32>
        %add3A_793 = arith.constant 67 : i32
        %add3A_794 = vector.broadcast %add3A_793 : i32 to vector<16xi32>
        %add3A_795 = arith.addi %add3A_794, %iota3A : vector<16xi32>
        %and3A_796 = arith.constant 127 : i32
        %and3A_797 = vector.broadcast %and3A_796 : i32 to vector<16xi32>
        %and3A_798 = arith.andi %add3A_795, %and3A_797 : vector<16xi32>
        %add3A_799 = arith.constant 68 : i32
        %add3A_800 = vector.broadcast %add3A_799 : i32 to vector<16xi32>
        %add3A_801 = arith.addi %add3A_800, %iota3A : vector<16xi32>
        %and3A_802 = arith.constant 127 : i32
        %and3A_803 = vector.broadcast %and3A_802 : i32 to vector<16xi32>
        %and3A_804 = arith.andi %add3A_801, %and3A_803 : vector<16xi32>
        %add3A_805 = arith.constant 69 : i32
        %add3A_806 = vector.broadcast %add3A_805 : i32 to vector<16xi32>
        %add3A_807 = arith.addi %add3A_806, %iota3A : vector<16xi32>
        %and3A_808 = arith.constant 127 : i32
        %and3A_809 = vector.broadcast %and3A_808 : i32 to vector<16xi32>
        %and3A_810 = arith.andi %add3A_807, %and3A_809 : vector<16xi32>
        %add3A_811 = arith.constant 70 : i32
        %add3A_812 = vector.broadcast %add3A_811 : i32 to vector<16xi32>
        %add3A_813 = arith.addi %add3A_812, %iota3A : vector<16xi32>
        %and3A_814 = arith.constant 127 : i32
        %and3A_815 = vector.broadcast %and3A_814 : i32 to vector<16xi32>
        %and3A_816 = arith.andi %add3A_813, %and3A_815 : vector<16xi32>
        %add3A_817 = arith.constant 71 : i32
        %add3A_818 = vector.broadcast %add3A_817 : i32 to vector<16xi32>
        %add3A_819 = arith.addi %add3A_818, %iota3A : vector<16xi32>
        %and3A_820 = arith.constant 127 : i32
        %and3A_821 = vector.broadcast %and3A_820 : i32 to vector<16xi32>
        %and3A_822 = arith.andi %add3A_819, %and3A_821 : vector<16xi32>
        %gather3A_823 = tpu.vector_load_idx %arg14[%get3A_323, %and3A_780] : memref<504x128xf32, #tpu.memory_space<vmem>>[vector<16xi32>, vector<16xi32>], vector<16xf32>,
        %gather3A_824 = tpu.vector_load_idx %arg14[%get3A_323, %and3A_786] : memref<504x128xf32, #tpu.memory_space<vmem>>[vector<16xi32>, vector<16xi32>], vector<16xf32>,
        %gather3A_825 = tpu.vector_load_idx %arg14[%get3A_323, %and3A_792] : memref<504x128xf32, #tpu.memory_space<vmem>>[vector<16xi32>, vector<16xi32>], vector<16xf32>,
        %gather3A_826 = tpu.vector_load_idx %arg14[%get3A_323, %and3A_798] : memref<504x128xf32, #tpu.memory_space<vmem>>[vector<16xi32>, vector<16xi32>], vector<16xf32>,
        %gather3A_827 = tpu.vector_load_idx %arg14[%get3A_323, %and3A_804] : memref<504x128xf32, #tpu.memory_space<vmem>>[vector<16xi32>, vector<16xi32>], vector<16xf32>,
        %gather3A_828 = tpu.vector_load_idx %arg14[%get3A_323, %and3A_810] : memref<504x128xf32, #tpu.memory_space<vmem>>[vector<16xi32>, vector<16xi32>], vector<16xf32>,
        %gather3A_829 = tpu.vector_load_idx %arg14[%get3A_323, %and3A_816] : memref<504x128xf32, #tpu.memory_space<vmem>>[vector<16xi32>, vector<16xi32>], vector<16xf32>,
        %gather3A_830 = tpu.vector_load_idx %arg14[%get3A_323, %and3A_822] : memref<504x128xf32, #tpu.memory_space<vmem>>[vector<16xi32>, vector<16xi32>], vector<16xf32>,
        tpu.vector_store_idx %arg15[%and3A_780, %add3A_327], %gather3A_823 : memref<128x128xf32, #tpu.memory_space<vmem>>[vector<16xi32>, vector<16xi32>], vector<16xf32>,
        tpu.vector_store_idx %arg15[%and3A_786, %add3A_327], %gather3A_824 : memref<128x128xf32, #tpu.memory_space<vmem>>[vector<16xi32>, vector<16xi32>], vector<16xf32>,
        tpu.vector_store_idx %arg15[%and3A_792, %add3A_327], %gather3A_825 : memref<128x128xf32, #tpu.memory_space<vmem>>[vector<16xi32>, vector<16xi32>], vector<16xf32>,
        tpu.vector_store_idx %arg15[%and3A_798, %add3A_327], %gather3A_826 : memref<128x128xf32, #tpu.memory_space<vmem>>[vector<16xi32>, vector<16xi32>], vector<16xf32>,
        tpu.vector_store_idx %arg15[%and3A_804, %add3A_327], %gather3A_827 : memref<128x128xf32, #tpu.memory_space<vmem>>[vector<16xi32>, vector<16xi32>], vector<16xf32>,
        tpu.vector_store_idx %arg15[%and3A_810, %add3A_327], %gather3A_828 : memref<128x128xf32, #tpu.memory_space<vmem>>[vector<16xi32>, vector<16xi32>], vector<16xf32>,
        tpu.vector_store_idx %arg15[%and3A_816, %add3A_327], %gather3A_829 : memref<128x128xf32, #tpu.memory_space<vmem>>[vector<16xi32>, vector<16xi32>], vector<16xf32>,
        tpu.vector_store_idx %arg15[%and3A_822, %add3A_327], %gather3A_830 : memref<128x128xf32, #tpu.memory_space<vmem>>[vector<16xi32>, vector<16xi32>], vector<16xf32>,
        %add3A_831 = arith.constant 72 : i32
        %add3A_832 = vector.broadcast %add3A_831 : i32 to vector<16xi32>
        %add3A_833 = arith.addi %add3A_832, %iota3A : vector<16xi32>
        %and3A_834 = arith.constant 127 : i32
        %and3A_835 = vector.broadcast %and3A_834 : i32 to vector<16xi32>
        %and3A_836 = arith.andi %add3A_833, %and3A_835 : vector<16xi32>
        %add3A_837 = arith.constant 73 : i32
        %add3A_838 = vector.broadcast %add3A_837 : i32 to vector<16xi32>
        %add3A_839 = arith.addi %add3A_838, %iota3A : vector<16xi32>
        %and3A_840 = arith.constant 127 : i32
        %and3A_841 = vector.broadcast %and3A_840 : i32 to vector<16xi32>
        %and3A_842 = arith.andi %add3A_839, %and3A_841 : vector<16xi32>
        %add3A_843 = arith.constant 74 : i32
        %add3A_844 = vector.broadcast %add3A_843 : i32 to vector<16xi32>
        %add3A_845 = arith.addi %add3A_844, %iota3A : vector<16xi32>
        %and3A_846 = arith.constant 127 : i32
        %and3A_847 = vector.broadcast %and3A_846 : i32 to vector<16xi32>
        %and3A_848 = arith.andi %add3A_845, %and3A_847 : vector<16xi32>
        %add3A_849 = arith.constant 75 : i32
        %add3A_850 = vector.broadcast %add3A_849 : i32 to vector<16xi32>
        %add3A_851 = arith.addi %add3A_850, %iota3A : vector<16xi32>
        %and3A_852 = arith.constant 127 : i32
        %and3A_853 = vector.broadcast %and3A_852 : i32 to vector<16xi32>
        %and3A_854 = arith.andi %add3A_851, %and3A_853 : vector<16xi32>
        %add3A_855 = arith.constant 76 : i32
        %add3A_856 = vector.broadcast %add3A_855 : i32 to vector<16xi32>
        %add3A_857 = arith.addi %add3A_856, %iota3A : vector<16xi32>
        %and3A_858 = arith.constant 127 : i32
        %and3A_859 = vector.broadcast %and3A_858 : i32 to vector<16xi32>
        %and3A_860 = arith.andi %add3A_857, %and3A_859 : vector<16xi32>
        %add3A_861 = arith.constant 77 : i32
        %add3A_862 = vector.broadcast %add3A_861 : i32 to vector<16xi32>
        %add3A_863 = arith.addi %add3A_862, %iota3A : vector<16xi32>
        %and3A_864 = arith.constant 127 : i32
        %and3A_865 = vector.broadcast %and3A_864 : i32 to vector<16xi32>
        %and3A_866 = arith.andi %add3A_863, %and3A_865 : vector<16xi32>
        %add3A_867 = arith.constant 78 : i32
        %add3A_868 = vector.broadcast %add3A_867 : i32 to vector<16xi32>
        %add3A_869 = arith.addi %add3A_868, %iota3A : vector<16xi32>
        %and3A_870 = arith.constant 127 : i32
        %and3A_871 = vector.broadcast %and3A_870 : i32 to vector<16xi32>
        %and3A_872 = arith.andi %add3A_869, %and3A_871 : vector<16xi32>
        %add3A_873 = arith.constant 79 : i32
        %add3A_874 = vector.broadcast %add3A_873 : i32 to vector<16xi32>
        %add3A_875 = arith.addi %add3A_874, %iota3A : vector<16xi32>
        %and3A_876 = arith.constant 127 : i32
        %and3A_877 = vector.broadcast %and3A_876 : i32 to vector<16xi32>
        %and3A_878 = arith.andi %add3A_875, %and3A_877 : vector<16xi32>
        %gather3A_879 = tpu.vector_load_idx %arg14[%get3A_323, %and3A_836] : memref<504x128xf32, #tpu.memory_space<vmem>>[vector<16xi32>, vector<16xi32>], vector<16xf32>,
        %gather3A_880 = tpu.vector_load_idx %arg14[%get3A_323, %and3A_842] : memref<504x128xf32, #tpu.memory_space<vmem>>[vector<16xi32>, vector<16xi32>], vector<16xf32>,
        %gather3A_881 = tpu.vector_load_idx %arg14[%get3A_323, %and3A_848] : memref<504x128xf32, #tpu.memory_space<vmem>>[vector<16xi32>, vector<16xi32>], vector<16xf32>,
        %gather3A_882 = tpu.vector_load_idx %arg14[%get3A_323, %and3A_854] : memref<504x128xf32, #tpu.memory_space<vmem>>[vector<16xi32>, vector<16xi32>], vector<16xf32>,
        %gather3A_883 = tpu.vector_load_idx %arg14[%get3A_323, %and3A_860] : memref<504x128xf32, #tpu.memory_space<vmem>>[vector<16xi32>, vector<16xi32>], vector<16xf32>,
        %gather3A_884 = tpu.vector_load_idx %arg14[%get3A_323, %and3A_866] : memref<504x128xf32, #tpu.memory_space<vmem>>[vector<16xi32>, vector<16xi32>], vector<16xf32>,
        %gather3A_885 = tpu.vector_load_idx %arg14[%get3A_323, %and3A_872] : memref<504x128xf32, #tpu.memory_space<vmem>>[vector<16xi32>, vector<16xi32>], vector<16xf32>,
        %gather3A_886 = tpu.vector_load_idx %arg14[%get3A_323, %and3A_878] : memref<504x128xf32, #tpu.memory_space<vmem>>[vector<16xi32>, vector<16xi32>], vector<16xf32>,
        tpu.vector_store_idx %arg15[%and3A_836, %add3A_327], %gather3A_879 : memref<128x128xf32, #tpu.memory_space<vmem>>[vector<16xi32>, vector<16xi32>], vector<16xf32>,
        tpu.vector_store_idx %arg15[%and3A_842, %add3A_327], %gather3A_880 : memref<128x128xf32, #tpu.memory_space<vmem>>[vector<16xi32>, vector<16xi32>], vector<16xf32>,
        tpu.vector_store_idx %arg15[%and3A_848, %add3A_327], %gather3A_881 : memref<128x128xf32, #tpu.memory_space<vmem>>[vector<16xi32>, vector<16xi32>], vector<16xf32>,
        tpu.vector_store_idx %arg15[%and3A_854, %add3A_327], %gather3A_882 : memref<128x128xf32, #tpu.memory_space<vmem>>[vector<16xi32>, vector<16xi32>], vector<16xf32>,
        tpu.vector_store_idx %arg15[%and3A_860, %add3A_327], %gather3A_883 : memref<128x128xf32, #tpu.memory_space<vmem>>[vector<16xi32>, vector<16xi32>], vector<16xf32>,
        tpu.vector_store_idx %arg15[%and3A_866, %add3A_327], %gather3A_884 : memref<128x128xf32, #tpu.memory_space<vmem>>[vector<16xi32>, vector<16xi32>], vector<16xf32>,
        tpu.vector_store_idx %arg15[%and3A_872, %add3A_327], %gather3A_885 : memref<128x128xf32, #tpu.memory_space<vmem>>[vector<16xi32>, vector<16xi32>], vector<16xf32>,
        tpu.vector_store_idx %arg15[%and3A_878, %add3A_327], %gather3A_886 : memref<128x128xf32, #tpu.memory_space<vmem>>[vector<16xi32>, vector<16xi32>], vector<16xf32>,
        %add3A_887 = arith.constant 80 : i32
        %add3A_888 = vector.broadcast %add3A_887 : i32 to vector<16xi32>
        %add3A_889 = arith.addi %add3A_888, %iota3A : vector<16xi32>
        %and3A_890 = arith.constant 127 : i32
        %and3A_891 = vector.broadcast %and3A_890 : i32 to vector<16xi32>
        %and3A_892 = arith.andi %add3A_889, %and3A_891 : vector<16xi32>
        %add3A_893 = arith.constant 81 : i32
        %add3A_894 = vector.broadcast %add3A_893 : i32 to vector<16xi32>
        %add3A_895 = arith.addi %add3A_894, %iota3A : vector<16xi32>
        %and3A_896 = arith.constant 127 : i32
        %and3A_897 = vector.broadcast %and3A_896 : i32 to vector<16xi32>
        %and3A_898 = arith.andi %add3A_895, %and3A_897 : vector<16xi32>
        %add3A_899 = arith.constant 82 : i32
        %add3A_900 = vector.broadcast %add3A_899 : i32 to vector<16xi32>
        %add3A_901 = arith.addi %add3A_900, %iota3A : vector<16xi32>
        %and3A_902 = arith.constant 127 : i32
        %and3A_903 = vector.broadcast %and3A_902 : i32 to vector<16xi32>
        %and3A_904 = arith.andi %add3A_901, %and3A_903 : vector<16xi32>
        %add3A_905 = arith.constant 83 : i32
        %add3A_906 = vector.broadcast %add3A_905 : i32 to vector<16xi32>
        %add3A_907 = arith.addi %add3A_906, %iota3A : vector<16xi32>
        %and3A_908 = arith.constant 127 : i32
        %and3A_909 = vector.broadcast %and3A_908 : i32 to vector<16xi32>
        %and3A_910 = arith.andi %add3A_907, %and3A_909 : vector<16xi32>
        %add3A_911 = arith.constant 84 : i32
        %add3A_912 = vector.broadcast %add3A_911 : i32 to vector<16xi32>
        %add3A_913 = arith.addi %add3A_912, %iota3A : vector<16xi32>
        %and3A_914 = arith.constant 127 : i32
        %and3A_915 = vector.broadcast %and3A_914 : i32 to vector<16xi32>
        %and3A_916 = arith.andi %add3A_913, %and3A_915 : vector<16xi32>
        %add3A_917 = arith.constant 85 : i32
        %add3A_918 = vector.broadcast %add3A_917 : i32 to vector<16xi32>
        %add3A_919 = arith.addi %add3A_918, %iota3A : vector<16xi32>
        %and3A_920 = arith.constant 127 : i32
        %and3A_921 = vector.broadcast %and3A_920 : i32 to vector<16xi32>
        %and3A_922 = arith.andi %add3A_919, %and3A_921 : vector<16xi32>
        %add3A_923 = arith.constant 86 : i32
        %add3A_924 = vector.broadcast %add3A_923 : i32 to vector<16xi32>
        %add3A_925 = arith.addi %add3A_924, %iota3A : vector<16xi32>
        %and3A_926 = arith.constant 127 : i32
        %and3A_927 = vector.broadcast %and3A_926 : i32 to vector<16xi32>
        %and3A_928 = arith.andi %add3A_925, %and3A_927 : vector<16xi32>
        %add3A_929 = arith.constant 87 : i32
        %add3A_930 = vector.broadcast %add3A_929 : i32 to vector<16xi32>
        %add3A_931 = arith.addi %add3A_930, %iota3A : vector<16xi32>
        %and3A_932 = arith.constant 127 : i32
        %and3A_933 = vector.broadcast %and3A_932 : i32 to vector<16xi32>
        %and3A_934 = arith.andi %add3A_931, %and3A_933 : vector<16xi32>
        %gather3A_935 = tpu.vector_load_idx %arg14[%get3A_323, %and3A_892] : memref<504x128xf32, #tpu.memory_space<vmem>>[vector<16xi32>, vector<16xi32>], vector<16xf32>,
        %gather3A_936 = tpu.vector_load_idx %arg14[%get3A_323, %and3A_898] : memref<504x128xf32, #tpu.memory_space<vmem>>[vector<16xi32>, vector<16xi32>], vector<16xf32>,
        %gather3A_937 = tpu.vector_load_idx %arg14[%get3A_323, %and3A_904] : memref<504x128xf32, #tpu.memory_space<vmem>>[vector<16xi32>, vector<16xi32>], vector<16xf32>,
        %gather3A_938 = tpu.vector_load_idx %arg14[%get3A_323, %and3A_910] : memref<504x128xf32, #tpu.memory_space<vmem>>[vector<16xi32>, vector<16xi32>], vector<16xf32>,
        %gather3A_939 = tpu.vector_load_idx %arg14[%get3A_323, %and3A_916] : memref<504x128xf32, #tpu.memory_space<vmem>>[vector<16xi32>, vector<16xi32>], vector<16xf32>,
        %gather3A_940 = tpu.vector_load_idx %arg14[%get3A_323, %and3A_922] : memref<504x128xf32, #tpu.memory_space<vmem>>[vector<16xi32>, vector<16xi32>], vector<16xf32>,
        %gather3A_941 = tpu.vector_load_idx %arg14[%get3A_323, %and3A_928] : memref<504x128xf32, #tpu.memory_space<vmem>>[vector<16xi32>, vector<16xi32>], vector<16xf32>,
        %gather3A_942 = tpu.vector_load_idx %arg14[%get3A_323, %and3A_934] : memref<504x128xf32, #tpu.memory_space<vmem>>[vector<16xi32>, vector<16xi32>], vector<16xf32>,
        tpu.vector_store_idx %arg15[%and3A_892, %add3A_327], %gather3A_935 : memref<128x128xf32, #tpu.memory_space<vmem>>[vector<16xi32>, vector<16xi32>], vector<16xf32>,
        tpu.vector_store_idx %arg15[%and3A_898, %add3A_327], %gather3A_936 : memref<128x128xf32, #tpu.memory_space<vmem>>[vector<16xi32>, vector<16xi32>], vector<16xf32>,
        tpu.vector_store_idx %arg15[%and3A_904, %add3A_327], %gather3A_937 : memref<128x128xf32, #tpu.memory_space<vmem>>[vector<16xi32>, vector<16xi32>], vector<16xf32>,
        tpu.vector_store_idx %arg15[%and3A_910, %add3A_327], %gather3A_938 : memref<128x128xf32, #tpu.memory_space<vmem>>[vector<16xi32>, vector<16xi32>], vector<16xf32>,
        tpu.vector_store_idx %arg15[%and3A_916, %add3A_327], %gather3A_939 : memref<128x128xf32, #tpu.memory_space<vmem>>[vector<16xi32>, vector<16xi32>], vector<16xf32>,
        tpu.vector_store_idx %arg15[%and3A_922, %add3A_327], %gather3A_940 : memref<128x128xf32, #tpu.memory_space<vmem>>[vector<16xi32>, vector<16xi32>], vector<16xf32>,
        tpu.vector_store_idx %arg15[%and3A_928, %add3A_327], %gather3A_941 : memref<128x128xf32, #tpu.memory_space<vmem>>[vector<16xi32>, vector<16xi32>], vector<16xf32>,
        tpu.vector_store_idx %arg15[%and3A_934, %add3A_327], %gather3A_942 : memref<128x128xf32, #tpu.memory_space<vmem>>[vector<16xi32>, vector<16xi32>], vector<16xf32>,
        %add3A_943 = arith.constant 88 : i32
        %add3A_944 = vector.broadcast %add3A_943 : i32 to vector<16xi32>
        %add3A_945 = arith.addi %add3A_944, %iota3A : vector<16xi32>
        %and3A_946 = arith.constant 127 : i32
        %and3A_947 = vector.broadcast %and3A_946 : i32 to vector<16xi32>
        %and3A_948 = arith.andi %add3A_945, %and3A_947 : vector<16xi32>
        %add3A_949 = arith.constant 89 : i32
        %add3A_950 = vector.broadcast %add3A_949 : i32 to vector<16xi32>
        %add3A_951 = arith.addi %add3A_950, %iota3A : vector<16xi32>
        %and3A_952 = arith.constant 127 : i32
        %and3A_953 = vector.broadcast %and3A_952 : i32 to vector<16xi32>
        %and3A_954 = arith.andi %add3A_951, %and3A_953 : vector<16xi32>
        %add3A_955 = arith.constant 90 : i32
        %add3A_956 = vector.broadcast %add3A_955 : i32 to vector<16xi32>
        %add3A_957 = arith.addi %add3A_956, %iota3A : vector<16xi32>
        %and3A_958 = arith.constant 127 : i32
        %and3A_959 = vector.broadcast %and3A_958 : i32 to vector<16xi32>
        %and3A_960 = arith.andi %add3A_957, %and3A_959 : vector<16xi32>
        %add3A_961 = arith.constant 91 : i32
        %add3A_962 = vector.broadcast %add3A_961 : i32 to vector<16xi32>
        %add3A_963 = arith.addi %add3A_962, %iota3A : vector<16xi32>
        %and3A_964 = arith.constant 127 : i32
        %and3A_965 = vector.broadcast %and3A_964 : i32 to vector<16xi32>
        %and3A_966 = arith.andi %add3A_963, %and3A_965 : vector<16xi32>
        %add3A_967 = arith.constant 92 : i32
        %add3A_968 = vector.broadcast %add3A_967 : i32 to vector<16xi32>
        %add3A_969 = arith.addi %add3A_968, %iota3A : vector<16xi32>
        %and3A_970 = arith.constant 127 : i32
        %and3A_971 = vector.broadcast %and3A_970 : i32 to vector<16xi32>
        %and3A_972 = arith.andi %add3A_969, %and3A_971 : vector<16xi32>
        %add3A_973 = arith.constant 93 : i32
        %add3A_974 = vector.broadcast %add3A_973 : i32 to vector<16xi32>
        %add3A_975 = arith.addi %add3A_974, %iota3A : vector<16xi32>
        %and3A_976 = arith.constant 127 : i32
        %and3A_977 = vector.broadcast %and3A_976 : i32 to vector<16xi32>
        %and3A_978 = arith.andi %add3A_975, %and3A_977 : vector<16xi32>
        %add3A_979 = arith.constant 94 : i32
        %add3A_980 = vector.broadcast %add3A_979 : i32 to vector<16xi32>
        %add3A_981 = arith.addi %add3A_980, %iota3A : vector<16xi32>
        %and3A_982 = arith.constant 127 : i32
        %and3A_983 = vector.broadcast %and3A_982 : i32 to vector<16xi32>
        %and3A_984 = arith.andi %add3A_981, %and3A_983 : vector<16xi32>
        %add3A_985 = arith.constant 95 : i32
        %add3A_986 = vector.broadcast %add3A_985 : i32 to vector<16xi32>
        %add3A_987 = arith.addi %add3A_986, %iota3A : vector<16xi32>
        %and3A_988 = arith.constant 127 : i32
        %and3A_989 = vector.broadcast %and3A_988 : i32 to vector<16xi32>
        %and3A_990 = arith.andi %add3A_987, %and3A_989 : vector<16xi32>
        %gather3A_991 = tpu.vector_load_idx %arg14[%get3A_323, %and3A_948] : memref<504x128xf32, #tpu.memory_space<vmem>>[vector<16xi32>, vector<16xi32>], vector<16xf32>,
        %gather3A_992 = tpu.vector_load_idx %arg14[%get3A_323, %and3A_954] : memref<504x128xf32, #tpu.memory_space<vmem>>[vector<16xi32>, vector<16xi32>], vector<16xf32>,
        %gather3A_993 = tpu.vector_load_idx %arg14[%get3A_323, %and3A_960] : memref<504x128xf32, #tpu.memory_space<vmem>>[vector<16xi32>, vector<16xi32>], vector<16xf32>,
        %gather3A_994 = tpu.vector_load_idx %arg14[%get3A_323, %and3A_966] : memref<504x128xf32, #tpu.memory_space<vmem>>[vector<16xi32>, vector<16xi32>], vector<16xf32>,
        %gather3A_995 = tpu.vector_load_idx %arg14[%get3A_323, %and3A_972] : memref<504x128xf32, #tpu.memory_space<vmem>>[vector<16xi32>, vector<16xi32>], vector<16xf32>,
        %gather3A_996 = tpu.vector_load_idx %arg14[%get3A_323, %and3A_978] : memref<504x128xf32, #tpu.memory_space<vmem>>[vector<16xi32>, vector<16xi32>], vector<16xf32>,
        %gather3A_997 = tpu.vector_load_idx %arg14[%get3A_323, %and3A_984] : memref<504x128xf32, #tpu.memory_space<vmem>>[vector<16xi32>, vector<16xi32>], vector<16xf32>,
        %gather3A_998 = tpu.vector_load_idx %arg14[%get3A_323, %and3A_990] : memref<504x128xf32, #tpu.memory_space<vmem>>[vector<16xi32>, vector<16xi32>], vector<16xf32>,
        tpu.vector_store_idx %arg15[%and3A_948, %add3A_327], %gather3A_991 : memref<128x128xf32, #tpu.memory_space<vmem>>[vector<16xi32>, vector<16xi32>], vector<16xf32>,
        tpu.vector_store_idx %arg15[%and3A_954, %add3A_327], %gather3A_992 : memref<128x128xf32, #tpu.memory_space<vmem>>[vector<16xi32>, vector<16xi32>], vector<16xf32>,
        tpu.vector_store_idx %arg15[%and3A_960, %add3A_327], %gather3A_993 : memref<128x128xf32, #tpu.memory_space<vmem>>[vector<16xi32>, vector<16xi32>], vector<16xf32>,
        tpu.vector_store_idx %arg15[%and3A_966, %add3A_327], %gather3A_994 : memref<128x128xf32, #tpu.memory_space<vmem>>[vector<16xi32>, vector<16xi32>], vector<16xf32>,
        tpu.vector_store_idx %arg15[%and3A_972, %add3A_327], %gather3A_995 : memref<128x128xf32, #tpu.memory_space<vmem>>[vector<16xi32>, vector<16xi32>], vector<16xf32>,
        tpu.vector_store_idx %arg15[%and3A_978, %add3A_327], %gather3A_996 : memref<128x128xf32, #tpu.memory_space<vmem>>[vector<16xi32>, vector<16xi32>], vector<16xf32>,
        tpu.vector_store_idx %arg15[%and3A_984, %add3A_327], %gather3A_997 : memref<128x128xf32, #tpu.memory_space<vmem>>[vector<16xi32>, vector<16xi32>], vector<16xf32>,
        tpu.vector_store_idx %arg15[%and3A_990, %add3A_327], %gather3A_998 : memref<128x128xf32, #tpu.memory_space<vmem>>[vector<16xi32>, vector<16xi32>], vector<16xf32>,
        %add3A_999 = arith.constant 96 : i32
        %add3A_1000 = vector.broadcast %add3A_999 : i32 to vector<16xi32>
        %add3A_1001 = arith.addi %add3A_1000, %iota3A : vector<16xi32>
        %and3A_1002 = arith.constant 127 : i32
        %and3A_1003 = vector.broadcast %and3A_1002 : i32 to vector<16xi32>
        %and3A_1004 = arith.andi %add3A_1001, %and3A_1003 : vector<16xi32>
        %add3A_1005 = arith.constant 97 : i32
        %add3A_1006 = vector.broadcast %add3A_1005 : i32 to vector<16xi32>
        %add3A_1007 = arith.addi %add3A_1006, %iota3A : vector<16xi32>
        %and3A_1008 = arith.constant 127 : i32
        %and3A_1009 = vector.broadcast %and3A_1008 : i32 to vector<16xi32>
        %and3A_1010 = arith.andi %add3A_1007, %and3A_1009 : vector<16xi32>
        %add3A_1011 = arith.constant 98 : i32
        %add3A_1012 = vector.broadcast %add3A_1011 : i32 to vector<16xi32>
        %add3A_1013 = arith.addi %add3A_1012, %iota3A : vector<16xi32>
        %and3A_1014 = arith.constant 127 : i32
        %and3A_1015 = vector.broadcast %and3A_1014 : i32 to vector<16xi32>
        %and3A_1016 = arith.andi %add3A_1013, %and3A_1015 : vector<16xi32>
        %add3A_1017 = arith.constant 99 : i32
        %add3A_1018 = vector.broadcast %add3A_1017 : i32 to vector<16xi32>
        %add3A_1019 = arith.addi %add3A_1018, %iota3A : vector<16xi32>
        %and3A_1020 = arith.constant 127 : i32
        %and3A_1021 = vector.broadcast %and3A_1020 : i32 to vector<16xi32>
        %and3A_1022 = arith.andi %add3A_1019, %and3A_1021 : vector<16xi32>
        %add3A_1023 = arith.constant 100 : i32
        %add3A_1024 = vector.broadcast %add3A_1023 : i32 to vector<16xi32>
        %add3A_1025 = arith.addi %add3A_1024, %iota3A : vector<16xi32>
        %and3A_1026 = arith.constant 127 : i32
        %and3A_1027 = vector.broadcast %and3A_1026 : i32 to vector<16xi32>
        %and3A_1028 = arith.andi %add3A_1025, %and3A_1027 : vector<16xi32>
        %add3A_1029 = arith.constant 101 : i32
        %add3A_1030 = vector.broadcast %add3A_1029 : i32 to vector<16xi32>
        %add3A_1031 = arith.addi %add3A_1030, %iota3A : vector<16xi32>
        %and3A_1032 = arith.constant 127 : i32
        %and3A_1033 = vector.broadcast %and3A_1032 : i32 to vector<16xi32>
        %and3A_1034 = arith.andi %add3A_1031, %and3A_1033 : vector<16xi32>
        %add3A_1035 = arith.constant 102 : i32
        %add3A_1036 = vector.broadcast %add3A_1035 : i32 to vector<16xi32>
        %add3A_1037 = arith.addi %add3A_1036, %iota3A : vector<16xi32>
        %and3A_1038 = arith.constant 127 : i32
        %and3A_1039 = vector.broadcast %and3A_1038 : i32 to vector<16xi32>
        %and3A_1040 = arith.andi %add3A_1037, %and3A_1039 : vector<16xi32>
        %add3A_1041 = arith.constant 103 : i32
        %add3A_1042 = vector.broadcast %add3A_1041 : i32 to vector<16xi32>
        %add3A_1043 = arith.addi %add3A_1042, %iota3A : vector<16xi32>
        %and3A_1044 = arith.constant 127 : i32
        %and3A_1045 = vector.broadcast %and3A_1044 : i32 to vector<16xi32>
        %and3A_1046 = arith.andi %add3A_1043, %and3A_1045 : vector<16xi32>
        %gather3A_1047 = tpu.vector_load_idx %arg14[%get3A_323, %and3A_1004] : memref<504x128xf32, #tpu.memory_space<vmem>>[vector<16xi32>, vector<16xi32>], vector<16xf32>,
        %gather3A_1048 = tpu.vector_load_idx %arg14[%get3A_323, %and3A_1010] : memref<504x128xf32, #tpu.memory_space<vmem>>[vector<16xi32>, vector<16xi32>], vector<16xf32>,
        %gather3A_1049 = tpu.vector_load_idx %arg14[%get3A_323, %and3A_1016] : memref<504x128xf32, #tpu.memory_space<vmem>>[vector<16xi32>, vector<16xi32>], vector<16xf32>,
        %gather3A_1050 = tpu.vector_load_idx %arg14[%get3A_323, %and3A_1022] : memref<504x128xf32, #tpu.memory_space<vmem>>[vector<16xi32>, vector<16xi32>], vector<16xf32>,
        %gather3A_1051 = tpu.vector_load_idx %arg14[%get3A_323, %and3A_1028] : memref<504x128xf32, #tpu.memory_space<vmem>>[vector<16xi32>, vector<16xi32>], vector<16xf32>,
        %gather3A_1052 = tpu.vector_load_idx %arg14[%get3A_323, %and3A_1034] : memref<504x128xf32, #tpu.memory_space<vmem>>[vector<16xi32>, vector<16xi32>], vector<16xf32>,
        %gather3A_1053 = tpu.vector_load_idx %arg14[%get3A_323, %and3A_1040] : memref<504x128xf32, #tpu.memory_space<vmem>>[vector<16xi32>, vector<16xi32>], vector<16xf32>,
        %gather3A_1054 = tpu.vector_load_idx %arg14[%get3A_323, %and3A_1046] : memref<504x128xf32, #tpu.memory_space<vmem>>[vector<16xi32>, vector<16xi32>], vector<16xf32>,
        tpu.vector_store_idx %arg15[%and3A_1004, %add3A_327], %gather3A_1047 : memref<128x128xf32, #tpu.memory_space<vmem>>[vector<16xi32>, vector<16xi32>], vector<16xf32>,
        tpu.vector_store_idx %arg15[%and3A_1010, %add3A_327], %gather3A_1048 : memref<128x128xf32, #tpu.memory_space<vmem>>[vector<16xi32>, vector<16xi32>], vector<16xf32>,
        tpu.vector_store_idx %arg15[%and3A_1016, %add3A_327], %gather3A_1049 : memref<128x128xf32, #tpu.memory_space<vmem>>[vector<16xi32>, vector<16xi32>], vector<16xf32>,
        tpu.vector_store_idx %arg15[%and3A_1022, %add3A_327], %gather3A_1050 : memref<128x128xf32, #tpu.memory_space<vmem>>[vector<16xi32>, vector<16xi32>], vector<16xf32>,
        tpu.vector_store_idx %arg15[%and3A_1028, %add3A_327], %gather3A_1051 : memref<128x128xf32, #tpu.memory_space<vmem>>[vector<16xi32>, vector<16xi32>], vector<16xf32>,
        tpu.vector_store_idx %arg15[%and3A_1034, %add3A_327], %gather3A_1052 : memref<128x128xf32, #tpu.memory_space<vmem>>[vector<16xi32>, vector<16xi32>], vector<16xf32>,
        tpu.vector_store_idx %arg15[%and3A_1040, %add3A_327], %gather3A_1053 : memref<128x128xf32, #tpu.memory_space<vmem>>[vector<16xi32>, vector<16xi32>], vector<16xf32>,
        tpu.vector_store_idx %arg15[%and3A_1046, %add3A_327], %gather3A_1054 : memref<128x128xf32, #tpu.memory_space<vmem>>[vector<16xi32>, vector<16xi32>], vector<16xf32>,
        %add3A_1055 = arith.constant 104 : i32
        %add3A_1056 = vector.broadcast %add3A_1055 : i32 to vector<16xi32>
        %add3A_1057 = arith.addi %add3A_1056, %iota3A : vector<16xi32>
        %and3A_1058 = arith.constant 127 : i32
        %and3A_1059 = vector.broadcast %and3A_1058 : i32 to vector<16xi32>
        %and3A_1060 = arith.andi %add3A_1057, %and3A_1059 : vector<16xi32>
        %add3A_1061 = arith.constant 105 : i32
        %add3A_1062 = vector.broadcast %add3A_1061 : i32 to vector<16xi32>
        %add3A_1063 = arith.addi %add3A_1062, %iota3A : vector<16xi32>
        %and3A_1064 = arith.constant 127 : i32
        %and3A_1065 = vector.broadcast %and3A_1064 : i32 to vector<16xi32>
        %and3A_1066 = arith.andi %add3A_1063, %and3A_1065 : vector<16xi32>
        %add3A_1067 = arith.constant 106 : i32
        %add3A_1068 = vector.broadcast %add3A_1067 : i32 to vector<16xi32>
        %add3A_1069 = arith.addi %add3A_1068, %iota3A : vector<16xi32>
        %and3A_1070 = arith.constant 127 : i32
        %and3A_1071 = vector.broadcast %and3A_1070 : i32 to vector<16xi32>
        %and3A_1072 = arith.andi %add3A_1069, %and3A_1071 : vector<16xi32>
        %add3A_1073 = arith.constant 107 : i32
        %add3A_1074 = vector.broadcast %add3A_1073 : i32 to vector<16xi32>
        %add3A_1075 = arith.addi %add3A_1074, %iota3A : vector<16xi32>
        %and3A_1076 = arith.constant 127 : i32
        %and3A_1077 = vector.broadcast %and3A_1076 : i32 to vector<16xi32>
        %and3A_1078 = arith.andi %add3A_1075, %and3A_1077 : vector<16xi32>
        %add3A_1079 = arith.constant 108 : i32
        %add3A_1080 = vector.broadcast %add3A_1079 : i32 to vector<16xi32>
        %add3A_1081 = arith.addi %add3A_1080, %iota3A : vector<16xi32>
        %and3A_1082 = arith.constant 127 : i32
        %and3A_1083 = vector.broadcast %and3A_1082 : i32 to vector<16xi32>
        %and3A_1084 = arith.andi %add3A_1081, %and3A_1083 : vector<16xi32>
        %add3A_1085 = arith.constant 109 : i32
        %add3A_1086 = vector.broadcast %add3A_1085 : i32 to vector<16xi32>
        %add3A_1087 = arith.addi %add3A_1086, %iota3A : vector<16xi32>
        %and3A_1088 = arith.constant 127 : i32
        %and3A_1089 = vector.broadcast %and3A_1088 : i32 to vector<16xi32>
        %and3A_1090 = arith.andi %add3A_1087, %and3A_1089 : vector<16xi32>
        %add3A_1091 = arith.constant 110 : i32
        %add3A_1092 = vector.broadcast %add3A_1091 : i32 to vector<16xi32>
        %add3A_1093 = arith.addi %add3A_1092, %iota3A : vector<16xi32>
        %and3A_1094 = arith.constant 127 : i32
        %and3A_1095 = vector.broadcast %and3A_1094 : i32 to vector<16xi32>
        %and3A_1096 = arith.andi %add3A_1093, %and3A_1095 : vector<16xi32>
        %add3A_1097 = arith.constant 111 : i32
        %add3A_1098 = vector.broadcast %add3A_1097 : i32 to vector<16xi32>
        %add3A_1099 = arith.addi %add3A_1098, %iota3A : vector<16xi32>
        %and3A_1100 = arith.constant 127 : i32
        %and3A_1101 = vector.broadcast %and3A_1100 : i32 to vector<16xi32>
        %and3A_1102 = arith.andi %add3A_1099, %and3A_1101 : vector<16xi32>
        %gather3A_1103 = tpu.vector_load_idx %arg14[%get3A_323, %and3A_1060] : memref<504x128xf32, #tpu.memory_space<vmem>>[vector<16xi32>, vector<16xi32>], vector<16xf32>,
        %gather3A_1104 = tpu.vector_load_idx %arg14[%get3A_323, %and3A_1066] : memref<504x128xf32, #tpu.memory_space<vmem>>[vector<16xi32>, vector<16xi32>], vector<16xf32>,
        %gather3A_1105 = tpu.vector_load_idx %arg14[%get3A_323, %and3A_1072] : memref<504x128xf32, #tpu.memory_space<vmem>>[vector<16xi32>, vector<16xi32>], vector<16xf32>,
        %gather3A_1106 = tpu.vector_load_idx %arg14[%get3A_323, %and3A_1078] : memref<504x128xf32, #tpu.memory_space<vmem>>[vector<16xi32>, vector<16xi32>], vector<16xf32>,
        %gather3A_1107 = tpu.vector_load_idx %arg14[%get3A_323, %and3A_1084] : memref<504x128xf32, #tpu.memory_space<vmem>>[vector<16xi32>, vector<16xi32>], vector<16xf32>,
        %gather3A_1108 = tpu.vector_load_idx %arg14[%get3A_323, %and3A_1090] : memref<504x128xf32, #tpu.memory_space<vmem>>[vector<16xi32>, vector<16xi32>], vector<16xf32>,
        %gather3A_1109 = tpu.vector_load_idx %arg14[%get3A_323, %and3A_1096] : memref<504x128xf32, #tpu.memory_space<vmem>>[vector<16xi32>, vector<16xi32>], vector<16xf32>,
        %gather3A_1110 = tpu.vector_load_idx %arg14[%get3A_323, %and3A_1102] : memref<504x128xf32, #tpu.memory_space<vmem>>[vector<16xi32>, vector<16xi32>], vector<16xf32>,
        tpu.vector_store_idx %arg15[%and3A_1060, %add3A_327], %gather3A_1103 : memref<128x128xf32, #tpu.memory_space<vmem>>[vector<16xi32>, vector<16xi32>], vector<16xf32>,
        tpu.vector_store_idx %arg15[%and3A_1066, %add3A_327], %gather3A_1104 : memref<128x128xf32, #tpu.memory_space<vmem>>[vector<16xi32>, vector<16xi32>], vector<16xf32>,
        tpu.vector_store_idx %arg15[%and3A_1072, %add3A_327], %gather3A_1105 : memref<128x128xf32, #tpu.memory_space<vmem>>[vector<16xi32>, vector<16xi32>], vector<16xf32>,
        tpu.vector_store_idx %arg15[%and3A_1078, %add3A_327], %gather3A_1106 : memref<128x128xf32, #tpu.memory_space<vmem>>[vector<16xi32>, vector<16xi32>], vector<16xf32>,
        tpu.vector_store_idx %arg15[%and3A_1084, %add3A_327], %gather3A_1107 : memref<128x128xf32, #tpu.memory_space<vmem>>[vector<16xi32>, vector<16xi32>], vector<16xf32>,
        tpu.vector_store_idx %arg15[%and3A_1090, %add3A_327], %gather3A_1108 : memref<128x128xf32, #tpu.memory_space<vmem>>[vector<16xi32>, vector<16xi32>], vector<16xf32>,
        tpu.vector_store_idx %arg15[%and3A_1096, %add3A_327], %gather3A_1109 : memref<128x128xf32, #tpu.memory_space<vmem>>[vector<16xi32>, vector<16xi32>], vector<16xf32>,
        tpu.vector_store_idx %arg15[%and3A_1102, %add3A_327], %gather3A_1110 : memref<128x128xf32, #tpu.memory_space<vmem>>[vector<16xi32>, vector<16xi32>], vector<16xf32>,
        %add3A_1111 = arith.constant 112 : i32
        %add3A_1112 = vector.broadcast %add3A_1111 : i32 to vector<16xi32>
        %add3A_1113 = arith.addi %add3A_1112, %iota3A : vector<16xi32>
        %and3A_1114 = arith.constant 127 : i32
        %and3A_1115 = vector.broadcast %and3A_1114 : i32 to vector<16xi32>
        %and3A_1116 = arith.andi %add3A_1113, %and3A_1115 : vector<16xi32>
        %add3A_1117 = arith.constant 113 : i32
        %add3A_1118 = vector.broadcast %add3A_1117 : i32 to vector<16xi32>
        %add3A_1119 = arith.addi %add3A_1118, %iota3A : vector<16xi32>
        %and3A_1120 = arith.constant 127 : i32
        %and3A_1121 = vector.broadcast %and3A_1120 : i32 to vector<16xi32>
        %and3A_1122 = arith.andi %add3A_1119, %and3A_1121 : vector<16xi32>
        %add3A_1123 = arith.constant 114 : i32
        %add3A_1124 = vector.broadcast %add3A_1123 : i32 to vector<16xi32>
        %add3A_1125 = arith.addi %add3A_1124, %iota3A : vector<16xi32>
        %and3A_1126 = arith.constant 127 : i32
        %and3A_1127 = vector.broadcast %and3A_1126 : i32 to vector<16xi32>
        %and3A_1128 = arith.andi %add3A_1125, %and3A_1127 : vector<16xi32>
        %add3A_1129 = arith.constant 115 : i32
        %add3A_1130 = vector.broadcast %add3A_1129 : i32 to vector<16xi32>
        %add3A_1131 = arith.addi %add3A_1130, %iota3A : vector<16xi32>
        %and3A_1132 = arith.constant 127 : i32
        %and3A_1133 = vector.broadcast %and3A_1132 : i32 to vector<16xi32>
        %and3A_1134 = arith.andi %add3A_1131, %and3A_1133 : vector<16xi32>
        %add3A_1135 = arith.constant 116 : i32
        %add3A_1136 = vector.broadcast %add3A_1135 : i32 to vector<16xi32>
        %add3A_1137 = arith.addi %add3A_1136, %iota3A : vector<16xi32>
        %and3A_1138 = arith.constant 127 : i32
        %and3A_1139 = vector.broadcast %and3A_1138 : i32 to vector<16xi32>
        %and3A_1140 = arith.andi %add3A_1137, %and3A_1139 : vector<16xi32>
        %add3A_1141 = arith.constant 117 : i32
        %add3A_1142 = vector.broadcast %add3A_1141 : i32 to vector<16xi32>
        %add3A_1143 = arith.addi %add3A_1142, %iota3A : vector<16xi32>
        %and3A_1144 = arith.constant 127 : i32
        %and3A_1145 = vector.broadcast %and3A_1144 : i32 to vector<16xi32>
        %and3A_1146 = arith.andi %add3A_1143, %and3A_1145 : vector<16xi32>
        %add3A_1147 = arith.constant 118 : i32
        %add3A_1148 = vector.broadcast %add3A_1147 : i32 to vector<16xi32>
        %add3A_1149 = arith.addi %add3A_1148, %iota3A : vector<16xi32>
        %and3A_1150 = arith.constant 127 : i32
        %and3A_1151 = vector.broadcast %and3A_1150 : i32 to vector<16xi32>
        %and3A_1152 = arith.andi %add3A_1149, %and3A_1151 : vector<16xi32>
        %add3A_1153 = arith.constant 119 : i32
        %add3A_1154 = vector.broadcast %add3A_1153 : i32 to vector<16xi32>
        %add3A_1155 = arith.addi %add3A_1154, %iota3A : vector<16xi32>
        %and3A_1156 = arith.constant 127 : i32
        %and3A_1157 = vector.broadcast %and3A_1156 : i32 to vector<16xi32>
        %and3A_1158 = arith.andi %add3A_1155, %and3A_1157 : vector<16xi32>
        %gather3A_1159 = tpu.vector_load_idx %arg14[%get3A_323, %and3A_1116] : memref<504x128xf32, #tpu.memory_space<vmem>>[vector<16xi32>, vector<16xi32>], vector<16xf32>,
        %gather3A_1160 = tpu.vector_load_idx %arg14[%get3A_323, %and3A_1122] : memref<504x128xf32, #tpu.memory_space<vmem>>[vector<16xi32>, vector<16xi32>], vector<16xf32>,
        %gather3A_1161 = tpu.vector_load_idx %arg14[%get3A_323, %and3A_1128] : memref<504x128xf32, #tpu.memory_space<vmem>>[vector<16xi32>, vector<16xi32>], vector<16xf32>,
        %gather3A_1162 = tpu.vector_load_idx %arg14[%get3A_323, %and3A_1134] : memref<504x128xf32, #tpu.memory_space<vmem>>[vector<16xi32>, vector<16xi32>], vector<16xf32>,
        %gather3A_1163 = tpu.vector_load_idx %arg14[%get3A_323, %and3A_1140] : memref<504x128xf32, #tpu.memory_space<vmem>>[vector<16xi32>, vector<16xi32>], vector<16xf32>,
        %gather3A_1164 = tpu.vector_load_idx %arg14[%get3A_323, %and3A_1146] : memref<504x128xf32, #tpu.memory_space<vmem>>[vector<16xi32>, vector<16xi32>], vector<16xf32>,
        %gather3A_1165 = tpu.vector_load_idx %arg14[%get3A_323, %and3A_1152] : memref<504x128xf32, #tpu.memory_space<vmem>>[vector<16xi32>, vector<16xi32>], vector<16xf32>,
        %gather3A_1166 = tpu.vector_load_idx %arg14[%get3A_323, %and3A_1158] : memref<504x128xf32, #tpu.memory_space<vmem>>[vector<16xi32>, vector<16xi32>], vector<16xf32>,
        tpu.vector_store_idx %arg15[%and3A_1116, %add3A_327], %gather3A_1159 : memref<128x128xf32, #tpu.memory_space<vmem>>[vector<16xi32>, vector<16xi32>], vector<16xf32>,
        tpu.vector_store_idx %arg15[%and3A_1122, %add3A_327], %gather3A_1160 : memref<128x128xf32, #tpu.memory_space<vmem>>[vector<16xi32>, vector<16xi32>], vector<16xf32>,
        tpu.vector_store_idx %arg15[%and3A_1128, %add3A_327], %gather3A_1161 : memref<128x128xf32, #tpu.memory_space<vmem>>[vector<16xi32>, vector<16xi32>], vector<16xf32>,
        tpu.vector_store_idx %arg15[%and3A_1134, %add3A_327], %gather3A_1162 : memref<128x128xf32, #tpu.memory_space<vmem>>[vector<16xi32>, vector<16xi32>], vector<16xf32>,
        tpu.vector_store_idx %arg15[%and3A_1140, %add3A_327], %gather3A_1163 : memref<128x128xf32, #tpu.memory_space<vmem>>[vector<16xi32>, vector<16xi32>], vector<16xf32>,
        tpu.vector_store_idx %arg15[%and3A_1146, %add3A_327], %gather3A_1164 : memref<128x128xf32, #tpu.memory_space<vmem>>[vector<16xi32>, vector<16xi32>], vector<16xf32>,
        tpu.vector_store_idx %arg15[%and3A_1152, %add3A_327], %gather3A_1165 : memref<128x128xf32, #tpu.memory_space<vmem>>[vector<16xi32>, vector<16xi32>], vector<16xf32>,
        tpu.vector_store_idx %arg15[%and3A_1158, %add3A_327], %gather3A_1166 : memref<128x128xf32, #tpu.memory_space<vmem>>[vector<16xi32>, vector<16xi32>], vector<16xf32>,
        %add3A_1167 = arith.constant 120 : i32
        %add3A_1168 = vector.broadcast %add3A_1167 : i32 to vector<16xi32>
        %add3A_1169 = arith.addi %add3A_1168, %iota3A : vector<16xi32>
        %and3A_1170 = arith.constant 127 : i32
        %and3A_1171 = vector.broadcast %and3A_1170 : i32 to vector<16xi32>
        %and3A_1172 = arith.andi %add3A_1169, %and3A_1171 : vector<16xi32>
        %add3A_1173 = arith.constant 121 : i32
        %add3A_1174 = vector.broadcast %add3A_1173 : i32 to vector<16xi32>
        %add3A_1175 = arith.addi %add3A_1174, %iota3A : vector<16xi32>
        %and3A_1176 = arith.constant 127 : i32
        %and3A_1177 = vector.broadcast %and3A_1176 : i32 to vector<16xi32>
        %and3A_1178 = arith.andi %add3A_1175, %and3A_1177 : vector<16xi32>
        %add3A_1179 = arith.constant 122 : i32
        %add3A_1180 = vector.broadcast %add3A_1179 : i32 to vector<16xi32>
        %add3A_1181 = arith.addi %add3A_1180, %iota3A : vector<16xi32>
        %and3A_1182 = arith.constant 127 : i32
        %and3A_1183 = vector.broadcast %and3A_1182 : i32 to vector<16xi32>
        %and3A_1184 = arith.andi %add3A_1181, %and3A_1183 : vector<16xi32>
        %add3A_1185 = arith.constant 123 : i32
        %add3A_1186 = vector.broadcast %add3A_1185 : i32 to vector<16xi32>
        %add3A_1187 = arith.addi %add3A_1186, %iota3A : vector<16xi32>
        %and3A_1188 = arith.constant 127 : i32
        %and3A_1189 = vector.broadcast %and3A_1188 : i32 to vector<16xi32>
        %and3A_1190 = arith.andi %add3A_1187, %and3A_1189 : vector<16xi32>
        %add3A_1191 = arith.constant 124 : i32
        %add3A_1192 = vector.broadcast %add3A_1191 : i32 to vector<16xi32>
        %add3A_1193 = arith.addi %add3A_1192, %iota3A : vector<16xi32>
        %and3A_1194 = arith.constant 127 : i32
        %and3A_1195 = vector.broadcast %and3A_1194 : i32 to vector<16xi32>
        %and3A_1196 = arith.andi %add3A_1193, %and3A_1195 : vector<16xi32>
        %add3A_1197 = arith.constant 125 : i32
        %add3A_1198 = vector.broadcast %add3A_1197 : i32 to vector<16xi32>
        %add3A_1199 = arith.addi %add3A_1198, %iota3A : vector<16xi32>
        %and3A_1200 = arith.constant 127 : i32
        %and3A_1201 = vector.broadcast %and3A_1200 : i32 to vector<16xi32>
        %and3A_1202 = arith.andi %add3A_1199, %and3A_1201 : vector<16xi32>
        %add3A_1203 = arith.constant 126 : i32
        %add3A_1204 = vector.broadcast %add3A_1203 : i32 to vector<16xi32>
        %add3A_1205 = arith.addi %add3A_1204, %iota3A : vector<16xi32>
        %and3A_1206 = arith.constant 127 : i32
        %and3A_1207 = vector.broadcast %and3A_1206 : i32 to vector<16xi32>
        %and3A_1208 = arith.andi %add3A_1205, %and3A_1207 : vector<16xi32>
        %add3A_1209 = arith.constant 127 : i32
        %add3A_1210 = vector.broadcast %add3A_1209 : i32 to vector<16xi32>
        %add3A_1211 = arith.addi %add3A_1210, %iota3A : vector<16xi32>
        %and3A_1212 = arith.constant 127 : i32
        %and3A_1213 = vector.broadcast %and3A_1212 : i32 to vector<16xi32>
        %and3A_1214 = arith.andi %add3A_1211, %and3A_1213 : vector<16xi32>
        %gather3A_1215 = tpu.vector_load_idx %arg14[%get3A_323, %and3A_1172] : memref<504x128xf32, #tpu.memory_space<vmem>>[vector<16xi32>, vector<16xi32>], vector<16xf32>,
        %gather3A_1216 = tpu.vector_load_idx %arg14[%get3A_323, %and3A_1178] : memref<504x128xf32, #tpu.memory_space<vmem>>[vector<16xi32>, vector<16xi32>], vector<16xf32>,
        %gather3A_1217 = tpu.vector_load_idx %arg14[%get3A_323, %and3A_1184] : memref<504x128xf32, #tpu.memory_space<vmem>>[vector<16xi32>, vector<16xi32>], vector<16xf32>,
        %gather3A_1218 = tpu.vector_load_idx %arg14[%get3A_323, %and3A_1190] : memref<504x128xf32, #tpu.memory_space<vmem>>[vector<16xi32>, vector<16xi32>], vector<16xf32>,
        %gather3A_1219 = tpu.vector_load_idx %arg14[%get3A_323, %and3A_1196] : memref<504x128xf32, #tpu.memory_space<vmem>>[vector<16xi32>, vector<16xi32>], vector<16xf32>,
        %gather3A_1220 = tpu.vector_load_idx %arg14[%get3A_323, %and3A_1202] : memref<504x128xf32, #tpu.memory_space<vmem>>[vector<16xi32>, vector<16xi32>], vector<16xf32>,
        %gather3A_1221 = tpu.vector_load_idx %arg14[%get3A_323, %and3A_1208] : memref<504x128xf32, #tpu.memory_space<vmem>>[vector<16xi32>, vector<16xi32>], vector<16xf32>,
        %gather3A_1222 = tpu.vector_load_idx %arg14[%get3A_323, %and3A_1214] : memref<504x128xf32, #tpu.memory_space<vmem>>[vector<16xi32>, vector<16xi32>], vector<16xf32>,
        tpu.vector_store_idx %arg15[%and3A_1172, %add3A_327], %gather3A_1215 : memref<128x128xf32, #tpu.memory_space<vmem>>[vector<16xi32>, vector<16xi32>], vector<16xf32>,
        tpu.vector_store_idx %arg15[%and3A_1178, %add3A_327], %gather3A_1216 : memref<128x128xf32, #tpu.memory_space<vmem>>[vector<16xi32>, vector<16xi32>], vector<16xf32>,
        tpu.vector_store_idx %arg15[%and3A_1184, %add3A_327], %gather3A_1217 : memref<128x128xf32, #tpu.memory_space<vmem>>[vector<16xi32>, vector<16xi32>], vector<16xf32>,
        tpu.vector_store_idx %arg15[%and3A_1190, %add3A_327], %gather3A_1218 : memref<128x128xf32, #tpu.memory_space<vmem>>[vector<16xi32>, vector<16xi32>], vector<16xf32>,
        tpu.vector_store_idx %arg15[%and3A_1196, %add3A_327], %gather3A_1219 : memref<128x128xf32, #tpu.memory_space<vmem>>[vector<16xi32>, vector<16xi32>], vector<16xf32>,
        tpu.vector_store_idx %arg15[%and3A_1202, %add3A_327], %gather3A_1220 : memref<128x128xf32, #tpu.memory_space<vmem>>[vector<16xi32>, vector<16xi32>], vector<16xf32>,
        tpu.vector_store_idx %arg15[%and3A_1208, %add3A_327], %gather3A_1221 : memref<128x128xf32, #tpu.memory_space<vmem>>[vector<16xi32>, vector<16xi32>], vector<16xf32>,
        tpu.vector_store_idx %arg15[%and3A_1214, %add3A_327], %gather3A_1222 : memref<128x128xf32, #tpu.memory_space<vmem>>[vector<16xi32>, vector<16xi32>], vector<16xf32>,
      }
      %scan3A_182 = arith.constant 8 : i32
      %mul3A_183 = arith.constant 128 : i32
      %mul3A_184 = arith.muli %select_n3A_142, %mul3A_183 : i32
      %add3A_185 = arith.addi %mul3A_2, %mul3A_184 : i32
      %eq3A_186 = arith.constant 0 : i32
      %eq3A_187 = arith.cmpi eq, %select_n3A, %eq3A_186 : i32
      %convert_element_type3A_188 = arith.extui %eq3A_187 : i1 to i32
      %cond3A_189 = arith.constant 0 : i32
      %cond3A_190 = arith.cmpi ne, %convert_element_type3A_188, %cond3A_189 : i32
      scf.if %cond3A_190 {
        %dma_start3A_316 = arith.constant 0 : i32
        %dma_start3A_317 = arith.constant 0 : i32
        %dma_start3A_318 = tpu.memref_slice %arg15[%dma_start3A_316, %dma_start3A_317] : memref<128x128xf32, #tpu.memory_space<vmem>> -> memref<64x128xf32, #tpu.memory_space<vmem>>
        %dma_start3A_319 = arith.constant 0 : i32
        %dma_start3A_320 = tpu.memref_slice %arg4[%dma_start3A_319, %add3A_185] : memref<64x16384xf32, #tpu.memory_space<hbm>> -> memref<64x128xf32, #tpu.memory_space<hbm>>
        %dma_start3A_321 = arith.constant 0 : i32
        %dma_start3A_322 = tpu.memref_slice %arg4[%dma_start3A_321, %add3A_185] : memref<64x16384xf32, #tpu.memory_space<hbm>> -> memref<64x128xf32, #tpu.memory_space<hbm>>
        %dma_start3A_323 = arith.constant 0 : i32
        %dma_start3A_324 = arith.constant 0 : i32
        %dma_start3A_325 = tpu.memref_slice %arg15[%dma_start3A_323, %dma_start3A_324] : memref<128x128xf32, #tpu.memory_space<vmem>> -> memref<64x128xf32, #tpu.memory_space<vmem>>
        tpu.enqueue_dma source(%dma_start3A_325 : memref<64x128xf32, #tpu.memory_space<vmem>>) target(%dma_start3A_322 : memref<64x128xf32, #tpu.memory_space<hbm>>) target_semaphore(%arg17 : memref<!tpu.dma_semaphore, #tpu.memory_space<semaphore_mem>>)
        %dma_start3A_326 = arith.constant 64 : i32
        %dma_start3A_327 = arith.constant 0 : i32
        %dma_start3A_328 = tpu.memref_slice %arg15[%dma_start3A_326, %dma_start3A_327] : memref<128x128xf32, #tpu.memory_space<vmem>> -> memref<64x128xf32, #tpu.memory_space<vmem>>
        %dma_start3A_329 = arith.constant 0 : i32
        %dma_start3A_330 = tpu.memref_slice %arg5[%dma_start3A_329, %add3A_185] : memref<64x16384xf32, #tpu.memory_space<hbm>> -> memref<64x128xf32, #tpu.memory_space<hbm>>
        %dma_start3A_331 = arith.constant 0 : i32
        %dma_start3A_332 = tpu.memref_slice %arg5[%dma_start3A_331, %add3A_185] : memref<64x16384xf32, #tpu.memory_space<hbm>> -> memref<64x128xf32, #tpu.memory_space<hbm>>
        %dma_start3A_333 = arith.constant 64 : i32
        %dma_start3A_334 = arith.constant 0 : i32
        %dma_start3A_335 = tpu.memref_slice %arg15[%dma_start3A_333, %dma_start3A_334] : memref<128x128xf32, #tpu.memory_space<vmem>> -> memref<64x128xf32, #tpu.memory_space<vmem>>
        tpu.enqueue_dma source(%dma_start3A_335 : memref<64x128xf32, #tpu.memory_space<vmem>>) target(%dma_start3A_332 : memref<64x128xf32, #tpu.memory_space<hbm>>) target_semaphore(%arg17 : memref<!tpu.dma_semaphore, #tpu.memory_space<semaphore_mem>>)
      } else {
      }
      %eq3A_191 = arith.constant 1 : i32
      %eq3A_192 = arith.cmpi eq, %select_n3A, %eq3A_191 : i32
      %convert_element_type3A_193 = arith.extui %eq3A_192 : i1 to i32
      %cond3A_194 = arith.constant 0 : i32
      %cond3A_195 = arith.cmpi ne, %convert_element_type3A_193, %cond3A_194 : i32
      scf.if %cond3A_195 {
        %dma_start3A_316 = arith.constant 0 : i32
        %dma_start3A_317 = arith.constant 0 : i32
        %dma_start3A_318 = tpu.memref_slice %arg15[%dma_start3A_316, %dma_start3A_317] : memref<128x128xf32, #tpu.memory_space<vmem>> -> memref<64x128xf32, #tpu.memory_space<vmem>>
        %dma_start3A_319 = arith.constant 0 : i32
        %dma_start3A_320 = tpu.memref_slice %arg6[%dma_start3A_319, %add3A_185] : memref<64x16384xf32, #tpu.memory_space<hbm>> -> memref<64x128xf32, #tpu.memory_space<hbm>>
        %dma_start3A_321 = arith.constant 0 : i32
        %dma_start3A_322 = tpu.memref_slice %arg6[%dma_start3A_321, %add3A_185] : memref<64x16384xf32, #tpu.memory_space<hbm>> -> memref<64x128xf32, #tpu.memory_space<hbm>>
        %dma_start3A_323 = arith.constant 0 : i32
        %dma_start3A_324 = arith.constant 0 : i32
        %dma_start3A_325 = tpu.memref_slice %arg15[%dma_start3A_323, %dma_start3A_324] : memref<128x128xf32, #tpu.memory_space<vmem>> -> memref<64x128xf32, #tpu.memory_space<vmem>>
        tpu.enqueue_dma source(%dma_start3A_325 : memref<64x128xf32, #tpu.memory_space<vmem>>) target(%dma_start3A_322 : memref<64x128xf32, #tpu.memory_space<hbm>>) target_semaphore(%arg17 : memref<!tpu.dma_semaphore, #tpu.memory_space<semaphore_mem>>)
        %dma_start3A_326 = arith.constant 64 : i32
        %dma_start3A_327 = arith.constant 0 : i32
        %dma_start3A_328 = tpu.memref_slice %arg15[%dma_start3A_326, %dma_start3A_327] : memref<128x128xf32, #tpu.memory_space<vmem>> -> memref<64x128xf32, #tpu.memory_space<vmem>>
        %dma_start3A_329 = arith.constant 0 : i32
        %dma_start3A_330 = tpu.memref_slice %arg7[%dma_start3A_329, %add3A_185] : memref<64x16384xf32, #tpu.memory_space<hbm>> -> memref<64x128xf32, #tpu.memory_space<hbm>>
        %dma_start3A_331 = arith.constant 0 : i32
        %dma_start3A_332 = tpu.memref_slice %arg7[%dma_start3A_331, %add3A_185] : memref<64x16384xf32, #tpu.memory_space<hbm>> -> memref<64x128xf32, #tpu.memory_space<hbm>>
        %dma_start3A_333 = arith.constant 64 : i32
        %dma_start3A_334 = arith.constant 0 : i32
        %dma_start3A_335 = tpu.memref_slice %arg15[%dma_start3A_333, %dma_start3A_334] : memref<128x128xf32, #tpu.memory_space<vmem>> -> memref<64x128xf32, #tpu.memory_space<vmem>>
        tpu.enqueue_dma source(%dma_start3A_335 : memref<64x128xf32, #tpu.memory_space<vmem>>) target(%dma_start3A_332 : memref<64x128xf32, #tpu.memory_space<hbm>>) target_semaphore(%arg17 : memref<!tpu.dma_semaphore, #tpu.memory_space<semaphore_mem>>)
      } else {
      }
      %eq3A_196 = arith.constant 2 : i32
      %eq3A_197 = arith.cmpi eq, %select_n3A, %eq3A_196 : i32
      %convert_element_type3A_198 = arith.extui %eq3A_197 : i1 to i32
      %cond3A_199 = arith.constant 0 : i32
      %cond3A_200 = arith.cmpi ne, %convert_element_type3A_198, %cond3A_199 : i32
      scf.if %cond3A_200 {
        %dma_start3A_316 = arith.constant 0 : i32
        %dma_start3A_317 = arith.constant 0 : i32
        %dma_start3A_318 = tpu.memref_slice %arg15[%dma_start3A_316, %dma_start3A_317] : memref<128x128xf32, #tpu.memory_space<vmem>> -> memref<64x128xf32, #tpu.memory_space<vmem>>
        %dma_start3A_319 = arith.constant 0 : i32
        %dma_start3A_320 = tpu.memref_slice %arg8[%dma_start3A_319, %add3A_185] : memref<64x16384xf32, #tpu.memory_space<hbm>> -> memref<64x128xf32, #tpu.memory_space<hbm>>
        %dma_start3A_321 = arith.constant 0 : i32
        %dma_start3A_322 = tpu.memref_slice %arg8[%dma_start3A_321, %add3A_185] : memref<64x16384xf32, #tpu.memory_space<hbm>> -> memref<64x128xf32, #tpu.memory_space<hbm>>
        %dma_start3A_323 = arith.constant 0 : i32
        %dma_start3A_324 = arith.constant 0 : i32
        %dma_start3A_325 = tpu.memref_slice %arg15[%dma_start3A_323, %dma_start3A_324] : memref<128x128xf32, #tpu.memory_space<vmem>> -> memref<64x128xf32, #tpu.memory_space<vmem>>
        tpu.enqueue_dma source(%dma_start3A_325 : memref<64x128xf32, #tpu.memory_space<vmem>>) target(%dma_start3A_322 : memref<64x128xf32, #tpu.memory_space<hbm>>) target_semaphore(%arg17 : memref<!tpu.dma_semaphore, #tpu.memory_space<semaphore_mem>>)
        %dma_start3A_326 = arith.constant 64 : i32
        %dma_start3A_327 = arith.constant 0 : i32
        %dma_start3A_328 = tpu.memref_slice %arg15[%dma_start3A_326, %dma_start3A_327] : memref<128x128xf32, #tpu.memory_space<vmem>> -> memref<64x128xf32, #tpu.memory_space<vmem>>
        %dma_start3A_329 = arith.constant 0 : i32
        %dma_start3A_330 = tpu.memref_slice %arg9[%dma_start3A_329, %add3A_185] : memref<64x16384xf32, #tpu.memory_space<hbm>> -> memref<64x128xf32, #tpu.memory_space<hbm>>
        %dma_start3A_331 = arith.constant 0 : i32
        %dma_start3A_332 = tpu.memref_slice %arg9[%dma_start3A_331, %add3A_185] : memref<64x16384xf32, #tpu.memory_space<hbm>> -> memref<64x128xf32, #tpu.memory_space<hbm>>
        %dma_start3A_333 = arith.constant 64 : i32
        %dma_start3A_334 = arith.constant 0 : i32
        %dma_start3A_335 = tpu.memref_slice %arg15[%dma_start3A_333, %dma_start3A_334] : memref<128x128xf32, #tpu.memory_space<vmem>> -> memref<64x128xf32, #tpu.memory_space<vmem>>
        tpu.enqueue_dma source(%dma_start3A_335 : memref<64x128xf32, #tpu.memory_space<vmem>>) target(%dma_start3A_332 : memref<64x128xf32, #tpu.memory_space<hbm>>) target_semaphore(%arg17 : memref<!tpu.dma_semaphore, #tpu.memory_space<semaphore_mem>>)
      } else {
      }
      %eq3A_201 = arith.constant 3 : i32
      %eq3A_202 = arith.cmpi eq, %select_n3A, %eq3A_201 : i32
      %convert_element_type3A_203 = arith.extui %eq3A_202 : i1 to i32
      %cond3A_204 = arith.constant 0 : i32
      %cond3A_205 = arith.cmpi ne, %convert_element_type3A_203, %cond3A_204 : i32
      scf.if %cond3A_205 {
        %dma_start3A_316 = arith.constant 0 : i32
        %dma_start3A_317 = arith.constant 0 : i32
        %dma_start3A_318 = tpu.memref_slice %arg15[%dma_start3A_316, %dma_start3A_317] : memref<128x128xf32, #tpu.memory_space<vmem>> -> memref<64x128xf32, #tpu.memory_space<vmem>>
        %dma_start3A_319 = arith.constant 0 : i32
        %dma_start3A_320 = tpu.memref_slice %arg10[%dma_start3A_319, %add3A_185] : memref<64x16384xf32, #tpu.memory_space<hbm>> -> memref<64x128xf32, #tpu.memory_space<hbm>>
        %dma_start3A_321 = arith.constant 0 : i32
        %dma_start3A_322 = tpu.memref_slice %arg10[%dma_start3A_321, %add3A_185] : memref<64x16384xf32, #tpu.memory_space<hbm>> -> memref<64x128xf32, #tpu.memory_space<hbm>>
        %dma_start3A_323 = arith.constant 0 : i32
        %dma_start3A_324 = arith.constant 0 : i32
        %dma_start3A_325 = tpu.memref_slice %arg15[%dma_start3A_323, %dma_start3A_324] : memref<128x128xf32, #tpu.memory_space<vmem>> -> memref<64x128xf32, #tpu.memory_space<vmem>>
        tpu.enqueue_dma source(%dma_start3A_325 : memref<64x128xf32, #tpu.memory_space<vmem>>) target(%dma_start3A_322 : memref<64x128xf32, #tpu.memory_space<hbm>>) target_semaphore(%arg17 : memref<!tpu.dma_semaphore, #tpu.memory_space<semaphore_mem>>)
        %dma_start3A_326 = arith.constant 64 : i32
        %dma_start3A_327 = arith.constant 0 : i32
        %dma_start3A_328 = tpu.memref_slice %arg15[%dma_start3A_326, %dma_start3A_327] : memref<128x128xf32, #tpu.memory_space<vmem>> -> memref<64x128xf32, #tpu.memory_space<vmem>>
        %dma_start3A_329 = arith.constant 0 : i32
        %dma_start3A_330 = tpu.memref_slice %arg11[%dma_start3A_329, %add3A_185] : memref<64x16384xf32, #tpu.memory_space<hbm>> -> memref<64x128xf32, #tpu.memory_space<hbm>>
        %dma_start3A_331 = arith.constant 0 : i32
        %dma_start3A_332 = tpu.memref_slice %arg11[%dma_start3A_331, %add3A_185] : memref<64x16384xf32, #tpu.memory_space<hbm>> -> memref<64x128xf32, #tpu.memory_space<hbm>>
        %dma_start3A_333 = arith.constant 64 : i32
        %dma_start3A_334 = arith.constant 0 : i32
        %dma_start3A_335 = tpu.memref_slice %arg15[%dma_start3A_333, %dma_start3A_334] : memref<128x128xf32, #tpu.memory_space<vmem>> -> memref<64x128xf32, #tpu.memory_space<vmem>>
        tpu.enqueue_dma source(%dma_start3A_335 : memref<64x128xf32, #tpu.memory_space<vmem>>) target(%dma_start3A_332 : memref<64x128xf32, #tpu.memory_space<hbm>>) target_semaphore(%arg17 : memref<!tpu.dma_semaphore, #tpu.memory_space<semaphore_mem>>)
      } else {
      }
      %mul3A_206 = arith.constant 2 : i32
      %mul3A_207 = arith.muli %scan3A_108, %mul3A_206 : i32
      %add3A_208 = arith.constant 1 : i32
      %add3A_209 = arith.addi %mul3A_207, %add3A_208 : i32
      %jit3A_210 = arith.constant 4 : i32
      %div3A_211 = arith.divsi %add3A_209, %jit3A_210 : i32
      %sign3A_212 = arith.constant 0 : i32
      %sign3A_213 = arith.cmpi sgt, %add3A_209, %sign3A_212 : i32
      %sign3A_214 = arith.extui %sign3A_213 : i1 to i32
      %sign3A_215 = arith.constant 0 : i32
      %sign3A_216 = arith.cmpi slt, %add3A_209, %sign3A_215 : i32
      %sign3A_217 = arith.extui %sign3A_216 : i1 to i32
      %sign3A_218 = arith.subi %sign3A_214, %sign3A_217 : i32
      %sign3A_219 = arith.constant 0 : i32
      %sign3A_220 = arith.cmpi sgt, %jit3A_210, %sign3A_219 : i32
      %sign3A_221 = arith.extui %sign3A_220 : i1 to i32
      %sign3A_222 = arith.constant 0 : i32
      %sign3A_223 = arith.cmpi slt, %jit3A_210, %sign3A_222 : i32
      %sign3A_224 = arith.extui %sign3A_223 : i1 to i32
      %sign3A_225 = arith.subi %sign3A_221, %sign3A_224 : i32
      %ne3A_226 = arith.cmpi ne, %sign3A_218, %sign3A_225 : i32
      %rem3A_227 = arith.remsi %add3A_209, %jit3A_210 : i32
      %ne3A_228 = arith.constant 0 : i32
      %ne3A_229 = arith.cmpi ne, %rem3A_227, %ne3A_228 : i32
      %and3A_230 = arith.andi %ne3A_226, %ne3A_229 : i1
      %sub3A_231 = arith.constant 1 : i32
      %sub3A_232 = arith.subi %div3A_211, %sub3A_231 : i32
      %select_n3A_233 = arith.select %and3A_230, %sub3A_232, %div3A_211 : i32
      %jit3A_234 = arith.constant 4 : i32
      %eq3A_235 = arith.constant 0 : i32
      %eq3A_236 = arith.cmpi eq, %jit3A_234, %eq3A_235 : i32
      %jit3A_237 = arith.constant 1 : i32
      %select_n3A_238 = arith.select %eq3A_236, %jit3A_237, %jit3A_234 : i32
      %rem3A_239 = arith.remsi %add3A_209, %select_n3A_238 : i32
      %ne3A_240 = arith.constant 0 : i32
      %ne3A_241 = arith.cmpi ne, %rem3A_239, %ne3A_240 : i32
      %lt3A_242 = arith.constant 0 : i32
      %lt3A_243 = arith.cmpi slt, %rem3A_239, %lt3A_242 : i32
      %lt3A_244 = arith.constant 0 : i32
      %lt3A_245 = arith.cmpi slt, %select_n3A_238, %lt3A_244 : i32
      %ne3A_246 = arith.xori %lt3A_243, %lt3A_245 : i1
      %and3A_247 = arith.andi %ne3A_246, %ne3A_241 : i1
      %add3A_248 = arith.addi %rem3A_239, %select_n3A_238 : i32
      %select_n3A_249 = arith.select %and3A_247, %add3A_248, %rem3A_239 : i32
      %eq3A_250 = arith.constant 0 : i32
      %eq3A_251 = arith.cmpi eq, %select_n3A_233, %eq3A_250 : i32
      %eq3A_252 = arith.constant 0 : i32
      %eq3A_253 = arith.cmpi eq, %select_n3A_249, %eq3A_252 : i32
      %and3A_254 = arith.andi %eq3A_251, %eq3A_253 : i1
      %convert_element_type3A_255 = arith.extui %and3A_254 : i1 to i32
      %cond3A_256 = arith.constant 0 : i32
      %cond3A_257 = arith.cmpi ne, %convert_element_type3A_255, %cond3A_256 : i32
      scf.if %cond3A_257 {
        %dma_wait3A_316 = arith.constant 0 : i32
        %dma_wait3A_317 = arith.constant 0 : i32
        %dma_wait3A_318 = tpu.memref_slice %arg14[%dma_wait3A_316, %dma_wait3A_317] : memref<504x128xf32, #tpu.memory_space<vmem>> -> memref<8x128xf32, #tpu.memory_space<vmem>>
        %dma_wait3A_319 = arith.constant 0 : i32
        %dma_wait3A_320 = arith.constant 0 : i32
        %dma_wait3A_321 = tpu.memref_slice %arg3[%dma_wait3A_319, %dma_wait3A_320] : memref<504x128xf32, #tpu.memory_space<hbm>> -> memref<8x128xf32, #tpu.memory_space<hbm>>
        %dma_wait3A_322 = arith.constant 0 : i32
        %dma_wait3A_323 = arith.constant 0 : i32
        %dma_wait3A_324 = tpu.memref_slice %arg14[%dma_wait3A_322, %dma_wait3A_323] : memref<504x128xf32, #tpu.memory_space<vmem>> -> memref<8x128xf32, #tpu.memory_space<vmem>>
        %dma_wait3A_325 = arith.constant 0 : i32
        %dma_wait3A_326 = arith.constant 0 : i32
        %dma_wait3A_327 = tpu.memref_slice %arg3[%dma_wait3A_325, %dma_wait3A_326] : memref<504x128xf32, #tpu.memory_space<hbm>> -> memref<8x128xf32, #tpu.memory_space<hbm>>
        tpu.wait_dma2 semaphore(%arg18 : memref<!tpu.dma_semaphore, #tpu.memory_space<semaphore_mem>>) src(%dma_wait3A_327 : memref<8x128xf32, #tpu.memory_space<hbm>>) dst(%dma_wait3A_324 : memref<8x128xf32, #tpu.memory_space<vmem>>)
      } else {
      }
      %eq3A_258 = arith.constant 1 : i32
      %eq3A_259 = arith.cmpi eq, %select_n3A_233, %eq3A_258 : i32
      %eq3A_260 = arith.constant 0 : i32
      %eq3A_261 = arith.cmpi eq, %select_n3A_249, %eq3A_260 : i32
      %and3A_262 = arith.andi %eq3A_259, %eq3A_261 : i1
      %convert_element_type3A_263 = arith.extui %and3A_262 : i1 to i32
      %cond3A_264 = arith.constant 0 : i32
      %cond3A_265 = arith.cmpi ne, %convert_element_type3A_263, %cond3A_264 : i32
      scf.if %cond3A_265 {
        %dma_wait3A_316 = arith.constant 8 : i32
        %dma_wait3A_317 = arith.constant 0 : i32
        %dma_wait3A_318 = tpu.memref_slice %arg14[%dma_wait3A_316, %dma_wait3A_317] : memref<504x128xf32, #tpu.memory_space<vmem>> -> memref<32x128xf32, #tpu.memory_space<vmem>>
        %dma_wait3A_319 = arith.constant 8 : i32
        %dma_wait3A_320 = arith.constant 0 : i32
        %dma_wait3A_321 = tpu.memref_slice %arg3[%dma_wait3A_319, %dma_wait3A_320] : memref<504x128xf32, #tpu.memory_space<hbm>> -> memref<32x128xf32, #tpu.memory_space<hbm>>
        %dma_wait3A_322 = arith.constant 8 : i32
        %dma_wait3A_323 = arith.constant 0 : i32
        %dma_wait3A_324 = tpu.memref_slice %arg14[%dma_wait3A_322, %dma_wait3A_323] : memref<504x128xf32, #tpu.memory_space<vmem>> -> memref<32x128xf32, #tpu.memory_space<vmem>>
        %dma_wait3A_325 = arith.constant 8 : i32
        %dma_wait3A_326 = arith.constant 0 : i32
        %dma_wait3A_327 = tpu.memref_slice %arg3[%dma_wait3A_325, %dma_wait3A_326] : memref<504x128xf32, #tpu.memory_space<hbm>> -> memref<32x128xf32, #tpu.memory_space<hbm>>
        tpu.wait_dma2 semaphore(%arg19 : memref<!tpu.dma_semaphore, #tpu.memory_space<semaphore_mem>>) src(%dma_wait3A_327 : memref<32x128xf32, #tpu.memory_space<hbm>>) dst(%dma_wait3A_324 : memref<32x128xf32, #tpu.memory_space<vmem>>)
      } else {
      }
      %eq3A_266 = arith.constant 2 : i32
      %eq3A_267 = arith.cmpi eq, %select_n3A_233, %eq3A_266 : i32
      %eq3A_268 = arith.constant 0 : i32
      %eq3A_269 = arith.cmpi eq, %select_n3A_249, %eq3A_268 : i32
      %and3A_270 = arith.andi %eq3A_267, %eq3A_269 : i1
      %convert_element_type3A_271 = arith.extui %and3A_270 : i1 to i32
      %cond3A_272 = arith.constant 0 : i32
      %cond3A_273 = arith.cmpi ne, %convert_element_type3A_271, %cond3A_272 : i32
      scf.if %cond3A_273 {
        %dma_wait3A_316 = arith.constant 40 : i32
        %dma_wait3A_317 = arith.constant 0 : i32
        %dma_wait3A_318 = tpu.memref_slice %arg14[%dma_wait3A_316, %dma_wait3A_317] : memref<504x128xf32, #tpu.memory_space<vmem>> -> memref<96x128xf32, #tpu.memory_space<vmem>>
        %dma_wait3A_319 = arith.constant 40 : i32
        %dma_wait3A_320 = arith.constant 0 : i32
        %dma_wait3A_321 = tpu.memref_slice %arg3[%dma_wait3A_319, %dma_wait3A_320] : memref<504x128xf32, #tpu.memory_space<hbm>> -> memref<96x128xf32, #tpu.memory_space<hbm>>
        %dma_wait3A_322 = arith.constant 40 : i32
        %dma_wait3A_323 = arith.constant 0 : i32
        %dma_wait3A_324 = tpu.memref_slice %arg14[%dma_wait3A_322, %dma_wait3A_323] : memref<504x128xf32, #tpu.memory_space<vmem>> -> memref<96x128xf32, #tpu.memory_space<vmem>>
        %dma_wait3A_325 = arith.constant 40 : i32
        %dma_wait3A_326 = arith.constant 0 : i32
        %dma_wait3A_327 = tpu.memref_slice %arg3[%dma_wait3A_325, %dma_wait3A_326] : memref<504x128xf32, #tpu.memory_space<hbm>> -> memref<96x128xf32, #tpu.memory_space<hbm>>
        tpu.wait_dma2 semaphore(%arg20 : memref<!tpu.dma_semaphore, #tpu.memory_space<semaphore_mem>>) src(%dma_wait3A_327 : memref<96x128xf32, #tpu.memory_space<hbm>>) dst(%dma_wait3A_324 : memref<96x128xf32, #tpu.memory_space<vmem>>)
      } else {
      }
      %eq3A_274 = arith.constant 3 : i32
      %eq3A_275 = arith.cmpi eq, %select_n3A_233, %eq3A_274 : i32
      %eq3A_276 = arith.constant 0 : i32
      %eq3A_277 = arith.cmpi eq, %select_n3A_249, %eq3A_276 : i32
      %and3A_278 = arith.andi %eq3A_275, %eq3A_277 : i1
      %convert_element_type3A_279 = arith.extui %and3A_278 : i1 to i32
      %cond3A_280 = arith.constant 0 : i32
      %cond3A_281 = arith.cmpi ne, %convert_element_type3A_279, %cond3A_280 : i32
      scf.if %cond3A_281 {
        %dma_wait3A_316 = arith.constant 136 : i32
        %dma_wait3A_317 = arith.constant 0 : i32
        %dma_wait3A_318 = tpu.memref_slice %arg14[%dma_wait3A_316, %dma_wait3A_317] : memref<504x128xf32, #tpu.memory_space<vmem>> -> memref<368x128xf32, #tpu.memory_space<vmem>>
        %dma_wait3A_319 = arith.constant 136 : i32
        %dma_wait3A_320 = arith.constant 0 : i32
        %dma_wait3A_321 = tpu.memref_slice %arg3[%dma_wait3A_319, %dma_wait3A_320] : memref<504x128xf32, #tpu.memory_space<hbm>> -> memref<368x128xf32, #tpu.memory_space<hbm>>
        %dma_wait3A_322 = arith.constant 136 : i32
        %dma_wait3A_323 = arith.constant 0 : i32
        %dma_wait3A_324 = tpu.memref_slice %arg14[%dma_wait3A_322, %dma_wait3A_323] : memref<504x128xf32, #tpu.memory_space<vmem>> -> memref<368x128xf32, #tpu.memory_space<vmem>>
        %dma_wait3A_325 = arith.constant 136 : i32
        %dma_wait3A_326 = arith.constant 0 : i32
        %dma_wait3A_327 = tpu.memref_slice %arg3[%dma_wait3A_325, %dma_wait3A_326] : memref<504x128xf32, #tpu.memory_space<hbm>> -> memref<368x128xf32, #tpu.memory_space<hbm>>
        tpu.wait_dma2 semaphore(%arg21 : memref<!tpu.dma_semaphore, #tpu.memory_space<semaphore_mem>>) src(%dma_wait3A_327 : memref<368x128xf32, #tpu.memory_space<hbm>>) dst(%dma_wait3A_324 : memref<368x128xf32, #tpu.memory_space<vmem>>)
      } else {
      }
      %ge3A_282 = arith.constant 2 : i32
      %ge3A_283 = arith.cmpi sge, %add3A_209, %ge3A_282 : i32
      %convert_element_type3A_284 = arith.extui %ge3A_283 : i1 to i32
      %cond3A_285 = arith.constant 0 : i32
      %cond3A_286 = arith.cmpi ne, %convert_element_type3A_284, %cond3A_285 : i32
      scf.if %cond3A_286 {
        %dma_wait3A_316 = arith.constant 0 : i32
        %dma_wait3A_317 = arith.constant 0 : i32
        %dma_wait3A_318 = tpu.memref_slice %arg16[%dma_wait3A_316, %dma_wait3A_317] : memref<128x128xf32, #tpu.memory_space<vmem>> -> memref<64x128xf32, #tpu.memory_space<vmem>>
        %dma_wait3A_319 = arith.constant 0 : i32
        %dma_wait3A_320 = arith.constant 0 : i32
        %dma_wait3A_321 = tpu.memref_slice %arg4[%dma_wait3A_319, %dma_wait3A_320] : memref<64x16384xf32, #tpu.memory_space<hbm>> -> memref<64x128xf32, #tpu.memory_space<hbm>>
        %dma_wait3A_322 = arith.constant 0 : i32
        %dma_wait3A_323 = arith.constant 0 : i32
        %dma_wait3A_324 = tpu.memref_slice %arg16[%dma_wait3A_322, %dma_wait3A_323] : memref<128x128xf32, #tpu.memory_space<vmem>> -> memref<64x128xf32, #tpu.memory_space<vmem>>
        %dma_wait3A_325 = arith.constant 0 : i32
        %dma_wait3A_326 = arith.constant 0 : i32
        %dma_wait3A_327 = tpu.memref_slice %arg4[%dma_wait3A_325, %dma_wait3A_326] : memref<64x16384xf32, #tpu.memory_space<hbm>> -> memref<64x128xf32, #tpu.memory_space<hbm>>
        tpu.wait_dma2 semaphore(%arg17 : memref<!tpu.dma_semaphore, #tpu.memory_space<semaphore_mem>>) src(%dma_wait3A_327 : memref<64x128xf32, #tpu.memory_space<hbm>>) dst(%dma_wait3A_324 : memref<64x128xf32, #tpu.memory_space<vmem>>)
        %dma_wait3A_328 = arith.constant 64 : i32
        %dma_wait3A_329 = arith.constant 0 : i32
        %dma_wait3A_330 = tpu.memref_slice %arg16[%dma_wait3A_328, %dma_wait3A_329] : memref<128x128xf32, #tpu.memory_space<vmem>> -> memref<64x128xf32, #tpu.memory_space<vmem>>
        %dma_wait3A_331 = arith.constant 0 : i32
        %dma_wait3A_332 = arith.constant 0 : i32
        %dma_wait3A_333 = tpu.memref_slice %arg4[%dma_wait3A_331, %dma_wait3A_332] : memref<64x16384xf32, #tpu.memory_space<hbm>> -> memref<64x128xf32, #tpu.memory_space<hbm>>
        %dma_wait3A_334 = arith.constant 64 : i32
        %dma_wait3A_335 = arith.constant 0 : i32
        %dma_wait3A_336 = tpu.memref_slice %arg16[%dma_wait3A_334, %dma_wait3A_335] : memref<128x128xf32, #tpu.memory_space<vmem>> -> memref<64x128xf32, #tpu.memory_space<vmem>>
        %dma_wait3A_337 = arith.constant 0 : i32
        %dma_wait3A_338 = arith.constant 0 : i32
        %dma_wait3A_339 = tpu.memref_slice %arg4[%dma_wait3A_337, %dma_wait3A_338] : memref<64x16384xf32, #tpu.memory_space<hbm>> -> memref<64x128xf32, #tpu.memory_space<hbm>>
        tpu.wait_dma2 semaphore(%arg17 : memref<!tpu.dma_semaphore, #tpu.memory_space<semaphore_mem>>) src(%dma_wait3A_339 : memref<64x128xf32, #tpu.memory_space<hbm>>) dst(%dma_wait3A_336 : memref<64x128xf32, #tpu.memory_space<vmem>>)
      } else {
      }
      %scan3A_287 = arith.constant 0 : i32
      %scan3A_288 = arith.constant 0 : i32
      %scan3A_289 = arith.constant 8 : i32
      %scan3A_290 = arith.addi %scan3A_288, %scan3A_289 : i32
      %scan3A_291 = arith.constant 1 : i32
      scf.for %scan3A_316 = %scan3A_288 to %scan3A_290 step %scan3A_291  : i32 {
        %mul3A_317 = arith.constant 128 : i32
        %mul3A_318 = arith.muli %select_n3A_249, %mul3A_317 : i32
        %mul3A_319 = arith.constant 16 : i32
        %mul3A_320 = arith.muli %scan3A_316, %mul3A_319 : i32
        %add3A_321 = arith.addi %mul3A_318, %mul3A_320 : i32
        %get3A = arith.index_cast %select_n3A_233 : i32 to index
        %get3A_322 = arith.index_cast %add3A_321 : i32 to index
        %get3A_323 = tpu.vector_load %arg13[%get3A, %get3A_322] {strides = array<i32>} : memref<4x512xi32, #tpu.memory_space<vmem>>, vector<16xi32>,
        %mul3A_324 = arith.constant 16 : i32
        %mul3A_325 = arith.muli %scan3A_316, %mul3A_324 : i32
        %add3A_326 = vector.broadcast %mul3A_325 : i32 to vector<16xi32>
        %add3A_327 = arith.addi %add3A_326, %iota3A : vector<16xi32>
        %add3A_328 = arith.constant 0 : i32
        %add3A_329 = vector.broadcast %add3A_328 : i32 to vector<16xi32>
        %add3A_330 = arith.addi %add3A_329, %iota3A : vector<16xi32>
        %and3A_331 = arith.constant 127 : i32
        %and3A_332 = vector.broadcast %and3A_331 : i32 to vector<16xi32>
        %and3A_333 = arith.andi %add3A_330, %and3A_332 : vector<16xi32>
        %add3A_334 = arith.constant 1 : i32
        %add3A_335 = vector.broadcast %add3A_334 : i32 to vector<16xi32>
        %add3A_336 = arith.addi %add3A_335, %iota3A : vector<16xi32>
        %and3A_337 = arith.constant 127 : i32
        %and3A_338 = vector.broadcast %and3A_337 : i32 to vector<16xi32>
        %and3A_339 = arith.andi %add3A_336, %and3A_338 : vector<16xi32>
        %add3A_340 = arith.constant 2 : i32
        %add3A_341 = vector.broadcast %add3A_340 : i32 to vector<16xi32>
        %add3A_342 = arith.addi %add3A_341, %iota3A : vector<16xi32>
        %and3A_343 = arith.constant 127 : i32
        %and3A_344 = vector.broadcast %and3A_343 : i32 to vector<16xi32>
        %and3A_345 = arith.andi %add3A_342, %and3A_344 : vector<16xi32>
        %add3A_346 = arith.constant 3 : i32
        %add3A_347 = vector.broadcast %add3A_346 : i32 to vector<16xi32>
        %add3A_348 = arith.addi %add3A_347, %iota3A : vector<16xi32>
        %and3A_349 = arith.constant 127 : i32
        %and3A_350 = vector.broadcast %and3A_349 : i32 to vector<16xi32>
        %and3A_351 = arith.andi %add3A_348, %and3A_350 : vector<16xi32>
        %add3A_352 = arith.constant 4 : i32
        %add3A_353 = vector.broadcast %add3A_352 : i32 to vector<16xi32>
        %add3A_354 = arith.addi %add3A_353, %iota3A : vector<16xi32>
        %and3A_355 = arith.constant 127 : i32
        %and3A_356 = vector.broadcast %and3A_355 : i32 to vector<16xi32>
        %and3A_357 = arith.andi %add3A_354, %and3A_356 : vector<16xi32>
        %add3A_358 = arith.constant 5 : i32
        %add3A_359 = vector.broadcast %add3A_358 : i32 to vector<16xi32>
        %add3A_360 = arith.addi %add3A_359, %iota3A : vector<16xi32>
        %and3A_361 = arith.constant 127 : i32
        %and3A_362 = vector.broadcast %and3A_361 : i32 to vector<16xi32>
        %and3A_363 = arith.andi %add3A_360, %and3A_362 : vector<16xi32>
        %add3A_364 = arith.constant 6 : i32
        %add3A_365 = vector.broadcast %add3A_364 : i32 to vector<16xi32>
        %add3A_366 = arith.addi %add3A_365, %iota3A : vector<16xi32>
        %and3A_367 = arith.constant 127 : i32
        %and3A_368 = vector.broadcast %and3A_367 : i32 to vector<16xi32>
        %and3A_369 = arith.andi %add3A_366, %and3A_368 : vector<16xi32>
        %add3A_370 = arith.constant 7 : i32
        %add3A_371 = vector.broadcast %add3A_370 : i32 to vector<16xi32>
        %add3A_372 = arith.addi %add3A_371, %iota3A : vector<16xi32>
        %and3A_373 = arith.constant 127 : i32
        %and3A_374 = vector.broadcast %and3A_373 : i32 to vector<16xi32>
        %and3A_375 = arith.andi %add3A_372, %and3A_374 : vector<16xi32>
        %gather3A = tpu.vector_load_idx %arg14[%get3A_323, %and3A_333] : memref<504x128xf32, #tpu.memory_space<vmem>>[vector<16xi32>, vector<16xi32>], vector<16xf32>,
        %gather3A_376 = tpu.vector_load_idx %arg14[%get3A_323, %and3A_339] : memref<504x128xf32, #tpu.memory_space<vmem>>[vector<16xi32>, vector<16xi32>], vector<16xf32>,
        %gather3A_377 = tpu.vector_load_idx %arg14[%get3A_323, %and3A_345] : memref<504x128xf32, #tpu.memory_space<vmem>>[vector<16xi32>, vector<16xi32>], vector<16xf32>,
        %gather3A_378 = tpu.vector_load_idx %arg14[%get3A_323, %and3A_351] : memref<504x128xf32, #tpu.memory_space<vmem>>[vector<16xi32>, vector<16xi32>], vector<16xf32>,
        %gather3A_379 = tpu.vector_load_idx %arg14[%get3A_323, %and3A_357] : memref<504x128xf32, #tpu.memory_space<vmem>>[vector<16xi32>, vector<16xi32>], vector<16xf32>,
        %gather3A_380 = tpu.vector_load_idx %arg14[%get3A_323, %and3A_363] : memref<504x128xf32, #tpu.memory_space<vmem>>[vector<16xi32>, vector<16xi32>], vector<16xf32>,
        %gather3A_381 = tpu.vector_load_idx %arg14[%get3A_323, %and3A_369] : memref<504x128xf32, #tpu.memory_space<vmem>>[vector<16xi32>, vector<16xi32>], vector<16xf32>,
        %gather3A_382 = tpu.vector_load_idx %arg14[%get3A_323, %and3A_375] : memref<504x128xf32, #tpu.memory_space<vmem>>[vector<16xi32>, vector<16xi32>], vector<16xf32>,
        tpu.vector_store_idx %arg16[%and3A_333, %add3A_327], %gather3A : memref<128x128xf32, #tpu.memory_space<vmem>>[vector<16xi32>, vector<16xi32>], vector<16xf32>,
        tpu.vector_store_idx %arg16[%and3A_339, %add3A_327], %gather3A_376 : memref<128x128xf32, #tpu.memory_space<vmem>>[vector<16xi32>, vector<16xi32>], vector<16xf32>,
        tpu.vector_store_idx %arg16[%and3A_345, %add3A_327], %gather3A_377 : memref<128x128xf32, #tpu.memory_space<vmem>>[vector<16xi32>, vector<16xi32>], vector<16xf32>,
        tpu.vector_store_idx %arg16[%and3A_351, %add3A_327], %gather3A_378 : memref<128x128xf32, #tpu.memory_space<vmem>>[vector<16xi32>, vector<16xi32>], vector<16xf32>,
        tpu.vector_store_idx %arg16[%and3A_357, %add3A_327], %gather3A_379 : memref<128x128xf32, #tpu.memory_space<vmem>>[vector<16xi32>, vector<16xi32>], vector<16xf32>,
        tpu.vector_store_idx %arg16[%and3A_363, %add3A_327], %gather3A_380 : memref<128x128xf32, #tpu.memory_space<vmem>>[vector<16xi32>, vector<16xi32>], vector<16xf32>,
        tpu.vector_store_idx %arg16[%and3A_369, %add3A_327], %gather3A_381 : memref<128x128xf32, #tpu.memory_space<vmem>>[vector<16xi32>, vector<16xi32>], vector<16xf32>,
        tpu.vector_store_idx %arg16[%and3A_375, %add3A_327], %gather3A_382 : memref<128x128xf32, #tpu.memory_space<vmem>>[vector<16xi32>, vector<16xi32>], vector<16xf32>,
        %add3A_383 = arith.constant 8 : i32
        %add3A_384 = vector.broadcast %add3A_383 : i32 to vector<16xi32>
        %add3A_385 = arith.addi %add3A_384, %iota3A : vector<16xi32>
        %and3A_386 = arith.constant 127 : i32
        %and3A_387 = vector.broadcast %and3A_386 : i32 to vector<16xi32>
        %and3A_388 = arith.andi %add3A_385, %and3A_387 : vector<16xi32>
        %add3A_389 = arith.constant 9 : i32
        %add3A_390 = vector.broadcast %add3A_389 : i32 to vector<16xi32>
        %add3A_391 = arith.addi %add3A_390, %iota3A : vector<16xi32>
        %and3A_392 = arith.constant 127 : i32
        %and3A_393 = vector.broadcast %and3A_392 : i32 to vector<16xi32>
        %and3A_394 = arith.andi %add3A_391, %and3A_393 : vector<16xi32>
        %add3A_395 = arith.constant 10 : i32
        %add3A_396 = vector.broadcast %add3A_395 : i32 to vector<16xi32>
        %add3A_397 = arith.addi %add3A_396, %iota3A : vector<16xi32>
        %and3A_398 = arith.constant 127 : i32
        %and3A_399 = vector.broadcast %and3A_398 : i32 to vector<16xi32>
        %and3A_400 = arith.andi %add3A_397, %and3A_399 : vector<16xi32>
        %add3A_401 = arith.constant 11 : i32
        %add3A_402 = vector.broadcast %add3A_401 : i32 to vector<16xi32>
        %add3A_403 = arith.addi %add3A_402, %iota3A : vector<16xi32>
        %and3A_404 = arith.constant 127 : i32
        %and3A_405 = vector.broadcast %and3A_404 : i32 to vector<16xi32>
        %and3A_406 = arith.andi %add3A_403, %and3A_405 : vector<16xi32>
        %add3A_407 = arith.constant 12 : i32
        %add3A_408 = vector.broadcast %add3A_407 : i32 to vector<16xi32>
        %add3A_409 = arith.addi %add3A_408, %iota3A : vector<16xi32>
        %and3A_410 = arith.constant 127 : i32
        %and3A_411 = vector.broadcast %and3A_410 : i32 to vector<16xi32>
        %and3A_412 = arith.andi %add3A_409, %and3A_411 : vector<16xi32>
        %add3A_413 = arith.constant 13 : i32
        %add3A_414 = vector.broadcast %add3A_413 : i32 to vector<16xi32>
        %add3A_415 = arith.addi %add3A_414, %iota3A : vector<16xi32>
        %and3A_416 = arith.constant 127 : i32
        %and3A_417 = vector.broadcast %and3A_416 : i32 to vector<16xi32>
        %and3A_418 = arith.andi %add3A_415, %and3A_417 : vector<16xi32>
        %add3A_419 = arith.constant 14 : i32
        %add3A_420 = vector.broadcast %add3A_419 : i32 to vector<16xi32>
        %add3A_421 = arith.addi %add3A_420, %iota3A : vector<16xi32>
        %and3A_422 = arith.constant 127 : i32
        %and3A_423 = vector.broadcast %and3A_422 : i32 to vector<16xi32>
        %and3A_424 = arith.andi %add3A_421, %and3A_423 : vector<16xi32>
        %add3A_425 = arith.constant 15 : i32
        %add3A_426 = vector.broadcast %add3A_425 : i32 to vector<16xi32>
        %add3A_427 = arith.addi %add3A_426, %iota3A : vector<16xi32>
        %and3A_428 = arith.constant 127 : i32
        %and3A_429 = vector.broadcast %and3A_428 : i32 to vector<16xi32>
        %and3A_430 = arith.andi %add3A_427, %and3A_429 : vector<16xi32>
        %gather3A_431 = tpu.vector_load_idx %arg14[%get3A_323, %and3A_388] : memref<504x128xf32, #tpu.memory_space<vmem>>[vector<16xi32>, vector<16xi32>], vector<16xf32>,
        %gather3A_432 = tpu.vector_load_idx %arg14[%get3A_323, %and3A_394] : memref<504x128xf32, #tpu.memory_space<vmem>>[vector<16xi32>, vector<16xi32>], vector<16xf32>,
        %gather3A_433 = tpu.vector_load_idx %arg14[%get3A_323, %and3A_400] : memref<504x128xf32, #tpu.memory_space<vmem>>[vector<16xi32>, vector<16xi32>], vector<16xf32>,
        %gather3A_434 = tpu.vector_load_idx %arg14[%get3A_323, %and3A_406] : memref<504x128xf32, #tpu.memory_space<vmem>>[vector<16xi32>, vector<16xi32>], vector<16xf32>,
        %gather3A_435 = tpu.vector_load_idx %arg14[%get3A_323, %and3A_412] : memref<504x128xf32, #tpu.memory_space<vmem>>[vector<16xi32>, vector<16xi32>], vector<16xf32>,
        %gather3A_436 = tpu.vector_load_idx %arg14[%get3A_323, %and3A_418] : memref<504x128xf32, #tpu.memory_space<vmem>>[vector<16xi32>, vector<16xi32>], vector<16xf32>,
        %gather3A_437 = tpu.vector_load_idx %arg14[%get3A_323, %and3A_424] : memref<504x128xf32, #tpu.memory_space<vmem>>[vector<16xi32>, vector<16xi32>], vector<16xf32>,
        %gather3A_438 = tpu.vector_load_idx %arg14[%get3A_323, %and3A_430] : memref<504x128xf32, #tpu.memory_space<vmem>>[vector<16xi32>, vector<16xi32>], vector<16xf32>,
        tpu.vector_store_idx %arg16[%and3A_388, %add3A_327], %gather3A_431 : memref<128x128xf32, #tpu.memory_space<vmem>>[vector<16xi32>, vector<16xi32>], vector<16xf32>,
        tpu.vector_store_idx %arg16[%and3A_394, %add3A_327], %gather3A_432 : memref<128x128xf32, #tpu.memory_space<vmem>>[vector<16xi32>, vector<16xi32>], vector<16xf32>,
        tpu.vector_store_idx %arg16[%and3A_400, %add3A_327], %gather3A_433 : memref<128x128xf32, #tpu.memory_space<vmem>>[vector<16xi32>, vector<16xi32>], vector<16xf32>,
        tpu.vector_store_idx %arg16[%and3A_406, %add3A_327], %gather3A_434 : memref<128x128xf32, #tpu.memory_space<vmem>>[vector<16xi32>, vector<16xi32>], vector<16xf32>,
        tpu.vector_store_idx %arg16[%and3A_412, %add3A_327], %gather3A_435 : memref<128x128xf32, #tpu.memory_space<vmem>>[vector<16xi32>, vector<16xi32>], vector<16xf32>,
        tpu.vector_store_idx %arg16[%and3A_418, %add3A_327], %gather3A_436 : memref<128x128xf32, #tpu.memory_space<vmem>>[vector<16xi32>, vector<16xi32>], vector<16xf32>,
        tpu.vector_store_idx %arg16[%and3A_424, %add3A_327], %gather3A_437 : memref<128x128xf32, #tpu.memory_space<vmem>>[vector<16xi32>, vector<16xi32>], vector<16xf32>,
        tpu.vector_store_idx %arg16[%and3A_430, %add3A_327], %gather3A_438 : memref<128x128xf32, #tpu.memory_space<vmem>>[vector<16xi32>, vector<16xi32>], vector<16xf32>,
        %add3A_439 = arith.constant 16 : i32
        %add3A_440 = vector.broadcast %add3A_439 : i32 to vector<16xi32>
        %add3A_441 = arith.addi %add3A_440, %iota3A : vector<16xi32>
        %and3A_442 = arith.constant 127 : i32
        %and3A_443 = vector.broadcast %and3A_442 : i32 to vector<16xi32>
        %and3A_444 = arith.andi %add3A_441, %and3A_443 : vector<16xi32>
        %add3A_445 = arith.constant 17 : i32
        %add3A_446 = vector.broadcast %add3A_445 : i32 to vector<16xi32>
        %add3A_447 = arith.addi %add3A_446, %iota3A : vector<16xi32>
        %and3A_448 = arith.constant 127 : i32
        %and3A_449 = vector.broadcast %and3A_448 : i32 to vector<16xi32>
        %and3A_450 = arith.andi %add3A_447, %and3A_449 : vector<16xi32>
        %add3A_451 = arith.constant 18 : i32
        %add3A_452 = vector.broadcast %add3A_451 : i32 to vector<16xi32>
        %add3A_453 = arith.addi %add3A_452, %iota3A : vector<16xi32>
        %and3A_454 = arith.constant 127 : i32
        %and3A_455 = vector.broadcast %and3A_454 : i32 to vector<16xi32>
        %and3A_456 = arith.andi %add3A_453, %and3A_455 : vector<16xi32>
        %add3A_457 = arith.constant 19 : i32
        %add3A_458 = vector.broadcast %add3A_457 : i32 to vector<16xi32>
        %add3A_459 = arith.addi %add3A_458, %iota3A : vector<16xi32>
        %and3A_460 = arith.constant 127 : i32
        %and3A_461 = vector.broadcast %and3A_460 : i32 to vector<16xi32>
        %and3A_462 = arith.andi %add3A_459, %and3A_461 : vector<16xi32>
        %add3A_463 = arith.constant 20 : i32
        %add3A_464 = vector.broadcast %add3A_463 : i32 to vector<16xi32>
        %add3A_465 = arith.addi %add3A_464, %iota3A : vector<16xi32>
        %and3A_466 = arith.constant 127 : i32
        %and3A_467 = vector.broadcast %and3A_466 : i32 to vector<16xi32>
        %and3A_468 = arith.andi %add3A_465, %and3A_467 : vector<16xi32>
        %add3A_469 = arith.constant 21 : i32
        %add3A_470 = vector.broadcast %add3A_469 : i32 to vector<16xi32>
        %add3A_471 = arith.addi %add3A_470, %iota3A : vector<16xi32>
        %and3A_472 = arith.constant 127 : i32
        %and3A_473 = vector.broadcast %and3A_472 : i32 to vector<16xi32>
        %and3A_474 = arith.andi %add3A_471, %and3A_473 : vector<16xi32>
        %add3A_475 = arith.constant 22 : i32
        %add3A_476 = vector.broadcast %add3A_475 : i32 to vector<16xi32>
        %add3A_477 = arith.addi %add3A_476, %iota3A : vector<16xi32>
        %and3A_478 = arith.constant 127 : i32
        %and3A_479 = vector.broadcast %and3A_478 : i32 to vector<16xi32>
        %and3A_480 = arith.andi %add3A_477, %and3A_479 : vector<16xi32>
        %add3A_481 = arith.constant 23 : i32
        %add3A_482 = vector.broadcast %add3A_481 : i32 to vector<16xi32>
        %add3A_483 = arith.addi %add3A_482, %iota3A : vector<16xi32>
        %and3A_484 = arith.constant 127 : i32
        %and3A_485 = vector.broadcast %and3A_484 : i32 to vector<16xi32>
        %and3A_486 = arith.andi %add3A_483, %and3A_485 : vector<16xi32>
        %gather3A_487 = tpu.vector_load_idx %arg14[%get3A_323, %and3A_444] : memref<504x128xf32, #tpu.memory_space<vmem>>[vector<16xi32>, vector<16xi32>], vector<16xf32>,
        %gather3A_488 = tpu.vector_load_idx %arg14[%get3A_323, %and3A_450] : memref<504x128xf32, #tpu.memory_space<vmem>>[vector<16xi32>, vector<16xi32>], vector<16xf32>,
        %gather3A_489 = tpu.vector_load_idx %arg14[%get3A_323, %and3A_456] : memref<504x128xf32, #tpu.memory_space<vmem>>[vector<16xi32>, vector<16xi32>], vector<16xf32>,
        %gather3A_490 = tpu.vector_load_idx %arg14[%get3A_323, %and3A_462] : memref<504x128xf32, #tpu.memory_space<vmem>>[vector<16xi32>, vector<16xi32>], vector<16xf32>,
        %gather3A_491 = tpu.vector_load_idx %arg14[%get3A_323, %and3A_468] : memref<504x128xf32, #tpu.memory_space<vmem>>[vector<16xi32>, vector<16xi32>], vector<16xf32>,
        %gather3A_492 = tpu.vector_load_idx %arg14[%get3A_323, %and3A_474] : memref<504x128xf32, #tpu.memory_space<vmem>>[vector<16xi32>, vector<16xi32>], vector<16xf32>,
        %gather3A_493 = tpu.vector_load_idx %arg14[%get3A_323, %and3A_480] : memref<504x128xf32, #tpu.memory_space<vmem>>[vector<16xi32>, vector<16xi32>], vector<16xf32>,
        %gather3A_494 = tpu.vector_load_idx %arg14[%get3A_323, %and3A_486] : memref<504x128xf32, #tpu.memory_space<vmem>>[vector<16xi32>, vector<16xi32>], vector<16xf32>,
        tpu.vector_store_idx %arg16[%and3A_444, %add3A_327], %gather3A_487 : memref<128x128xf32, #tpu.memory_space<vmem>>[vector<16xi32>, vector<16xi32>], vector<16xf32>,
        tpu.vector_store_idx %arg16[%and3A_450, %add3A_327], %gather3A_488 : memref<128x128xf32, #tpu.memory_space<vmem>>[vector<16xi32>, vector<16xi32>], vector<16xf32>,
        tpu.vector_store_idx %arg16[%and3A_456, %add3A_327], %gather3A_489 : memref<128x128xf32, #tpu.memory_space<vmem>>[vector<16xi32>, vector<16xi32>], vector<16xf32>,
        tpu.vector_store_idx %arg16[%and3A_462, %add3A_327], %gather3A_490 : memref<128x128xf32, #tpu.memory_space<vmem>>[vector<16xi32>, vector<16xi32>], vector<16xf32>,
        tpu.vector_store_idx %arg16[%and3A_468, %add3A_327], %gather3A_491 : memref<128x128xf32, #tpu.memory_space<vmem>>[vector<16xi32>, vector<16xi32>], vector<16xf32>,
        tpu.vector_store_idx %arg16[%and3A_474, %add3A_327], %gather3A_492 : memref<128x128xf32, #tpu.memory_space<vmem>>[vector<16xi32>, vector<16xi32>], vector<16xf32>,
        tpu.vector_store_idx %arg16[%and3A_480, %add3A_327], %gather3A_493 : memref<128x128xf32, #tpu.memory_space<vmem>>[vector<16xi32>, vector<16xi32>], vector<16xf32>,
        tpu.vector_store_idx %arg16[%and3A_486, %add3A_327], %gather3A_494 : memref<128x128xf32, #tpu.memory_space<vmem>>[vector<16xi32>, vector<16xi32>], vector<16xf32>,
        %add3A_495 = arith.constant 24 : i32
        %add3A_496 = vector.broadcast %add3A_495 : i32 to vector<16xi32>
        %add3A_497 = arith.addi %add3A_496, %iota3A : vector<16xi32>
        %and3A_498 = arith.constant 127 : i32
        %and3A_499 = vector.broadcast %and3A_498 : i32 to vector<16xi32>
        %and3A_500 = arith.andi %add3A_497, %and3A_499 : vector<16xi32>
        %add3A_501 = arith.constant 25 : i32
        %add3A_502 = vector.broadcast %add3A_501 : i32 to vector<16xi32>
        %add3A_503 = arith.addi %add3A_502, %iota3A : vector<16xi32>
        %and3A_504 = arith.constant 127 : i32
        %and3A_505 = vector.broadcast %and3A_504 : i32 to vector<16xi32>
        %and3A_506 = arith.andi %add3A_503, %and3A_505 : vector<16xi32>
        %add3A_507 = arith.constant 26 : i32
        %add3A_508 = vector.broadcast %add3A_507 : i32 to vector<16xi32>
        %add3A_509 = arith.addi %add3A_508, %iota3A : vector<16xi32>
        %and3A_510 = arith.constant 127 : i32
        %and3A_511 = vector.broadcast %and3A_510 : i32 to vector<16xi32>
        %and3A_512 = arith.andi %add3A_509, %and3A_511 : vector<16xi32>
        %add3A_513 = arith.constant 27 : i32
        %add3A_514 = vector.broadcast %add3A_513 : i32 to vector<16xi32>
        %add3A_515 = arith.addi %add3A_514, %iota3A : vector<16xi32>
        %and3A_516 = arith.constant 127 : i32
        %and3A_517 = vector.broadcast %and3A_516 : i32 to vector<16xi32>
        %and3A_518 = arith.andi %add3A_515, %and3A_517 : vector<16xi32>
        %add3A_519 = arith.constant 28 : i32
        %add3A_520 = vector.broadcast %add3A_519 : i32 to vector<16xi32>
        %add3A_521 = arith.addi %add3A_520, %iota3A : vector<16xi32>
        %and3A_522 = arith.constant 127 : i32
        %and3A_523 = vector.broadcast %and3A_522 : i32 to vector<16xi32>
        %and3A_524 = arith.andi %add3A_521, %and3A_523 : vector<16xi32>
        %add3A_525 = arith.constant 29 : i32
        %add3A_526 = vector.broadcast %add3A_525 : i32 to vector<16xi32>
        %add3A_527 = arith.addi %add3A_526, %iota3A : vector<16xi32>
        %and3A_528 = arith.constant 127 : i32
        %and3A_529 = vector.broadcast %and3A_528 : i32 to vector<16xi32>
        %and3A_530 = arith.andi %add3A_527, %and3A_529 : vector<16xi32>
        %add3A_531 = arith.constant 30 : i32
        %add3A_532 = vector.broadcast %add3A_531 : i32 to vector<16xi32>
        %add3A_533 = arith.addi %add3A_532, %iota3A : vector<16xi32>
        %and3A_534 = arith.constant 127 : i32
        %and3A_535 = vector.broadcast %and3A_534 : i32 to vector<16xi32>
        %and3A_536 = arith.andi %add3A_533, %and3A_535 : vector<16xi32>
        %add3A_537 = arith.constant 31 : i32
        %add3A_538 = vector.broadcast %add3A_537 : i32 to vector<16xi32>
        %add3A_539 = arith.addi %add3A_538, %iota3A : vector<16xi32>
        %and3A_540 = arith.constant 127 : i32
        %and3A_541 = vector.broadcast %and3A_540 : i32 to vector<16xi32>
        %and3A_542 = arith.andi %add3A_539, %and3A_541 : vector<16xi32>
        %gather3A_543 = tpu.vector_load_idx %arg14[%get3A_323, %and3A_500] : memref<504x128xf32, #tpu.memory_space<vmem>>[vector<16xi32>, vector<16xi32>], vector<16xf32>,
        %gather3A_544 = tpu.vector_load_idx %arg14[%get3A_323, %and3A_506] : memref<504x128xf32, #tpu.memory_space<vmem>>[vector<16xi32>, vector<16xi32>], vector<16xf32>,
        %gather3A_545 = tpu.vector_load_idx %arg14[%get3A_323, %and3A_512] : memref<504x128xf32, #tpu.memory_space<vmem>>[vector<16xi32>, vector<16xi32>], vector<16xf32>,
        %gather3A_546 = tpu.vector_load_idx %arg14[%get3A_323, %and3A_518] : memref<504x128xf32, #tpu.memory_space<vmem>>[vector<16xi32>, vector<16xi32>], vector<16xf32>,
        %gather3A_547 = tpu.vector_load_idx %arg14[%get3A_323, %and3A_524] : memref<504x128xf32, #tpu.memory_space<vmem>>[vector<16xi32>, vector<16xi32>], vector<16xf32>,
        %gather3A_548 = tpu.vector_load_idx %arg14[%get3A_323, %and3A_530] : memref<504x128xf32, #tpu.memory_space<vmem>>[vector<16xi32>, vector<16xi32>], vector<16xf32>,
        %gather3A_549 = tpu.vector_load_idx %arg14[%get3A_323, %and3A_536] : memref<504x128xf32, #tpu.memory_space<vmem>>[vector<16xi32>, vector<16xi32>], vector<16xf32>,
        %gather3A_550 = tpu.vector_load_idx %arg14[%get3A_323, %and3A_542] : memref<504x128xf32, #tpu.memory_space<vmem>>[vector<16xi32>, vector<16xi32>], vector<16xf32>,
        tpu.vector_store_idx %arg16[%and3A_500, %add3A_327], %gather3A_543 : memref<128x128xf32, #tpu.memory_space<vmem>>[vector<16xi32>, vector<16xi32>], vector<16xf32>,
        tpu.vector_store_idx %arg16[%and3A_506, %add3A_327], %gather3A_544 : memref<128x128xf32, #tpu.memory_space<vmem>>[vector<16xi32>, vector<16xi32>], vector<16xf32>,
        tpu.vector_store_idx %arg16[%and3A_512, %add3A_327], %gather3A_545 : memref<128x128xf32, #tpu.memory_space<vmem>>[vector<16xi32>, vector<16xi32>], vector<16xf32>,
        tpu.vector_store_idx %arg16[%and3A_518, %add3A_327], %gather3A_546 : memref<128x128xf32, #tpu.memory_space<vmem>>[vector<16xi32>, vector<16xi32>], vector<16xf32>,
        tpu.vector_store_idx %arg16[%and3A_524, %add3A_327], %gather3A_547 : memref<128x128xf32, #tpu.memory_space<vmem>>[vector<16xi32>, vector<16xi32>], vector<16xf32>,
        tpu.vector_store_idx %arg16[%and3A_530, %add3A_327], %gather3A_548 : memref<128x128xf32, #tpu.memory_space<vmem>>[vector<16xi32>, vector<16xi32>], vector<16xf32>,
        tpu.vector_store_idx %arg16[%and3A_536, %add3A_327], %gather3A_549 : memref<128x128xf32, #tpu.memory_space<vmem>>[vector<16xi32>, vector<16xi32>], vector<16xf32>,
        tpu.vector_store_idx %arg16[%and3A_542, %add3A_327], %gather3A_550 : memref<128x128xf32, #tpu.memory_space<vmem>>[vector<16xi32>, vector<16xi32>], vector<16xf32>,
        %add3A_551 = arith.constant 32 : i32
        %add3A_552 = vector.broadcast %add3A_551 : i32 to vector<16xi32>
        %add3A_553 = arith.addi %add3A_552, %iota3A : vector<16xi32>
        %and3A_554 = arith.constant 127 : i32
        %and3A_555 = vector.broadcast %and3A_554 : i32 to vector<16xi32>
        %and3A_556 = arith.andi %add3A_553, %and3A_555 : vector<16xi32>
        %add3A_557 = arith.constant 33 : i32
        %add3A_558 = vector.broadcast %add3A_557 : i32 to vector<16xi32>
        %add3A_559 = arith.addi %add3A_558, %iota3A : vector<16xi32>
        %and3A_560 = arith.constant 127 : i32
        %and3A_561 = vector.broadcast %and3A_560 : i32 to vector<16xi32>
        %and3A_562 = arith.andi %add3A_559, %and3A_561 : vector<16xi32>
        %add3A_563 = arith.constant 34 : i32
        %add3A_564 = vector.broadcast %add3A_563 : i32 to vector<16xi32>
        %add3A_565 = arith.addi %add3A_564, %iota3A : vector<16xi32>
        %and3A_566 = arith.constant 127 : i32
        %and3A_567 = vector.broadcast %and3A_566 : i32 to vector<16xi32>
        %and3A_568 = arith.andi %add3A_565, %and3A_567 : vector<16xi32>
        %add3A_569 = arith.constant 35 : i32
        %add3A_570 = vector.broadcast %add3A_569 : i32 to vector<16xi32>
        %add3A_571 = arith.addi %add3A_570, %iota3A : vector<16xi32>
        %and3A_572 = arith.constant 127 : i32
        %and3A_573 = vector.broadcast %and3A_572 : i32 to vector<16xi32>
        %and3A_574 = arith.andi %add3A_571, %and3A_573 : vector<16xi32>
        %add3A_575 = arith.constant 36 : i32
        %add3A_576 = vector.broadcast %add3A_575 : i32 to vector<16xi32>
        %add3A_577 = arith.addi %add3A_576, %iota3A : vector<16xi32>
        %and3A_578 = arith.constant 127 : i32
        %and3A_579 = vector.broadcast %and3A_578 : i32 to vector<16xi32>
        %and3A_580 = arith.andi %add3A_577, %and3A_579 : vector<16xi32>
        %add3A_581 = arith.constant 37 : i32
        %add3A_582 = vector.broadcast %add3A_581 : i32 to vector<16xi32>
        %add3A_583 = arith.addi %add3A_582, %iota3A : vector<16xi32>
        %and3A_584 = arith.constant 127 : i32
        %and3A_585 = vector.broadcast %and3A_584 : i32 to vector<16xi32>
        %and3A_586 = arith.andi %add3A_583, %and3A_585 : vector<16xi32>
        %add3A_587 = arith.constant 38 : i32
        %add3A_588 = vector.broadcast %add3A_587 : i32 to vector<16xi32>
        %add3A_589 = arith.addi %add3A_588, %iota3A : vector<16xi32>
        %and3A_590 = arith.constant 127 : i32
        %and3A_591 = vector.broadcast %and3A_590 : i32 to vector<16xi32>
        %and3A_592 = arith.andi %add3A_589, %and3A_591 : vector<16xi32>
        %add3A_593 = arith.constant 39 : i32
        %add3A_594 = vector.broadcast %add3A_593 : i32 to vector<16xi32>
        %add3A_595 = arith.addi %add3A_594, %iota3A : vector<16xi32>
        %and3A_596 = arith.constant 127 : i32
        %and3A_597 = vector.broadcast %and3A_596 : i32 to vector<16xi32>
        %and3A_598 = arith.andi %add3A_595, %and3A_597 : vector<16xi32>
        %gather3A_599 = tpu.vector_load_idx %arg14[%get3A_323, %and3A_556] : memref<504x128xf32, #tpu.memory_space<vmem>>[vector<16xi32>, vector<16xi32>], vector<16xf32>,
        %gather3A_600 = tpu.vector_load_idx %arg14[%get3A_323, %and3A_562] : memref<504x128xf32, #tpu.memory_space<vmem>>[vector<16xi32>, vector<16xi32>], vector<16xf32>,
        %gather3A_601 = tpu.vector_load_idx %arg14[%get3A_323, %and3A_568] : memref<504x128xf32, #tpu.memory_space<vmem>>[vector<16xi32>, vector<16xi32>], vector<16xf32>,
        %gather3A_602 = tpu.vector_load_idx %arg14[%get3A_323, %and3A_574] : memref<504x128xf32, #tpu.memory_space<vmem>>[vector<16xi32>, vector<16xi32>], vector<16xf32>,
        %gather3A_603 = tpu.vector_load_idx %arg14[%get3A_323, %and3A_580] : memref<504x128xf32, #tpu.memory_space<vmem>>[vector<16xi32>, vector<16xi32>], vector<16xf32>,
        %gather3A_604 = tpu.vector_load_idx %arg14[%get3A_323, %and3A_586] : memref<504x128xf32, #tpu.memory_space<vmem>>[vector<16xi32>, vector<16xi32>], vector<16xf32>,
        %gather3A_605 = tpu.vector_load_idx %arg14[%get3A_323, %and3A_592] : memref<504x128xf32, #tpu.memory_space<vmem>>[vector<16xi32>, vector<16xi32>], vector<16xf32>,
        %gather3A_606 = tpu.vector_load_idx %arg14[%get3A_323, %and3A_598] : memref<504x128xf32, #tpu.memory_space<vmem>>[vector<16xi32>, vector<16xi32>], vector<16xf32>,
        tpu.vector_store_idx %arg16[%and3A_556, %add3A_327], %gather3A_599 : memref<128x128xf32, #tpu.memory_space<vmem>>[vector<16xi32>, vector<16xi32>], vector<16xf32>,
        tpu.vector_store_idx %arg16[%and3A_562, %add3A_327], %gather3A_600 : memref<128x128xf32, #tpu.memory_space<vmem>>[vector<16xi32>, vector<16xi32>], vector<16xf32>,
        tpu.vector_store_idx %arg16[%and3A_568, %add3A_327], %gather3A_601 : memref<128x128xf32, #tpu.memory_space<vmem>>[vector<16xi32>, vector<16xi32>], vector<16xf32>,
        tpu.vector_store_idx %arg16[%and3A_574, %add3A_327], %gather3A_602 : memref<128x128xf32, #tpu.memory_space<vmem>>[vector<16xi32>, vector<16xi32>], vector<16xf32>,
        tpu.vector_store_idx %arg16[%and3A_580, %add3A_327], %gather3A_603 : memref<128x128xf32, #tpu.memory_space<vmem>>[vector<16xi32>, vector<16xi32>], vector<16xf32>,
        tpu.vector_store_idx %arg16[%and3A_586, %add3A_327], %gather3A_604 : memref<128x128xf32, #tpu.memory_space<vmem>>[vector<16xi32>, vector<16xi32>], vector<16xf32>,
        tpu.vector_store_idx %arg16[%and3A_592, %add3A_327], %gather3A_605 : memref<128x128xf32, #tpu.memory_space<vmem>>[vector<16xi32>, vector<16xi32>], vector<16xf32>,
        tpu.vector_store_idx %arg16[%and3A_598, %add3A_327], %gather3A_606 : memref<128x128xf32, #tpu.memory_space<vmem>>[vector<16xi32>, vector<16xi32>], vector<16xf32>,
        %add3A_607 = arith.constant 40 : i32
        %add3A_608 = vector.broadcast %add3A_607 : i32 to vector<16xi32>
        %add3A_609 = arith.addi %add3A_608, %iota3A : vector<16xi32>
        %and3A_610 = arith.constant 127 : i32
        %and3A_611 = vector.broadcast %and3A_610 : i32 to vector<16xi32>
        %and3A_612 = arith.andi %add3A_609, %and3A_611 : vector<16xi32>
        %add3A_613 = arith.constant 41 : i32
        %add3A_614 = vector.broadcast %add3A_613 : i32 to vector<16xi32>
        %add3A_615 = arith.addi %add3A_614, %iota3A : vector<16xi32>
        %and3A_616 = arith.constant 127 : i32
        %and3A_617 = vector.broadcast %and3A_616 : i32 to vector<16xi32>
        %and3A_618 = arith.andi %add3A_615, %and3A_617 : vector<16xi32>
        %add3A_619 = arith.constant 42 : i32
        %add3A_620 = vector.broadcast %add3A_619 : i32 to vector<16xi32>
        %add3A_621 = arith.addi %add3A_620, %iota3A : vector<16xi32>
        %and3A_622 = arith.constant 127 : i32
        %and3A_623 = vector.broadcast %and3A_622 : i32 to vector<16xi32>
        %and3A_624 = arith.andi %add3A_621, %and3A_623 : vector<16xi32>
        %add3A_625 = arith.constant 43 : i32
        %add3A_626 = vector.broadcast %add3A_625 : i32 to vector<16xi32>
        %add3A_627 = arith.addi %add3A_626, %iota3A : vector<16xi32>
        %and3A_628 = arith.constant 127 : i32
        %and3A_629 = vector.broadcast %and3A_628 : i32 to vector<16xi32>
        %and3A_630 = arith.andi %add3A_627, %and3A_629 : vector<16xi32>
        %add3A_631 = arith.constant 44 : i32
        %add3A_632 = vector.broadcast %add3A_631 : i32 to vector<16xi32>
        %add3A_633 = arith.addi %add3A_632, %iota3A : vector<16xi32>
        %and3A_634 = arith.constant 127 : i32
        %and3A_635 = vector.broadcast %and3A_634 : i32 to vector<16xi32>
        %and3A_636 = arith.andi %add3A_633, %and3A_635 : vector<16xi32>
        %add3A_637 = arith.constant 45 : i32
        %add3A_638 = vector.broadcast %add3A_637 : i32 to vector<16xi32>
        %add3A_639 = arith.addi %add3A_638, %iota3A : vector<16xi32>
        %and3A_640 = arith.constant 127 : i32
        %and3A_641 = vector.broadcast %and3A_640 : i32 to vector<16xi32>
        %and3A_642 = arith.andi %add3A_639, %and3A_641 : vector<16xi32>
        %add3A_643 = arith.constant 46 : i32
        %add3A_644 = vector.broadcast %add3A_643 : i32 to vector<16xi32>
        %add3A_645 = arith.addi %add3A_644, %iota3A : vector<16xi32>
        %and3A_646 = arith.constant 127 : i32
        %and3A_647 = vector.broadcast %and3A_646 : i32 to vector<16xi32>
        %and3A_648 = arith.andi %add3A_645, %and3A_647 : vector<16xi32>
        %add3A_649 = arith.constant 47 : i32
        %add3A_650 = vector.broadcast %add3A_649 : i32 to vector<16xi32>
        %add3A_651 = arith.addi %add3A_650, %iota3A : vector<16xi32>
        %and3A_652 = arith.constant 127 : i32
        %and3A_653 = vector.broadcast %and3A_652 : i32 to vector<16xi32>
        %and3A_654 = arith.andi %add3A_651, %and3A_653 : vector<16xi32>
        %gather3A_655 = tpu.vector_load_idx %arg14[%get3A_323, %and3A_612] : memref<504x128xf32, #tpu.memory_space<vmem>>[vector<16xi32>, vector<16xi32>], vector<16xf32>,
        %gather3A_656 = tpu.vector_load_idx %arg14[%get3A_323, %and3A_618] : memref<504x128xf32, #tpu.memory_space<vmem>>[vector<16xi32>, vector<16xi32>], vector<16xf32>,
        %gather3A_657 = tpu.vector_load_idx %arg14[%get3A_323, %and3A_624] : memref<504x128xf32, #tpu.memory_space<vmem>>[vector<16xi32>, vector<16xi32>], vector<16xf32>,
        %gather3A_658 = tpu.vector_load_idx %arg14[%get3A_323, %and3A_630] : memref<504x128xf32, #tpu.memory_space<vmem>>[vector<16xi32>, vector<16xi32>], vector<16xf32>,
        %gather3A_659 = tpu.vector_load_idx %arg14[%get3A_323, %and3A_636] : memref<504x128xf32, #tpu.memory_space<vmem>>[vector<16xi32>, vector<16xi32>], vector<16xf32>,
        %gather3A_660 = tpu.vector_load_idx %arg14[%get3A_323, %and3A_642] : memref<504x128xf32, #tpu.memory_space<vmem>>[vector<16xi32>, vector<16xi32>], vector<16xf32>,
        %gather3A_661 = tpu.vector_load_idx %arg14[%get3A_323, %and3A_648] : memref<504x128xf32, #tpu.memory_space<vmem>>[vector<16xi32>, vector<16xi32>], vector<16xf32>,
        %gather3A_662 = tpu.vector_load_idx %arg14[%get3A_323, %and3A_654] : memref<504x128xf32, #tpu.memory_space<vmem>>[vector<16xi32>, vector<16xi32>], vector<16xf32>,
        tpu.vector_store_idx %arg16[%and3A_612, %add3A_327], %gather3A_655 : memref<128x128xf32, #tpu.memory_space<vmem>>[vector<16xi32>, vector<16xi32>], vector<16xf32>,
        tpu.vector_store_idx %arg16[%and3A_618, %add3A_327], %gather3A_656 : memref<128x128xf32, #tpu.memory_space<vmem>>[vector<16xi32>, vector<16xi32>], vector<16xf32>,
        tpu.vector_store_idx %arg16[%and3A_624, %add3A_327], %gather3A_657 : memref<128x128xf32, #tpu.memory_space<vmem>>[vector<16xi32>, vector<16xi32>], vector<16xf32>,
        tpu.vector_store_idx %arg16[%and3A_630, %add3A_327], %gather3A_658 : memref<128x128xf32, #tpu.memory_space<vmem>>[vector<16xi32>, vector<16xi32>], vector<16xf32>,
        tpu.vector_store_idx %arg16[%and3A_636, %add3A_327], %gather3A_659 : memref<128x128xf32, #tpu.memory_space<vmem>>[vector<16xi32>, vector<16xi32>], vector<16xf32>,
        tpu.vector_store_idx %arg16[%and3A_642, %add3A_327], %gather3A_660 : memref<128x128xf32, #tpu.memory_space<vmem>>[vector<16xi32>, vector<16xi32>], vector<16xf32>,
        tpu.vector_store_idx %arg16[%and3A_648, %add3A_327], %gather3A_661 : memref<128x128xf32, #tpu.memory_space<vmem>>[vector<16xi32>, vector<16xi32>], vector<16xf32>,
        tpu.vector_store_idx %arg16[%and3A_654, %add3A_327], %gather3A_662 : memref<128x128xf32, #tpu.memory_space<vmem>>[vector<16xi32>, vector<16xi32>], vector<16xf32>,
        %add3A_663 = arith.constant 48 : i32
        %add3A_664 = vector.broadcast %add3A_663 : i32 to vector<16xi32>
        %add3A_665 = arith.addi %add3A_664, %iota3A : vector<16xi32>
        %and3A_666 = arith.constant 127 : i32
        %and3A_667 = vector.broadcast %and3A_666 : i32 to vector<16xi32>
        %and3A_668 = arith.andi %add3A_665, %and3A_667 : vector<16xi32>
        %add3A_669 = arith.constant 49 : i32
        %add3A_670 = vector.broadcast %add3A_669 : i32 to vector<16xi32>
        %add3A_671 = arith.addi %add3A_670, %iota3A : vector<16xi32>
        %and3A_672 = arith.constant 127 : i32
        %and3A_673 = vector.broadcast %and3A_672 : i32 to vector<16xi32>
        %and3A_674 = arith.andi %add3A_671, %and3A_673 : vector<16xi32>
        %add3A_675 = arith.constant 50 : i32
        %add3A_676 = vector.broadcast %add3A_675 : i32 to vector<16xi32>
        %add3A_677 = arith.addi %add3A_676, %iota3A : vector<16xi32>
        %and3A_678 = arith.constant 127 : i32
        %and3A_679 = vector.broadcast %and3A_678 : i32 to vector<16xi32>
        %and3A_680 = arith.andi %add3A_677, %and3A_679 : vector<16xi32>
        %add3A_681 = arith.constant 51 : i32
        %add3A_682 = vector.broadcast %add3A_681 : i32 to vector<16xi32>
        %add3A_683 = arith.addi %add3A_682, %iota3A : vector<16xi32>
        %and3A_684 = arith.constant 127 : i32
        %and3A_685 = vector.broadcast %and3A_684 : i32 to vector<16xi32>
        %and3A_686 = arith.andi %add3A_683, %and3A_685 : vector<16xi32>
        %add3A_687 = arith.constant 52 : i32
        %add3A_688 = vector.broadcast %add3A_687 : i32 to vector<16xi32>
        %add3A_689 = arith.addi %add3A_688, %iota3A : vector<16xi32>
        %and3A_690 = arith.constant 127 : i32
        %and3A_691 = vector.broadcast %and3A_690 : i32 to vector<16xi32>
        %and3A_692 = arith.andi %add3A_689, %and3A_691 : vector<16xi32>
        %add3A_693 = arith.constant 53 : i32
        %add3A_694 = vector.broadcast %add3A_693 : i32 to vector<16xi32>
        %add3A_695 = arith.addi %add3A_694, %iota3A : vector<16xi32>
        %and3A_696 = arith.constant 127 : i32
        %and3A_697 = vector.broadcast %and3A_696 : i32 to vector<16xi32>
        %and3A_698 = arith.andi %add3A_695, %and3A_697 : vector<16xi32>
        %add3A_699 = arith.constant 54 : i32
        %add3A_700 = vector.broadcast %add3A_699 : i32 to vector<16xi32>
        %add3A_701 = arith.addi %add3A_700, %iota3A : vector<16xi32>
        %and3A_702 = arith.constant 127 : i32
        %and3A_703 = vector.broadcast %and3A_702 : i32 to vector<16xi32>
        %and3A_704 = arith.andi %add3A_701, %and3A_703 : vector<16xi32>
        %add3A_705 = arith.constant 55 : i32
        %add3A_706 = vector.broadcast %add3A_705 : i32 to vector<16xi32>
        %add3A_707 = arith.addi %add3A_706, %iota3A : vector<16xi32>
        %and3A_708 = arith.constant 127 : i32
        %and3A_709 = vector.broadcast %and3A_708 : i32 to vector<16xi32>
        %and3A_710 = arith.andi %add3A_707, %and3A_709 : vector<16xi32>
        %gather3A_711 = tpu.vector_load_idx %arg14[%get3A_323, %and3A_668] : memref<504x128xf32, #tpu.memory_space<vmem>>[vector<16xi32>, vector<16xi32>], vector<16xf32>,
        %gather3A_712 = tpu.vector_load_idx %arg14[%get3A_323, %and3A_674] : memref<504x128xf32, #tpu.memory_space<vmem>>[vector<16xi32>, vector<16xi32>], vector<16xf32>,
        %gather3A_713 = tpu.vector_load_idx %arg14[%get3A_323, %and3A_680] : memref<504x128xf32, #tpu.memory_space<vmem>>[vector<16xi32>, vector<16xi32>], vector<16xf32>,
        %gather3A_714 = tpu.vector_load_idx %arg14[%get3A_323, %and3A_686] : memref<504x128xf32, #tpu.memory_space<vmem>>[vector<16xi32>, vector<16xi32>], vector<16xf32>,
        %gather3A_715 = tpu.vector_load_idx %arg14[%get3A_323, %and3A_692] : memref<504x128xf32, #tpu.memory_space<vmem>>[vector<16xi32>, vector<16xi32>], vector<16xf32>,
        %gather3A_716 = tpu.vector_load_idx %arg14[%get3A_323, %and3A_698] : memref<504x128xf32, #tpu.memory_space<vmem>>[vector<16xi32>, vector<16xi32>], vector<16xf32>,
        %gather3A_717 = tpu.vector_load_idx %arg14[%get3A_323, %and3A_704] : memref<504x128xf32, #tpu.memory_space<vmem>>[vector<16xi32>, vector<16xi32>], vector<16xf32>,
        %gather3A_718 = tpu.vector_load_idx %arg14[%get3A_323, %and3A_710] : memref<504x128xf32, #tpu.memory_space<vmem>>[vector<16xi32>, vector<16xi32>], vector<16xf32>,
        tpu.vector_store_idx %arg16[%and3A_668, %add3A_327], %gather3A_711 : memref<128x128xf32, #tpu.memory_space<vmem>>[vector<16xi32>, vector<16xi32>], vector<16xf32>,
        tpu.vector_store_idx %arg16[%and3A_674, %add3A_327], %gather3A_712 : memref<128x128xf32, #tpu.memory_space<vmem>>[vector<16xi32>, vector<16xi32>], vector<16xf32>,
        tpu.vector_store_idx %arg16[%and3A_680, %add3A_327], %gather3A_713 : memref<128x128xf32, #tpu.memory_space<vmem>>[vector<16xi32>, vector<16xi32>], vector<16xf32>,
        tpu.vector_store_idx %arg16[%and3A_686, %add3A_327], %gather3A_714 : memref<128x128xf32, #tpu.memory_space<vmem>>[vector<16xi32>, vector<16xi32>], vector<16xf32>,
        tpu.vector_store_idx %arg16[%and3A_692, %add3A_327], %gather3A_715 : memref<128x128xf32, #tpu.memory_space<vmem>>[vector<16xi32>, vector<16xi32>], vector<16xf32>,
        tpu.vector_store_idx %arg16[%and3A_698, %add3A_327], %gather3A_716 : memref<128x128xf32, #tpu.memory_space<vmem>>[vector<16xi32>, vector<16xi32>], vector<16xf32>,
        tpu.vector_store_idx %arg16[%and3A_704, %add3A_327], %gather3A_717 : memref<128x128xf32, #tpu.memory_space<vmem>>[vector<16xi32>, vector<16xi32>], vector<16xf32>,
        tpu.vector_store_idx %arg16[%and3A_710, %add3A_327], %gather3A_718 : memref<128x128xf32, #tpu.memory_space<vmem>>[vector<16xi32>, vector<16xi32>], vector<16xf32>,
        %add3A_719 = arith.constant 56 : i32
        %add3A_720 = vector.broadcast %add3A_719 : i32 to vector<16xi32>
        %add3A_721 = arith.addi %add3A_720, %iota3A : vector<16xi32>
        %and3A_722 = arith.constant 127 : i32
        %and3A_723 = vector.broadcast %and3A_722 : i32 to vector<16xi32>
        %and3A_724 = arith.andi %add3A_721, %and3A_723 : vector<16xi32>
        %add3A_725 = arith.constant 57 : i32
        %add3A_726 = vector.broadcast %add3A_725 : i32 to vector<16xi32>
        %add3A_727 = arith.addi %add3A_726, %iota3A : vector<16xi32>
        %and3A_728 = arith.constant 127 : i32
        %and3A_729 = vector.broadcast %and3A_728 : i32 to vector<16xi32>
        %and3A_730 = arith.andi %add3A_727, %and3A_729 : vector<16xi32>
        %add3A_731 = arith.constant 58 : i32
        %add3A_732 = vector.broadcast %add3A_731 : i32 to vector<16xi32>
        %add3A_733 = arith.addi %add3A_732, %iota3A : vector<16xi32>
        %and3A_734 = arith.constant 127 : i32
        %and3A_735 = vector.broadcast %and3A_734 : i32 to vector<16xi32>
        %and3A_736 = arith.andi %add3A_733, %and3A_735 : vector<16xi32>
        %add3A_737 = arith.constant 59 : i32
        %add3A_738 = vector.broadcast %add3A_737 : i32 to vector<16xi32>
        %add3A_739 = arith.addi %add3A_738, %iota3A : vector<16xi32>
        %and3A_740 = arith.constant 127 : i32
        %and3A_741 = vector.broadcast %and3A_740 : i32 to vector<16xi32>
        %and3A_742 = arith.andi %add3A_739, %and3A_741 : vector<16xi32>
        %add3A_743 = arith.constant 60 : i32
        %add3A_744 = vector.broadcast %add3A_743 : i32 to vector<16xi32>
        %add3A_745 = arith.addi %add3A_744, %iota3A : vector<16xi32>
        %and3A_746 = arith.constant 127 : i32
        %and3A_747 = vector.broadcast %and3A_746 : i32 to vector<16xi32>
        %and3A_748 = arith.andi %add3A_745, %and3A_747 : vector<16xi32>
        %add3A_749 = arith.constant 61 : i32
        %add3A_750 = vector.broadcast %add3A_749 : i32 to vector<16xi32>
        %add3A_751 = arith.addi %add3A_750, %iota3A : vector<16xi32>
        %and3A_752 = arith.constant 127 : i32
        %and3A_753 = vector.broadcast %and3A_752 : i32 to vector<16xi32>
        %and3A_754 = arith.andi %add3A_751, %and3A_753 : vector<16xi32>
        %add3A_755 = arith.constant 62 : i32
        %add3A_756 = vector.broadcast %add3A_755 : i32 to vector<16xi32>
        %add3A_757 = arith.addi %add3A_756, %iota3A : vector<16xi32>
        %and3A_758 = arith.constant 127 : i32
        %and3A_759 = vector.broadcast %and3A_758 : i32 to vector<16xi32>
        %and3A_760 = arith.andi %add3A_757, %and3A_759 : vector<16xi32>
        %add3A_761 = arith.constant 63 : i32
        %add3A_762 = vector.broadcast %add3A_761 : i32 to vector<16xi32>
        %add3A_763 = arith.addi %add3A_762, %iota3A : vector<16xi32>
        %and3A_764 = arith.constant 127 : i32
        %and3A_765 = vector.broadcast %and3A_764 : i32 to vector<16xi32>
        %and3A_766 = arith.andi %add3A_763, %and3A_765 : vector<16xi32>
        %gather3A_767 = tpu.vector_load_idx %arg14[%get3A_323, %and3A_724] : memref<504x128xf32, #tpu.memory_space<vmem>>[vector<16xi32>, vector<16xi32>], vector<16xf32>,
        %gather3A_768 = tpu.vector_load_idx %arg14[%get3A_323, %and3A_730] : memref<504x128xf32, #tpu.memory_space<vmem>>[vector<16xi32>, vector<16xi32>], vector<16xf32>,
        %gather3A_769 = tpu.vector_load_idx %arg14[%get3A_323, %and3A_736] : memref<504x128xf32, #tpu.memory_space<vmem>>[vector<16xi32>, vector<16xi32>], vector<16xf32>,
        %gather3A_770 = tpu.vector_load_idx %arg14[%get3A_323, %and3A_742] : memref<504x128xf32, #tpu.memory_space<vmem>>[vector<16xi32>, vector<16xi32>], vector<16xf32>,
        %gather3A_771 = tpu.vector_load_idx %arg14[%get3A_323, %and3A_748] : memref<504x128xf32, #tpu.memory_space<vmem>>[vector<16xi32>, vector<16xi32>], vector<16xf32>,
        %gather3A_772 = tpu.vector_load_idx %arg14[%get3A_323, %and3A_754] : memref<504x128xf32, #tpu.memory_space<vmem>>[vector<16xi32>, vector<16xi32>], vector<16xf32>,
        %gather3A_773 = tpu.vector_load_idx %arg14[%get3A_323, %and3A_760] : memref<504x128xf32, #tpu.memory_space<vmem>>[vector<16xi32>, vector<16xi32>], vector<16xf32>,
        %gather3A_774 = tpu.vector_load_idx %arg14[%get3A_323, %and3A_766] : memref<504x128xf32, #tpu.memory_space<vmem>>[vector<16xi32>, vector<16xi32>], vector<16xf32>,
        tpu.vector_store_idx %arg16[%and3A_724, %add3A_327], %gather3A_767 : memref<128x128xf32, #tpu.memory_space<vmem>>[vector<16xi32>, vector<16xi32>], vector<16xf32>,
        tpu.vector_store_idx %arg16[%and3A_730, %add3A_327], %gather3A_768 : memref<128x128xf32, #tpu.memory_space<vmem>>[vector<16xi32>, vector<16xi32>], vector<16xf32>,
        tpu.vector_store_idx %arg16[%and3A_736, %add3A_327], %gather3A_769 : memref<128x128xf32, #tpu.memory_space<vmem>>[vector<16xi32>, vector<16xi32>], vector<16xf32>,
        tpu.vector_store_idx %arg16[%and3A_742, %add3A_327], %gather3A_770 : memref<128x128xf32, #tpu.memory_space<vmem>>[vector<16xi32>, vector<16xi32>], vector<16xf32>,
        tpu.vector_store_idx %arg16[%and3A_748, %add3A_327], %gather3A_771 : memref<128x128xf32, #tpu.memory_space<vmem>>[vector<16xi32>, vector<16xi32>], vector<16xf32>,
        tpu.vector_store_idx %arg16[%and3A_754, %add3A_327], %gather3A_772 : memref<128x128xf32, #tpu.memory_space<vmem>>[vector<16xi32>, vector<16xi32>], vector<16xf32>,
        tpu.vector_store_idx %arg16[%and3A_760, %add3A_327], %gather3A_773 : memref<128x128xf32, #tpu.memory_space<vmem>>[vector<16xi32>, vector<16xi32>], vector<16xf32>,
        tpu.vector_store_idx %arg16[%and3A_766, %add3A_327], %gather3A_774 : memref<128x128xf32, #tpu.memory_space<vmem>>[vector<16xi32>, vector<16xi32>], vector<16xf32>,
        %add3A_775 = arith.constant 64 : i32
        %add3A_776 = vector.broadcast %add3A_775 : i32 to vector<16xi32>
        %add3A_777 = arith.addi %add3A_776, %iota3A : vector<16xi32>
        %and3A_778 = arith.constant 127 : i32
        %and3A_779 = vector.broadcast %and3A_778 : i32 to vector<16xi32>
        %and3A_780 = arith.andi %add3A_777, %and3A_779 : vector<16xi32>
        %add3A_781 = arith.constant 65 : i32
        %add3A_782 = vector.broadcast %add3A_781 : i32 to vector<16xi32>
        %add3A_783 = arith.addi %add3A_782, %iota3A : vector<16xi32>
        %and3A_784 = arith.constant 127 : i32
        %and3A_785 = vector.broadcast %and3A_784 : i32 to vector<16xi32>
        %and3A_786 = arith.andi %add3A_783, %and3A_785 : vector<16xi32>
        %add3A_787 = arith.constant 66 : i32
        %add3A_788 = vector.broadcast %add3A_787 : i32 to vector<16xi32>
        %add3A_789 = arith.addi %add3A_788, %iota3A : vector<16xi32>
        %and3A_790 = arith.constant 127 : i32
        %and3A_791 = vector.broadcast %and3A_790 : i32 to vector<16xi32>
        %and3A_792 = arith.andi %add3A_789, %and3A_791 : vector<16xi32>
        %add3A_793 = arith.constant 67 : i32
        %add3A_794 = vector.broadcast %add3A_793 : i32 to vector<16xi32>
        %add3A_795 = arith.addi %add3A_794, %iota3A : vector<16xi32>
        %and3A_796 = arith.constant 127 : i32
        %and3A_797 = vector.broadcast %and3A_796 : i32 to vector<16xi32>
        %and3A_798 = arith.andi %add3A_795, %and3A_797 : vector<16xi32>
        %add3A_799 = arith.constant 68 : i32
        %add3A_800 = vector.broadcast %add3A_799 : i32 to vector<16xi32>
        %add3A_801 = arith.addi %add3A_800, %iota3A : vector<16xi32>
        %and3A_802 = arith.constant 127 : i32
        %and3A_803 = vector.broadcast %and3A_802 : i32 to vector<16xi32>
        %and3A_804 = arith.andi %add3A_801, %and3A_803 : vector<16xi32>
        %add3A_805 = arith.constant 69 : i32
        %add3A_806 = vector.broadcast %add3A_805 : i32 to vector<16xi32>
        %add3A_807 = arith.addi %add3A_806, %iota3A : vector<16xi32>
        %and3A_808 = arith.constant 127 : i32
        %and3A_809 = vector.broadcast %and3A_808 : i32 to vector<16xi32>
        %and3A_810 = arith.andi %add3A_807, %and3A_809 : vector<16xi32>
        %add3A_811 = arith.constant 70 : i32
        %add3A_812 = vector.broadcast %add3A_811 : i32 to vector<16xi32>
        %add3A_813 = arith.addi %add3A_812, %iota3A : vector<16xi32>
        %and3A_814 = arith.constant 127 : i32
        %and3A_815 = vector.broadcast %and3A_814 : i32 to vector<16xi32>
        %and3A_816 = arith.andi %add3A_813, %and3A_815 : vector<16xi32>
        %add3A_817 = arith.constant 71 : i32
        %add3A_818 = vector.broadcast %add3A_817 : i32 to vector<16xi32>
        %add3A_819 = arith.addi %add3A_818, %iota3A : vector<16xi32>
        %and3A_820 = arith.constant 127 : i32
        %and3A_821 = vector.broadcast %and3A_820 : i32 to vector<16xi32>
        %and3A_822 = arith.andi %add3A_819, %and3A_821 : vector<16xi32>
        %gather3A_823 = tpu.vector_load_idx %arg14[%get3A_323, %and3A_780] : memref<504x128xf32, #tpu.memory_space<vmem>>[vector<16xi32>, vector<16xi32>], vector<16xf32>,
        %gather3A_824 = tpu.vector_load_idx %arg14[%get3A_323, %and3A_786] : memref<504x128xf32, #tpu.memory_space<vmem>>[vector<16xi32>, vector<16xi32>], vector<16xf32>,
        %gather3A_825 = tpu.vector_load_idx %arg14[%get3A_323, %and3A_792] : memref<504x128xf32, #tpu.memory_space<vmem>>[vector<16xi32>, vector<16xi32>], vector<16xf32>,
        %gather3A_826 = tpu.vector_load_idx %arg14[%get3A_323, %and3A_798] : memref<504x128xf32, #tpu.memory_space<vmem>>[vector<16xi32>, vector<16xi32>], vector<16xf32>,
        %gather3A_827 = tpu.vector_load_idx %arg14[%get3A_323, %and3A_804] : memref<504x128xf32, #tpu.memory_space<vmem>>[vector<16xi32>, vector<16xi32>], vector<16xf32>,
        %gather3A_828 = tpu.vector_load_idx %arg14[%get3A_323, %and3A_810] : memref<504x128xf32, #tpu.memory_space<vmem>>[vector<16xi32>, vector<16xi32>], vector<16xf32>,
        %gather3A_829 = tpu.vector_load_idx %arg14[%get3A_323, %and3A_816] : memref<504x128xf32, #tpu.memory_space<vmem>>[vector<16xi32>, vector<16xi32>], vector<16xf32>,
        %gather3A_830 = tpu.vector_load_idx %arg14[%get3A_323, %and3A_822] : memref<504x128xf32, #tpu.memory_space<vmem>>[vector<16xi32>, vector<16xi32>], vector<16xf32>,
        tpu.vector_store_idx %arg16[%and3A_780, %add3A_327], %gather3A_823 : memref<128x128xf32, #tpu.memory_space<vmem>>[vector<16xi32>, vector<16xi32>], vector<16xf32>,
        tpu.vector_store_idx %arg16[%and3A_786, %add3A_327], %gather3A_824 : memref<128x128xf32, #tpu.memory_space<vmem>>[vector<16xi32>, vector<16xi32>], vector<16xf32>,
        tpu.vector_store_idx %arg16[%and3A_792, %add3A_327], %gather3A_825 : memref<128x128xf32, #tpu.memory_space<vmem>>[vector<16xi32>, vector<16xi32>], vector<16xf32>,
        tpu.vector_store_idx %arg16[%and3A_798, %add3A_327], %gather3A_826 : memref<128x128xf32, #tpu.memory_space<vmem>>[vector<16xi32>, vector<16xi32>], vector<16xf32>,
        tpu.vector_store_idx %arg16[%and3A_804, %add3A_327], %gather3A_827 : memref<128x128xf32, #tpu.memory_space<vmem>>[vector<16xi32>, vector<16xi32>], vector<16xf32>,
        tpu.vector_store_idx %arg16[%and3A_810, %add3A_327], %gather3A_828 : memref<128x128xf32, #tpu.memory_space<vmem>>[vector<16xi32>, vector<16xi32>], vector<16xf32>,
        tpu.vector_store_idx %arg16[%and3A_816, %add3A_327], %gather3A_829 : memref<128x128xf32, #tpu.memory_space<vmem>>[vector<16xi32>, vector<16xi32>], vector<16xf32>,
        tpu.vector_store_idx %arg16[%and3A_822, %add3A_327], %gather3A_830 : memref<128x128xf32, #tpu.memory_space<vmem>>[vector<16xi32>, vector<16xi32>], vector<16xf32>,
        %add3A_831 = arith.constant 72 : i32
        %add3A_832 = vector.broadcast %add3A_831 : i32 to vector<16xi32>
        %add3A_833 = arith.addi %add3A_832, %iota3A : vector<16xi32>
        %and3A_834 = arith.constant 127 : i32
        %and3A_835 = vector.broadcast %and3A_834 : i32 to vector<16xi32>
        %and3A_836 = arith.andi %add3A_833, %and3A_835 : vector<16xi32>
        %add3A_837 = arith.constant 73 : i32
        %add3A_838 = vector.broadcast %add3A_837 : i32 to vector<16xi32>
        %add3A_839 = arith.addi %add3A_838, %iota3A : vector<16xi32>
        %and3A_840 = arith.constant 127 : i32
        %and3A_841 = vector.broadcast %and3A_840 : i32 to vector<16xi32>
        %and3A_842 = arith.andi %add3A_839, %and3A_841 : vector<16xi32>
        %add3A_843 = arith.constant 74 : i32
        %add3A_844 = vector.broadcast %add3A_843 : i32 to vector<16xi32>
        %add3A_845 = arith.addi %add3A_844, %iota3A : vector<16xi32>
        %and3A_846 = arith.constant 127 : i32
        %and3A_847 = vector.broadcast %and3A_846 : i32 to vector<16xi32>
        %and3A_848 = arith.andi %add3A_845, %and3A_847 : vector<16xi32>
        %add3A_849 = arith.constant 75 : i32
        %add3A_850 = vector.broadcast %add3A_849 : i32 to vector<16xi32>
        %add3A_851 = arith.addi %add3A_850, %iota3A : vector<16xi32>
        %and3A_852 = arith.constant 127 : i32
        %and3A_853 = vector.broadcast %and3A_852 : i32 to vector<16xi32>
        %and3A_854 = arith.andi %add3A_851, %and3A_853 : vector<16xi32>
        %add3A_855 = arith.constant 76 : i32
        %add3A_856 = vector.broadcast %add3A_855 : i32 to vector<16xi32>
        %add3A_857 = arith.addi %add3A_856, %iota3A : vector<16xi32>
        %and3A_858 = arith.constant 127 : i32
        %and3A_859 = vector.broadcast %and3A_858 : i32 to vector<16xi32>
        %and3A_860 = arith.andi %add3A_857, %and3A_859 : vector<16xi32>
        %add3A_861 = arith.constant 77 : i32
        %add3A_862 = vector.broadcast %add3A_861 : i32 to vector<16xi32>
        %add3A_863 = arith.addi %add3A_862, %iota3A : vector<16xi32>
        %and3A_864 = arith.constant 127 : i32
        %and3A_865 = vector.broadcast %and3A_864 : i32 to vector<16xi32>
        %and3A_866 = arith.andi %add3A_863, %and3A_865 : vector<16xi32>
        %add3A_867 = arith.constant 78 : i32
        %add3A_868 = vector.broadcast %add3A_867 : i32 to vector<16xi32>
        %add3A_869 = arith.addi %add3A_868, %iota3A : vector<16xi32>
        %and3A_870 = arith.constant 127 : i32
        %and3A_871 = vector.broadcast %and3A_870 : i32 to vector<16xi32>
        %and3A_872 = arith.andi %add3A_869, %and3A_871 : vector<16xi32>
        %add3A_873 = arith.constant 79 : i32
        %add3A_874 = vector.broadcast %add3A_873 : i32 to vector<16xi32>
        %add3A_875 = arith.addi %add3A_874, %iota3A : vector<16xi32>
        %and3A_876 = arith.constant 127 : i32
        %and3A_877 = vector.broadcast %and3A_876 : i32 to vector<16xi32>
        %and3A_878 = arith.andi %add3A_875, %and3A_877 : vector<16xi32>
        %gather3A_879 = tpu.vector_load_idx %arg14[%get3A_323, %and3A_836] : memref<504x128xf32, #tpu.memory_space<vmem>>[vector<16xi32>, vector<16xi32>], vector<16xf32>,
        %gather3A_880 = tpu.vector_load_idx %arg14[%get3A_323, %and3A_842] : memref<504x128xf32, #tpu.memory_space<vmem>>[vector<16xi32>, vector<16xi32>], vector<16xf32>,
        %gather3A_881 = tpu.vector_load_idx %arg14[%get3A_323, %and3A_848] : memref<504x128xf32, #tpu.memory_space<vmem>>[vector<16xi32>, vector<16xi32>], vector<16xf32>,
        %gather3A_882 = tpu.vector_load_idx %arg14[%get3A_323, %and3A_854] : memref<504x128xf32, #tpu.memory_space<vmem>>[vector<16xi32>, vector<16xi32>], vector<16xf32>,
        %gather3A_883 = tpu.vector_load_idx %arg14[%get3A_323, %and3A_860] : memref<504x128xf32, #tpu.memory_space<vmem>>[vector<16xi32>, vector<16xi32>], vector<16xf32>,
        %gather3A_884 = tpu.vector_load_idx %arg14[%get3A_323, %and3A_866] : memref<504x128xf32, #tpu.memory_space<vmem>>[vector<16xi32>, vector<16xi32>], vector<16xf32>,
        %gather3A_885 = tpu.vector_load_idx %arg14[%get3A_323, %and3A_872] : memref<504x128xf32, #tpu.memory_space<vmem>>[vector<16xi32>, vector<16xi32>], vector<16xf32>,
        %gather3A_886 = tpu.vector_load_idx %arg14[%get3A_323, %and3A_878] : memref<504x128xf32, #tpu.memory_space<vmem>>[vector<16xi32>, vector<16xi32>], vector<16xf32>,
        tpu.vector_store_idx %arg16[%and3A_836, %add3A_327], %gather3A_879 : memref<128x128xf32, #tpu.memory_space<vmem>>[vector<16xi32>, vector<16xi32>], vector<16xf32>,
        tpu.vector_store_idx %arg16[%and3A_842, %add3A_327], %gather3A_880 : memref<128x128xf32, #tpu.memory_space<vmem>>[vector<16xi32>, vector<16xi32>], vector<16xf32>,
        tpu.vector_store_idx %arg16[%and3A_848, %add3A_327], %gather3A_881 : memref<128x128xf32, #tpu.memory_space<vmem>>[vector<16xi32>, vector<16xi32>], vector<16xf32>,
        tpu.vector_store_idx %arg16[%and3A_854, %add3A_327], %gather3A_882 : memref<128x128xf32, #tpu.memory_space<vmem>>[vector<16xi32>, vector<16xi32>], vector<16xf32>,
        tpu.vector_store_idx %arg16[%and3A_860, %add3A_327], %gather3A_883 : memref<128x128xf32, #tpu.memory_space<vmem>>[vector<16xi32>, vector<16xi32>], vector<16xf32>,
        tpu.vector_store_idx %arg16[%and3A_866, %add3A_327], %gather3A_884 : memref<128x128xf32, #tpu.memory_space<vmem>>[vector<16xi32>, vector<16xi32>], vector<16xf32>,
        tpu.vector_store_idx %arg16[%and3A_872, %add3A_327], %gather3A_885 : memref<128x128xf32, #tpu.memory_space<vmem>>[vector<16xi32>, vector<16xi32>], vector<16xf32>,
        tpu.vector_store_idx %arg16[%and3A_878, %add3A_327], %gather3A_886 : memref<128x128xf32, #tpu.memory_space<vmem>>[vector<16xi32>, vector<16xi32>], vector<16xf32>,
        %add3A_887 = arith.constant 80 : i32
        %add3A_888 = vector.broadcast %add3A_887 : i32 to vector<16xi32>
        %add3A_889 = arith.addi %add3A_888, %iota3A : vector<16xi32>
        %and3A_890 = arith.constant 127 : i32
        %and3A_891 = vector.broadcast %and3A_890 : i32 to vector<16xi32>
        %and3A_892 = arith.andi %add3A_889, %and3A_891 : vector<16xi32>
        %add3A_893 = arith.constant 81 : i32
        %add3A_894 = vector.broadcast %add3A_893 : i32 to vector<16xi32>
        %add3A_895 = arith.addi %add3A_894, %iota3A : vector<16xi32>
        %and3A_896 = arith.constant 127 : i32
        %and3A_897 = vector.broadcast %and3A_896 : i32 to vector<16xi32>
        %and3A_898 = arith.andi %add3A_895, %and3A_897 : vector<16xi32>
        %add3A_899 = arith.constant 82 : i32
        %add3A_900 = vector.broadcast %add3A_899 : i32 to vector<16xi32>
        %add3A_901 = arith.addi %add3A_900, %iota3A : vector<16xi32>
        %and3A_902 = arith.constant 127 : i32
        %and3A_903 = vector.broadcast %and3A_902 : i32 to vector<16xi32>
        %and3A_904 = arith.andi %add3A_901, %and3A_903 : vector<16xi32>
        %add3A_905 = arith.constant 83 : i32
        %add3A_906 = vector.broadcast %add3A_905 : i32 to vector<16xi32>
        %add3A_907 = arith.addi %add3A_906, %iota3A : vector<16xi32>
        %and3A_908 = arith.constant 127 : i32
        %and3A_909 = vector.broadcast %and3A_908 : i32 to vector<16xi32>
        %and3A_910 = arith.andi %add3A_907, %and3A_909 : vector<16xi32>
        %add3A_911 = arith.constant 84 : i32
        %add3A_912 = vector.broadcast %add3A_911 : i32 to vector<16xi32>
        %add3A_913 = arith.addi %add3A_912, %iota3A : vector<16xi32>
        %and3A_914 = arith.constant 127 : i32
        %and3A_915 = vector.broadcast %and3A_914 : i32 to vector<16xi32>
        %and3A_916 = arith.andi %add3A_913, %and3A_915 : vector<16xi32>
        %add3A_917 = arith.constant 85 : i32
        %add3A_918 = vector.broadcast %add3A_917 : i32 to vector<16xi32>
        %add3A_919 = arith.addi %add3A_918, %iota3A : vector<16xi32>
        %and3A_920 = arith.constant 127 : i32
        %and3A_921 = vector.broadcast %and3A_920 : i32 to vector<16xi32>
        %and3A_922 = arith.andi %add3A_919, %and3A_921 : vector<16xi32>
        %add3A_923 = arith.constant 86 : i32
        %add3A_924 = vector.broadcast %add3A_923 : i32 to vector<16xi32>
        %add3A_925 = arith.addi %add3A_924, %iota3A : vector<16xi32>
        %and3A_926 = arith.constant 127 : i32
        %and3A_927 = vector.broadcast %and3A_926 : i32 to vector<16xi32>
        %and3A_928 = arith.andi %add3A_925, %and3A_927 : vector<16xi32>
        %add3A_929 = arith.constant 87 : i32
        %add3A_930 = vector.broadcast %add3A_929 : i32 to vector<16xi32>
        %add3A_931 = arith.addi %add3A_930, %iota3A : vector<16xi32>
        %and3A_932 = arith.constant 127 : i32
        %and3A_933 = vector.broadcast %and3A_932 : i32 to vector<16xi32>
        %and3A_934 = arith.andi %add3A_931, %and3A_933 : vector<16xi32>
        %gather3A_935 = tpu.vector_load_idx %arg14[%get3A_323, %and3A_892] : memref<504x128xf32, #tpu.memory_space<vmem>>[vector<16xi32>, vector<16xi32>], vector<16xf32>,
        %gather3A_936 = tpu.vector_load_idx %arg14[%get3A_323, %and3A_898] : memref<504x128xf32, #tpu.memory_space<vmem>>[vector<16xi32>, vector<16xi32>], vector<16xf32>,
        %gather3A_937 = tpu.vector_load_idx %arg14[%get3A_323, %and3A_904] : memref<504x128xf32, #tpu.memory_space<vmem>>[vector<16xi32>, vector<16xi32>], vector<16xf32>,
        %gather3A_938 = tpu.vector_load_idx %arg14[%get3A_323, %and3A_910] : memref<504x128xf32, #tpu.memory_space<vmem>>[vector<16xi32>, vector<16xi32>], vector<16xf32>,
        %gather3A_939 = tpu.vector_load_idx %arg14[%get3A_323, %and3A_916] : memref<504x128xf32, #tpu.memory_space<vmem>>[vector<16xi32>, vector<16xi32>], vector<16xf32>,
        %gather3A_940 = tpu.vector_load_idx %arg14[%get3A_323, %and3A_922] : memref<504x128xf32, #tpu.memory_space<vmem>>[vector<16xi32>, vector<16xi32>], vector<16xf32>,
        %gather3A_941 = tpu.vector_load_idx %arg14[%get3A_323, %and3A_928] : memref<504x128xf32, #tpu.memory_space<vmem>>[vector<16xi32>, vector<16xi32>], vector<16xf32>,
        %gather3A_942 = tpu.vector_load_idx %arg14[%get3A_323, %and3A_934] : memref<504x128xf32, #tpu.memory_space<vmem>>[vector<16xi32>, vector<16xi32>], vector<16xf32>,
        tpu.vector_store_idx %arg16[%and3A_892, %add3A_327], %gather3A_935 : memref<128x128xf32, #tpu.memory_space<vmem>>[vector<16xi32>, vector<16xi32>], vector<16xf32>,
        tpu.vector_store_idx %arg16[%and3A_898, %add3A_327], %gather3A_936 : memref<128x128xf32, #tpu.memory_space<vmem>>[vector<16xi32>, vector<16xi32>], vector<16xf32>,
        tpu.vector_store_idx %arg16[%and3A_904, %add3A_327], %gather3A_937 : memref<128x128xf32, #tpu.memory_space<vmem>>[vector<16xi32>, vector<16xi32>], vector<16xf32>,
        tpu.vector_store_idx %arg16[%and3A_910, %add3A_327], %gather3A_938 : memref<128x128xf32, #tpu.memory_space<vmem>>[vector<16xi32>, vector<16xi32>], vector<16xf32>,
        tpu.vector_store_idx %arg16[%and3A_916, %add3A_327], %gather3A_939 : memref<128x128xf32, #tpu.memory_space<vmem>>[vector<16xi32>, vector<16xi32>], vector<16xf32>,
        tpu.vector_store_idx %arg16[%and3A_922, %add3A_327], %gather3A_940 : memref<128x128xf32, #tpu.memory_space<vmem>>[vector<16xi32>, vector<16xi32>], vector<16xf32>,
        tpu.vector_store_idx %arg16[%and3A_928, %add3A_327], %gather3A_941 : memref<128x128xf32, #tpu.memory_space<vmem>>[vector<16xi32>, vector<16xi32>], vector<16xf32>,
        tpu.vector_store_idx %arg16[%and3A_934, %add3A_327], %gather3A_942 : memref<128x128xf32, #tpu.memory_space<vmem>>[vector<16xi32>, vector<16xi32>], vector<16xf32>,
        %add3A_943 = arith.constant 88 : i32
        %add3A_944 = vector.broadcast %add3A_943 : i32 to vector<16xi32>
        %add3A_945 = arith.addi %add3A_944, %iota3A : vector<16xi32>
        %and3A_946 = arith.constant 127 : i32
        %and3A_947 = vector.broadcast %and3A_946 : i32 to vector<16xi32>
        %and3A_948 = arith.andi %add3A_945, %and3A_947 : vector<16xi32>
        %add3A_949 = arith.constant 89 : i32
        %add3A_950 = vector.broadcast %add3A_949 : i32 to vector<16xi32>
        %add3A_951 = arith.addi %add3A_950, %iota3A : vector<16xi32>
        %and3A_952 = arith.constant 127 : i32
        %and3A_953 = vector.broadcast %and3A_952 : i32 to vector<16xi32>
        %and3A_954 = arith.andi %add3A_951, %and3A_953 : vector<16xi32>
        %add3A_955 = arith.constant 90 : i32
        %add3A_956 = vector.broadcast %add3A_955 : i32 to vector<16xi32>
        %add3A_957 = arith.addi %add3A_956, %iota3A : vector<16xi32>
        %and3A_958 = arith.constant 127 : i32
        %and3A_959 = vector.broadcast %and3A_958 : i32 to vector<16xi32>
        %and3A_960 = arith.andi %add3A_957, %and3A_959 : vector<16xi32>
        %add3A_961 = arith.constant 91 : i32
        %add3A_962 = vector.broadcast %add3A_961 : i32 to vector<16xi32>
        %add3A_963 = arith.addi %add3A_962, %iota3A : vector<16xi32>
        %and3A_964 = arith.constant 127 : i32
        %and3A_965 = vector.broadcast %and3A_964 : i32 to vector<16xi32>
        %and3A_966 = arith.andi %add3A_963, %and3A_965 : vector<16xi32>
        %add3A_967 = arith.constant 92 : i32
        %add3A_968 = vector.broadcast %add3A_967 : i32 to vector<16xi32>
        %add3A_969 = arith.addi %add3A_968, %iota3A : vector<16xi32>
        %and3A_970 = arith.constant 127 : i32
        %and3A_971 = vector.broadcast %and3A_970 : i32 to vector<16xi32>
        %and3A_972 = arith.andi %add3A_969, %and3A_971 : vector<16xi32>
        %add3A_973 = arith.constant 93 : i32
        %add3A_974 = vector.broadcast %add3A_973 : i32 to vector<16xi32>
        %add3A_975 = arith.addi %add3A_974, %iota3A : vector<16xi32>
        %and3A_976 = arith.constant 127 : i32
        %and3A_977 = vector.broadcast %and3A_976 : i32 to vector<16xi32>
        %and3A_978 = arith.andi %add3A_975, %and3A_977 : vector<16xi32>
        %add3A_979 = arith.constant 94 : i32
        %add3A_980 = vector.broadcast %add3A_979 : i32 to vector<16xi32>
        %add3A_981 = arith.addi %add3A_980, %iota3A : vector<16xi32>
        %and3A_982 = arith.constant 127 : i32
        %and3A_983 = vector.broadcast %and3A_982 : i32 to vector<16xi32>
        %and3A_984 = arith.andi %add3A_981, %and3A_983 : vector<16xi32>
        %add3A_985 = arith.constant 95 : i32
        %add3A_986 = vector.broadcast %add3A_985 : i32 to vector<16xi32>
        %add3A_987 = arith.addi %add3A_986, %iota3A : vector<16xi32>
        %and3A_988 = arith.constant 127 : i32
        %and3A_989 = vector.broadcast %and3A_988 : i32 to vector<16xi32>
        %and3A_990 = arith.andi %add3A_987, %and3A_989 : vector<16xi32>
        %gather3A_991 = tpu.vector_load_idx %arg14[%get3A_323, %and3A_948] : memref<504x128xf32, #tpu.memory_space<vmem>>[vector<16xi32>, vector<16xi32>], vector<16xf32>,
        %gather3A_992 = tpu.vector_load_idx %arg14[%get3A_323, %and3A_954] : memref<504x128xf32, #tpu.memory_space<vmem>>[vector<16xi32>, vector<16xi32>], vector<16xf32>,
        %gather3A_993 = tpu.vector_load_idx %arg14[%get3A_323, %and3A_960] : memref<504x128xf32, #tpu.memory_space<vmem>>[vector<16xi32>, vector<16xi32>], vector<16xf32>,
        %gather3A_994 = tpu.vector_load_idx %arg14[%get3A_323, %and3A_966] : memref<504x128xf32, #tpu.memory_space<vmem>>[vector<16xi32>, vector<16xi32>], vector<16xf32>,
        %gather3A_995 = tpu.vector_load_idx %arg14[%get3A_323, %and3A_972] : memref<504x128xf32, #tpu.memory_space<vmem>>[vector<16xi32>, vector<16xi32>], vector<16xf32>,
        %gather3A_996 = tpu.vector_load_idx %arg14[%get3A_323, %and3A_978] : memref<504x128xf32, #tpu.memory_space<vmem>>[vector<16xi32>, vector<16xi32>], vector<16xf32>,
        %gather3A_997 = tpu.vector_load_idx %arg14[%get3A_323, %and3A_984] : memref<504x128xf32, #tpu.memory_space<vmem>>[vector<16xi32>, vector<16xi32>], vector<16xf32>,
        %gather3A_998 = tpu.vector_load_idx %arg14[%get3A_323, %and3A_990] : memref<504x128xf32, #tpu.memory_space<vmem>>[vector<16xi32>, vector<16xi32>], vector<16xf32>,
        tpu.vector_store_idx %arg16[%and3A_948, %add3A_327], %gather3A_991 : memref<128x128xf32, #tpu.memory_space<vmem>>[vector<16xi32>, vector<16xi32>], vector<16xf32>,
        tpu.vector_store_idx %arg16[%and3A_954, %add3A_327], %gather3A_992 : memref<128x128xf32, #tpu.memory_space<vmem>>[vector<16xi32>, vector<16xi32>], vector<16xf32>,
        tpu.vector_store_idx %arg16[%and3A_960, %add3A_327], %gather3A_993 : memref<128x128xf32, #tpu.memory_space<vmem>>[vector<16xi32>, vector<16xi32>], vector<16xf32>,
        tpu.vector_store_idx %arg16[%and3A_966, %add3A_327], %gather3A_994 : memref<128x128xf32, #tpu.memory_space<vmem>>[vector<16xi32>, vector<16xi32>], vector<16xf32>,
        tpu.vector_store_idx %arg16[%and3A_972, %add3A_327], %gather3A_995 : memref<128x128xf32, #tpu.memory_space<vmem>>[vector<16xi32>, vector<16xi32>], vector<16xf32>,
        tpu.vector_store_idx %arg16[%and3A_978, %add3A_327], %gather3A_996 : memref<128x128xf32, #tpu.memory_space<vmem>>[vector<16xi32>, vector<16xi32>], vector<16xf32>,
        tpu.vector_store_idx %arg16[%and3A_984, %add3A_327], %gather3A_997 : memref<128x128xf32, #tpu.memory_space<vmem>>[vector<16xi32>, vector<16xi32>], vector<16xf32>,
        tpu.vector_store_idx %arg16[%and3A_990, %add3A_327], %gather3A_998 : memref<128x128xf32, #tpu.memory_space<vmem>>[vector<16xi32>, vector<16xi32>], vector<16xf32>,
        %add3A_999 = arith.constant 96 : i32
        %add3A_1000 = vector.broadcast %add3A_999 : i32 to vector<16xi32>
        %add3A_1001 = arith.addi %add3A_1000, %iota3A : vector<16xi32>
        %and3A_1002 = arith.constant 127 : i32
        %and3A_1003 = vector.broadcast %and3A_1002 : i32 to vector<16xi32>
        %and3A_1004 = arith.andi %add3A_1001, %and3A_1003 : vector<16xi32>
        %add3A_1005 = arith.constant 97 : i32
        %add3A_1006 = vector.broadcast %add3A_1005 : i32 to vector<16xi32>
        %add3A_1007 = arith.addi %add3A_1006, %iota3A : vector<16xi32>
        %and3A_1008 = arith.constant 127 : i32
        %and3A_1009 = vector.broadcast %and3A_1008 : i32 to vector<16xi32>
        %and3A_1010 = arith.andi %add3A_1007, %and3A_1009 : vector<16xi32>
        %add3A_1011 = arith.constant 98 : i32
        %add3A_1012 = vector.broadcast %add3A_1011 : i32 to vector<16xi32>
        %add3A_1013 = arith.addi %add3A_1012, %iota3A : vector<16xi32>
        %and3A_1014 = arith.constant 127 : i32
        %and3A_1015 = vector.broadcast %and3A_1014 : i32 to vector<16xi32>
        %and3A_1016 = arith.andi %add3A_1013, %and3A_1015 : vector<16xi32>
        %add3A_1017 = arith.constant 99 : i32
        %add3A_1018 = vector.broadcast %add3A_1017 : i32 to vector<16xi32>
        %add3A_1019 = arith.addi %add3A_1018, %iota3A : vector<16xi32>
        %and3A_1020 = arith.constant 127 : i32
        %and3A_1021 = vector.broadcast %and3A_1020 : i32 to vector<16xi32>
        %and3A_1022 = arith.andi %add3A_1019, %and3A_1021 : vector<16xi32>
        %add3A_1023 = arith.constant 100 : i32
        %add3A_1024 = vector.broadcast %add3A_1023 : i32 to vector<16xi32>
        %add3A_1025 = arith.addi %add3A_1024, %iota3A : vector<16xi32>
        %and3A_1026 = arith.constant 127 : i32
        %and3A_1027 = vector.broadcast %and3A_1026 : i32 to vector<16xi32>
        %and3A_1028 = arith.andi %add3A_1025, %and3A_1027 : vector<16xi32>
        %add3A_1029 = arith.constant 101 : i32
        %add3A_1030 = vector.broadcast %add3A_1029 : i32 to vector<16xi32>
        %add3A_1031 = arith.addi %add3A_1030, %iota3A : vector<16xi32>
        %and3A_1032 = arith.constant 127 : i32
        %and3A_1033 = vector.broadcast %and3A_1032 : i32 to vector<16xi32>
        %and3A_1034 = arith.andi %add3A_1031, %and3A_1033 : vector<16xi32>
        %add3A_1035 = arith.constant 102 : i32
        %add3A_1036 = vector.broadcast %add3A_1035 : i32 to vector<16xi32>
        %add3A_1037 = arith.addi %add3A_1036, %iota3A : vector<16xi32>
        %and3A_1038 = arith.constant 127 : i32
        %and3A_1039 = vector.broadcast %and3A_1038 : i32 to vector<16xi32>
        %and3A_1040 = arith.andi %add3A_1037, %and3A_1039 : vector<16xi32>
        %add3A_1041 = arith.constant 103 : i32
        %add3A_1042 = vector.broadcast %add3A_1041 : i32 to vector<16xi32>
        %add3A_1043 = arith.addi %add3A_1042, %iota3A : vector<16xi32>
        %and3A_1044 = arith.constant 127 : i32
        %and3A_1045 = vector.broadcast %and3A_1044 : i32 to vector<16xi32>
        %and3A_1046 = arith.andi %add3A_1043, %and3A_1045 : vector<16xi32>
        %gather3A_1047 = tpu.vector_load_idx %arg14[%get3A_323, %and3A_1004] : memref<504x128xf32, #tpu.memory_space<vmem>>[vector<16xi32>, vector<16xi32>], vector<16xf32>,
        %gather3A_1048 = tpu.vector_load_idx %arg14[%get3A_323, %and3A_1010] : memref<504x128xf32, #tpu.memory_space<vmem>>[vector<16xi32>, vector<16xi32>], vector<16xf32>,
        %gather3A_1049 = tpu.vector_load_idx %arg14[%get3A_323, %and3A_1016] : memref<504x128xf32, #tpu.memory_space<vmem>>[vector<16xi32>, vector<16xi32>], vector<16xf32>,
        %gather3A_1050 = tpu.vector_load_idx %arg14[%get3A_323, %and3A_1022] : memref<504x128xf32, #tpu.memory_space<vmem>>[vector<16xi32>, vector<16xi32>], vector<16xf32>,
        %gather3A_1051 = tpu.vector_load_idx %arg14[%get3A_323, %and3A_1028] : memref<504x128xf32, #tpu.memory_space<vmem>>[vector<16xi32>, vector<16xi32>], vector<16xf32>,
        %gather3A_1052 = tpu.vector_load_idx %arg14[%get3A_323, %and3A_1034] : memref<504x128xf32, #tpu.memory_space<vmem>>[vector<16xi32>, vector<16xi32>], vector<16xf32>,
        %gather3A_1053 = tpu.vector_load_idx %arg14[%get3A_323, %and3A_1040] : memref<504x128xf32, #tpu.memory_space<vmem>>[vector<16xi32>, vector<16xi32>], vector<16xf32>,
        %gather3A_1054 = tpu.vector_load_idx %arg14[%get3A_323, %and3A_1046] : memref<504x128xf32, #tpu.memory_space<vmem>>[vector<16xi32>, vector<16xi32>], vector<16xf32>,
        tpu.vector_store_idx %arg16[%and3A_1004, %add3A_327], %gather3A_1047 : memref<128x128xf32, #tpu.memory_space<vmem>>[vector<16xi32>, vector<16xi32>], vector<16xf32>,
        tpu.vector_store_idx %arg16[%and3A_1010, %add3A_327], %gather3A_1048 : memref<128x128xf32, #tpu.memory_space<vmem>>[vector<16xi32>, vector<16xi32>], vector<16xf32>,
        tpu.vector_store_idx %arg16[%and3A_1016, %add3A_327], %gather3A_1049 : memref<128x128xf32, #tpu.memory_space<vmem>>[vector<16xi32>, vector<16xi32>], vector<16xf32>,
        tpu.vector_store_idx %arg16[%and3A_1022, %add3A_327], %gather3A_1050 : memref<128x128xf32, #tpu.memory_space<vmem>>[vector<16xi32>, vector<16xi32>], vector<16xf32>,
        tpu.vector_store_idx %arg16[%and3A_1028, %add3A_327], %gather3A_1051 : memref<128x128xf32, #tpu.memory_space<vmem>>[vector<16xi32>, vector<16xi32>], vector<16xf32>,
        tpu.vector_store_idx %arg16[%and3A_1034, %add3A_327], %gather3A_1052 : memref<128x128xf32, #tpu.memory_space<vmem>>[vector<16xi32>, vector<16xi32>], vector<16xf32>,
        tpu.vector_store_idx %arg16[%and3A_1040, %add3A_327], %gather3A_1053 : memref<128x128xf32, #tpu.memory_space<vmem>>[vector<16xi32>, vector<16xi32>], vector<16xf32>,
        tpu.vector_store_idx %arg16[%and3A_1046, %add3A_327], %gather3A_1054 : memref<128x128xf32, #tpu.memory_space<vmem>>[vector<16xi32>, vector<16xi32>], vector<16xf32>,
        %add3A_1055 = arith.constant 104 : i32
        %add3A_1056 = vector.broadcast %add3A_1055 : i32 to vector<16xi32>
        %add3A_1057 = arith.addi %add3A_1056, %iota3A : vector<16xi32>
        %and3A_1058 = arith.constant 127 : i32
        %and3A_1059 = vector.broadcast %and3A_1058 : i32 to vector<16xi32>
        %and3A_1060 = arith.andi %add3A_1057, %and3A_1059 : vector<16xi32>
        %add3A_1061 = arith.constant 105 : i32
        %add3A_1062 = vector.broadcast %add3A_1061 : i32 to vector<16xi32>
        %add3A_1063 = arith.addi %add3A_1062, %iota3A : vector<16xi32>
        %and3A_1064 = arith.constant 127 : i32
        %and3A_1065 = vector.broadcast %and3A_1064 : i32 to vector<16xi32>
        %and3A_1066 = arith.andi %add3A_1063, %and3A_1065 : vector<16xi32>
        %add3A_1067 = arith.constant 106 : i32
        %add3A_1068 = vector.broadcast %add3A_1067 : i32 to vector<16xi32>
        %add3A_1069 = arith.addi %add3A_1068, %iota3A : vector<16xi32>
        %and3A_1070 = arith.constant 127 : i32
        %and3A_1071 = vector.broadcast %and3A_1070 : i32 to vector<16xi32>
        %and3A_1072 = arith.andi %add3A_1069, %and3A_1071 : vector<16xi32>
        %add3A_1073 = arith.constant 107 : i32
        %add3A_1074 = vector.broadcast %add3A_1073 : i32 to vector<16xi32>
        %add3A_1075 = arith.addi %add3A_1074, %iota3A : vector<16xi32>
        %and3A_1076 = arith.constant 127 : i32
        %and3A_1077 = vector.broadcast %and3A_1076 : i32 to vector<16xi32>
        %and3A_1078 = arith.andi %add3A_1075, %and3A_1077 : vector<16xi32>
        %add3A_1079 = arith.constant 108 : i32
        %add3A_1080 = vector.broadcast %add3A_1079 : i32 to vector<16xi32>
        %add3A_1081 = arith.addi %add3A_1080, %iota3A : vector<16xi32>
        %and3A_1082 = arith.constant 127 : i32
        %and3A_1083 = vector.broadcast %and3A_1082 : i32 to vector<16xi32>
        %and3A_1084 = arith.andi %add3A_1081, %and3A_1083 : vector<16xi32>
        %add3A_1085 = arith.constant 109 : i32
        %add3A_1086 = vector.broadcast %add3A_1085 : i32 to vector<16xi32>
        %add3A_1087 = arith.addi %add3A_1086, %iota3A : vector<16xi32>
        %and3A_1088 = arith.constant 127 : i32
        %and3A_1089 = vector.broadcast %and3A_1088 : i32 to vector<16xi32>
        %and3A_1090 = arith.andi %add3A_1087, %and3A_1089 : vector<16xi32>
        %add3A_1091 = arith.constant 110 : i32
        %add3A_1092 = vector.broadcast %add3A_1091 : i32 to vector<16xi32>
        %add3A_1093 = arith.addi %add3A_1092, %iota3A : vector<16xi32>
        %and3A_1094 = arith.constant 127 : i32
        %and3A_1095 = vector.broadcast %and3A_1094 : i32 to vector<16xi32>
        %and3A_1096 = arith.andi %add3A_1093, %and3A_1095 : vector<16xi32>
        %add3A_1097 = arith.constant 111 : i32
        %add3A_1098 = vector.broadcast %add3A_1097 : i32 to vector<16xi32>
        %add3A_1099 = arith.addi %add3A_1098, %iota3A : vector<16xi32>
        %and3A_1100 = arith.constant 127 : i32
        %and3A_1101 = vector.broadcast %and3A_1100 : i32 to vector<16xi32>
        %and3A_1102 = arith.andi %add3A_1099, %and3A_1101 : vector<16xi32>
        %gather3A_1103 = tpu.vector_load_idx %arg14[%get3A_323, %and3A_1060] : memref<504x128xf32, #tpu.memory_space<vmem>>[vector<16xi32>, vector<16xi32>], vector<16xf32>,
        %gather3A_1104 = tpu.vector_load_idx %arg14[%get3A_323, %and3A_1066] : memref<504x128xf32, #tpu.memory_space<vmem>>[vector<16xi32>, vector<16xi32>], vector<16xf32>,
        %gather3A_1105 = tpu.vector_load_idx %arg14[%get3A_323, %and3A_1072] : memref<504x128xf32, #tpu.memory_space<vmem>>[vector<16xi32>, vector<16xi32>], vector<16xf32>,
        %gather3A_1106 = tpu.vector_load_idx %arg14[%get3A_323, %and3A_1078] : memref<504x128xf32, #tpu.memory_space<vmem>>[vector<16xi32>, vector<16xi32>], vector<16xf32>,
        %gather3A_1107 = tpu.vector_load_idx %arg14[%get3A_323, %and3A_1084] : memref<504x128xf32, #tpu.memory_space<vmem>>[vector<16xi32>, vector<16xi32>], vector<16xf32>,
        %gather3A_1108 = tpu.vector_load_idx %arg14[%get3A_323, %and3A_1090] : memref<504x128xf32, #tpu.memory_space<vmem>>[vector<16xi32>, vector<16xi32>], vector<16xf32>,
        %gather3A_1109 = tpu.vector_load_idx %arg14[%get3A_323, %and3A_1096] : memref<504x128xf32, #tpu.memory_space<vmem>>[vector<16xi32>, vector<16xi32>], vector<16xf32>,
        %gather3A_1110 = tpu.vector_load_idx %arg14[%get3A_323, %and3A_1102] : memref<504x128xf32, #tpu.memory_space<vmem>>[vector<16xi32>, vector<16xi32>], vector<16xf32>,
        tpu.vector_store_idx %arg16[%and3A_1060, %add3A_327], %gather3A_1103 : memref<128x128xf32, #tpu.memory_space<vmem>>[vector<16xi32>, vector<16xi32>], vector<16xf32>,
        tpu.vector_store_idx %arg16[%and3A_1066, %add3A_327], %gather3A_1104 : memref<128x128xf32, #tpu.memory_space<vmem>>[vector<16xi32>, vector<16xi32>], vector<16xf32>,
        tpu.vector_store_idx %arg16[%and3A_1072, %add3A_327], %gather3A_1105 : memref<128x128xf32, #tpu.memory_space<vmem>>[vector<16xi32>, vector<16xi32>], vector<16xf32>,
        tpu.vector_store_idx %arg16[%and3A_1078, %add3A_327], %gather3A_1106 : memref<128x128xf32, #tpu.memory_space<vmem>>[vector<16xi32>, vector<16xi32>], vector<16xf32>,
        tpu.vector_store_idx %arg16[%and3A_1084, %add3A_327], %gather3A_1107 : memref<128x128xf32, #tpu.memory_space<vmem>>[vector<16xi32>, vector<16xi32>], vector<16xf32>,
        tpu.vector_store_idx %arg16[%and3A_1090, %add3A_327], %gather3A_1108 : memref<128x128xf32, #tpu.memory_space<vmem>>[vector<16xi32>, vector<16xi32>], vector<16xf32>,
        tpu.vector_store_idx %arg16[%and3A_1096, %add3A_327], %gather3A_1109 : memref<128x128xf32, #tpu.memory_space<vmem>>[vector<16xi32>, vector<16xi32>], vector<16xf32>,
        tpu.vector_store_idx %arg16[%and3A_1102, %add3A_327], %gather3A_1110 : memref<128x128xf32, #tpu.memory_space<vmem>>[vector<16xi32>, vector<16xi32>], vector<16xf32>,
        %add3A_1111 = arith.constant 112 : i32
        %add3A_1112 = vector.broadcast %add3A_1111 : i32 to vector<16xi32>
        %add3A_1113 = arith.addi %add3A_1112, %iota3A : vector<16xi32>
        %and3A_1114 = arith.constant 127 : i32
        %and3A_1115 = vector.broadcast %and3A_1114 : i32 to vector<16xi32>
        %and3A_1116 = arith.andi %add3A_1113, %and3A_1115 : vector<16xi32>
        %add3A_1117 = arith.constant 113 : i32
        %add3A_1118 = vector.broadcast %add3A_1117 : i32 to vector<16xi32>
        %add3A_1119 = arith.addi %add3A_1118, %iota3A : vector<16xi32>
        %and3A_1120 = arith.constant 127 : i32
        %and3A_1121 = vector.broadcast %and3A_1120 : i32 to vector<16xi32>
        %and3A_1122 = arith.andi %add3A_1119, %and3A_1121 : vector<16xi32>
        %add3A_1123 = arith.constant 114 : i32
        %add3A_1124 = vector.broadcast %add3A_1123 : i32 to vector<16xi32>
        %add3A_1125 = arith.addi %add3A_1124, %iota3A : vector<16xi32>
        %and3A_1126 = arith.constant 127 : i32
        %and3A_1127 = vector.broadcast %and3A_1126 : i32 to vector<16xi32>
        %and3A_1128 = arith.andi %add3A_1125, %and3A_1127 : vector<16xi32>
        %add3A_1129 = arith.constant 115 : i32
        %add3A_1130 = vector.broadcast %add3A_1129 : i32 to vector<16xi32>
        %add3A_1131 = arith.addi %add3A_1130, %iota3A : vector<16xi32>
        %and3A_1132 = arith.constant 127 : i32
        %and3A_1133 = vector.broadcast %and3A_1132 : i32 to vector<16xi32>
        %and3A_1134 = arith.andi %add3A_1131, %and3A_1133 : vector<16xi32>
        %add3A_1135 = arith.constant 116 : i32
        %add3A_1136 = vector.broadcast %add3A_1135 : i32 to vector<16xi32>
        %add3A_1137 = arith.addi %add3A_1136, %iota3A : vector<16xi32>
        %and3A_1138 = arith.constant 127 : i32
        %and3A_1139 = vector.broadcast %and3A_1138 : i32 to vector<16xi32>
        %and3A_1140 = arith.andi %add3A_1137, %and3A_1139 : vector<16xi32>
        %add3A_1141 = arith.constant 117 : i32
        %add3A_1142 = vector.broadcast %add3A_1141 : i32 to vector<16xi32>
        %add3A_1143 = arith.addi %add3A_1142, %iota3A : vector<16xi32>
        %and3A_1144 = arith.constant 127 : i32
        %and3A_1145 = vector.broadcast %and3A_1144 : i32 to vector<16xi32>
        %and3A_1146 = arith.andi %add3A_1143, %and3A_1145 : vector<16xi32>
        %add3A_1147 = arith.constant 118 : i32
        %add3A_1148 = vector.broadcast %add3A_1147 : i32 to vector<16xi32>
        %add3A_1149 = arith.addi %add3A_1148, %iota3A : vector<16xi32>
        %and3A_1150 = arith.constant 127 : i32
        %and3A_1151 = vector.broadcast %and3A_1150 : i32 to vector<16xi32>
        %and3A_1152 = arith.andi %add3A_1149, %and3A_1151 : vector<16xi32>
        %add3A_1153 = arith.constant 119 : i32
        %add3A_1154 = vector.broadcast %add3A_1153 : i32 to vector<16xi32>
        %add3A_1155 = arith.addi %add3A_1154, %iota3A : vector<16xi32>
        %and3A_1156 = arith.constant 127 : i32
        %and3A_1157 = vector.broadcast %and3A_1156 : i32 to vector<16xi32>
        %and3A_1158 = arith.andi %add3A_1155, %and3A_1157 : vector<16xi32>
        %gather3A_1159 = tpu.vector_load_idx %arg14[%get3A_323, %and3A_1116] : memref<504x128xf32, #tpu.memory_space<vmem>>[vector<16xi32>, vector<16xi32>], vector<16xf32>,
        %gather3A_1160 = tpu.vector_load_idx %arg14[%get3A_323, %and3A_1122] : memref<504x128xf32, #tpu.memory_space<vmem>>[vector<16xi32>, vector<16xi32>], vector<16xf32>,
        %gather3A_1161 = tpu.vector_load_idx %arg14[%get3A_323, %and3A_1128] : memref<504x128xf32, #tpu.memory_space<vmem>>[vector<16xi32>, vector<16xi32>], vector<16xf32>,
        %gather3A_1162 = tpu.vector_load_idx %arg14[%get3A_323, %and3A_1134] : memref<504x128xf32, #tpu.memory_space<vmem>>[vector<16xi32>, vector<16xi32>], vector<16xf32>,
        %gather3A_1163 = tpu.vector_load_idx %arg14[%get3A_323, %and3A_1140] : memref<504x128xf32, #tpu.memory_space<vmem>>[vector<16xi32>, vector<16xi32>], vector<16xf32>,
        %gather3A_1164 = tpu.vector_load_idx %arg14[%get3A_323, %and3A_1146] : memref<504x128xf32, #tpu.memory_space<vmem>>[vector<16xi32>, vector<16xi32>], vector<16xf32>,
        %gather3A_1165 = tpu.vector_load_idx %arg14[%get3A_323, %and3A_1152] : memref<504x128xf32, #tpu.memory_space<vmem>>[vector<16xi32>, vector<16xi32>], vector<16xf32>,
        %gather3A_1166 = tpu.vector_load_idx %arg14[%get3A_323, %and3A_1158] : memref<504x128xf32, #tpu.memory_space<vmem>>[vector<16xi32>, vector<16xi32>], vector<16xf32>,
        tpu.vector_store_idx %arg16[%and3A_1116, %add3A_327], %gather3A_1159 : memref<128x128xf32, #tpu.memory_space<vmem>>[vector<16xi32>, vector<16xi32>], vector<16xf32>,
        tpu.vector_store_idx %arg16[%and3A_1122, %add3A_327], %gather3A_1160 : memref<128x128xf32, #tpu.memory_space<vmem>>[vector<16xi32>, vector<16xi32>], vector<16xf32>,
        tpu.vector_store_idx %arg16[%and3A_1128, %add3A_327], %gather3A_1161 : memref<128x128xf32, #tpu.memory_space<vmem>>[vector<16xi32>, vector<16xi32>], vector<16xf32>,
        tpu.vector_store_idx %arg16[%and3A_1134, %add3A_327], %gather3A_1162 : memref<128x128xf32, #tpu.memory_space<vmem>>[vector<16xi32>, vector<16xi32>], vector<16xf32>,
        tpu.vector_store_idx %arg16[%and3A_1140, %add3A_327], %gather3A_1163 : memref<128x128xf32, #tpu.memory_space<vmem>>[vector<16xi32>, vector<16xi32>], vector<16xf32>,
        tpu.vector_store_idx %arg16[%and3A_1146, %add3A_327], %gather3A_1164 : memref<128x128xf32, #tpu.memory_space<vmem>>[vector<16xi32>, vector<16xi32>], vector<16xf32>,
        tpu.vector_store_idx %arg16[%and3A_1152, %add3A_327], %gather3A_1165 : memref<128x128xf32, #tpu.memory_space<vmem>>[vector<16xi32>, vector<16xi32>], vector<16xf32>,
        tpu.vector_store_idx %arg16[%and3A_1158, %add3A_327], %gather3A_1166 : memref<128x128xf32, #tpu.memory_space<vmem>>[vector<16xi32>, vector<16xi32>], vector<16xf32>,
        %add3A_1167 = arith.constant 120 : i32
        %add3A_1168 = vector.broadcast %add3A_1167 : i32 to vector<16xi32>
        %add3A_1169 = arith.addi %add3A_1168, %iota3A : vector<16xi32>
        %and3A_1170 = arith.constant 127 : i32
        %and3A_1171 = vector.broadcast %and3A_1170 : i32 to vector<16xi32>
        %and3A_1172 = arith.andi %add3A_1169, %and3A_1171 : vector<16xi32>
        %add3A_1173 = arith.constant 121 : i32
        %add3A_1174 = vector.broadcast %add3A_1173 : i32 to vector<16xi32>
        %add3A_1175 = arith.addi %add3A_1174, %iota3A : vector<16xi32>
        %and3A_1176 = arith.constant 127 : i32
        %and3A_1177 = vector.broadcast %and3A_1176 : i32 to vector<16xi32>
        %and3A_1178 = arith.andi %add3A_1175, %and3A_1177 : vector<16xi32>
        %add3A_1179 = arith.constant 122 : i32
        %add3A_1180 = vector.broadcast %add3A_1179 : i32 to vector<16xi32>
        %add3A_1181 = arith.addi %add3A_1180, %iota3A : vector<16xi32>
        %and3A_1182 = arith.constant 127 : i32
        %and3A_1183 = vector.broadcast %and3A_1182 : i32 to vector<16xi32>
        %and3A_1184 = arith.andi %add3A_1181, %and3A_1183 : vector<16xi32>
        %add3A_1185 = arith.constant 123 : i32
        %add3A_1186 = vector.broadcast %add3A_1185 : i32 to vector<16xi32>
        %add3A_1187 = arith.addi %add3A_1186, %iota3A : vector<16xi32>
        %and3A_1188 = arith.constant 127 : i32
        %and3A_1189 = vector.broadcast %and3A_1188 : i32 to vector<16xi32>
        %and3A_1190 = arith.andi %add3A_1187, %and3A_1189 : vector<16xi32>
        %add3A_1191 = arith.constant 124 : i32
        %add3A_1192 = vector.broadcast %add3A_1191 : i32 to vector<16xi32>
        %add3A_1193 = arith.addi %add3A_1192, %iota3A : vector<16xi32>
        %and3A_1194 = arith.constant 127 : i32
        %and3A_1195 = vector.broadcast %and3A_1194 : i32 to vector<16xi32>
        %and3A_1196 = arith.andi %add3A_1193, %and3A_1195 : vector<16xi32>
        %add3A_1197 = arith.constant 125 : i32
        %add3A_1198 = vector.broadcast %add3A_1197 : i32 to vector<16xi32>
        %add3A_1199 = arith.addi %add3A_1198, %iota3A : vector<16xi32>
        %and3A_1200 = arith.constant 127 : i32
        %and3A_1201 = vector.broadcast %and3A_1200 : i32 to vector<16xi32>
        %and3A_1202 = arith.andi %add3A_1199, %and3A_1201 : vector<16xi32>
        %add3A_1203 = arith.constant 126 : i32
        %add3A_1204 = vector.broadcast %add3A_1203 : i32 to vector<16xi32>
        %add3A_1205 = arith.addi %add3A_1204, %iota3A : vector<16xi32>
        %and3A_1206 = arith.constant 127 : i32
        %and3A_1207 = vector.broadcast %and3A_1206 : i32 to vector<16xi32>
        %and3A_1208 = arith.andi %add3A_1205, %and3A_1207 : vector<16xi32>
        %add3A_1209 = arith.constant 127 : i32
        %add3A_1210 = vector.broadcast %add3A_1209 : i32 to vector<16xi32>
        %add3A_1211 = arith.addi %add3A_1210, %iota3A : vector<16xi32>
        %and3A_1212 = arith.constant 127 : i32
        %and3A_1213 = vector.broadcast %and3A_1212 : i32 to vector<16xi32>
        %and3A_1214 = arith.andi %add3A_1211, %and3A_1213 : vector<16xi32>
        %gather3A_1215 = tpu.vector_load_idx %arg14[%get3A_323, %and3A_1172] : memref<504x128xf32, #tpu.memory_space<vmem>>[vector<16xi32>, vector<16xi32>], vector<16xf32>,
        %gather3A_1216 = tpu.vector_load_idx %arg14[%get3A_323, %and3A_1178] : memref<504x128xf32, #tpu.memory_space<vmem>>[vector<16xi32>, vector<16xi32>], vector<16xf32>,
        %gather3A_1217 = tpu.vector_load_idx %arg14[%get3A_323, %and3A_1184] : memref<504x128xf32, #tpu.memory_space<vmem>>[vector<16xi32>, vector<16xi32>], vector<16xf32>,
        %gather3A_1218 = tpu.vector_load_idx %arg14[%get3A_323, %and3A_1190] : memref<504x128xf32, #tpu.memory_space<vmem>>[vector<16xi32>, vector<16xi32>], vector<16xf32>,
        %gather3A_1219 = tpu.vector_load_idx %arg14[%get3A_323, %and3A_1196] : memref<504x128xf32, #tpu.memory_space<vmem>>[vector<16xi32>, vector<16xi32>], vector<16xf32>,
        %gather3A_1220 = tpu.vector_load_idx %arg14[%get3A_323, %and3A_1202] : memref<504x128xf32, #tpu.memory_space<vmem>>[vector<16xi32>, vector<16xi32>], vector<16xf32>,
        %gather3A_1221 = tpu.vector_load_idx %arg14[%get3A_323, %and3A_1208] : memref<504x128xf32, #tpu.memory_space<vmem>>[vector<16xi32>, vector<16xi32>], vector<16xf32>,
        %gather3A_1222 = tpu.vector_load_idx %arg14[%get3A_323, %and3A_1214] : memref<504x128xf32, #tpu.memory_space<vmem>>[vector<16xi32>, vector<16xi32>], vector<16xf32>,
        tpu.vector_store_idx %arg16[%and3A_1172, %add3A_327], %gather3A_1215 : memref<128x128xf32, #tpu.memory_space<vmem>>[vector<16xi32>, vector<16xi32>], vector<16xf32>,
        tpu.vector_store_idx %arg16[%and3A_1178, %add3A_327], %gather3A_1216 : memref<128x128xf32, #tpu.memory_space<vmem>>[vector<16xi32>, vector<16xi32>], vector<16xf32>,
        tpu.vector_store_idx %arg16[%and3A_1184, %add3A_327], %gather3A_1217 : memref<128x128xf32, #tpu.memory_space<vmem>>[vector<16xi32>, vector<16xi32>], vector<16xf32>,
        tpu.vector_store_idx %arg16[%and3A_1190, %add3A_327], %gather3A_1218 : memref<128x128xf32, #tpu.memory_space<vmem>>[vector<16xi32>, vector<16xi32>], vector<16xf32>,
        tpu.vector_store_idx %arg16[%and3A_1196, %add3A_327], %gather3A_1219 : memref<128x128xf32, #tpu.memory_space<vmem>>[vector<16xi32>, vector<16xi32>], vector<16xf32>,
        tpu.vector_store_idx %arg16[%and3A_1202, %add3A_327], %gather3A_1220 : memref<128x128xf32, #tpu.memory_space<vmem>>[vector<16xi32>, vector<16xi32>], vector<16xf32>,
        tpu.vector_store_idx %arg16[%and3A_1208, %add3A_327], %gather3A_1221 : memref<128x128xf32, #tpu.memory_space<vmem>>[vector<16xi32>, vector<16xi32>], vector<16xf32>,
        tpu.vector_store_idx %arg16[%and3A_1214, %add3A_327], %gather3A_1222 : memref<128x128xf32, #tpu.memory_space<vmem>>[vector<16xi32>, vector<16xi32>], vector<16xf32>,
      }
      %scan3A_292 = arith.constant 8 : i32
      %mul3A_293 = arith.constant 128 : i32
      %mul3A_294 = arith.muli %select_n3A_249, %mul3A_293 : i32
      %add3A_295 = arith.addi %mul3A_2, %mul3A_294 : i32
      %eq3A_296 = arith.constant 0 : i32
      %eq3A_297 = arith.cmpi eq, %select_n3A_233, %eq3A_296 : i32
      %convert_element_type3A_298 = arith.extui %eq3A_297 : i1 to i32
      %cond3A_299 = arith.constant 0 : i32
      %cond3A_300 = arith.cmpi ne, %convert_element_type3A_298, %cond3A_299 : i32
      scf.if %cond3A_300 {
        %dma_start3A_316 = arith.constant 0 : i32
        %dma_start3A_317 = arith.constant 0 : i32
        %dma_start3A_318 = tpu.memref_slice %arg16[%dma_start3A_316, %dma_start3A_317] : memref<128x128xf32, #tpu.memory_space<vmem>> -> memref<64x128xf32, #tpu.memory_space<vmem>>
        %dma_start3A_319 = arith.constant 0 : i32
        %dma_start3A_320 = tpu.memref_slice %arg4[%dma_start3A_319, %add3A_295] : memref<64x16384xf32, #tpu.memory_space<hbm>> -> memref<64x128xf32, #tpu.memory_space<hbm>>
        %dma_start3A_321 = arith.constant 0 : i32
        %dma_start3A_322 = tpu.memref_slice %arg4[%dma_start3A_321, %add3A_295] : memref<64x16384xf32, #tpu.memory_space<hbm>> -> memref<64x128xf32, #tpu.memory_space<hbm>>
        %dma_start3A_323 = arith.constant 0 : i32
        %dma_start3A_324 = arith.constant 0 : i32
        %dma_start3A_325 = tpu.memref_slice %arg16[%dma_start3A_323, %dma_start3A_324] : memref<128x128xf32, #tpu.memory_space<vmem>> -> memref<64x128xf32, #tpu.memory_space<vmem>>
        tpu.enqueue_dma source(%dma_start3A_325 : memref<64x128xf32, #tpu.memory_space<vmem>>) target(%dma_start3A_322 : memref<64x128xf32, #tpu.memory_space<hbm>>) target_semaphore(%arg17 : memref<!tpu.dma_semaphore, #tpu.memory_space<semaphore_mem>>)
        %dma_start3A_326 = arith.constant 64 : i32
        %dma_start3A_327 = arith.constant 0 : i32
        %dma_start3A_328 = tpu.memref_slice %arg16[%dma_start3A_326, %dma_start3A_327] : memref<128x128xf32, #tpu.memory_space<vmem>> -> memref<64x128xf32, #tpu.memory_space<vmem>>
        %dma_start3A_329 = arith.constant 0 : i32
        %dma_start3A_330 = tpu.memref_slice %arg5[%dma_start3A_329, %add3A_295] : memref<64x16384xf32, #tpu.memory_space<hbm>> -> memref<64x128xf32, #tpu.memory_space<hbm>>
        %dma_start3A_331 = arith.constant 0 : i32
        %dma_start3A_332 = tpu.memref_slice %arg5[%dma_start3A_331, %add3A_295] : memref<64x16384xf32, #tpu.memory_space<hbm>> -> memref<64x128xf32, #tpu.memory_space<hbm>>
        %dma_start3A_333 = arith.constant 64 : i32
        %dma_start3A_334 = arith.constant 0 : i32
        %dma_start3A_335 = tpu.memref_slice %arg16[%dma_start3A_333, %dma_start3A_334] : memref<128x128xf32, #tpu.memory_space<vmem>> -> memref<64x128xf32, #tpu.memory_space<vmem>>
        tpu.enqueue_dma source(%dma_start3A_335 : memref<64x128xf32, #tpu.memory_space<vmem>>) target(%dma_start3A_332 : memref<64x128xf32, #tpu.memory_space<hbm>>) target_semaphore(%arg17 : memref<!tpu.dma_semaphore, #tpu.memory_space<semaphore_mem>>)
      } else {
      }
      %eq3A_301 = arith.constant 1 : i32
      %eq3A_302 = arith.cmpi eq, %select_n3A_233, %eq3A_301 : i32
      %convert_element_type3A_303 = arith.extui %eq3A_302 : i1 to i32
      %cond3A_304 = arith.constant 0 : i32
      %cond3A_305 = arith.cmpi ne, %convert_element_type3A_303, %cond3A_304 : i32
      scf.if %cond3A_305 {
        %dma_start3A_316 = arith.constant 0 : i32
        %dma_start3A_317 = arith.constant 0 : i32
        %dma_start3A_318 = tpu.memref_slice %arg16[%dma_start3A_316, %dma_start3A_317] : memref<128x128xf32, #tpu.memory_space<vmem>> -> memref<64x128xf32, #tpu.memory_space<vmem>>
        %dma_start3A_319 = arith.constant 0 : i32
        %dma_start3A_320 = tpu.memref_slice %arg6[%dma_start3A_319, %add3A_295] : memref<64x16384xf32, #tpu.memory_space<hbm>> -> memref<64x128xf32, #tpu.memory_space<hbm>>
        %dma_start3A_321 = arith.constant 0 : i32
        %dma_start3A_322 = tpu.memref_slice %arg6[%dma_start3A_321, %add3A_295] : memref<64x16384xf32, #tpu.memory_space<hbm>> -> memref<64x128xf32, #tpu.memory_space<hbm>>
        %dma_start3A_323 = arith.constant 0 : i32
        %dma_start3A_324 = arith.constant 0 : i32
        %dma_start3A_325 = tpu.memref_slice %arg16[%dma_start3A_323, %dma_start3A_324] : memref<128x128xf32, #tpu.memory_space<vmem>> -> memref<64x128xf32, #tpu.memory_space<vmem>>
        tpu.enqueue_dma source(%dma_start3A_325 : memref<64x128xf32, #tpu.memory_space<vmem>>) target(%dma_start3A_322 : memref<64x128xf32, #tpu.memory_space<hbm>>) target_semaphore(%arg17 : memref<!tpu.dma_semaphore, #tpu.memory_space<semaphore_mem>>)
        %dma_start3A_326 = arith.constant 64 : i32
        %dma_start3A_327 = arith.constant 0 : i32
        %dma_start3A_328 = tpu.memref_slice %arg16[%dma_start3A_326, %dma_start3A_327] : memref<128x128xf32, #tpu.memory_space<vmem>> -> memref<64x128xf32, #tpu.memory_space<vmem>>
        %dma_start3A_329 = arith.constant 0 : i32
        %dma_start3A_330 = tpu.memref_slice %arg7[%dma_start3A_329, %add3A_295] : memref<64x16384xf32, #tpu.memory_space<hbm>> -> memref<64x128xf32, #tpu.memory_space<hbm>>
        %dma_start3A_331 = arith.constant 0 : i32
        %dma_start3A_332 = tpu.memref_slice %arg7[%dma_start3A_331, %add3A_295] : memref<64x16384xf32, #tpu.memory_space<hbm>> -> memref<64x128xf32, #tpu.memory_space<hbm>>
        %dma_start3A_333 = arith.constant 64 : i32
        %dma_start3A_334 = arith.constant 0 : i32
        %dma_start3A_335 = tpu.memref_slice %arg16[%dma_start3A_333, %dma_start3A_334] : memref<128x128xf32, #tpu.memory_space<vmem>> -> memref<64x128xf32, #tpu.memory_space<vmem>>
        tpu.enqueue_dma source(%dma_start3A_335 : memref<64x128xf32, #tpu.memory_space<vmem>>) target(%dma_start3A_332 : memref<64x128xf32, #tpu.memory_space<hbm>>) target_semaphore(%arg17 : memref<!tpu.dma_semaphore, #tpu.memory_space<semaphore_mem>>)
      } else {
      }
      %eq3A_306 = arith.constant 2 : i32
      %eq3A_307 = arith.cmpi eq, %select_n3A_233, %eq3A_306 : i32
      %convert_element_type3A_308 = arith.extui %eq3A_307 : i1 to i32
      %cond3A_309 = arith.constant 0 : i32
      %cond3A_310 = arith.cmpi ne, %convert_element_type3A_308, %cond3A_309 : i32
      scf.if %cond3A_310 {
        %dma_start3A_316 = arith.constant 0 : i32
        %dma_start3A_317 = arith.constant 0 : i32
        %dma_start3A_318 = tpu.memref_slice %arg16[%dma_start3A_316, %dma_start3A_317] : memref<128x128xf32, #tpu.memory_space<vmem>> -> memref<64x128xf32, #tpu.memory_space<vmem>>
        %dma_start3A_319 = arith.constant 0 : i32
        %dma_start3A_320 = tpu.memref_slice %arg8[%dma_start3A_319, %add3A_295] : memref<64x16384xf32, #tpu.memory_space<hbm>> -> memref<64x128xf32, #tpu.memory_space<hbm>>
        %dma_start3A_321 = arith.constant 0 : i32
        %dma_start3A_322 = tpu.memref_slice %arg8[%dma_start3A_321, %add3A_295] : memref<64x16384xf32, #tpu.memory_space<hbm>> -> memref<64x128xf32, #tpu.memory_space<hbm>>
        %dma_start3A_323 = arith.constant 0 : i32
        %dma_start3A_324 = arith.constant 0 : i32
        %dma_start3A_325 = tpu.memref_slice %arg16[%dma_start3A_323, %dma_start3A_324] : memref<128x128xf32, #tpu.memory_space<vmem>> -> memref<64x128xf32, #tpu.memory_space<vmem>>
        tpu.enqueue_dma source(%dma_start3A_325 : memref<64x128xf32, #tpu.memory_space<vmem>>) target(%dma_start3A_322 : memref<64x128xf32, #tpu.memory_space<hbm>>) target_semaphore(%arg17 : memref<!tpu.dma_semaphore, #tpu.memory_space<semaphore_mem>>)
        %dma_start3A_326 = arith.constant 64 : i32
        %dma_start3A_327 = arith.constant 0 : i32
        %dma_start3A_328 = tpu.memref_slice %arg16[%dma_start3A_326, %dma_start3A_327] : memref<128x128xf32, #tpu.memory_space<vmem>> -> memref<64x128xf32, #tpu.memory_space<vmem>>
        %dma_start3A_329 = arith.constant 0 : i32
        %dma_start3A_330 = tpu.memref_slice %arg9[%dma_start3A_329, %add3A_295] : memref<64x16384xf32, #tpu.memory_space<hbm>> -> memref<64x128xf32, #tpu.memory_space<hbm>>
        %dma_start3A_331 = arith.constant 0 : i32
        %dma_start3A_332 = tpu.memref_slice %arg9[%dma_start3A_331, %add3A_295] : memref<64x16384xf32, #tpu.memory_space<hbm>> -> memref<64x128xf32, #tpu.memory_space<hbm>>
        %dma_start3A_333 = arith.constant 64 : i32
        %dma_start3A_334 = arith.constant 0 : i32
        %dma_start3A_335 = tpu.memref_slice %arg16[%dma_start3A_333, %dma_start3A_334] : memref<128x128xf32, #tpu.memory_space<vmem>> -> memref<64x128xf32, #tpu.memory_space<vmem>>
        tpu.enqueue_dma source(%dma_start3A_335 : memref<64x128xf32, #tpu.memory_space<vmem>>) target(%dma_start3A_332 : memref<64x128xf32, #tpu.memory_space<hbm>>) target_semaphore(%arg17 : memref<!tpu.dma_semaphore, #tpu.memory_space<semaphore_mem>>)
      } else {
      }
      %eq3A_311 = arith.constant 3 : i32
      %eq3A_312 = arith.cmpi eq, %select_n3A_233, %eq3A_311 : i32
      %convert_element_type3A_313 = arith.extui %eq3A_312 : i1 to i32
      %cond3A_314 = arith.constant 0 : i32
      %cond3A_315 = arith.cmpi ne, %convert_element_type3A_313, %cond3A_314 : i32
      scf.if %cond3A_315 {
        %dma_start3A_316 = arith.constant 0 : i32
        %dma_start3A_317 = arith.constant 0 : i32
        %dma_start3A_318 = tpu.memref_slice %arg16[%dma_start3A_316, %dma_start3A_317] : memref<128x128xf32, #tpu.memory_space<vmem>> -> memref<64x128xf32, #tpu.memory_space<vmem>>
        %dma_start3A_319 = arith.constant 0 : i32
        %dma_start3A_320 = tpu.memref_slice %arg10[%dma_start3A_319, %add3A_295] : memref<64x16384xf32, #tpu.memory_space<hbm>> -> memref<64x128xf32, #tpu.memory_space<hbm>>
        %dma_start3A_321 = arith.constant 0 : i32
        %dma_start3A_322 = tpu.memref_slice %arg10[%dma_start3A_321, %add3A_295] : memref<64x16384xf32, #tpu.memory_space<hbm>> -> memref<64x128xf32, #tpu.memory_space<hbm>>
        %dma_start3A_323 = arith.constant 0 : i32
        %dma_start3A_324 = arith.constant 0 : i32
        %dma_start3A_325 = tpu.memref_slice %arg16[%dma_start3A_323, %dma_start3A_324] : memref<128x128xf32, #tpu.memory_space<vmem>> -> memref<64x128xf32, #tpu.memory_space<vmem>>
        tpu.enqueue_dma source(%dma_start3A_325 : memref<64x128xf32, #tpu.memory_space<vmem>>) target(%dma_start3A_322 : memref<64x128xf32, #tpu.memory_space<hbm>>) target_semaphore(%arg17 : memref<!tpu.dma_semaphore, #tpu.memory_space<semaphore_mem>>)
        %dma_start3A_326 = arith.constant 64 : i32
        %dma_start3A_327 = arith.constant 0 : i32
        %dma_start3A_328 = tpu.memref_slice %arg16[%dma_start3A_326, %dma_start3A_327] : memref<128x128xf32, #tpu.memory_space<vmem>> -> memref<64x128xf32, #tpu.memory_space<vmem>>
        %dma_start3A_329 = arith.constant 0 : i32
        %dma_start3A_330 = tpu.memref_slice %arg11[%dma_start3A_329, %add3A_295] : memref<64x16384xf32, #tpu.memory_space<hbm>> -> memref<64x128xf32, #tpu.memory_space<hbm>>
        %dma_start3A_331 = arith.constant 0 : i32
        %dma_start3A_332 = tpu.memref_slice %arg11[%dma_start3A_331, %add3A_295] : memref<64x16384xf32, #tpu.memory_space<hbm>> -> memref<64x128xf32, #tpu.memory_space<hbm>>
        %dma_start3A_333 = arith.constant 64 : i32
        %dma_start3A_334 = arith.constant 0 : i32
        %dma_start3A_335 = tpu.memref_slice %arg16[%dma_start3A_333, %dma_start3A_334] : memref<128x128xf32, #tpu.memory_space<vmem>> -> memref<64x128xf32, #tpu.memory_space<vmem>>
        tpu.enqueue_dma source(%dma_start3A_335 : memref<64x128xf32, #tpu.memory_space<vmem>>) target(%dma_start3A_332 : memref<64x128xf32, #tpu.memory_space<hbm>>) target_semaphore(%arg17 : memref<!tpu.dma_semaphore, #tpu.memory_space<semaphore_mem>>)
      } else {
      }
    }
    %scan3A_60 = arith.constant 8 : i32
    %dma_wait3A = arith.constant 0 : i32
    %dma_wait3A_61 = arith.constant 0 : i32
    %dma_wait3A_62 = tpu.memref_slice %arg15[%dma_wait3A, %dma_wait3A_61] : memref<128x128xf32, #tpu.memory_space<vmem>> -> memref<64x128xf32, #tpu.memory_space<vmem>>
    %dma_wait3A_63 = arith.constant 0 : i32
    %dma_wait3A_64 = arith.constant 0 : i32
    %dma_wait3A_65 = tpu.memref_slice %arg4[%dma_wait3A_63, %dma_wait3A_64] : memref<64x16384xf32, #tpu.memory_space<hbm>> -> memref<64x128xf32, #tpu.memory_space<hbm>>
    %dma_wait3A_66 = arith.constant 0 : i32
    %dma_wait3A_67 = arith.constant 0 : i32
    %dma_wait3A_68 = tpu.memref_slice %arg15[%dma_wait3A_66, %dma_wait3A_67] : memref<128x128xf32, #tpu.memory_space<vmem>> -> memref<64x128xf32, #tpu.memory_space<vmem>>
    %dma_wait3A_69 = arith.constant 0 : i32
    %dma_wait3A_70 = arith.constant 0 : i32
    %dma_wait3A_71 = tpu.memref_slice %arg4[%dma_wait3A_69, %dma_wait3A_70] : memref<64x16384xf32, #tpu.memory_space<hbm>> -> memref<64x128xf32, #tpu.memory_space<hbm>>
    tpu.wait_dma2 semaphore(%arg17 : memref<!tpu.dma_semaphore, #tpu.memory_space<semaphore_mem>>) src(%dma_wait3A_71 : memref<64x128xf32, #tpu.memory_space<hbm>>) dst(%dma_wait3A_68 : memref<64x128xf32, #tpu.memory_space<vmem>>)
    %dma_wait3A_72 = arith.constant 64 : i32
    %dma_wait3A_73 = arith.constant 0 : i32
    %dma_wait3A_74 = tpu.memref_slice %arg15[%dma_wait3A_72, %dma_wait3A_73] : memref<128x128xf32, #tpu.memory_space<vmem>> -> memref<64x128xf32, #tpu.memory_space<vmem>>
    %dma_wait3A_75 = arith.constant 0 : i32
    %dma_wait3A_76 = arith.constant 0 : i32
    %dma_wait3A_77 = tpu.memref_slice %arg4[%dma_wait3A_75, %dma_wait3A_76] : memref<64x16384xf32, #tpu.memory_space<hbm>> -> memref<64x128xf32, #tpu.memory_space<hbm>>
    %dma_wait3A_78 = arith.constant 64 : i32
    %dma_wait3A_79 = arith.constant 0 : i32
    %dma_wait3A_80 = tpu.memref_slice %arg15[%dma_wait3A_78, %dma_wait3A_79] : memref<128x128xf32, #tpu.memory_space<vmem>> -> memref<64x128xf32, #tpu.memory_space<vmem>>
    %dma_wait3A_81 = arith.constant 0 : i32
    %dma_wait3A_82 = arith.constant 0 : i32
    %dma_wait3A_83 = tpu.memref_slice %arg4[%dma_wait3A_81, %dma_wait3A_82] : memref<64x16384xf32, #tpu.memory_space<hbm>> -> memref<64x128xf32, #tpu.memory_space<hbm>>
    tpu.wait_dma2 semaphore(%arg17 : memref<!tpu.dma_semaphore, #tpu.memory_space<semaphore_mem>>) src(%dma_wait3A_83 : memref<64x128xf32, #tpu.memory_space<hbm>>) dst(%dma_wait3A_80 : memref<64x128xf32, #tpu.memory_space<vmem>>)
    %dma_wait3A_84 = arith.constant 0 : i32
    %dma_wait3A_85 = arith.constant 0 : i32
    %dma_wait3A_86 = tpu.memref_slice %arg16[%dma_wait3A_84, %dma_wait3A_85] : memref<128x128xf32, #tpu.memory_space<vmem>> -> memref<64x128xf32, #tpu.memory_space<vmem>>
    %dma_wait3A_87 = arith.constant 0 : i32
    %dma_wait3A_88 = arith.constant 0 : i32
    %dma_wait3A_89 = tpu.memref_slice %arg4[%dma_wait3A_87, %dma_wait3A_88] : memref<64x16384xf32, #tpu.memory_space<hbm>> -> memref<64x128xf32, #tpu.memory_space<hbm>>
    %dma_wait3A_90 = arith.constant 0 : i32
    %dma_wait3A_91 = arith.constant 0 : i32
    %dma_wait3A_92 = tpu.memref_slice %arg16[%dma_wait3A_90, %dma_wait3A_91] : memref<128x128xf32, #tpu.memory_space<vmem>> -> memref<64x128xf32, #tpu.memory_space<vmem>>
    %dma_wait3A_93 = arith.constant 0 : i32
    %dma_wait3A_94 = arith.constant 0 : i32
    %dma_wait3A_95 = tpu.memref_slice %arg4[%dma_wait3A_93, %dma_wait3A_94] : memref<64x16384xf32, #tpu.memory_space<hbm>> -> memref<64x128xf32, #tpu.memory_space<hbm>>
    tpu.wait_dma2 semaphore(%arg17 : memref<!tpu.dma_semaphore, #tpu.memory_space<semaphore_mem>>) src(%dma_wait3A_95 : memref<64x128xf32, #tpu.memory_space<hbm>>) dst(%dma_wait3A_92 : memref<64x128xf32, #tpu.memory_space<vmem>>)
    %dma_wait3A_96 = arith.constant 64 : i32
    %dma_wait3A_97 = arith.constant 0 : i32
    %dma_wait3A_98 = tpu.memref_slice %arg16[%dma_wait3A_96, %dma_wait3A_97] : memref<128x128xf32, #tpu.memory_space<vmem>> -> memref<64x128xf32, #tpu.memory_space<vmem>>
    %dma_wait3A_99 = arith.constant 0 : i32
    %dma_wait3A_100 = arith.constant 0 : i32
    %dma_wait3A_101 = tpu.memref_slice %arg4[%dma_wait3A_99, %dma_wait3A_100] : memref<64x16384xf32, #tpu.memory_space<hbm>> -> memref<64x128xf32, #tpu.memory_space<hbm>>
    %dma_wait3A_102 = arith.constant 64 : i32
    %dma_wait3A_103 = arith.constant 0 : i32
    %dma_wait3A_104 = tpu.memref_slice %arg16[%dma_wait3A_102, %dma_wait3A_103] : memref<128x128xf32, #tpu.memory_space<vmem>> -> memref<64x128xf32, #tpu.memory_space<vmem>>
    %dma_wait3A_105 = arith.constant 0 : i32
    %dma_wait3A_106 = arith.constant 0 : i32
    %dma_wait3A_107 = tpu.memref_slice %arg4[%dma_wait3A_105, %dma_wait3A_106] : memref<64x16384xf32, #tpu.memory_space<hbm>> -> memref<64x128xf32, #tpu.memory_space<hbm>>
    tpu.wait_dma2 semaphore(%arg17 : memref<!tpu.dma_semaphore, #tpu.memory_space<semaphore_mem>>) src(%dma_wait3A_107 : memref<64x128xf32, #tpu.memory_space<hbm>>) dst(%dma_wait3A_104 : memref<64x128xf32, #tpu.memory_space<vmem>>)
    return
  }
}

</mosaic_0001>

<sc_bundles>
// kernel: kernel.3.cloned.1.call-start
scs
__scs_entry_jumppad:
0x0: {  	(pc) =	sbr.rel $0x88, $3  }
0x1: {  	(tag) =	ssettag $0x0;
	lr =	simm.s32 $0x1  }
0x2: {  	[smem:$0x3F98] =	sst lr;
	_ =	strace $0xD0000000  }
0x3: {  	_ = 	snop  }
0x4: {  	_ = 	snop  }
0x5: {  	_ = 	snop  }
0x6: {  	_ = 	snop  }
0x7: {  	_ = 	snop  }
__scs_overlays_trampoline_lowered:
0x8: {  	[smem:$0x3FA7] =	sst s0  }
0x9: {  	[smem:$0x3FA8] =	sst s1  }
0xa: {  	[smem:$0x3FA9] =	sst s2  }
0xb: {  	[smem:$0x3FAA] =	sst s3  }
0xc: {  	[smem:$0x3FAB] =	sst s4  }
0xd: {  	[smem:$0x3FAC] =	sst s5  }
0xe: {  	[smem:$0x3FAD] =	sst s6  }
0xf: {  	[smem:$0x3FAE] =	sst s7  }
0x10: {  	[smem:$0x3FAF] =	sst s8  }
0x11: {  	[smem:$0x3FB0] =	sst s9;
	s0 =	simm.s32 @!p0 $0x0  }
0x12: {  	s1 =	sld [smem:$0x3F96];
	s0 =	simm.s32 @p0 $0x1  }
0x13: {  	[smem:$0x3FB1] =	sst s0;
	s0 =	simm.s32 @!p1 $0x0  }
0x14: {  	s2 =	sld [smem:$0x3F95];
	s0 =	simm.s32 @p1 $0x1  }
0x15: {  	[smem:$0x3FB2] =	sst s0;
	s0 =	simm.s32 @!p2 $0x0  }
0x16: {  	s3 =	sld [smem:$0x3FDB];
	s0 =	simm.s32 @p2 $0x1  }
0x17: {  	s4 =	simm.s32 $0x1BF5;
	[smem:$0x3FB4] =	sst s0  }
0x18: {  	s0 =	sld [smem:$0x3F97];
	_ =	swait.ge [sflag:s4], $0x0  }
0x19: {  	s7 =	sld [smem:$0x3F98]  }
0x1a: {  	s8 =	sadd.s32 $0xFFFFE003, lr  }
0x1b: {  	s9 =	sadd.s32 $0xFFFFFEF7, lr;
	s5 =	simm.s32 $0xFFFFFFFF;
	p2 =	slt.u32 s8, $0xFFFFF086  }
0x1c: {  	p1 =	slt.u32 s9, $0xF7A;
	s5 =	simm.s32 @!p2 $0x0  }
0x1d: {  	s5 =	simm.s32 @p1 $0x1;
	p0 =	seq.s32 s7, s2  }
0x1e: {  	s7 =	smul.u32 @!p0 $0xF7A, s2;
	p2 =	seq.s32 @!p0 s5, $0x0  }
0x1f: {  	s9 =	smul.u32 $0xF7A, s1;
	s8 =	simm.s32 @!p0 $0x1BF5;
	p2 =	por !p2, p0  }
0x20: {  	[sflag:s8] =	ssyncset.s32 @!p0 $0xFFFFF086;
	s6 =	sadd.s32 @!p0 s3, s7;
	s7 =	simm.s32 @!p0 $0x108  }
0x21: {  	s3 =	sadd.s32 s3, s9;
	s6 =	sadd.s32 @!p0 $0x88, s6;
	s7 =	simm.s32 @p2 $0x1082  }
0x22: {  	[simem:s7], [sflag:s8] =	dma.local @!p0 [hbm:s6], $0xF7A  }
0x23: {  	s9 =	sor.u32 $0xD0000000, s2;
	s6 =	simm.s32 $0x108;
	_ =	swait.ge @!p0 [sflag:s8], $0x0  }
0x24: {  	s3 =	sadd.s32 $0x88, s3;
	s6 =	simm.s32 @!p1 $0x1082;
	[sflag:s4] =	ssyncset.s32 $0xFFFFF086  }
0x25: {  	[simem:s6], [sflag:s4] =	dma.local [hbm:s3], $0xF7A  }
0x26: {  	[smem:$0x3F98] =	sst s1;
	(tag) =	ssettag s2;
	_ =	strace s9  }
0x27: {  	s1 =	sld [smem:$0x3FA8]  }
0x28: {  	s2 =	sld [smem:$0x3FA9]  }
0x29: {  	s4 =	sld [smem:$0x3FAB]  }
0x2a: {  	p0 =	seq.s32 s5, $0x0;
	s5 =	sld [smem:$0x3FAC]  }
0x2b: {  	s6 =	sld [smem:$0x3FAD]  }
0x2c: {  	s7 =	sld [smem:$0x3FAE]  }
0x2d: {  	s3 =	simm.s32 $0x108;
	s8 =	sld [smem:$0x3FAF]  }
0x2e: {  	s3 =	simm.s32 @!p0 $0x1082;
	s9 =	sld [smem:$0x3FB0]  }
0x2f: {  	lr =	sadd.s32 s0, s3;
	s0 =	sld [smem:$0x3FA7]  }
0x30: {  	s3 =	sld [smem:$0x3FAA]  }
0x31: {  	[smem:$0x3FB3] =	sst s10  }
0x32: {  	s10 =	sld [smem:$0x3FB1];
	_ =	sdelay $0x3  }
0x33: {  	p0 =	seq.s32 s10, $0x1;
	s10 =	sld [smem:$0x3FB3];
	_ =	sdelay $0x3  }
0x34: {  	[smem:$0x3FB3] =	sst s10  }
0x35: {  	s10 =	sld [smem:$0x3FB2];
	_ =	sdelay $0x3  }
0x36: {  	p1 =	seq.s32 s10, $0x1;
	s10 =	sld [smem:$0x3FB3];
	_ =	sdelay $0x3  }
0x37: {  	[smem:$0x3FB3] =	sst s10  }
0x38: {  	s10 =	sld [smem:$0x3FB4]  }
0x39: {  	_ = 	snop;
	(pc) =	sbr.ind lr, $3  }
0x3a: {  	_ = 	snop  }
0x3b: {  	_ = 	snop  }
0x3c: {  	p2 =	seq.s32 s10, $0x1;
	s10 =	sld [smem:$0x3FB3]  }
0x3d: {  	_ =	shalt  }
0x3e: {  	_ =	shalt  }
0x3f: {  	_ =	shalt  }
0x40: {  	_ =	shalt  }
0x41: {  	_ =	shalt  }
0x42: {  	_ =	shalt  }
0x43: {  	_ =	shalt  }
0x44: {  	_ =	shalt  }
0x45: {  	_ =	shalt  }
0x46: {  	_ =	shalt  }
0x47: {  	_ =	shalt  }
0x48: {  	_ =	shalt  }
0x49: {  	_ =	shalt  }
0x4a: {  	_ =	shalt  }
0x4b: {  	_ =	shalt  }
0x4c: {  	_ =	shalt  }
0x4d: {  	_ =	shalt  }
0x4e: {  	_ =	shalt  }
0x4f: {  	_ =	shalt  }
0x50: {  	_ =	shalt  }
0x51: {  	_ =	shalt  }
0x52: {  	_ =	shalt  }
0x53: {  	_ =	shalt  }
0x54: {  	_ =	shalt  }
0x55: {  	_ =	shalt  }
0x56: {  	_ =	shalt  }
0x57: {  	_ =	shalt  }
0x58: {  	_ =	shalt  }
0x59: {  	_ =	shalt  }
0x5a: {  	_ =	shalt  }
0x5b: {  	_ =	shalt  }
0x5c: {  	_ =	shalt  }
0x5d: {  	_ =	shalt  }
0x5e: {  	_ =	shalt  }
0x5f: {  	_ =	shalt  }
0x60: {  	_ =	shalt  }
0x61: {  	_ =	shalt  }
0x62: {  	_ =	shalt  }
0x63: {  	_ =	shalt  }
0x64: {  	_ =	shalt  }
0x65: {  	_ =	shalt  }
0x66: {  	_ =	shalt  }
0x67: {  	_ =	shalt  }
0x68: {  	_ =	shalt  }
0x69: {  	_ =	shalt  }
0x6a: {  	_ =	shalt  }
0x6b: {  	_ =	shalt  }
0x6c: {  	_ =	shalt  }
0x6d: {  	_ =	shalt  }
0x6e: {  	_ =	shalt  }
0x6f: {  	_ =	shalt  }
0x70: {  	_ =	shalt  }
0x71: {  	_ =	shalt  }
0x72: {  	_ =	shalt  }
0x73: {  	_ =	shalt  }
0x74: {  	_ =	shalt  }
0x75: {  	_ =	shalt  }
0x76: {  	_ =	shalt  }
0x77: {  	_ =	shalt  }
0x78: {  	_ =	shalt  }
0x79: {  	_ =	shalt  }
0x7a: {  	_ =	shalt  }
0x7b: {  	_ =	shalt  }
0x7c: {  	_ =	shalt  }
0x7d: {  	_ =	shalt  }
0x7e: {  	_ =	shalt  }
0x7f: {  	_ =	shalt  }
0x80: {  	_ =	shalt  }
0x81: {  	_ =	shalt  }
0x82: {  	_ =	shalt  }
0x83: {  	_ =	shalt  }
0x84: {  	_ =	shalt  }
0x85: {  	_ =	shalt  }
0x86: {  	_ =	shalt  }
0x87: {  	_ =	shalt  }
.Lfunc_end0:
.L_simem_size_0:
called_computation_lowered:
.L_overlay_start_0:
0x88: {  	s2 =	sld [smem:$0x3FD9]  }
0x89: {  	s3 =	sld [smem:$0x3FFE];
	_ =	sdelay $0x1  }
0x8a: {  	s1 =	srdreg.scid  }
0x8b: {  	s0 =	sand.u32 $0x1, s1  }
0x8c: {  	s30 =	sshll.u32 s0, $0xA;
	s2 =	sadd.s32 s3, s2  }
0x8d: {  	s2 =	sadd.s32 s2, s30  }
0x8e: {  	[smem:$0x3FBF] =	sst s2  }
0x8f: {  	_ = 	snop  }
0x90: {  	s2 =	sld [smem:$0x3FD0];
	_ =	sdelay $0x2  }
0x91: {  	s4 =	simm.s32 $0xA;
	s5 =	simm.s32 $0x10;
	s31 =	sld [smem:$0x3FC9]  }
0x92: {  	[smem:s5], [sflag:s4] =	dma.local [hbm:s2], $0x1  }
0x93: {  	_ =	swait.eq [sflag:s4], $0x1  }
0x94: {  	s16 =	sld [smem:$0x10]  }
0x95: {  	s17 =	sld [smem:$0x11]  }
0x96: {  	s6 =	sld [smem:$0x12]  }
0x97: {  	s7 =	sld [smem:$0x13]  }
0x98: {  	s8 =	sld [smem:$0x14]  }
0x99: {  	s9 =	sld [smem:$0x15];
	[sflag:s4] =	ssyncset.done $0x0  }
0x9a: {  	s10 =	sld [smem:$0x16];
	[sflag:s4] =	ssyncadd.s32 $0xFFFFFFFF  }
0x9b: {  	s18 =	sld [smem:$0x17];
	(tm) =	ssettm $0x1  }
0x9c: {  	s11 =	sld [smem:$0x3FFB];
	_ =	sdelay $0x3  }
0x9d: {  	_ =	strace s11  }
0x9e: {  	s11 =	sld [smem:$0x3FFC];
	_ =	sdelay $0x3  }
0x9f: {  	_ =	strace s11  }
0xa0: {  	s11 =	sld [smem:$0x3FFD];
	_ =	sdelay $0x3  }
0xa1: {  	_ =	strace s11  }
0xa2: {  	_ =	strace $0x8FFFFFFF  }
0xa3: {  	s19 =	sld [smem:$0x3FDB];
	_ =	sdelay $0x1  }
0xa4: {  	s12 =	simm.s32 $_scs_section_size  }
0xa5: {  	s13 =	simm.s32 $_size__tile_overlayer_lowered;
	s14 =	simm.s32 $_tile_overlayer_lowered  }
0xa6: {  	s22 =	simm.s32 $0x1BFF;
	s21 =	sshll.u32 s14, $0x1;
	s11 =	sadd.s32 s12, s19  }
0xa7: {  	s15 =	simm.s32 $0x0;
	s20 =	sshll.u32 s13, $0x1;
	s13 =	sadd.s32 s21, s11  }
0xa8: {  	[timem:s15], [sflag:s22] =	dma.local [hbm:s13], s20  }
0xa9: {  	_ =	swait.ge [sflag:s22], s20  }
0xaa: {  	s12 =	ssub.s32 $0x0, s20;
	[sflag:s22] =	ssyncset.done $0x0  }
0xab: {  	[sflag:s22] =	ssyncadd.s32 s12;
	_ =	sdelay $0x1  }
0xac: {  	s23 =	simm.s32 $0x1B8B  }
0xad: {  	_ =	swait.ge [sflag:s23], $0x1  }
0xae: {  	[sflag:s23] =	ssyncset.done $0x0  }
0xaf: {  	s25 =	simm.s32 $0x1B8E;
	s24 =	sld [smem:$0x3FFE];
	[sflag:s23] =	ssyncadd.s32 $0xFFFFFFFF  }
0xb0: {  	s26 =	simm.s32 $execute0_lowered;
	[smem:$0x3FD2] =	sst s25  }
0xb1: {  	s13 =	sshll.u32 s26, $0x1;
	_ =	strace $0x80000046;
	[dreg:$0x1] =	wrdreg $0xFFFFFFFF  }
0xb2: {  	s28 =	simm.s32 $_size_execute0_lowered;
	s11 =	sadd.s32 s11, s13;
	[dreg:$0x0] =	wrdreg $0x0  }
0xb3: {  	s13 =	sshll.u32 s28, $0x1;
	[dreg:$0x2] =	wrdreg s11  }
0xb4: {  	[dreg:$0x3] =	wrdreg s13  }
0xb5: {  	[dreg:$0x4] =	wrdreg $0xC0  }
0xb6: {  	_ =	task [dreg:s15], $0x5FFFF  }
0xb7: {  	[dreg:$0x1] =	wrdreg $0xFFFFFFFF  }
0xb8: {  	[dreg:$0x0] =	wrdreg $0x60  }
0xb9: {  	[dreg:$0x2] =	wrdreg s31  }
0xba: {  	[dreg:$0x3] =	wrdreg s24  }
0xbb: {  	[dreg:$0x4] =	wrdreg s16  }
0xbc: {  	[dreg:$0x5] =	wrdreg s17  }
0xbd: {  	[dreg:$0x6] =	wrdreg s6  }
0xbe: {  	[dreg:$0x7] =	wrdreg s7  }
0xbf: {  	[dreg:$0x8] =	wrdreg s8  }
0xc0: {  	[dreg:$0x9] =	wrdreg s9  }
0xc1: {  	[dreg:$0xa] =	wrdreg s10  }
0xc2: {  	[dreg:$0xb] =	wrdreg s18  }
0xc3: {  	[dreg:$0xc] =	wrdreg $0x9  }
0xc4: {  	_ =	task.clear_ibuf [dreg:s15], $0xDFFFF;
	_ =	strace $0x90000046  }
0xc5: {  	s29 =	simm.s32 $0x9;
	_ =	strace $0x80000048  }
0xc6: {  	_ =	swait.ge [sflag:s29], $0x1  }
0xc7: {  	[sflag:s29] =	ssyncadd.s32 $0xFFFFFFFF  }
0xc8: {  	_ =	strace $0x90000048  }
0xc9: {  	_ =	sfence  }
0xca: {  	s30 =	sld [smem:$0x0];
	_ =	sdelay $0x2  }
0xcb: {  	s31 =	sshll.u32 s1, $0xD;
	s1 =	sshrl.u32 s1, $0x2  }
0xcc: {  	s3 =	sand.u32 $0x4000, s31;
	s1 =	sadd.s32 s1, s30  }
0xcd: {  	s0 =	sor.u32 s3, s0;
	s1 =	sshll.u32 s1, $0x11  }
0xce: {  	s0 =	sor.u32 s1, s0  }
0xcf: {  	s0 =	sadd.s32 $0x8F2B, s0  }
0xd0: {  	[sflag:s0] =	ssyncadd.remote.s32 $0x1  }
0xd1: {  	_ =	sfence.sel $0xFFFF  }
0xd2: {  	[dreg:$0x0] =	wrdreg $0xFFFFFFFF;
	(pc) =	sbr.abs _section_cstart, $3  }
0xd3: {  	[dreg:$0x1] =	wrdreg $0xFFFFFFFF  }
0xd4: {  	_ =	task.clear_ibuf [dreg:s15], $0x2FFFF;
	_ =	strace $0x9FFFFFFF  }
0xd5: {  	(tm) =	ssettm $0x7FFFFFFF  }
tec
execute0_lowered:
.L_overlay_start_1:
0x0: {  	(tag) =	ssettag $0x1  }
0x1: {  	v0 =	vimm.s32 $0x7F7E7D  }
0x2: {  	v34 =	vimm.s32 $0x1007F7E;
	v1 =	vimm.s32 $0x201007F;
	v2 =	vimm.s32 $0x32107654  }
0x3: {  	v36 =	vimm.s32 $0x7F7E7D7C;
	vm0 =	vcmask $0x300;
	v37 =	vimm.s32 $0x43218765  }
0x4: {  	v3 =	vimm.s32 $0xF;
	v39 =	vimm.s32 $0x54329876;
	vm1 =	vcmask $0x2F10  }
0x5: {  	v4 =	vimm.s32 $0xB0A0908;
	v5 =	vimm.s32 $0x6543A987;
	v6 =	vimm.s32 $0xC0B0A09  }
0x6: {  	v7 =	vimm.s32 $0xD0C0B0A;
	v8 =	vimm.s32 $0xE0D0C0B;
	v42 =	vimm.s32 $0x8F  }
0x7: {  	v43 =	vimm.s32 $0x10F;
	v44 =	vimm.s32 $0x18F;
	v45 =	vimm.s32 $0x20F  }
0x8: {  	v46 =	vimm.s32 $0x28F;
	v47 =	vimm.s32 $0x30F;
	v48 =	vimm.s32 $0x38F  }
0x9: {  	v49 =	vimm.s32 $0x40F;
	v9 =	vimm.s32 $0x48F;
	v10 =	vimm.s32 $0x50F  }
0xa: {  	v11 =	vimm.s32 $0x58F;
	v12 =	vimm.s32 $0x60F;
	v13 =	vimm.s32 $0x68F  }
0xb: {  	v14 =	vimm.s32 $0x70F;
	v17 =	vunpack.c.0.s8.s32 v0;
	v18 =	vunpack.c.0.s8.s32 v34  }
0xc: {  	v19 =	vunpack.c.0.s8.s32 v1;
	v35 =	vunpack.c.l.s4.s8 v2;
	v2 =	vunpack.c.l.s4.s8 v37  }
0xd: {  	v21 =	vunpack.c.0.s8.s32 v36;
	v38 =	vsel vm0, $0x3880, v3;
	v3 =	vunpack.c.l.s4.s8 v39  }
0xe: {  	v5 =	vunpack.c.l.s4.s8 v5;
	v4 =	vunpack.c.0.s8.s32 v4;
	v6 =	vunpack.c.0.s8.s32 v6  }
0xf: {  	v7 =	vunpack.c.0.s8.s32 v7;
	v8 =	vunpack.c.0.s8.s32 v8;
	v9 =	vsel vm0, $0x3D00, v9  }
0x10: {  	v10 =	vsel vm0, $0x3D80, v10;
	v11 =	vsel vm0, $0x3E00, v11;
	v12 =	vsel vm0, $0x3E80, v12  }
0x11: {  	v0 =	vunpack.c.0.s8.s32 v35;
	v2 =	vunpack.c.0.s8.s32 v2;
	v3 =	vunpack.c.0.s8.s32 v3  }
0x12: {  	v13 =	vsel vm0, $0x3F00, v13;
	v14 =	vsel vm0, $0x3F80, v14;
	v5 =	vunpack.c.0.s8.s32 v5  }
0x13: {  	v0 =	vand.u32 $0xF, v0;
	v2 =	vand.u32 $0xF, v2;
	v3 =	vand.u32 $0xF, v3  }
0x14: {  	v5 =	vand.u32 $0xF, v5;
	v0 =	vsel vm1, v0, v21;
	v2 =	vsel vm1, v2, v17  }
0x15: {  	v3 =	vsel vm1, v3, v18;
	v5 =	vsel vm1, v5, v19;
	vm1 =	vcmask $0x3F30  }
0x16: {  	v0 =	vsel vm1, v4, v0;
	v40 =	vsel vm1, v6, v2;
	v41 =	vsel vm1, v7, v3  }
0x17: {  	v50 =	vsel vm1, v8, v5;
	vm1 =	vcmask $0x704;
	v2 =	vsel vm0, $0x3980, v43  }
0x18: {  	v3 =	vsel vm0, $0x3A00, v44;
	v4 =	vsel vm0, $0x3A80, v45;
	v5 =	vsel vm0, $0x3B00, v46  }
0x19: {  	v6 =	vsel vm0, $0x3B80, v47;
	v7 =	vsel vm0, $0x3C00, v48;
	v8 =	vsel vm0, $0x3C80, v49  }
0x1a: {  	[tilespmem:$0x1FAE0] =	vst v0;
	v1 =	vsel vm1, $0x3901, v38;
	v0 =	vsel vm0, $0x3900, v42;
	vm0 =	vcmask $0xB08  }
0x1b: {  	v2 =	vsel vm1, $0x3A01, v2;
	v3 =	vsel vm1, $0x3A81, v3;
	v4 =	vsel vm1, $0x3B01, v4  }
0x1c: {  	v5 =	vsel vm1, $0x3B81, v5;
	v6 =	vsel vm1, $0x3C01, v6;
	v7 =	vsel vm1, $0x3C81, v7  }
0x1d: {  	v8 =	vsel vm1, $0x3D01, v8;
	v9 =	vsel vm1, $0x3D81, v9;
	v10 =	vsel vm1, $0x3E01, v10  }
0x1e: {  	v11 =	vsel vm1, $0x3E81, v11;
	v12 =	vsel vm1, $0x3F01, v12;
	v13 =	vsel vm1, $0x3F81, v13  }
0x1f: {  	v14 =	vsel vm1, $0x1, v14;
	v0 =	vsel vm1, $0x3981, v0;
	v1 =	vsel vm0, $0x3982, v1  }
0x20: {  	v2 =	vsel vm0, $0x3A82, v2;
	v3 =	vsel vm0, $0x3B02, v3;
	v4 =	vsel vm0, $0x3B82, v4  }
0x21: {  	v5 =	vsel vm0, $0x3C02, v5;
	v6 =	vsel vm0, $0x3C82, v6;
	v7 =	vsel vm0, $0x3D02, v7  }
0x22: {  	v8 =	vsel vm0, $0x3D82, v8;
	v9 =	vsel vm0, $0x3E02, v9;
	v10 =	vsel vm0, $0x3E82, v10  }
0x23: {  	v11 =	vsel vm0, $0x3F02, v11;
	v12 =	vsel vm0, $0x3F82, v12;
	v13 =	vsel vm0, $0x2, v13  }
0x24: {  	v14 =	vsel vm0, $0x82, v14;
	v0 =	vsel vm0, $0x3A02, v0;
	vm0 =	vcmask $0xF0C  }
0x25: {  	v34 =	vimm.s32 $0x78777675;
	v1 =	vsel vm0, $0x3A03, v1  }
0x26: {  	v0 =	vsel vm0, $0x3A83, v0;
	v2 =	vsel vm0, $0x3B03, v2;
	v3 =	vsel vm0, $0x3B83, v3  }
0x27: {  	v4 =	vsel vm0, $0x3C03, v4;
	v5 =	vsel vm0, $0x3C83, v5;
	v6 =	vsel vm0, $0x3D03, v6  }
0x28: {  	v7 =	vsel vm0, $0x3D83, v7;
	v8 =	vsel vm0, $0x3E03, v8;
	v9 =	vsel vm0, $0x3E83, v9  }
0x29: {  	v10 =	vsel vm0, $0x3F03, v10;
	v11 =	vsel vm0, $0x3F83, v11;
	v15 =	vsel vm0, $0x3, v12  }
0x2a: {  	v13 =	vsel vm0, $0x83, v13;
	v14 =	vsel vm0, $0x103, v14;
	vm0 =	vcmask $0x1310  }
0x2b: {  	v35 =	vunpack.c.0.s8.s32 v34;
	v1 =	vsel vm0, $0x3A84, v1  }
0x2c: {  	v0 =	vsel vm0, $0x3B04, v0;
	v2 =	vsel vm0, $0x3B84, v2;
	v3 =	vsel vm0, $0x3C04, v3  }
0x2d: {  	v4 =	vsel vm0, $0x3C84, v4;
	v5 =	vsel vm0, $0x3D04, v5;
	v6 =	vsel vm0, $0x3D84, v6  }
0x2e: {  	v7 =	vsel vm0, $0x3E04, v7;
	v8 =	vsel vm0, $0x3E84, v8;
	v9 =	vsel vm0, $0x3F04, v9  }
0x2f: {  	v10 =	vsel vm0, $0x3F84, v10;
	v11 =	vsel vm0, $0x4, v11;
	v15 =	vsel vm0, $0x84, v15  }
0x30: {  	v13 =	vsel vm0, $0x104, v13;
	v14 =	vsel vm0, $0x184, v14;
	vm0 =	vcmask $0x1714  }
0x31: {  	v43 =	vimm.s32 $0x7A797877;
	v45 =	vimm.s32 $0x7E7D7C7B;
	v1 =	vsel vm0, $0x3B05, v1  }
0x32: {  	v0 =	vsel vm0, $0x3B85, v0;
	v2 =	vsel vm0, $0x3C05, v2;
	v3 =	vsel vm0, $0x3C85, v3  }
0x33: {  	v4 =	vsel vm0, $0x3D05, v4;
	v5 =	vsel vm0, $0x3D85, v5;
	v6 =	vsel vm0, $0x3E05, v6  }
0x34: {  	v7 =	vsel vm0, $0x3E85, v7;
	v8 =	vsel vm0, $0x3F05, v8;
	v9 =	vsel vm0, $0x3F85, v9  }
0x35: {  	v10 =	vsel vm0, $0x5, v10;
	v11 =	vsel vm0, $0x85, v11;
	v15 =	vsel vm0, $0x105, v15  }
0x36: {  	v13 =	vsel vm0, $0x185, v13;
	v14 =	vsel vm0, $0x205, v14;
	vm0 =	vcmask $0x1B18  }
0x37: {  	v48 =	vimm.s32 $0x7B7A7978;
	v44 =	vunpack.c.0.s8.s32 v43;
	v1 =	vsel vm0, $0x3B86, v1  }
0x38: {  	v0 =	vsel vm0, $0x3C06, v0;
	v2 =	vsel vm0, $0x3C86, v2;
	v3 =	vsel vm0, $0x3D06, v3  }
0x39: {  	v4 =	vsel vm0, $0x3D86, v4;
	v5 =	vsel vm0, $0x3E06, v5;
	v6 =	vsel vm0, $0x3E86, v6  }
0x3a: {  	v7 =	vsel vm0, $0x3F06, v7;
	v8 =	vsel vm0, $0x3F86, v8;
	v9 =	vsel vm0, $0x6, v9  }
0x3b: {  	v10 =	vsel vm0, $0x86, v10;
	v11 =	vsel vm0, $0x106, v11;
	v15 =	vsel vm0, $0x186, v15  }
0x3c: {  	v13 =	vsel vm0, $0x206, v13;
	v14 =	vsel vm0, $0x286, v14;
	vm0 =	vcmask $0x1F1C  }
0x3d: {  	v49 =	vunpack.c.0.s8.s32 v48;
	v12 =	vlaneseq.u32;
	v1 =	vsel vm0, $0x3C07, v1  }
0x3e: {  	v0 =	vsel vm0, $0x3C87, v0;
	v2 =	vsel vm0, $0x3D07, v2;
	v3 =	vsel vm0, $0x3D87, v3  }
0x3f: {  	v4 =	vsel vm0, $0x3E07, v4;
	v5 =	vsel vm0, $0x3E87, v5;
	v6 =	vsel vm0, $0x3F07, v6  }
0x40: {  	v7 =	vsel vm0, $0x3F87, v7;
	v8 =	vsel vm0, $0x7, v8;
	v9 =	vsel vm0, $0x87, v9  }
0x41: {  	v10 =	vsel vm0, $0x107, v10;
	v11 =	vsel vm0, $0x187, v11;
	v15 =	vsel vm0, $0x207, v15  }
0x42: {  	v13 =	vsel vm0, $0x287, v13;
	v14 =	vsel vm0, $0x307, v14;
	vm0 =	vcmask $0x2320  }
0x43: {  	v20 =	vmul.u32 $0x81, v12;
	v57 =	vadd.s32 $0x8, v12;
	v1 =	vsel vm0, $0x3C88, v1  }
0x44: {  	v0 =	vsel vm0, $0x3D08, v0;
	v2 =	vsel vm0, $0x3D88, v2;
	v3 =	vsel vm0, $0x3E08, v3  }
0x45: {  	v4 =	vsel vm0, $0x3E88, v4;
	v5 =	vsel vm0, $0x3F08, v5;
	v6 =	vsel vm0, $0x3F88, v6  }
0x46: {  	v7 =	vsel vm0, $0x8, v7;
	v8 =	vsel vm0, $0x88, v8;
	v9 =	vsel vm0, $0x108, v9  }
0x47: {  	v10 =	vsel vm0, $0x188, v10;
	v11 =	vsel vm0, $0x208, v11;
	v15 =	vsel vm0, $0x288, v15  }
0x48: {  	v13 =	vsel vm0, $0x308, v13;
	v14 =	vsel vm0, $0x388, v14;
	vm0 =	vcmask $0x2724  }
0x49: {  	v58 =	vadd.s32 $0x9, v12;
	v39 =	vadd.s32 $0xA, v12;
	v1 =	vsel vm0, $0x3D09, v1  }
0x4a: {  	v0 =	vsel vm0, $0x3D89, v0;
	v2 =	vsel vm0, $0x3E09, v2;
	v3 =	vsel vm0, $0x3E89, v3  }
0x4b: {  	v4 =	vsel vm0, $0x3F09, v4;
	v5 =	vsel vm0, $0x3F89, v5;
	v6 =	vsel vm0, $0x9, v6  }
0x4c: {  	v7 =	vsel vm0, $0x89, v7;
	v8 =	vsel vm0, $0x109, v8;
	v9 =	vsel vm0, $0x189, v9  }
0x4d: {  	v10 =	vsel vm0, $0x209, v10;
	v11 =	vsel vm0, $0x289, v11;
	v15 =	vsel vm0, $0x309, v15  }
0x4e: {  	v13 =	vsel vm0, $0x389, v13;
	v14 =	vsel vm0, $0x409, v14;
	vm0 =	vcmask $0x2B28  }
0x4f: {  	v16 =	vadd.s32 $0x80, v20;
	v51 =	vadd.s32 $0x100, v20;
	v1 =	vsel vm0, $0x3D8A, v1  }
0x50: {  	v0 =	vsel vm0, $0x3E0A, v0;
	v2 =	vsel vm0, $0x3E8A, v2;
	v3 =	vsel vm0, $0x3F0A, v3  }
0x51: {  	v4 =	vsel vm0, $0x3F8A, v4;
	v5 =	vsel vm0, $0xA, v5;
	v6 =	vsel vm0, $0x8A, v6  }
0x52: {  	v7 =	vsel vm0, $0x10A, v7;
	v8 =	vsel vm0, $0x18A, v8;
	v9 =	vsel vm0, $0x20A, v9  }
0x53: {  	v10 =	vsel vm0, $0x28A, v10;
	v11 =	vsel vm0, $0x30A, v11;
	v15 =	vsel vm0, $0x38A, v15  }
0x54: {  	[tilespmem:$0x1FAA0] =	vst v17;
	v13 =	vsel vm0, $0x40A, v13;
	v14 =	vsel vm0, $0x48A, v14;
	vm0 =	vcmask $0x2F2C  }
0x55: {  	[tilespmem:$0x1FAB0] =	vst v18;
	v52 =	vadd.s32 $0x180, v20;
	v53 =	vadd.s32 $0x200, v20;
	v1 =	vsel vm0, $0x3E0B, v1  }
0x56: {  	[tilespmem:$0x1FAC0] =	vst v19;
	v0 =	vsel vm0, $0x3E8B, v0;
	v2 =	vsel vm0, $0x3F0B, v2;
	v3 =	vsel vm0, $0x3F8B, v3  }
0x57: {  	[tilespmem:$0x1FAD0] =	vst v21;
	v4 =	vsel vm0, $0xB, v4;
	v5 =	vsel vm0, $0x8B, v5;
	v6 =	vsel vm0, $0x10B, v6  }
0x58: {  	[tilespmem:$0x1FC90] =	vst v35;
	v7 =	vsel vm0, $0x18B, v7;
	v8 =	vsel vm0, $0x20B, v8;
	v9 =	vsel vm0, $0x28B, v9  }
0x59: {  	[tilespmem:$0x1FAF0] =	vst v40;
	v10 =	vsel vm0, $0x30B, v10;
	v11 =	vsel vm0, $0x38B, v11;
	v15 =	vsel vm0, $0x40B, v15  }
0x5a: {  	[tilespmem:$0x1FB00] =	vst v41;
	v13 =	vsel vm0, $0x48B, v13;
	v14 =	vsel vm0, $0x50B, v14;
	vm0 =	vcmask $0x3330  }
0x5b: {  	[tilespmem:$0x1FD00] =	vst v44;
	v54 =	vadd.s32 $0x280, v20;
	v55 =	vadd.s32 $0x300, v20;
	v1 =	vsel vm0, $0x3E8C, v1  }
0x5c: {  	[tilespmem:$0x1FD10] =	vst v49;
	v0 =	vsel vm0, $0x3F0C, v0;
	v2 =	vsel vm0, $0x3F8C, v2;
	v3 =	vsel vm0, $0xC, v3  }
0x5d: {  	[tilespmem:$0x1FB80] =	vst v57;
	v4 =	vsel vm0, $0x8C, v4;
	v5 =	vsel vm0, $0x10C, v5;
	v6 =	vsel vm0, $0x18C, v6  }
0x5e: {  	[tilespmem:$0x1FB90] =	vst v58;
	v7 =	vsel vm0, $0x20C, v7;
	v8 =	vsel vm0, $0x28C, v8;
	v9 =	vsel vm0, $0x30C, v9  }
0x5f: {  	[tilespmem:$0x1FCB0] =	vst v39;
	v10 =	vsel vm0, $0x38C, v10;
	v11 =	vsel vm0, $0x40C, v11;
	v15 =	vsel vm0, $0x48C, v15  }
0x60: {  	[tilespmem:$0x1FB10] =	vst v16;
	v13 =	vsel vm0, $0x50C, v13;
	v14 =	vsel vm0, $0x58C, v14;
	vm0 =	vcmask $0x3734  }
0x61: {  	v56 =	vadd.s32 $0x380, v20;
	[tilespmem:$0x1FB30] =	vst v52;
	v52 =	vunpack.c.0.s8.s32 v45;
	v1 =	vsel vm0, $0x3F0D, v1  }
0x62: {  	[tilespmem:$0x1FB20] =	vst v51;
	v0 =	vsel vm0, $0x3F8D, v0;
	v2 =	vsel vm0, $0xD, v2;
	v3 =	vsel vm0, $0x8D, v3  }
0x63: {  	[tilespmem:$0x1FB40] =	vst v53;
	v4 =	vsel vm0, $0x10D, v4;
	v5 =	vsel vm0, $0x18D, v5;
	v6 =	vsel vm0, $0x20D, v6  }
0x64: {  	[tilespmem:$0x1FB50] =	vst v54;
	v7 =	vsel vm0, $0x28D, v7;
	v8 =	vsel vm0, $0x30D, v8;
	v9 =	vsel vm0, $0x38D, v9  }
0x65: {  	[tilespmem:$0x1FB60] =	vst v55;
	v10 =	vsel vm0, $0x40D, v10;
	v11 =	vsel vm0, $0x48D, v11;
	v15 =	vsel vm0, $0x50D, v15  }
0x66: {  	[tilespmem:$0x1FB70] =	vst v56;
	v13 =	vsel vm0, $0x58D, v13;
	v14 =	vsel vm0, $0x60D, v14;
	vm0 =	vcmask $0x3B38  }
0x67: {  	[tilespmem:$0x1FD30] =	vst v52;
	v1 =	vsel vm0, $0x3F8E, v1  }
0x68: {  	v0 =	vsel vm0, $0xE, v0;
	[tilespmem:$0x1FBA0] =	vst v1  }
0x69: {  	v60 =	vsel vm0, $0x8E, v2;
	[tilespmem:$0x1FBB0] =	vst v0  }
0x6a: {  	v61 =	vsel vm0, $0x10E, v3;
	[tilespmem:$0x1FBC0] =	vst v60  }
0x6b: {  	v62 =	vsel vm0, $0x18E, v4;
	[tilespmem:$0x1FBD0] =	vst v61  }
0x6c: {  	v63 =	vsel vm0, $0x20E, v5;
	[tilespmem:$0x1FBE0] =	vst v62  }
0x6d: {  	v4 =	vsel vm0, $0x28E, v6;
	[tilespmem:$0x1FBF0] =	vst v63  }
0x6e: {  	v5 =	vsel vm0, $0x30E, v7;
	[tilespmem:$0x1FC00] =	vst v4  }
0x6f: {  	v6 =	vsel vm0, $0x38E, v8;
	[tilespmem:$0x1FC10] =	vst v5  }
0x70: {  	v7 =	vsel vm0, $0x40E, v9;
	[tilespmem:$0x1FC20] =	vst v6  }
0x71: {  	v8 =	vsel vm0, $0x48E, v10;
	[tilespmem:$0x1FC30] =	vst v7  }
0x72: {  	v9 =	vsel vm0, $0x50E, v11;
	[tilespmem:$0x1FC40] =	vst v8  }
0x73: {  	v59 =	vimm.s32 $0x74737271;
	v10 =	vsel vm0, $0x58E, v15;
	[tilespmem:$0x1FC50] =	vst v9  }
0x74: {  	v16 =	vunpack.c.0.s8.s32 v59;
	v11 =	vsel vm0, $0x60E, v13;
	[tilespmem:$0x1FC60] =	vst v10  }
0x75: {  	v38 =	vimm.s32 $0x7C7B7A79;
	v33 =	vsel vm0, $0x68E, v14;
	vm0 =	vcmask $0x1F10;
	[tilespmem:$0x1FC70] =	vst v11  }
0x76: {  	v2 =	vunpack.c.0.s8.s32 v38;
	[tilespmem:$0x1FC80] =	vst v33;
	v3 =	vsel vm0, v35, v16  }
0x77: {  	v36 =	vimm.s32 $0x75747372;
	[tilespmem:$0x1FCC0] =	vst v3  }
0x78: {  	v37 =	vimm.s32 $0x79787776;
	v46 =	vimm.s32 $0x3020100;
	v9 =	vadd.s32 $0xB, v12;
	[tilespmem:$0x1FCD0] =	vst v2  }
0x79: {  	v47 =	vimm.s32 $0x77767574;
	v40 =	vimm.s32 $0x7D7C7B7A;
	v10 =	vadd.s32 $0xC, v12;
	[tilespmem:$0x1FDC0] =	vst v9  }
0x7a: {  	v0 =	vunpack.c.0.s8.s32 v36;
	v1 =	vunpack.c.0.s8.s32 v37;
	v11 =	vadd.s32 $0xD, v12;
	[tilespmem:$0x1FDD0] =	vst v10  }
0x7b: {  	v41 =	vimm.s32 $0x76757473;
	v62 =	vimm.s32 $0x76543210;
	v16 =	vadd.s32 $0xE, v12;
	[tilespmem:$0x1FDE0] =	vst v11  }
0x7c: {  	v42 =	vunpack.c.0.s8.s32 v41;
	v5 =	vunpack.c.l.s4.s8 v62;
	[tilespmem:$0x1FDF0] =	vst v16;
	v0 =	vsel vm0, v1, v0  }
0x7d: {  	v2 =	vunpack.c.0.s8.s32 v46;
	v3 =	vunpack.c.0.s8.s32 v47;
	[tilespmem:$0x1FCE0] =	vst v0;
	v0 =	vunpack.c.0.s8.s32 v40  }
0x7e: {  	v58 =	vimm.s32 $0x6050403;
	v51 =	vimm.s32 $0x4030201;
	[tilespmem:$0x1FCA0] =	vst v1;
	v6 =	vunpack.c.0.s8.s32 v5  }
0x7f: {  	v59 =	vimm.s32 $0x87654321;
	v54 =	vsel vm0, v2, v21;
	v55 =	vsel vm0, v49, v3;
	[tilespmem:$0x1FCF0] =	vst v0  }
0x80: {  	s7 =	rddreg [dreg:$0x0];
	v53 =	vunpack.c.0.s8.s32 v51;
	v1 =	vcombine.low v55, v54;
	v0 =	vsel vm0, v44, v42;
	[tilespmem:$0x1FD80] =	vst v6  }
0x81: {  	s10 =	rddreg [dreg:$0x1];
	v56 =	vimm.s32 $0x5040302;
	v60 =	vimm.s32 $0x98765432;
	v2 =	vunpack.c.l.s4.s8 v59;
	[tilespmem:$0x1FD20] =	vst v0  }
0x82: {  	s0 =	rddreg [dreg:$0x2];
	v57 =	vunpack.c.0.s8.s32 v56;
	v3 =	vunpack.c.l.s4.s8 v60;
	[tilespmem:$0x1FD40] =	vst v1;
	v0 =	vsel vm0, v53, v17  }
0x83: {  	s15 =	rddreg [dreg:$0x3];
	v61 =	vimm.s32 $0xA9876543;
	v2 =	vunpack.c.0.s8.s32 v2;
	v17 =	vadd.s32 $0xF, v12;
	[tilespmem:$0x1FD50] =	vst v0  }
0x84: {  	s2 =	rddreg [dreg:$0x4];
	v4 =	vunpack.c.l.s4.s8 v61;
	v3 =	vunpack.c.0.s8.s32 v3;
	v0 =	vsel vm0, v57, v18;
	[tilespmem:$0x1FE00] =	vst v17  }
0x85: {  	s3 =	rddreg [dreg:$0x5];
	v1 =	vunpack.c.0.s8.s32 v58;
	v7 =	vand.u32 $0xF, v2;
	[tilespmem:$0x1FD60] =	vst v0  }
0x86: {  	s4 =	rddreg [dreg:$0x6];
	v4 =	vunpack.c.0.s8.s32 v4;
	v8 =	vand.u32 $0xF, v3;
	[tilespmem:$0x1FD90] =	vst v7  }
0x87: {  	s5 =	rddreg [dreg:$0x7];
	v63 =	vsel vm0, v1, v19;
	[tilespmem:$0x1FDA0] =	vst v8  }
0x88: {  	s6 =	rddreg [dreg:$0x8];
	s9 =	simm.s32 $0x0;
	v0 =	vand.u32 $0xF, v4;
	[tilespmem:$0x1FD70] =	vst v63  }
0x89: {  	[smem:$0x7FF] =	sst s9;
	v33 =	vadd.s32 $0x400, v20;
	[tilespmem:$0x1FDB0] =	vst v0  }
0x8a: {  	s8 =	rddreg [dreg:$0x9];
	v34 =	vadd.s32 $0x480, v20;
	_ =	strace $0x80000047;
	[tilespmem:$0x1FE10] =	vst v33  }
0x8b: {  	v35 =	vadd.s32 $0x500, v20;
	[tilespmem:$0x1FE20] =	vst v34  }
0x8c: {  	v36 =	vadd.s32 $0x580, v20;
	[tilespmem:$0x1FE30] =	vst v35  }
0x8d: {  	v37 =	vadd.s32 $0x600, v20;
	[tilespmem:$0x1FE40] =	vst v36  }
0x8e: {  	v38 =	vadd.s32 $0x680, v20;
	[tilespmem:$0x1FE50] =	vst v37  }
0x8f: {  	v39 =	vadd.s32 $0x700, v20;
	[tilespmem:$0x1FE60] =	vst v38  }
0x90: {  	v40 =	vadd.s32 $0x780, v20;
	[tilespmem:$0x1FE70] =	vst v39  }
0x91: {  	v41 =	vor.u32 $0x10, v12;
	[tilespmem:$0x1FE80] =	vst v40  }
0x92: {  	v42 =	vadd.s32 $0x11, v12;
	[tilespmem:$0x1FE90] =	vst v41  }
0x93: {  	v43 =	vadd.s32 $0x12, v12;
	[tilespmem:$0x1FEA0] =	vst v42  }
0x94: {  	v44 =	vadd.s32 $0x13, v12;
	[tilespmem:$0x1FEB0] =	vst v43  }
0x95: {  	v45 =	vadd.s32 $0x14, v12;
	[tilespmem:$0x1FEC0] =	vst v44  }
0x96: {  	v46 =	vadd.s32 $0x15, v12;
	[tilespmem:$0x1FED0] =	vst v45  }
0x97: {  	v47 =	vadd.s32 $0x16, v12;
	[tilespmem:$0x1FEE0] =	vst v46  }
0x98: {  	v48 =	vadd.s32 $0x17, v12;
	[tilespmem:$0x1FEF0] =	vst v47  }
0x99: {  	v49 =	vor.u32 $0x800, v20;
	[tilespmem:$0x1FF00] =	vst v48  }
0x9a: {  	v51 =	vadd.s32 $0x880, v20;
	[tilespmem:$0x1FF10] =	vst v49  }
0x9b: {  	v52 =	vadd.s32 $0x900, v20;
	[tilespmem:$0x1FF20] =	vst v51  }
0x9c: {  	v53 =	vadd.s32 $0x980, v20;
	[tilespmem:$0x1FF30] =	vst v52  }
0x9d: {  	s11 =	srdreg.scid;
	v54 =	vadd.s32 $0xA00, v20;
	[tilespmem:$0x1FF40] =	vst v53  }
0x9e: {  	s1 =	stileid.u32;
	s18 =	simm.s32 $0xA00;
	s28 =	simm.s32 $0x400;
	v55 =	vadd.s32 $0xA80, v20;
	[tilespmem:$0x1FF50] =	vst v54  }
0x9f: {  	s29 =	simm.s32 $0x20000;
	s30 =	simm.s32 $0x16600;
	s31 =	simm.s32 $0x4;
	v56 =	vadd.s32 $0xB00, v20;
	[tilespmem:$0x1FF60] =	vst v55  }
0xa0: {  	s11 =	sand.u32 $0x1, s11;
	s12 =	sshll.u32 s1, $0xA;
	s19 =	sadd.s32 $0x800, s10;
	v57 =	vadd.s32 $0xB80, v20;
	[tilespmem:$0x1FF70] =	vst v56  }
0xa1: {  	s21 =	sadd.s32 $0x880, s10;
	s23 =	sadd.s32 $0xA80, s10;
	s24 =	sadd.s32 $0x1080, s10;
	v58 =	vadd.s32 $0x18, v12;
	[tilespmem:$0x1FF80] =	vst v57  }
0xa2: {  	s13 =	ssub.s32 $0x2, s11;
	s11 =	sshll.u32 s11, $0x9;
	v59 =	vadd.s32 $0x19, v12;
	[dreg:$0xb] =	wrdreg s19;
	[tilespmem:$0x1FF90] =	vst v58  }
0xa3: {  	s14 =	sshrl.u32 s13, $0x1;
	s12 =	sor.u32 s11, s12;
	v60 =	vadd.s32 $0x1A, v12;
	[dreg:$0xc] =	wrdreg s21;
	[tilespmem:$0x1FFA0] =	vst v59  }
.Ltmp0:
0xa4: {  	v22 =	vimm.s32 $0x1;
	s22 =	sshrl.u32 s12, $0x3;
	v61 =	vadd.s32 $0x1B, v12;
	[dreg:$0xd] =	wrdreg s23;
	[tilespmem:$0x1FFB0] =	vst v60;
	(pc) =	sbr.rel .LBB2_1-.Ltmp0, $4  }
0xa5: {  	v23 =	vimm.s32 $0x9;
	v24 =	vimm.s32 $0x28;
	s20 =	ssub.s32 s13, s14;
	s25 =	sadd.s32 s7, s22;
	v62 =	vadd.s32 $0x1C, v12;
	[dreg:$0xe] =	wrdreg s24;
	[tilespmem:$0x1FFC0] =	vst v61  }
0xa6: {  	v25 =	vimm.s32 $0x84;
	s26 =	smax.u32 s20, $0x1;
	s22 =	simm.s32 $0x6;
	v26 =	vadd.s32 $0x1, v12;
	v63 =	vadd.s32 $0x1D, v12;
	[dreg:$0xf] =	wrdreg s25;
	[tilespmem:$0x1FFD0] =	vst v62  }
0xa7: {  	s7 =	simm.s32 $0x0;
	v27 =	vadd.s32 $0x2, v12;
	v28 =	vadd.s32 $0x3, v12;
	v29 =	vadd.s32 $0x4, v12;
	[dreg:$0x10] =	wrdreg s26;
	s23 =	simm.s32 $0x1;
	[tilespmem:$0x1FFE0] =	vst v63  }
0xa8: {  	v30 =	vadd.s32 $0x5, v12;
	v31 =	vadd.s32 $0x6, v12;
	v32 =	vadd.s32 $0x7, v12;
	s24 =	simm.s32 $0x3;
	s25 =	simm.s32 $0x10600;
	s26 =	simm.s32 $0x14600;
	[tilespmem:$0x1FFF0] =	vst v50  }
.LBB2_21:
0xa9: {  	_ =	swait.ge [sflag:s23], $0x2000  }
0xaa: {  	[sflag:s23] =	ssyncset.done $0x0  }
0xab: {  	[sflag:s23] =	ssyncadd.s32 $0xFFFFE000  }
0xac: {  	_ =	swait.ge [sflag:s23], $0x2000  }
0xad: {  	[sflag:s23] =	ssyncset.done $0x0  }
0xae: {  	[sflag:s23] =	ssyncadd.s32 $0xFFFFE000  }
0xaf: {  	_ =	swait.ge [sflag:s23], $0x2000  }
0xb0: {  	[sflag:s23] =	ssyncset.done $0x0  }
0xb1: {  	[sflag:s23] =	ssyncadd.s32 $0xFFFFE000  }
0xb2: {  	_ =	swait.ge [sflag:s23], $0x2000  }
0xb3: {  	s7 =	sadd.s32 $0x1, s7;
	s1 =	rddreg [dreg:$0x10]  }
0xb4: {  	p0 =	sne.s32 s7, s1  }
.Ltmp1:
0xb5: {  	_ = 	snop;
	(pc) =	sbr.rel @!p0 .LBB2_22-.Ltmp1, $3  }
0xb6: {  	_ =	sdelay $0x1  }
0xb7: {  	[sflag:s23] =	ssyncset.done $0x0  }
0xb8: {  	[sflag:s23] =	ssyncadd.s32 $0xFFFFE000  }
.LBB2_1:
0xb9: {  	s1 =	rddreg [dreg:$0xb]  }
0xba: {  	[tilespmem:s18], [sflag:$0x2] =	stream.linear.gather [hbm4b:s1+s9], $0x400, $0x38;
	[tilespmem:$0x18600] =	vst v63  }
0xbb: {  	s13 =	rddreg [dreg:$0xc];
	s10 =	simm.s32 $0xE00  }
0xbc: {  	[tilespmem:s10], [sflag:$0x3] =	stream.linear.gather [hbm4b:s13+s9], $0x1000, $0x38;
	[tilespmem:$0x18600] =	vst v63  }
0xbd: {  	s14 =	rddreg [dreg:$0xd];
	s16 =	simm.s32 $0x1E00  }
0xbe: {  	[tilespmem:s16], [sflag:$0x4] =	stream.linear.gather [hbm4b:s14+s9], $0x3000, $0x38;
	[tilespmem:$0x18600] =	vst v63  }
0xbf: {  	s17 =	rddreg [dreg:$0xe];
	s19 =	simm.s32 $0x4E00  }
0xc0: {  	[tilespmem:s19], [sflag:$0x5] =	stream.linear.gather [hbm4b:s17+s9], $0xB800, $0x38;
	[tilespmem:$0x18600] =	vst v63  }
0xc1: {  	s20 =	rddreg [dreg:$0xf]  }
0xc2: {  	[tilespmem:s9], [sflag:$0x6] =	stream.linear.gather [hbm4b:s20+s9], $0x200, $0x38;
	[tilespmem:$0x18600] =	vst v63  }
0xc3: {  	_ =	swait.ge [sflag:s22], $0x200  }
0xc4: {  	[sflag:s22] =	ssyncset.done $0x0  }
0xc5: {  	s21 =	simm.s32 $0x0;
	[sflag:s22] =	ssyncadd.s32 $0xFFFFFE00  }
0xc6: {  	v2 =	vld [tilespmem:s21+$0x0];
	_ =	sdelay $0x4  }
0xc7: {  	v0 =	vcvt.s32.f32 v2;
	_ =	sdelay $0x1  }
0xc8: {  	v1 =	vmul.f32 $1.428571490e-01, v0;
	v3 =	vmul.f32 $2.739726100e-03, v0  }
0xc9: {  	v4 =	vmul.f32 $3.333333510e-02, v0;
	v0 =	vmul.f32 $1.098901130e-02, v0  }
0xca: {  	v1 =	vtrunc.f32 v1;
	v3 =	vtrunc.f32 v3  }
0xcb: {  	v4 =	vtrunc.f32 v4;
	v0 =	vtrunc.f32 v0  }
0xcc: {  	v1 =	vcvt.f32.s32 v1;
	v4 =	vcvt.f32.s32 v4  }
0xcd: {  	v0 =	vcvt.f32.s32 v0;
	v3 =	vcvt.f32.s32 v3  }
0xce: {  	v1 =	vmul.u32 $0xFFFFFFF9, v1  }
0xcf: {  	v4 =	vmul.u32 $0xFFFFFFE2, v4;
	v5 =	vmul.u32 $0xFFFFFFA5, v0;
	v3 =	vmul.u32 $0xFFFFFE93, v3  }
0xd0: {  	v1 =	vadd.s32 v2, v1  }
0xd1: {  	v0 =	vadd.s32 v2, v4;
	v5 =	vadd.s32 v2, v5;
	v2 =	vadd.s32 v2, v3  }
0xd2: {  	vm1 =	vlt.s32 v1, $0x0;
	v6 =	vadd.s32 $0x7, v1;
	vm2 =	vlt.s32 v5, $0x0  }
0xd3: {  	v3 =	vadd.s32 $0x5B, v5;
	vm3 =	vlt.s32 v2, $0x0;
	v1 =	vsel vm1, v6, v1  }
0xd4: {  	s11 =	sand.u32 $0x600, s9;
	v6 =	vadd.s32 $0x16D, v2;
	v3 =	vsel vm2, v3, v5;
	vm1 =	vgt.s32 v1, $0x6  }
0xd5: {  	s10 =	simm.s32 $0x10;
	s13 =	sand.u32 $0x70, s9;
	s19 =	simm.s32 $0x0;
	v2 =	vsel vm3, v6, v2;
	v4 =	vsel vm1, $0xFFFFFFFA, v22;
	vm1 =	vlt.s32 v0, $0x0  }
.LBB2_2:
0xd6: {  	p0 =	sne.s32 s10, $0x1F0  }
0xd7: {  	v5 =	vadd.s32 $0x1E, v0;
	vm2 =	vgt.s32 v3, $0x5A;
	vm3 =	vgt.s32 v2, $0x16C;
	s19 =	sadd.s32 $0x40, s19;
	s20 =	smov.u32 s10;
	s10 =	sadd.s32 $0x10, s10  }
0xd8: {  	v1 =	vadd.s32 v1, v4;
	s21 =	sor.u32 s13, s11;
	s11 =	sand.u32 $0x600, s19;
	s13 =	sand.u32 $0x70, s20;
	v0 =	vsel vm1, v5, v0;
	v4 =	vsel vm2, $0xFFFFFFCD, v24  }
0xd9: {  	[tilespmem:s21+$0x200] =	vst v1;
	vm1 =	vgt.s32 v0, $0x1D;
	v1 =	vadd.s32 v3, v4;
	v3 =	vsel vm3, $0xFFFFFF17, v25  }
0xda: {  	v4 =	vsel vm1, $0xFFFFFFEB, v23;
	[tilespmem:s21+$0x300] =	vst v1;
	v1 =	vadd.s32 v2, v3  }
0xdb: {  	v0 =	vadd.s32 v0, v4;
	[tilespmem:s21+$0x380] =	vst v1  }
0xdc: {  	s20 =	sshra.s32 s19, $0x2;
	[tilespmem:s21+$0x280] =	vst v0  }
0xdd: {  	v2 =	vld [tilespmem:s20+$0x0];
	_ =	sdelay $0x4  }
0xde: {  	v0 =	vcvt.s32.f32 v2;
	_ =	sdelay $0x1  }
0xdf: {  	v1 =	vmul.f32 $1.428571490e-01, v0;
	v3 =	vmul.f32 $2.739726100e-03, v0  }
0xe0: {  	v4 =	vmul.f32 $3.333333510e-02, v0;
	v0 =	vmul.f32 $1.098901130e-02, v0  }
0xe1: {  	v1 =	vtrunc.f32 v1;
	v3 =	vtrunc.f32 v3  }
0xe2: {  	v4 =	vtrunc.f32 v4;
	v1 =	vcvt.f32.s32 v1  }
0xe3: {  	v0 =	vtrunc.f32 v0;
	v4 =	vcvt.f32.s32 v4  }
0xe4: {  	v0 =	vcvt.f32.s32 v0;
	v3 =	vcvt.f32.s32 v3;
	v1 =	vmul.u32 $0xFFFFFFF9, v1  }
0xe5: {  	v4 =	vmul.u32 $0xFFFFFFE2, v4  }
0xe6: {  	v5 =	vmul.u32 $0xFFFFFFA5, v0;
	v3 =	vmul.u32 $0xFFFFFE93, v3;
	v1 =	vadd.s32 v2, v1  }
.Ltmp2:
0xe7: {  	v0 =	vadd.s32 v2, v4;
	vm1 =	vlt.s32 v1, $0x0;
	v6 =	vadd.s32 $0x7, v1;
	(pc) =	sbr.rel @p0 .LBB2_2-.Ltmp2, $4  }
0xe8: {  	v5 =	vadd.s32 v2, v5;
	v2 =	vadd.s32 v2, v3;
	v1 =	vsel vm1, v6, v1  }
0xe9: {  	vm2 =	vlt.s32 v5, $0x0;
	v6 =	vadd.s32 $0x16D, v2;
	vm1 =	vgt.s32 v1, $0x6  }
0xea: {  	v3 =	vadd.s32 $0x5B, v5;
	vm3 =	vlt.s32 v2, $0x0;
	v4 =	vsel vm1, $0xFFFFFFFA, v22  }
0xeb: {  	v3 =	vsel vm2, v3, v5;
	v2 =	vsel vm3, v6, v2;
	vm1 =	vlt.s32 v0, $0x0  }
0xec: {  	v5 =	vadd.s32 $0x1E, v0;
	vm2 =	vgt.s32 v3, $0x5A;
	vm3 =	vgt.s32 v2, $0x16C  }
.Ltmp3:
0xed: {  	v1 =	vadd.s32 v1, v4;
	s10 =	sor.u32 s13, s11;
	v0 =	vsel vm1, v5, v0;
	v59 =	vsel vm2, $0xFFFFFFCD, v24;
	(pc) =	sbr.rel .LBB2_4-.Ltmp3, $4  }
0xee: {  	[tilespmem:s10+$0x200] =	vst v1;
	v61 =	vsel vm3, $0xFFFFFF17, v25;
	vm1 =	vgt.s32 v0, $0x1D;
	v60 =	vadd.s32 v3, v59  }
0xef: {  	v63 =	vadd.s32 v2, v61;
	v62 =	vsel vm1, $0xFFFFFFEB, v23;
	[tilespmem:s10+$0x300] =	vst v60  }
0xf0: {  	[tilespmem:s10+$0x380] =	vst v63;
	v0 =	vadd.s32 v0, v62  }
0xf1: {  	p5 =	por $0x0, $0x0;
	[tilespmem:s10+$0x280] =	vst v0;
	s10 =	simm.s32 $0x0  }
.LBB2_19:
0xf2: {  	s1 =	sshll.u32 s11, $0x7  }
0xf3: {  	s1 =	sor.u32 s12, s1  }
0xf4: {  	s21 =	sadd.s32 s13, s1  }
0xf5: {  	[hbm4b:s21+s28] =	stream.strided.scatter [tilespmem:s26], [sflag:$0x1], $0x2000, s29, s28, $0x38;
	[tilespmem:$0x18600] =	vst v63  }
0xf6: {  	s1 =	sadd.s32 s20, s1  }
0xf7: {  	[hbm4b:s1+s28] =	stream.strided.scatter [tilespmem:s30], [sflag:$0x1], $0x2000, s29, s28, $0x38;
	[tilespmem:$0x18600] =	vst v63  }
.LBB2_20:
0xf8: {  	s10 =	sadd.s32 $0x1, s10  }
0xf9: {  	p0 =	sne.s32 s10, $0x8  }
.Ltmp4:
0xfa: {  	_ = 	snop;
	(pc) =	sbr.rel @!p0 .LBB2_21-.Ltmp4, $2  }
0xfb: {  	_ =	sdelay $0x2  }
0xfc: {  	p5 =	por !p5, !p5  }
.LBB2_4:
0xfd: {  	s11 =	sshll.u32 s10, $0x1;
	s19 =	sshrl.u32 s10, $0x1  }
0xfe: {  	s21 =	sand.u32 $0x2, s11;
	p2 =	sne.s32 s19, $0x1  }
0xff: {  	p3 =	sne.s32 @!p2 s21, $0x0  }
0x100: {  	s11 =	sor.u32 s19, s21;
	p2 =	por p2, p3  }
.Ltmp5:
0x101: {  	p1 =	sne.s32 s11, $0x0;
	(pc) =	sbr.rel @p2 .LBB2_6-.Ltmp5, $4  }
0x102: {  	s11 =	simm.s32 @!p1 $0x2  }
0x103: {  	_ =	swait.ge @!p1 [sflag:s11], $0x400  }
0x104: {  	[sflag:s11] =	ssyncset.done @!p1 $0x0  }
0x105: {  	[sflag:s11] =	ssyncadd.s32 @!p1 $0xFFFFFC00  }
.Ltmp6:
0x106: {  	(pc) =	sbr.rel .LBB2_9-.Ltmp6, $4  }
0x107: {  	_ = 	snop  }
0x108: {  	_ =	swait.ge [sflag:s24], $0x1000  }
0x109: {  	[sflag:s24] =	ssyncset.done $0x0  }
0x10a: {  	p1 =	por $0x0, $0x0;
	p2 =	por $0x0, $0x0;
	[sflag:s24] =	ssyncadd.s32 $0xFFFFF000  }
.LBB2_6:
0x10b: {  	p1 =	sne.s32 s19, $0x2  }
0x10c: {  	p2 =	sne.s32 @!p1 s21, $0x0  }
0x10d: {  	p1 =	por p1, p2  }
.Ltmp7:
0x10e: {  	_ = 	snop;
	(pc) =	sbr.rel @p1 .LBB2_8-.Ltmp7, $1  }
0x10f: {  	_ =	sdelay $0x3  }
.Ltmp8:
0x110: {  	(pc) =	sbr.rel .LBB2_9-.Ltmp8, $4  }
0x111: {  	_ = 	snop  }
0x112: {  	_ =	swait.ge [sflag:s31], $0x3000  }
0x113: {  	[sflag:s31] =	ssyncset.done $0x0  }
0x114: {  	p2 =	por $0x1, $0x1;
	p1 =	por $0x0, $0x0;
	[sflag:s31] =	ssyncadd.s32 $0xFFFFD000  }
.LBB2_8:
0x115: {  	p3 =	sne.s32 s19, $0x3  }
0x116: {  	s1 =	simm.s32 @!p5 $0x0;
	p4 =	sne.s32 @!p3 s21, $0x0  }
0x117: {  	s1 =	simm.s32 @p5 $0x1;
	p5 =	por p4, p3  }
0x118: {  	[smem:$0x7FD] =	sst s1;
	s11 =	simm.s32 @!p5 $0x5  }
0x119: {  	p1 =	seq.s32 s19, $0x3;
	_ =	swait.ge @!p5 [sflag:s11], $0xB800  }
0x11a: {  	p4 =	por !p4, p3;
	p0 =	por @!p5 $0x1, $0x1;
	s20 =	sld [smem:$0x7FD]  }
0x11b: {  	p2 =	seq.s32 s19, $0x2;
	p6 =	por @!p5 $0x0, $0x0;
	p0 =	por @!p4 p1, p1  }
0x11c: {  	p6 =	por @!p4 p2, p2;
	[sflag:s11] =	ssyncset.done @!p5 $0x0;
	p1 =	por @!p3 p0, p0  }
0x11d: {  	p2 =	por @!p3 p6, p6;
	[sflag:s11] =	ssyncadd.s32 @!p5 $0xFFFF4800;
	p5 =	seq.s32 s20, $0x1  }
.LBB2_9:
0x11e: {  	p3 =	seq.s32 s10, $0x0  }
0x11f: {  	s11 =	simm.s32 $0x1;
	s13 =	simm.s32 @!p3 $0x1  }
0x120: {  	s11 =	simm.s32 @!p5 $0x0;
	_ =	swait.ge @!p3 [sflag:s13], $0x2000  }
0x121: {  	s20 =	sshll.u32 s19, $0x9;
	s11 =	sshll.u32 s11, $0xC;
	[sflag:s13] =	ssyncset.done @!p3 $0x0  }
0x122: {  	s11 =	sadd.s32 s20, s11;
	[sflag:s13] =	ssyncadd.s32 @!p3 $0xFFFFE000  }
0x123: {  	s11 =	sshra.s32 s11, $0x2;
	_ =	swait.ge @!p3 [sflag:s13], $0x2000  }
0x124: {  	s20 =	sadd.s32 $0x400, s11;
	[sflag:s13] =	ssyncset.done @!p3 $0x0  }
0x125: {  	s11 =	sadd.s32 $0x200, s11;
	[sflag:s13] =	ssyncadd.s32 @!p3 $0xFFFFE000;
	s13 =	simm.s32 $0x0  }
.LBB2_10:
0x126: {  	v0 =	vld [tilespmem:s11+$0x0];
	_ =	sdelay $0x4  }
0x127: {  	v50 =	vshll.u32 v0, $0x7  }
0x128: {  	v0 =	vor.u32 v12, v50  }
0x129: {  	v9 =	vld [tilespmem:$0x1FB10];
	v1 =	vor.u32 v26, v50  }
0x12a: {  	v10 =	vld [tilespmem:$0x1FB20];
	v2 =	vor.u32 v27, v50  }
0x12b: {  	v11 =	vld [tilespmem:$0x1FB30];
	v3 =	vor.u32 v28, v50  }
0x12c: {  	v13 =	vld [tilespmem:$0x1FB40];
	v4 =	vor.u32 v29, v50  }
0x12d: {  	v5 =	vor.u32 v30, v50;
	v0 =	vld.idx.msk [tilespmem:v0+s18+$0x0], $0xffff  }
0x12e: {  	v6 =	vor.u32 v31, v50;
	v1 =	vld.idx.msk [tilespmem:v1+s18+$0x0], $0xffff  }
0x12f: {  	v7 =	vor.u32 v32, v50;
	v2 =	vld.idx.msk [tilespmem:v2+s18+$0x0], $0xffff  }
0x130: {  	v8 =	vor.u32 s13, v20;
	v3 =	vld.idx.msk [tilespmem:v3+s18+$0x0], $0xffff  }
0x131: {  	v4 =	vld.idx.msk [tilespmem:v4+s18+$0x0], $0xffff  }
0x132: {  	v9 =	vor.u32 s13, v9;
	v5 =	vld.idx.msk [tilespmem:v5+s18+$0x0], $0xffff  }
0x133: {  	v6 =	vld.idx.msk [tilespmem:v6+s18+$0x0], $0xffff  }
0x134: {  	v10 =	vor.u32 s13, v10;
	v7 =	vld.idx.msk [tilespmem:v7+s18+$0x0], $0xffff  }
0x135: {  	[tilespmem:v8+s25+$0x0] =	vst.idx.msk $0xffff, v0;
	v0 =	vld [tilespmem:$0x1FB50];
	_ =	sdelay $0x1  }
0x136: {  	[tilespmem:v9+s25+$0x0] =	vst.idx.msk $0xffff, v1;
	v1 =	vld [tilespmem:$0x1FB60]  }
0x137: {  	v11 =	vor.u32 s13, v11  }
0x138: {  	v13 =	vor.u32 s13, v13;
	[tilespmem:v10+s25+$0x0] =	vst.idx.msk $0xffff, v2;
	v2 =	vld [tilespmem:$0x1FB70]  }
0x139: {  	v8 =	vld [tilespmem:$0x1FE10];
	v0 =	vor.u32 s13, v0  }
0x13a: {  	v9 =	vld [tilespmem:$0x1FE20]  }
0x13b: {  	v10 =	vld [tilespmem:$0x1FE30];
	v1 =	vor.u32 s13, v1  }
0x13c: {  	[tilespmem:v11+s25+$0x0] =	vst.idx.msk $0xffff, v3;
	v3 =	vld [tilespmem:$0x1FB80]  }
0x13d: {  	[tilespmem:v13+s25+$0x0] =	vst.idx.msk $0xffff, v4;
	v4 =	vld [tilespmem:$0x1FB90];
	v2 =	vor.u32 s13, v2  }
0x13e: {  	[tilespmem:v0+s25+$0x0] =	vst.idx.msk $0xffff, v5;
	v0 =	vld [tilespmem:$0x1FCB0]  }
0x13f: {  	v5 =	vld [tilespmem:$0x1FDE0]  }
0x140: {  	[tilespmem:v1+s25+$0x0] =	vst.idx.msk $0xffff, v6;
	v1 =	vld [tilespmem:$0x1FDC0]  }
0x141: {  	v3 =	vor.u32 v3, v50;
	v6 =	vld [tilespmem:$0x1FDF0]  }
0x142: {  	v4 =	vor.u32 v4, v50;
	[tilespmem:v2+s25+$0x0] =	vst.idx.msk $0xffff, v7;
	v2 =	vld [tilespmem:$0x1FDD0]  }
0x143: {  	v7 =	vld [tilespmem:$0x1FE00];
	v0 =	vor.u32 v0, v50  }
0x144: {  	v11 =	vld [tilespmem:$0x1FE40];
	v5 =	vor.u32 v5, v50  }
0x145: {  	v13 =	vld [tilespmem:$0x1FE50];
	v1 =	vor.u32 v1, v50  }
0x146: {  	v3 =	vld.idx.msk [tilespmem:v3+s18+$0x0], $0xffff;
	v6 =	vor.u32 v6, v50  }
0x147: {  	v4 =	vld.idx.msk [tilespmem:v4+s18+$0x0], $0xffff;
	v2 =	vor.u32 v2, v50  }
0x148: {  	v7 =	vor.u32 v7, v50;
	v0 =	vld.idx.msk [tilespmem:v0+s18+$0x0], $0xffff  }
0x149: {  	v8 =	vor.u32 s13, v8;
	v5 =	vld.idx.msk [tilespmem:v5+s18+$0x0], $0xffff  }
0x14a: {  	v1 =	vld.idx.msk [tilespmem:v1+s18+$0x0], $0xffff  }
0x14b: {  	v9 =	vor.u32 s13, v9;
	v6 =	vld.idx.msk [tilespmem:v6+s18+$0x0], $0xffff  }
0x14c: {  	v2 =	vld.idx.msk [tilespmem:v2+s18+$0x0], $0xffff  }
0x14d: {  	v10 =	vor.u32 s13, v10;
	v7 =	vld.idx.msk [tilespmem:v7+s18+$0x0], $0xffff  }
0x14e: {  	[tilespmem:v8+s25+$0x0] =	vst.idx.msk $0xffff, v3;
	v3 =	vld [tilespmem:$0x1FE60];
	_ =	sdelay $0x1  }
0x14f: {  	[tilespmem:v9+s25+$0x0] =	vst.idx.msk $0xffff, v4;
	v4 =	vld [tilespmem:$0x1FE70]  }
0x150: {  	v11 =	vor.u32 s13, v11  }
0x151: {  	v13 =	vor.u32 s13, v13;
	[tilespmem:v10+s25+$0x0] =	vst.idx.msk $0xffff, v0;
	v0 =	vld [tilespmem:$0x1FE80]  }
0x152: {  	v8 =	vld [tilespmem:$0x1FF10];
	v3 =	vor.u32 s13, v3  }
0x153: {  	v9 =	vld [tilespmem:$0x1FF20]  }
0x154: {  	v10 =	vld [tilespmem:$0x1FF30];
	v4 =	vor.u32 s13, v4  }
0x155: {  	[tilespmem:v11+s25+$0x0] =	vst.idx.msk $0xffff, v1;
	v1 =	vld [tilespmem:$0x1FE90]  }
0x156: {  	[tilespmem:v13+s25+$0x0] =	vst.idx.msk $0xffff, v2;
	v2 =	vld [tilespmem:$0x1FEA0];
	v0 =	vor.u32 s13, v0  }
0x157: {  	[tilespmem:v3+s25+$0x0] =	vst.idx.msk $0xffff, v5;
	v3 =	vld [tilespmem:$0x1FEB0]  }
0x158: {  	v5 =	vld [tilespmem:$0x1FEE0]  }
0x159: {  	[tilespmem:v4+s25+$0x0] =	vst.idx.msk $0xffff, v6;
	v4 =	vld [tilespmem:$0x1FEC0]  }
0x15a: {  	v1 =	vor.u32 v1, v50;
	v6 =	vld [tilespmem:$0x1FEF0]  }
0x15b: {  	v2 =	vor.u32 v2, v50;
	[tilespmem:v0+s25+$0x0] =	vst.idx.msk $0xffff, v7;
	v0 =	vld [tilespmem:$0x1FED0]  }
0x15c: {  	v7 =	vld [tilespmem:$0x1FF00];
	v3 =	vor.u32 v3, v50  }
0x15d: {  	v11 =	vld [tilespmem:$0x1FF40];
	v5 =	vor.u32 v5, v50  }
0x15e: {  	v13 =	vld [tilespmem:$0x1FF50];
	v4 =	vor.u32 v4, v50  }
0x15f: {  	v1 =	vld.idx.msk [tilespmem:v1+s18+$0x0], $0xffff;
	v6 =	vor.u32 v6, v50  }
0x160: {  	v2 =	vld.idx.msk [tilespmem:v2+s18+$0x0], $0xffff;
	v0 =	vor.u32 v0, v50  }
0x161: {  	v7 =	vor.u32 v7, v50;
	v3 =	vld.idx.msk [tilespmem:v3+s18+$0x0], $0xffff  }
0x162: {  	v8 =	vor.u32 s13, v8;
	v5 =	vld.idx.msk [tilespmem:v5+s18+$0x0], $0xffff  }
0x163: {  	v9 =	vor.u32 s13, v9;
	v4 =	vld.idx.msk [tilespmem:v4+s18+$0x0], $0xffff  }
0x164: {  	v10 =	vor.u32 s13, v10;
	v6 =	vld.idx.msk [tilespmem:v6+s18+$0x0], $0xffff  }
0x165: {  	v0 =	vld.idx.msk [tilespmem:v0+s18+$0x0], $0xffff  }
0x166: {  	v7 =	vld.idx.msk [tilespmem:v7+s18+$0x0], $0xffff  }
0x167: {  	[tilespmem:v8+s25+$0x0] =	vst.idx.msk $0xffff, v1;
	v1 =	vld [tilespmem:$0x1FF60]  }
0x168: {  	v11 =	vor.u32 s13, v11;
	[tilespmem:v9+s25+$0x0] =	vst.idx.msk $0xffff, v2;
	v2 =	vld [tilespmem:$0x1FF70]  }
0x169: {  	v13 =	vor.u32 s13, v13;
	[tilespmem:v10+s25+$0x0] =	vst.idx.msk $0xffff, v3;
	v3 =	vld [tilespmem:$0x1FF80];
	_ =	sdelay $0x2  }
0x16a: {  	v1 =	vor.u32 s13, v1  }
0x16b: {  	[tilespmem:v11+s25+$0x0] =	vst.idx.msk $0xffff, v4;
	v4 =	vld [tilespmem:$0x1FF90];
	v2 =	vor.u32 s13, v2  }
0x16c: {  	[tilespmem:v13+s25+$0x0] =	vst.idx.msk $0xffff, v0;
	v0 =	vld [tilespmem:$0x1FFA0];
	v3 =	vor.u32 s13, v3;
	_ =	sdelay $0x2  }
0x16d: {  	[tilespmem:v1+s25+$0x0] =	vst.idx.msk $0xffff, v5;
	v1 =	vld [tilespmem:$0x1FFB0]  }
0x16e: {  	v4 =	vor.u32 v4, v50;
	v5 =	vld [tilespmem:$0x1FFE0];
	[tilespmem:v2+s25+$0x0] =	vst.idx.msk $0xffff, v6  }
0x16f: {  	v0 =	vor.u32 v0, v50;
	v2 =	vld [tilespmem:$0x1FFC0];
	v6 =	vadd.s32 $0x1E, v12;
	[tilespmem:v3+s25+$0x0] =	vst.idx.msk $0xffff, v7  }
0x170: {  	v3 =	vld [tilespmem:$0x1FFD0];
	[tilespmem:$0x1F1D0] =	vst v6;
	v6 =	vor.u32 v6, v50;
	v7 =	vadd.s32 $0x1F, v12  }
0x171: {  	[tilespmem:$0x1F1E0] =	vst v7;
	v7 =	vor.u32 v7, v50  }
0x172: {  	v1 =	vor.u32 v1, v50  }
0x173: {  	v14 =	vadd.s32 $0xE80, v20;
	v4 =	vld.idx.msk [tilespmem:v4+s18+$0x0], $0xffff;
	v5 =	vor.u32 v5, v50  }
0x174: {  	[tilespmem:$0x1F240] =	vst v14;
	v8 =	vadd.s32 $0xC00, v20;
	v0 =	vld.idx.msk [tilespmem:v0+s18+$0x0], $0xffff;
	v2 =	vor.u32 v2, v50  }
0x175: {  	[tilespmem:$0x1F1F0] =	vst v8;
	v8 =	vor.u32 s13, v8;
	v9 =	vadd.s32 $0xC80, v20;
	v3 =	vor.u32 v3, v50;
	v6 =	vld.idx.msk [tilespmem:v6+s18+$0x0], $0xffff  }
0x176: {  	[tilespmem:$0x1F200] =	vst v9;
	v9 =	vor.u32 s13, v9;
	v10 =	vadd.s32 $0xD00, v20;
	v7 =	vld.idx.msk [tilespmem:v7+s18+$0x0], $0xffff  }
0x177: {  	[tilespmem:$0x1F210] =	vst v10;
	v11 =	vadd.s32 $0xD80, v20;
	v1 =	vld.idx.msk [tilespmem:v1+s18+$0x0], $0xffff  }
0x178: {  	[tilespmem:$0x1F220] =	vst v11;
	v13 =	vadd.s32 $0xE00, v20;
	v5 =	vld.idx.msk [tilespmem:v5+s18+$0x0], $0xffff  }
0x179: {  	[tilespmem:$0x1F230] =	vst v13;
	v2 =	vld.idx.msk [tilespmem:v2+s18+$0x0], $0xffff  }
0x17a: {  	v10 =	vor.u32 s13, v10;
	v3 =	vld.idx.msk [tilespmem:v3+s18+$0x0], $0xffff;
	[tilespmem:v8+s25+$0x0] =	vst.idx.msk $0xffff, v4  }
0x17b: {  	v11 =	vor.u32 s13, v11;
	v8 =	vadd.s32 $0xF00, v20;
	[tilespmem:v9+s25+$0x0] =	vst.idx.msk $0xffff, v0  }
0x17c: {  	v4 =	vor.u32 s13, v14;
	v14 =	vadd.s32 $0x1280, v20;
	[tilespmem:$0x1F250] =	vst v8  }
0x17d: {  	v13 =	vor.u32 s13, v13;
	v0 =	vor.u32 s13, v8;
	v8 =	vadd.s32 $0xF80, v20;
	[tilespmem:$0x1F340] =	vst v14  }
0x17e: {  	[tilespmem:$0x1F260] =	vst v8  }
0x17f: {  	[tilespmem:v10+s25+$0x0] =	vst.idx.msk $0xffff, v1  }
0x180: {  	v1 =	vor.u32 s13, v8;
	v8 =	vor.u32 $0x20, v12;
	[tilespmem:v11+s25+$0x0] =	vst.idx.msk $0xffff, v2  }
0x181: {  	[tilespmem:$0x1F270] =	vst v8  }
0x182: {  	v2 =	vor.u32 v8, v50;
	v8 =	vadd.s32 $0x21, v12;
	[tilespmem:v13+s25+$0x0] =	vst.idx.msk $0xffff, v3  }
0x183: {  	[tilespmem:$0x1F280] =	vst v8  }
0x184: {  	v3 =	vor.u32 v8, v50;
	v8 =	vadd.s32 $0x22, v12;
	[tilespmem:v4+s25+$0x0] =	vst.idx.msk $0xffff, v5  }
0x185: {  	[tilespmem:$0x1F290] =	vst v8  }
0x186: {  	v5 =	vadd.s32 $0x23, v12;
	[tilespmem:v0+s25+$0x0] =	vst.idx.msk $0xffff, v6  }
0x187: {  	v4 =	vor.u32 v8, v50;
	v8 =	vor.u32 $0x1000, v20;
	[tilespmem:$0x1F2A0] =	vst v5  }
0x188: {  	[tilespmem:$0x1F2F0] =	vst v8  }
0x189: {  	v0 =	vor.u32 v5, v50;
	v5 =	vadd.s32 $0x24, v12;
	[tilespmem:v1+s25+$0x0] =	vst.idx.msk $0xffff, v7  }
0x18a: {  	v6 =	vadd.s32 $0x26, v12;
	[tilespmem:$0x1F2B0] =	vst v5;
	v1 =	vor.u32 v5, v50  }
0x18b: {  	v5 =	vadd.s32 $0x25, v12;
	[tilespmem:$0x1F2D0] =	vst v6;
	v6 =	vor.u32 v6, v50;
	v2 =	vld.idx.msk [tilespmem:v2+s18+$0x0], $0xffff  }
0x18c: {  	v7 =	vadd.s32 $0x27, v12;
	[tilespmem:$0x1F2C0] =	vst v5;
	v5 =	vor.u32 v5, v50;
	v3 =	vld.idx.msk [tilespmem:v3+s18+$0x0], $0xffff  }
0x18d: {  	v9 =	vadd.s32 $0x1080, v20;
	v8 =	vor.u32 s13, v8;
	[tilespmem:$0x1F2E0] =	vst v7;
	v7 =	vor.u32 v7, v50;
	v4 =	vld.idx.msk [tilespmem:v4+s18+$0x0], $0xffff  }
0x18e: {  	[tilespmem:$0x1F300] =	vst v9;
	v9 =	vor.u32 s13, v9;
	v10 =	vadd.s32 $0x1100, v20;
	v0 =	vld.idx.msk [tilespmem:v0+s18+$0x0], $0xffff  }
0x18f: {  	[tilespmem:$0x1F310] =	vst v10;
	v11 =	vadd.s32 $0x1180, v20;
	v1 =	vld.idx.msk [tilespmem:v1+s18+$0x0], $0xffff  }
0x190: {  	[tilespmem:$0x1F320] =	vst v11;
	v13 =	vadd.s32 $0x1200, v20;
	v6 =	vld.idx.msk [tilespmem:v6+s18+$0x0], $0xffff  }
0x191: {  	v10 =	vor.u32 s13, v10;
	[tilespmem:$0x1F330] =	vst v13;
	v5 =	vld.idx.msk [tilespmem:v5+s18+$0x0], $0xffff  }
0x192: {  	v7 =	vld.idx.msk [tilespmem:v7+s18+$0x0], $0xffff;
	[tilespmem:v8+s25+$0x0] =	vst.idx.msk $0xffff, v2  }
0x193: {  	v11 =	vor.u32 s13, v11;
	v8 =	vadd.s32 $0x1300, v20;
	[tilespmem:v9+s25+$0x0] =	vst.idx.msk $0xffff, v3  }
0x194: {  	v2 =	vor.u32 s13, v14;
	v14 =	vadd.s32 $0x1680, v20;
	[tilespmem:$0x1F350] =	vst v8  }
0x195: {  	v13 =	vor.u32 s13, v13;
	[tilespmem:$0x1F440] =	vst v14  }
0x196: {  	v3 =	vor.u32 s13, v8;
	v8 =	vadd.s32 $0x1380, v20;
	[tilespmem:v10+s25+$0x0] =	vst.idx.msk $0xffff, v4  }
0x197: {  	[tilespmem:$0x1F360] =	vst v8  }
0x198: {  	v4 =	vor.u32 s13, v8;
	v8 =	vadd.s32 $0x28, v12;
	[tilespmem:v11+s25+$0x0] =	vst.idx.msk $0xffff, v0  }
0x199: {  	[tilespmem:$0x1F370] =	vst v8  }
0x19a: {  	v0 =	vor.u32 v8, v50;
	v8 =	vadd.s32 $0x29, v12;
	[tilespmem:v13+s25+$0x0] =	vst.idx.msk $0xffff, v1  }
0x19b: {  	[tilespmem:$0x1F380] =	vst v8  }
0x19c: {  	v1 =	vor.u32 v8, v50;
	v8 =	vadd.s32 $0x2A, v12;
	[tilespmem:v2+s25+$0x0] =	vst.idx.msk $0xffff, v5  }
0x19d: {  	[tilespmem:$0x1F390] =	vst v8  }
0x19e: {  	v5 =	vadd.s32 $0x2B, v12;
	[tilespmem:v3+s25+$0x0] =	vst.idx.msk $0xffff, v6  }
0x19f: {  	v2 =	vor.u32 v8, v50;
	v8 =	vadd.s32 $0x1400, v20;
	[tilespmem:$0x1F3A0] =	vst v5  }
0x1a0: {  	[tilespmem:$0x1F3F0] =	vst v8  }
0x1a1: {  	v3 =	vor.u32 v5, v50;
	v5 =	vadd.s32 $0x2C, v12;
	[tilespmem:v4+s25+$0x0] =	vst.idx.msk $0xffff, v7  }
0x1a2: {  	v6 =	vadd.s32 $0x2E, v12;
	[tilespmem:$0x1F3B0] =	vst v5;
	v4 =	vor.u32 v5, v50  }
0x1a3: {  	v5 =	vadd.s32 $0x2D, v12;
	[tilespmem:$0x1F3D0] =	vst v6;
	v6 =	vor.u32 v6, v50;
	v0 =	vld.idx.msk [tilespmem:v0+s18+$0x0], $0xffff  }
0x1a4: {  	v7 =	vadd.s32 $0x2F, v12;
	[tilespmem:$0x1F3C0] =	vst v5;
	v5 =	vor.u32 v5, v50;
	v1 =	vld.idx.msk [tilespmem:v1+s18+$0x0], $0xffff  }
0x1a5: {  	v9 =	vadd.s32 $0x1480, v20;
	v8 =	vor.u32 s13, v8;
	[tilespmem:$0x1F3E0] =	vst v7;
	v7 =	vor.u32 v7, v50;
	v2 =	vld.idx.msk [tilespmem:v2+s18+$0x0], $0xffff  }
0x1a6: {  	[tilespmem:$0x1F400] =	vst v9;
	v9 =	vor.u32 s13, v9;
	v10 =	vadd.s32 $0x1500, v20;
	v3 =	vld.idx.msk [tilespmem:v3+s18+$0x0], $0xffff  }
0x1a7: {  	[tilespmem:$0x1F410] =	vst v10;
	v11 =	vadd.s32 $0x1580, v20;
	v4 =	vld.idx.msk [tilespmem:v4+s18+$0x0], $0xffff  }
0x1a8: {  	[tilespmem:$0x1F420] =	vst v11;
	v13 =	vadd.s32 $0x1600, v20;
	v6 =	vld.idx.msk [tilespmem:v6+s18+$0x0], $0xffff  }
0x1a9: {  	v10 =	vor.u32 s13, v10;
	[tilespmem:$0x1F430] =	vst v13;
	v5 =	vld.idx.msk [tilespmem:v5+s18+$0x0], $0xffff  }
0x1aa: {  	v7 =	vld.idx.msk [tilespmem:v7+s18+$0x0], $0xffff;
	[tilespmem:v8+s25+$0x0] =	vst.idx.msk $0xffff, v0  }
0x1ab: {  	v11 =	vor.u32 s13, v11;
	v8 =	vadd.s32 $0x1700, v20;
	[tilespmem:v9+s25+$0x0] =	vst.idx.msk $0xffff, v1  }
0x1ac: {  	v0 =	vor.u32 s13, v14;
	v14 =	vadd.s32 $0x1A80, v20;
	[tilespmem:$0x1F450] =	vst v8  }
0x1ad: {  	v13 =	vor.u32 s13, v13;
	[tilespmem:$0x1F540] =	vst v14  }
0x1ae: {  	v1 =	vor.u32 s13, v8;
	v8 =	vadd.s32 $0x1780, v20;
	[tilespmem:v10+s25+$0x0] =	vst.idx.msk $0xffff, v2  }
0x1af: {  	[tilespmem:$0x1F460] =	vst v8  }
0x1b0: {  	v2 =	vor.u32 s13, v8;
	v8 =	vor.u32 $0x30, v12;
	[tilespmem:v11+s25+$0x0] =	vst.idx.msk $0xffff, v3  }
0x1b1: {  	[tilespmem:$0x1F470] =	vst v8  }
0x1b2: {  	v3 =	vor.u32 v8, v50;
	v8 =	vadd.s32 $0x31, v12;
	[tilespmem:v13+s25+$0x0] =	vst.idx.msk $0xffff, v4  }
0x1b3: {  	[tilespmem:$0x1F480] =	vst v8  }
0x1b4: {  	v4 =	vor.u32 v8, v50;
	v8 =	vadd.s32 $0x32, v12;
	[tilespmem:v0+s25+$0x0] =	vst.idx.msk $0xffff, v5  }
0x1b5: {  	[tilespmem:$0x1F490] =	vst v8  }
0x1b6: {  	v5 =	vadd.s32 $0x33, v12;
	[tilespmem:v1+s25+$0x0] =	vst.idx.msk $0xffff, v6  }
0x1b7: {  	v0 =	vor.u32 v8, v50;
	v8 =	vor.u32 $0x1800, v20;
	[tilespmem:$0x1F4A0] =	vst v5  }
0x1b8: {  	[tilespmem:$0x1F4F0] =	vst v8  }
0x1b9: {  	v1 =	vor.u32 v5, v50;
	v5 =	vadd.s32 $0x34, v12;
	[tilespmem:v2+s25+$0x0] =	vst.idx.msk $0xffff, v7  }
0x1ba: {  	v6 =	vadd.s32 $0x36, v12;
	[tilespmem:$0x1F4B0] =	vst v5;
	v2 =	vor.u32 v5, v50  }
0x1bb: {  	v5 =	vadd.s32 $0x35, v12;
	[tilespmem:$0x1F4D0] =	vst v6;
	v6 =	vor.u32 v6, v50;
	v3 =	vld.idx.msk [tilespmem:v3+s18+$0x0], $0xffff  }
0x1bc: {  	v7 =	vadd.s32 $0x37, v12;
	[tilespmem:$0x1F4C0] =	vst v5;
	v5 =	vor.u32 v5, v50;
	v4 =	vld.idx.msk [tilespmem:v4+s18+$0x0], $0xffff  }
0x1bd: {  	v9 =	vadd.s32 $0x1880, v20;
	v8 =	vor.u32 s13, v8;
	[tilespmem:$0x1F4E0] =	vst v7;
	v7 =	vor.u32 v7, v50;
	v0 =	vld.idx.msk [tilespmem:v0+s18+$0x0], $0xffff  }
0x1be: {  	[tilespmem:$0x1F500] =	vst v9;
	v9 =	vor.u32 s13, v9;
	v10 =	vadd.s32 $0x1900, v20;
	v1 =	vld.idx.msk [tilespmem:v1+s18+$0x0], $0xffff  }
0x1bf: {  	[tilespmem:$0x1F510] =	vst v10;
	v11 =	vadd.s32 $0x1980, v20;
	v2 =	vld.idx.msk [tilespmem:v2+s18+$0x0], $0xffff  }
0x1c0: {  	[tilespmem:$0x1F520] =	vst v11;
	v13 =	vadd.s32 $0x1A00, v20;
	v6 =	vld.idx.msk [tilespmem:v6+s18+$0x0], $0xffff  }
0x1c1: {  	v10 =	vor.u32 s13, v10;
	[tilespmem:$0x1F530] =	vst v13;
	v5 =	vld.idx.msk [tilespmem:v5+s18+$0x0], $0xffff  }
0x1c2: {  	v7 =	vld.idx.msk [tilespmem:v7+s18+$0x0], $0xffff;
	[tilespmem:v8+s25+$0x0] =	vst.idx.msk $0xffff, v3  }
0x1c3: {  	v11 =	vor.u32 s13, v11;
	v8 =	vadd.s32 $0x1B00, v20;
	[tilespmem:v9+s25+$0x0] =	vst.idx.msk $0xffff, v4  }
0x1c4: {  	v3 =	vor.u32 s13, v14;
	v14 =	vadd.s32 $0x1E80, v20;
	[tilespmem:$0x1F550] =	vst v8  }
0x1c5: {  	v13 =	vor.u32 s13, v13;
	[tilespmem:$0x1F640] =	vst v14  }
0x1c6: {  	v4 =	vor.u32 s13, v8;
	v8 =	vadd.s32 $0x1B80, v20;
	[tilespmem:v10+s25+$0x0] =	vst.idx.msk $0xffff, v0  }
0x1c7: {  	[tilespmem:$0x1F560] =	vst v8  }
0x1c8: {  	v0 =	vor.u32 s13, v8;
	v8 =	vadd.s32 $0x38, v12;
	[tilespmem:v11+s25+$0x0] =	vst.idx.msk $0xffff, v1  }
0x1c9: {  	[tilespmem:$0x1F570] =	vst v8  }
0x1ca: {  	v1 =	vor.u32 v8, v50;
	v8 =	vadd.s32 $0x39, v12;
	[tilespmem:v13+s25+$0x0] =	vst.idx.msk $0xffff, v2  }
0x1cb: {  	[tilespmem:$0x1F580] =	vst v8  }
0x1cc: {  	v2 =	vor.u32 v8, v50;
	v8 =	vadd.s32 $0x3A, v12;
	[tilespmem:v3+s25+$0x0] =	vst.idx.msk $0xffff, v5  }
0x1cd: {  	[tilespmem:$0x1F590] =	vst v8  }
0x1ce: {  	v5 =	vadd.s32 $0x3B, v12;
	[tilespmem:v4+s25+$0x0] =	vst.idx.msk $0xffff, v6  }
0x1cf: {  	v3 =	vor.u32 v8, v50;
	v8 =	vadd.s32 $0x1C00, v20;
	[tilespmem:$0x1F5A0] =	vst v5  }
0x1d0: {  	[tilespmem:$0x1F5F0] =	vst v8  }
0x1d1: {  	v4 =	vor.u32 v5, v50;
	v5 =	vadd.s32 $0x3C, v12;
	[tilespmem:v0+s25+$0x0] =	vst.idx.msk $0xffff, v7  }
0x1d2: {  	v6 =	vadd.s32 $0x3E, v12;
	[tilespmem:$0x1F5B0] =	vst v5;
	v0 =	vor.u32 v5, v50  }
0x1d3: {  	v5 =	vadd.s32 $0x3D, v12;
	[tilespmem:$0x1F5D0] =	vst v6;
	v6 =	vor.u32 v6, v50;
	v1 =	vld.idx.msk [tilespmem:v1+s18+$0x0], $0xffff  }
0x1d4: {  	v7 =	vadd.s32 $0x3F, v12;
	[tilespmem:$0x1F5C0] =	vst v5;
	v5 =	vor.u32 v5, v50;
	v2 =	vld.idx.msk [tilespmem:v2+s18+$0x0], $0xffff  }
0x1d5: {  	v9 =	vadd.s32 $0x1C80, v20;
	v8 =	vor.u32 s13, v8;
	[tilespmem:$0x1F5E0] =	vst v7;
	v7 =	vor.u32 v7, v50;
	v3 =	vld.idx.msk [tilespmem:v3+s18+$0x0], $0xffff  }
0x1d6: {  	[tilespmem:$0x1F600] =	vst v9;
	v9 =	vor.u32 s13, v9;
	v10 =	vadd.s32 $0x1D00, v20;
	v4 =	vld.idx.msk [tilespmem:v4+s18+$0x0], $0xffff  }
0x1d7: {  	[tilespmem:$0x1F610] =	vst v10;
	v11 =	vadd.s32 $0x1D80, v20;
	v0 =	vld.idx.msk [tilespmem:v0+s18+$0x0], $0xffff  }
0x1d8: {  	[tilespmem:$0x1F620] =	vst v11;
	v13 =	vadd.s32 $0x1E00, v20;
	v6 =	vld.idx.msk [tilespmem:v6+s18+$0x0], $0xffff  }
0x1d9: {  	v10 =	vor.u32 s13, v10;
	[tilespmem:$0x1F630] =	vst v13;
	v5 =	vld.idx.msk [tilespmem:v5+s18+$0x0], $0xffff  }
0x1da: {  	v7 =	vld.idx.msk [tilespmem:v7+s18+$0x0], $0xffff;
	[tilespmem:v8+s25+$0x0] =	vst.idx.msk $0xffff, v1  }
0x1db: {  	v11 =	vor.u32 s13, v11;
	v8 =	vadd.s32 $0x1F00, v20;
	[tilespmem:v9+s25+$0x0] =	vst.idx.msk $0xffff, v2  }
0x1dc: {  	v1 =	vor.u32 s13, v14;
	v14 =	vadd.s32 $0x2280, v20;
	[tilespmem:$0x1F650] =	vst v8  }
0x1dd: {  	v13 =	vor.u32 s13, v13;
	[tilespmem:$0x1F740] =	vst v14  }
0x1de: {  	v2 =	vor.u32 s13, v8;
	v8 =	vadd.s32 $0x1F80, v20;
	[tilespmem:v10+s25+$0x0] =	vst.idx.msk $0xffff, v3  }
0x1df: {  	[tilespmem:$0x1F660] =	vst v8  }
0x1e0: {  	v3 =	vor.u32 s13, v8;
	v8 =	vor.u32 $0x40, v12;
	[tilespmem:v11+s25+$0x0] =	vst.idx.msk $0xffff, v4  }
0x1e1: {  	[tilespmem:$0x1F670] =	vst v8  }
0x1e2: {  	v4 =	vor.u32 v8, v50;
	v8 =	vadd.s32 $0x41, v12;
	[tilespmem:v13+s25+$0x0] =	vst.idx.msk $0xffff, v0  }
0x1e3: {  	[tilespmem:$0x1F680] =	vst v8  }
0x1e4: {  	v0 =	vor.u32 v8, v50;
	v8 =	vadd.s32 $0x42, v12;
	[tilespmem:v1+s25+$0x0] =	vst.idx.msk $0xffff, v5  }
0x1e5: {  	[tilespmem:$0x1F690] =	vst v8  }
0x1e6: {  	v5 =	vadd.s32 $0x43, v12;
	[tilespmem:v2+s25+$0x0] =	vst.idx.msk $0xffff, v6  }
0x1e7: {  	v1 =	vor.u32 v8, v50;
	v8 =	vor.u32 $0x2000, v20;
	[tilespmem:$0x1F6A0] =	vst v5  }
0x1e8: {  	[tilespmem:$0x1F6F0] =	vst v8  }
0x1e9: {  	v2 =	vor.u32 v5, v50;
	v5 =	vadd.s32 $0x44, v12;
	[tilespmem:v3+s25+$0x0] =	vst.idx.msk $0xffff, v7  }
0x1ea: {  	v6 =	vadd.s32 $0x46, v12;
	[tilespmem:$0x1F6B0] =	vst v5;
	v3 =	vor.u32 v5, v50  }
0x1eb: {  	v5 =	vadd.s32 $0x45, v12;
	[tilespmem:$0x1F6D0] =	vst v6;
	v6 =	vor.u32 v6, v50;
	v4 =	vld.idx.msk [tilespmem:v4+s18+$0x0], $0xffff  }
0x1ec: {  	v7 =	vadd.s32 $0x47, v12;
	[tilespmem:$0x1F6C0] =	vst v5;
	v5 =	vor.u32 v5, v50;
	v0 =	vld.idx.msk [tilespmem:v0+s18+$0x0], $0xffff  }
0x1ed: {  	v9 =	vadd.s32 $0x2080, v20;
	v8 =	vor.u32 s13, v8;
	[tilespmem:$0x1F6E0] =	vst v7;
	v7 =	vor.u32 v7, v50;
	v1 =	vld.idx.msk [tilespmem:v1+s18+$0x0], $0xffff  }
0x1ee: {  	[tilespmem:$0x1F700] =	vst v9;
	v9 =	vor.u32 s13, v9;
	v10 =	vadd.s32 $0x2100, v20;
	v2 =	vld.idx.msk [tilespmem:v2+s18+$0x0], $0xffff  }
0x1ef: {  	[tilespmem:$0x1F710] =	vst v10;
	v11 =	vadd.s32 $0x2180, v20;
	v3 =	vld.idx.msk [tilespmem:v3+s18+$0x0], $0xffff  }
0x1f0: {  	[tilespmem:$0x1F720] =	vst v11;
	v13 =	vadd.s32 $0x2200, v20;
	v6 =	vld.idx.msk [tilespmem:v6+s18+$0x0], $0xffff  }
0x1f1: {  	v10 =	vor.u32 s13, v10;
	[tilespmem:$0x1F730] =	vst v13;
	v5 =	vld.idx.msk [tilespmem:v5+s18+$0x0], $0xffff  }
0x1f2: {  	v7 =	vld.idx.msk [tilespmem:v7+s18+$0x0], $0xffff;
	[tilespmem:v8+s25+$0x0] =	vst.idx.msk $0xffff, v4  }
0x1f3: {  	v11 =	vor.u32 s13, v11;
	v8 =	vadd.s32 $0x2300, v20;
	[tilespmem:v9+s25+$0x0] =	vst.idx.msk $0xffff, v0  }
0x1f4: {  	v4 =	vor.u32 s13, v14;
	v14 =	vadd.s32 $0x2680, v20;
	[tilespmem:$0x1F750] =	vst v8  }
0x1f5: {  	v13 =	vor.u32 s13, v13;
	[tilespmem:$0x1F840] =	vst v14  }
0x1f6: {  	v0 =	vor.u32 s13, v8;
	v8 =	vadd.s32 $0x2380, v20;
	[tilespmem:v10+s25+$0x0] =	vst.idx.msk $0xffff, v1  }
0x1f7: {  	[tilespmem:$0x1F760] =	vst v8  }
0x1f8: {  	v1 =	vor.u32 s13, v8;
	v8 =	vadd.s32 $0x48, v12;
	[tilespmem:v11+s25+$0x0] =	vst.idx.msk $0xffff, v2  }
0x1f9: {  	[tilespmem:$0x1F770] =	vst v8  }
0x1fa: {  	v2 =	vor.u32 v8, v50;
	v8 =	vadd.s32 $0x49, v12;
	[tilespmem:v13+s25+$0x0] =	vst.idx.msk $0xffff, v3  }
0x1fb: {  	[tilespmem:$0x1F780] =	vst v8  }
0x1fc: {  	v3 =	vor.u32 v8, v50;
	v8 =	vadd.s32 $0x4A, v12;
	[tilespmem:v4+s25+$0x0] =	vst.idx.msk $0xffff, v5  }
0x1fd: {  	[tilespmem:$0x1F790] =	vst v8  }
0x1fe: {  	v5 =	vadd.s32 $0x4B, v12;
	[tilespmem:v0+s25+$0x0] =	vst.idx.msk $0xffff, v6  }
0x1ff: {  	v4 =	vor.u32 v8, v50;
	v8 =	vadd.s32 $0x2400, v20;
	[tilespmem:$0x1F7A0] =	vst v5  }
0x200: {  	[tilespmem:$0x1F7F0] =	vst v8  }
0x201: {  	v0 =	vor.u32 v5, v50;
	v5 =	vadd.s32 $0x4C, v12;
	[tilespmem:v1+s25+$0x0] =	vst.idx.msk $0xffff, v7  }
0x202: {  	v6 =	vadd.s32 $0x4E, v12;
	[tilespmem:$0x1F7B0] =	vst v5;
	v1 =	vor.u32 v5, v50  }
0x203: {  	v5 =	vadd.s32 $0x4D, v12;
	[tilespmem:$0x1F7D0] =	vst v6;
	v6 =	vor.u32 v6, v50;
	v2 =	vld.idx.msk [tilespmem:v2+s18+$0x0], $0xffff  }
0x204: {  	v7 =	vadd.s32 $0x4F, v12;
	[tilespmem:$0x1F7C0] =	vst v5;
	v5 =	vor.u32 v5, v50;
	v3 =	vld.idx.msk [tilespmem:v3+s18+$0x0], $0xffff  }
0x205: {  	v9 =	vadd.s32 $0x2480, v20;
	v8 =	vor.u32 s13, v8;
	[tilespmem:$0x1F7E0] =	vst v7;
	v7 =	vor.u32 v7, v50;
	v4 =	vld.idx.msk [tilespmem:v4+s18+$0x0], $0xffff  }
0x206: {  	[tilespmem:$0x1F800] =	vst v9;
	v9 =	vor.u32 s13, v9;
	v10 =	vadd.s32 $0x2500, v20;
	v0 =	vld.idx.msk [tilespmem:v0+s18+$0x0], $0xffff  }
0x207: {  	[tilespmem:$0x1F810] =	vst v10;
	v11 =	vadd.s32 $0x2580, v20;
	v1 =	vld.idx.msk [tilespmem:v1+s18+$0x0], $0xffff  }
0x208: {  	[tilespmem:$0x1F820] =	vst v11;
	v13 =	vadd.s32 $0x2600, v20;
	v6 =	vld.idx.msk [tilespmem:v6+s18+$0x0], $0xffff  }
0x209: {  	v10 =	vor.u32 s13, v10;
	[tilespmem:$0x1F830] =	vst v13;
	v5 =	vld.idx.msk [tilespmem:v5+s18+$0x0], $0xffff  }
0x20a: {  	v7 =	vld.idx.msk [tilespmem:v7+s18+$0x0], $0xffff;
	[tilespmem:v8+s25+$0x0] =	vst.idx.msk $0xffff, v2  }
0x20b: {  	v11 =	vor.u32 s13, v11;
	v8 =	vadd.s32 $0x2700, v20;
	[tilespmem:v9+s25+$0x0] =	vst.idx.msk $0xffff, v3  }
0x20c: {  	v2 =	vor.u32 s13, v14;
	v14 =	vadd.s32 $0x2A80, v20;
	[tilespmem:$0x1F850] =	vst v8  }
0x20d: {  	v13 =	vor.u32 s13, v13;
	[tilespmem:$0x1F940] =	vst v14  }
0x20e: {  	v3 =	vor.u32 s13, v8;
	v8 =	vadd.s32 $0x2780, v20;
	[tilespmem:v10+s25+$0x0] =	vst.idx.msk $0xffff, v4  }
0x20f: {  	[tilespmem:$0x1F860] =	vst v8  }
0x210: {  	v4 =	vor.u32 s13, v8;
	v8 =	vor.u32 $0x50, v12;
	[tilespmem:v11+s25+$0x0] =	vst.idx.msk $0xffff, v0  }
0x211: {  	[tilespmem:$0x1F870] =	vst v8  }
0x212: {  	v0 =	vor.u32 v8, v50;
	v8 =	vadd.s32 $0x51, v12;
	[tilespmem:v13+s25+$0x0] =	vst.idx.msk $0xffff, v1  }
0x213: {  	[tilespmem:$0x1F880] =	vst v8  }
0x214: {  	v1 =	vor.u32 v8, v50;
	v8 =	vadd.s32 $0x52, v12;
	[tilespmem:v2+s25+$0x0] =	vst.idx.msk $0xffff, v5  }
0x215: {  	[tilespmem:$0x1F890] =	vst v8  }
0x216: {  	v5 =	vadd.s32 $0x53, v12;
	[tilespmem:v3+s25+$0x0] =	vst.idx.msk $0xffff, v6  }
0x217: {  	v2 =	vor.u32 v8, v50;
	v8 =	vor.u32 $0x2800, v20;
	[tilespmem:$0x1F8A0] =	vst v5  }
0x218: {  	[tilespmem:$0x1F8F0] =	vst v8  }
0x219: {  	v3 =	vor.u32 v5, v50;
	v5 =	vadd.s32 $0x54, v12;
	[tilespmem:v4+s25+$0x0] =	vst.idx.msk $0xffff, v7  }
0x21a: {  	v6 =	vadd.s32 $0x56, v12;
	[tilespmem:$0x1F8B0] =	vst v5;
	v4 =	vor.u32 v5, v50  }
0x21b: {  	v5 =	vadd.s32 $0x55, v12;
	[tilespmem:$0x1F8D0] =	vst v6;
	v6 =	vor.u32 v6, v50;
	v0 =	vld.idx.msk [tilespmem:v0+s18+$0x0], $0xffff  }
0x21c: {  	v7 =	vadd.s32 $0x57, v12;
	[tilespmem:$0x1F8C0] =	vst v5;
	v5 =	vor.u32 v5, v50;
	v1 =	vld.idx.msk [tilespmem:v1+s18+$0x0], $0xffff  }
0x21d: {  	v9 =	vadd.s32 $0x2880, v20;
	v8 =	vor.u32 s13, v8;
	[tilespmem:$0x1F8E0] =	vst v7;
	v7 =	vor.u32 v7, v50;
	v2 =	vld.idx.msk [tilespmem:v2+s18+$0x0], $0xffff  }
0x21e: {  	[tilespmem:$0x1F900] =	vst v9;
	v9 =	vor.u32 s13, v9;
	v10 =	vadd.s32 $0x2900, v20;
	v3 =	vld.idx.msk [tilespmem:v3+s18+$0x0], $0xffff  }
0x21f: {  	[tilespmem:$0x1F910] =	vst v10;
	v11 =	vadd.s32 $0x2980, v20;
	v4 =	vld.idx.msk [tilespmem:v4+s18+$0x0], $0xffff  }
0x220: {  	v10 =	vor.u32 s13, v10;
	[tilespmem:$0x1F920] =	vst v11;
	v13 =	vadd.s32 $0x2A00, v20;
	v6 =	vld.idx.msk [tilespmem:v6+s18+$0x0], $0xffff  }
0x221: {  	[tilespmem:$0x1F930] =	vst v13;
	v5 =	vld.idx.msk [tilespmem:v5+s18+$0x0], $0xffff  }
0x222: {  	v11 =	vor.u32 s13, v11;
	v7 =	vld.idx.msk [tilespmem:v7+s18+$0x0], $0xffff;
	[tilespmem:v8+s25+$0x0] =	vst.idx.msk $0xffff, v0  }
0x223: {  	v8 =	vadd.s32 $0x2B00, v20;
	[tilespmem:v9+s25+$0x0] =	vst.idx.msk $0xffff, v1  }
0x224: {  	v13 =	vor.u32 s13, v13;
	[tilespmem:$0x1F950] =	vst v8  }
0x225: {  	v1 =	vor.u32 s13, v8;
	v8 =	vadd.s32 $0x2B80, v20;
	[tilespmem:v10+s25+$0x0] =	vst.idx.msk $0xffff, v2  }
0x226: {  	v0 =	vor.u32 s13, v14;
	[tilespmem:$0x1F960] =	vst v8  }
0x227: {  	v2 =	vor.u32 s13, v8;
	v8 =	vadd.s32 $0x58, v12;
	[tilespmem:v11+s25+$0x0] =	vst.idx.msk $0xffff, v3  }
0x228: {  	[tilespmem:$0x1F970] =	vst v8  }
0x229: {  	v3 =	vor.u32 v8, v50;
	v8 =	vadd.s32 $0x59, v12;
	[tilespmem:v13+s25+$0x0] =	vst.idx.msk $0xffff, v4  }
0x22a: {  	[tilespmem:$0x1F980] =	vst v8  }
0x22b: {  	v4 =	vor.u32 v8, v50;
	v8 =	vadd.s32 $0x5A, v12;
	[tilespmem:v0+s25+$0x0] =	vst.idx.msk $0xffff, v5  }
0x22c: {  	[tilespmem:$0x1F990] =	vst v8  }
0x22d: {  	v5 =	vadd.s32 $0x5B, v12;
	[tilespmem:v1+s25+$0x0] =	vst.idx.msk $0xffff, v6  }
0x22e: {  	v0 =	vor.u32 v8, v50;
	v8 =	vadd.s32 $0x2C00, v20;
	[tilespmem:$0x1F9A0] =	vst v5  }
0x22f: {  	[tilespmem:$0x1F9F0] =	vst v8  }
0x230: {  	v1 =	vor.u32 v5, v50;
	v5 =	vadd.s32 $0x5C, v12;
	[tilespmem:v2+s25+$0x0] =	vst.idx.msk $0xffff, v7  }
0x231: {  	v6 =	vadd.s32 $0x5E, v12;
	[tilespmem:$0x1F9B0] =	vst v5;
	v2 =	vor.u32 v5, v50  }
0x232: {  	v5 =	vadd.s32 $0x5D, v12;
	[tilespmem:$0x1F9D0] =	vst v6;
	v6 =	vor.u32 v6, v50;
	v3 =	vld.idx.msk [tilespmem:v3+s18+$0x0], $0xffff  }
0x233: {  	v7 =	vadd.s32 $0x5F, v12;
	[tilespmem:$0x1F9C0] =	vst v5;
	v5 =	vor.u32 v5, v50;
	v4 =	vld.idx.msk [tilespmem:v4+s18+$0x0], $0xffff  }
0x234: {  	v9 =	vadd.s32 $0x2C80, v20;
	v8 =	vor.u32 s13, v8;
	[tilespmem:$0x1F9E0] =	vst v7;
	v7 =	vor.u32 v7, v50;
	v0 =	vld.idx.msk [tilespmem:v0+s18+$0x0], $0xffff  }
0x235: {  	[tilespmem:$0x1FA00] =	vst v9;
	v9 =	vor.u32 s13, v9;
	v10 =	vadd.s32 $0x2D00, v20;
	v1 =	vld.idx.msk [tilespmem:v1+s18+$0x0], $0xffff  }
0x236: {  	[tilespmem:$0x1FA10] =	vst v10;
	v11 =	vadd.s32 $0x2D80, v20;
	v2 =	vld.idx.msk [tilespmem:v2+s18+$0x0], $0xffff  }
0x237: {  	v10 =	vor.u32 s13, v10;
	[tilespmem:$0x1FA20] =	vst v11;
	v13 =	vadd.s32 $0x2E00, v20;
	v6 =	vld.idx.msk [tilespmem:v6+s18+$0x0], $0xffff  }
0x238: {  	[tilespmem:$0x1FA30] =	vst v13;
	v5 =	vld.idx.msk [tilespmem:v5+s18+$0x0], $0xffff  }
0x239: {  	v11 =	vor.u32 s13, v11;
	v7 =	vld.idx.msk [tilespmem:v7+s18+$0x0], $0xffff;
	[tilespmem:v8+s25+$0x0] =	vst.idx.msk $0xffff, v3  }
0x23a: {  	v8 =	vadd.s32 $0x2F00, v20;
	[tilespmem:v9+s25+$0x0] =	vst.idx.msk $0xffff, v4  }
0x23b: {  	v13 =	vor.u32 s13, v13;
	[tilespmem:$0x1FA50] =	vst v8  }
0x23c: {  	v14 =	vadd.s32 $0x2E80, v20;
	v4 =	vor.u32 s13, v8;
	v8 =	vadd.s32 $0x2F80, v20;
	[tilespmem:v10+s25+$0x0] =	vst.idx.msk $0xffff, v0  }
0x23d: {  	v3 =	vor.u32 s13, v14;
	[tilespmem:$0x1FA60] =	vst v8  }
0x23e: {  	v0 =	vor.u32 s13, v8;
	v8 =	vor.u32 $0x60, v12;
	[tilespmem:v11+s25+$0x0] =	vst.idx.msk $0xffff, v1  }
0x23f: {  	[tilespmem:$0x1FA70] =	vst v8  }
0x240: {  	v1 =	vor.u32 v8, v50;
	v8 =	vadd.s32 $0x61, v12;
	[tilespmem:v13+s25+$0x0] =	vst.idx.msk $0xffff, v2  }
0x241: {  	[tilespmem:$0x1FA80] =	vst v8  }
0x242: {  	v2 =	vor.u32 v8, v50;
	v8 =	vadd.s32 $0x62, v12;
	[tilespmem:v3+s25+$0x0] =	vst.idx.msk $0xffff, v5  }
0x243: {  	v41 =	vadd.s32 $0x64, v12;
	v3 =	vor.u32 v8, v50;
	[tilespmem:v4+s25+$0x0] =	vst.idx.msk $0xffff, v6  }
0x244: {  	v42 =	vadd.s32 $0x65, v12;
	[tilespmem:v0+s25+$0x0] =	vst.idx.msk $0xffff, v7;
	v0 =	vor.u32 v41, v50  }
0x245: {  	v40 =	vadd.s32 $0x63, v12;
	v5 =	vor.u32 v42, v50  }
0x246: {  	v43 =	vadd.s32 $0x66, v12;
	v4 =	vor.u32 v40, v50;
	v1 =	vld.idx.msk [tilespmem:v1+s18+$0x0], $0xffff  }
0x247: {  	v44 =	vadd.s32 $0x67, v12;
	v47 =	vor.u32 $0x3000, v20;
	v6 =	vor.u32 v43, v50;
	v2 =	vld.idx.msk [tilespmem:v2+s18+$0x0], $0xffff  }
0x248: {  	v49 =	vadd.s32 $0x3080, v20;
	v9 =	vor.u32 s13, v47;
	v7 =	vor.u32 v44, v50;
	v3 =	vld.idx.msk [tilespmem:v3+s18+$0x0], $0xffff  }
0x249: {  	v51 =	vadd.s32 $0x3100, v20;
	v13 =	vld.idx.msk [tilespmem:v0+s18+$0x0], $0xffff;
	v0 =	vor.u32 s13, v49  }
0x24a: {  	v55 =	vadd.s32 $0x3180, v20;
	v11 =	vor.u32 s13, v51;
	v5 =	vld.idx.msk [tilespmem:v5+s18+$0x0], $0xffff  }
0x24b: {  	v56 =	vadd.s32 $0x3200, v20;
	[tilespmem:$0x1FA40] =	vst v14;
	v14 =	vor.u32 s13, v55;
	v4 =	vld.idx.msk [tilespmem:v4+s18+$0x0], $0xffff  }
0x24c: {  	v15 =	vor.u32 s13, v56;
	[tilespmem:$0x1FA90] =	vst v8;
	v8 =	vadd.s32 $0x3280, v20;
	v6 =	vld.idx.msk [tilespmem:v6+s18+$0x0], $0xffff  }
0x24d: {  	v16 =	vor.u32 s13, v8;
	v7 =	vld.idx.msk [tilespmem:v7+s18+$0x0], $0xffff;
	[tilespmem:v9+s25+$0x0] =	vst.idx.msk $0xffff, v1;
	v9 =	vadd.s32 $0x3300, v20  }
0x24e: {  	v10 =	vadd.s32 $0x3380, v20;
	v17 =	vor.u32 s13, v9;
	[tilespmem:v0+s25+$0x0] =	vst.idx.msk $0xffff, v2  }
0x24f: {  	v18 =	vor.u32 s13, v10;
	[tilespmem:v11+s25+$0x0] =	vst.idx.msk $0xffff, v3;
	v11 =	vadd.s32 $0x68, v12  }
0x250: {  	v45 =	vadd.s32 $0x6D, v12;
	[tilespmem:v14+s25+$0x0] =	vst.idx.msk $0xffff, v4;
	v4 =	vor.u32 v11, v50  }
0x251: {  	v0 =	vadd.s32 $0x69, v12;
	v14 =	vor.u32 v45, v50;
	[tilespmem:v15+s25+$0x0] =	vst.idx.msk $0xffff, v13  }
0x252: {  	v46 =	vadd.s32 $0x6E, v12;
	v13 =	vor.u32 v0, v50;
	[tilespmem:v16+s25+$0x0] =	vst.idx.msk $0xffff, v5  }
0x253: {  	v1 =	vadd.s32 $0x6A, v12;
	v15 =	vor.u32 v46, v50;
	[tilespmem:v17+s25+$0x0] =	vst.idx.msk $0xffff, v6  }
0x254: {  	v2 =	vadd.s32 $0x6B, v12;
	v5 =	vor.u32 v1, v50;
	[tilespmem:v18+s25+$0x0] =	vst.idx.msk $0xffff, v7  }
0x255: {  	v3 =	vadd.s32 $0x6C, v12;
	v6 =	vor.u32 v2, v50;
	v4 =	vld.idx.msk [tilespmem:v4+s18+$0x0], $0xffff  }
0x256: {  	v48 =	vadd.s32 $0x6F, v12;
	v52 =	vadd.s32 $0x3400, v20;
	v7 =	vor.u32 v3, v50;
	v14 =	vld.idx.msk [tilespmem:v14+s18+$0x0], $0xffff  }
0x257: {  	v53 =	vadd.s32 $0x3480, v20;
	v16 =	vor.u32 v48, v50;
	v17 =	vor.u32 s13, v52;
	v13 =	vld.idx.msk [tilespmem:v13+s18+$0x0], $0xffff  }
0x258: {  	v54 =	vadd.s32 $0x3500, v20;
	v18 =	vor.u32 s13, v53;
	v15 =	vld.idx.msk [tilespmem:v15+s18+$0x0], $0xffff  }
0x259: {  	v57 =	vadd.s32 $0x3580, v20;
	v61 =	vor.u32 s13, v54;
	v5 =	vld.idx.msk [tilespmem:v5+s18+$0x0], $0xffff  }
0x25a: {  	v58 =	vadd.s32 $0x3600, v20;
	v62 =	vor.u32 s13, v57;
	v6 =	vld.idx.msk [tilespmem:v6+s18+$0x0], $0xffff  }
0x25b: {  	v63 =	vor.u32 s13, v58;
	v7 =	vld.idx.msk [tilespmem:v7+s18+$0x0], $0xffff  }
0x25c: {  	v16 =	vld.idx.msk [tilespmem:v16+s18+$0x0], $0xffff;
	[tilespmem:v17+s25+$0x0] =	vst.idx.msk $0xffff, v4  }
0x25d: {  	[tilespmem:v18+s25+$0x0] =	vst.idx.msk $0xffff, v13  }
0x25e: {  	[tilespmem:v61+s25+$0x0] =	vst.idx.msk $0xffff, v5  }
0x25f: {  	v21 =	vld [tilespmem:$0x1FCD0];
	[tilespmem:v62+s25+$0x0] =	vst.idx.msk $0xffff, v6  }
0x260: {  	[tilespmem:v63+s25+$0x0] =	vst.idx.msk $0xffff, v7;
	v7 =	vld [tilespmem:$0x1FAA0]  }
0x261: {  	v59 =	vadd.s32 $0x3680, v20  }
0x262: {  	v60 =	vadd.s32 $0x3700, v20;
	v4 =	vor.u32 s13, v59  }
0x263: {  	v5 =	vor.u32 s13, v60;
	v61 =	vadd.s32 $0x3780, v20  }
0x264: {  	v23 =	vld [tilespmem:$0x1FD30];
	v6 =	vor.u32 s13, v61  }
0x265: {  	v17 =	vsel vm0, v7, v21;
	v7 =	vld [tilespmem:$0x1FAC0];
	_ =	sdelay $0x1  }
0x266: {  	[tilespmem:v4+s25+$0x0] =	vst.idx.msk $0xffff, v14  }
0x267: {  	v4 =	vld [tilespmem:$0x1FCC0];
	[tilespmem:v5+s25+$0x0] =	vst.idx.msk $0xffff, v15  }
0x268: {  	[tilespmem:v6+s25+$0x0] =	vst.idx.msk $0xffff, v16;
	v6 =	vld [tilespmem:$0x1FC90]  }
0x269: {  	v19 =	vsel vm0, v7, v23;
	v7 =	vld [tilespmem:$0x1FD50];
	_ =	sdelay $0x2  }
0x26a: {  	v22 =	vld [tilespmem:$0x1FCF0]  }
0x26b: {  	v63 =	vcombine.low v4, v17;
	v4 =	vld [tilespmem:$0x1FAB0];
	v6 =	vsel vm0, v21, v6  }
0x26c: {  	v6 =	vcombine.low v6, v7;
	v7 =	vld [tilespmem:$0x1FCA0];
	_ =	sdelay $0x3  }
0x26d: {  	v62 =	vor.u32 $0x70, v12  }
0x26e: {  	v13 =	vor.u32 v62, v50;
	v18 =	vsel vm0, v4, v22;
	v7 =	vsel vm0, v22, v7;
	v22 =	vld [tilespmem:$0x1FD00]  }
0x26f: {  	v4 =	vld [tilespmem:$0x1FCE0];
	_ =	sdelay $0x3  }
0x270: {  	v22 =	vsel vm0, v23, v22;
	v23 =	vld.idx.msk [tilespmem:v13+s18+$0x0], $0xffff  }
0x271: {  	v4 =	vcombine.low v4, v18;
	v13 =	vld [tilespmem:$0x1FD70];
	_ =	sdelay $0x1  }
0x272: {  	v15 =	vor.u32 v4, v50;
	_ =	sdelay $0x1  }
0x273: {  	v5 =	vld [tilespmem:$0x1FD20]  }
0x274: {  	v21 =	vld [tilespmem:$0x1FD60];
	v13 =	vcombine.low v22, v13;
	_ =	sdelay $0x1  }
0x275: {  	v33 =	vmov v26;
	v26 =	vld.idx.msk [tilespmem:v15+s18+$0x0], $0xffff;
	v15 =	vor.u32 v13, v50;
	_ =	sdelay $0x2  }
0x276: {  	v5 =	vcombine.low v5, v19;
	v7 =	vcombine.low v7, v21;
	v21 =	vld [tilespmem:$0x1FD40]  }
0x277: {  	v14 =	vor.u32 v63, v50  }
0x278: {  	v38 =	vmov v31;
	v16 =	vor.u32 v5, v50;
	v31 =	vld.idx.msk [tilespmem:v15+s18+$0x0], $0xffff  }
0x279: {  	v15 =	vld [tilespmem:$0x1FBD0]  }
0x27a: {  	v25 =	vor.u32 v7, v50  }
0x27b: {  	v21 =	vor.u32 v21, v50  }
0x27c: {  	v24 =	vld.idx.msk [tilespmem:v14+s18+$0x0], $0xffff;
	v14 =	vor.u32 $0x3800, v20;
	v22 =	vor.u32 v6, v50  }
0x27d: {  	v34 =	vmov v27;
	v27 =	vld.idx.msk [tilespmem:v16+s18+$0x0], $0xffff;
	v16 =	vor.u32 s13, v14  }
0x27e: {  	v39 =	vmov v32;
	v32 =	vor.u32 s13, v15;
	v15 =	vld [tilespmem:$0x1FBE0]  }
0x27f: {  	v25 =	vld.idx.msk [tilespmem:v25+s18+$0x0], $0xffff  }
0x280: {  	v21 =	vld.idx.msk [tilespmem:v21+s18+$0x0], $0xffff  }
0x281: {  	v22 =	vld.idx.msk [tilespmem:v22+s18+$0x0], $0xffff  }
0x282: {  	[tilespmem:v16+s25+$0x0] =	vst.idx.msk $0xffff, v23;
	v16 =	vld [tilespmem:$0x1FD10]  }
0x283: {  	v23 =	vor.u32 s13, v15;
	v15 =	vld [tilespmem:$0x1FAD0];
	_ =	sdelay $0x3  }
0x284: {  	v35 =	vmov v28;
	v28 =	vld [tilespmem:$0x1FBA0]  }
0x285: {  	v15 =	vsel vm0, v15, v16;
	v16 =	vld [tilespmem:$0x1FD80];
	_ =	sdelay $0x4  }
0x286: {  	v28 =	vor.u32 s13, v28;
	v15 =	vcombine.low v15, v16;
	v16 =	vld [tilespmem:$0x1FBF0];
	_ =	sdelay $0x2  }
0x287: {  	v36 =	vmov v29;
	v29 =	vld [tilespmem:$0x1FBB0]  }
0x288: {  	v37 =	vmov v30;
	v30 =	vld [tilespmem:$0x1FBC0]  }
0x289: {  	[tilespmem:v28+s25+$0x0] =	vst.idx.msk $0xffff, v24;
	v24 =	vor.u32 s13, v16;
	v16 =	vld [tilespmem:$0x1FD90];
	_ =	sdelay $0x3  }
0x28a: {  	v29 =	vor.u32 s13, v29  }
0x28b: {  	v30 =	vor.u32 s13, v30;
	v16 =	vcombine.low v17, v16;
	v17 =	vld [tilespmem:$0x1FC00];
	_ =	sdelay $0x3  }
0x28c: {  	[tilespmem:v29+s25+$0x0] =	vst.idx.msk $0xffff, v26  }
0x28d: {  	[tilespmem:v30+s25+$0x0] =	vst.idx.msk $0xffff, v27;
	v26 =	vor.u32 s13, v17;
	v17 =	vld [tilespmem:$0x1FDA0]  }
0x28e: {  	[tilespmem:v32+s25+$0x0] =	vst.idx.msk $0xffff, v21  }
0x28f: {  	[tilespmem:v23+s25+$0x0] =	vst.idx.msk $0xffff, v22;
	v23 =	vld [tilespmem:$0x1FAE0];
	v27 =	vor.u32 v15, v50  }
0x290: {  	[tilespmem:v24+s25+$0x0] =	vst.idx.msk $0xffff, v25;
	v25 =	vld [tilespmem:$0x1FAF0]  }
0x291: {  	v28 =	vld [tilespmem:$0x1FC10]  }
0x292: {  	v17 =	vcombine.low v18, v17;
	v18 =	vld [tilespmem:$0x1FDB0]  }
0x293: {  	[tilespmem:v26+s25+$0x0] =	vst.idx.msk $0xffff, v31;
	v26 =	vld [tilespmem:$0x1FB00]  }
0x294: {  	v23 =	vor.u32 v23, v50;
	v24 =	vld.idx.msk [tilespmem:v27+s18+$0x0], $0xffff  }
0x295: {  	v25 =	vor.u32 v25, v50;
	v27 =	vld [tilespmem:$0x1FFF0]  }
0x296: {  	v29 =	vld [tilespmem:$0x1FC20];
	v21 =	vor.u32 v17, v50  }
0x297: {  	v30 =	vld [tilespmem:$0x1FC30]  }
0x298: {  	v31 =	vld [tilespmem:$0x1FC40];
	v18 =	vcombine.low v19, v18;
	v19 =	vor.u32 v16, v50  }
0x299: {  	v23 =	vld.idx.msk [tilespmem:v23+s18+$0x0], $0xffff;
	v26 =	vor.u32 v26, v50  }
0x29a: {  	v25 =	vld.idx.msk [tilespmem:v25+s18+$0x0], $0xffff;
	v27 =	vor.u32 v27, v50  }
0x29b: {  	v22 =	vor.u32 v18, v50;
	v21 =	vld.idx.msk [tilespmem:v21+s18+$0x0], $0xffff  }
0x29c: {  	v28 =	vor.u32 s13, v28;
	v50 =	vld [tilespmem:$0x1FC50]  }
0x29d: {  	v29 =	vor.u32 s13, v29;
	v19 =	vld.idx.msk [tilespmem:v19+s18+$0x0], $0xffff  }
0x29e: {  	v30 =	vor.u32 s13, v30;
	v26 =	vld.idx.msk [tilespmem:v26+s18+$0x0], $0xffff  }
0x29f: {  	v27 =	vld.idx.msk [tilespmem:v27+s18+$0x0], $0xffff  }
0x2a0: {  	v22 =	vld.idx.msk [tilespmem:v22+s18+$0x0], $0xffff  }
0x2a1: {  	[tilespmem:v28+s25+$0x0] =	vst.idx.msk $0xffff, v24;
	v24 =	vld [tilespmem:$0x1FC60]  }
0x2a2: {  	[tilespmem:v29+s25+$0x0] =	vst.idx.msk $0xffff, v19;
	v19 =	vld [tilespmem:$0x1FC70]  }
0x2a3: {  	[tilespmem:v30+s25+$0x0] =	vst.idx.msk $0xffff, v21;
	v21 =	vld [tilespmem:$0x1FC80]  }
0x2a4: {  	v31 =	vor.u32 s13, v31  }
0x2a5: {  	v32 =	vor.u32 s13, v50  }
0x2a6: {  	v24 =	vor.u32 s13, v24  }
0x2a7: {  	v19 =	vor.u32 s13, v19  }
0x2a8: {  	p0 =	sne.s32 s13, $0x70;
	v21 =	vor.u32 s13, v21  }
.Ltmp9:
0x2a9: {  	[tilespmem:v31+s25+$0x0] =	vst.idx.msk $0xffff, v22;
	(pc) =	sbr.rel @p0 .LBB2_10-.Ltmp9, $4  }
0x2aa: {  	[tilespmem:v32+s25+$0x0] =	vst.idx.msk $0xffff, v23  }
0x2ab: {  	[tilespmem:v24+s25+$0x0] =	vst.idx.msk $0xffff, v25  }
0x2ac: {  	v28 =	vmov v35;
	v29 =	vmov v36;
	[tilespmem:v19+s25+$0x0] =	vst.idx.msk $0xffff, v26  }
0x2ad: {  	s11 =	sadd.s32 $0x10, s11;
	v30 =	vmovc v37;
	v31 =	vmovc v38;
	v32 =	vmov v39;
	s13 =	sadd.s32 $0x10, s13;
	v26 =	vmov v33;
	[tilespmem:v21+s25+$0x0] =	vst.idx.msk $0xffff, v27;
	v27 =	vmov v34  }
0x2ae: {  	p4 =	sgt.u32 s10, $0x3  }
0x2af: {  	s11 =	sshll.u32 s21, $0x7;
	s13 =	smov.u32 s0;
	p0 =	seq.s32 @!p4 s19, $0x0  }
0x2b0: {  	s1 =	smov.u32 s15;
	s11 =	sor.u32 s12, s11;
	p0 =	por !p0, p4  }
0x2b1: {  	s14 =	simm.s32 @!p4 $0x400;
	s16 =	simm.s32 @!p4 $0x20000;
	s13 =	smov.u32 @p0 s2  }
0x2b2: {  	s17 =	simm.s32 @!p4 $0x10600;
	s1 =	smov.u32 @p0 s3;
	s13 =	sadd.s32 @!p4 s13, s11  }
0x2b3: {  	[hbm4b:s13+s14] =	stream.strided.scatter @!p4 [tilespmem:s17], [sflag:$0x1], $0x2000, s16, s14, $0x38;
	[tilespmem:$0x18600] =	vst v63  }
0x2b4: {  	s1 =	sadd.s32 @!p4 s1, s11;
	s13 =	simm.s32 @!p4 $0x12600  }
0x2b5: {  	[hbm4b:s1+s14] =	stream.strided.scatter @!p4 [tilespmem:s13], [sflag:$0x1], $0x2000, s16, s14, $0x38;
	[tilespmem:$0x18600] =	vst v63  }
0x2b6: {  	s1 =	sadd.s32 @p2 s4, s11  }
0x2b7: {  	s13 =	simm.s32 @p2 $0x400;
	s14 =	simm.s32 @p2 $0x20000;
	s16 =	simm.s32 @p2 $0x10600  }
0x2b8: {  	[hbm4b:s1+s13] =	stream.strided.scatter @p2 [tilespmem:s16], [sflag:$0x1], $0x2000, s14, s13, $0x38;
	[tilespmem:$0x18600] =	vst v63  }
0x2b9: {  	s1 =	sadd.s32 @p2 s5, s11;
	s16 =	simm.s32 @p2 $0x12600  }
0x2ba: {  	[hbm4b:s1+s13] =	stream.strided.scatter @p2 [tilespmem:s16], [sflag:$0x1], $0x2000, s14, s13, $0x38;
	[tilespmem:$0x18600] =	vst v63  }
0x2bb: {  	s1 =	sadd.s32 @p1 s6, s11  }
0x2bc: {  	s13 =	simm.s32 @p1 $0x400;
	s14 =	simm.s32 @p1 $0x20000;
	s16 =	simm.s32 @p1 $0x10600  }
0x2bd: {  	[hbm4b:s1+s13] =	stream.strided.scatter @p1 [tilespmem:s16], [sflag:$0x1], $0x2000, s14, s13, $0x38;
	[tilespmem:$0x18600] =	vst v63  }
0x2be: {  	s1 =	sadd.s32 @p1 s8, s11;
	s11 =	simm.s32 @p1 $0x12600  }
0x2bf: {  	[hbm4b:s1+s13] =	stream.strided.scatter @p1 [tilespmem:s11], [sflag:$0x1], $0x2000, s14, s13, $0x38;
	[tilespmem:$0x18600] =	vst v63  }
0x2c0: {  	s1 =	simm.s32 @!p3 $0x1  }
0x2c1: {  	_ =	swait.ge @!p3 [sflag:s1], $0x2000  }
0x2c2: {  	[sflag:s1] =	ssyncset.done @!p3 $0x0  }
0x2c3: {  	[sflag:s1] =	ssyncadd.s32 @!p3 $0xFFFFE000  }
0x2c4: {  	_ =	swait.ge @!p3 [sflag:s1], $0x2000  }
0x2c5: {  	[sflag:s1] =	ssyncset.done @!p3 $0x0  }
0x2c6: {  	s11 =	sor.u32 $0x1, s21;
	s13 =	simm.s32 $0x0;
	[sflag:s1] =	ssyncadd.s32 @!p3 $0xFFFFE000  }
.LBB2_12:
0x2c7: {  	v19 =	vld [tilespmem:s20+$0x0];
	_ =	sdelay $0x4  }
0x2c8: {  	v50 =	vshll.u32 v19, $0x7  }
0x2c9: {  	v19 =	vor.u32 v12, v50  }
0x2ca: {  	v21 =	vor.u32 v26, v50;
	v24 =	vor.u32 v29, v50;
	v29 =	vld [tilespmem:$0x1FB10]  }
0x2cb: {  	v22 =	vor.u32 v27, v50;
	v25 =	vor.u32 v30, v50;
	v30 =	vld [tilespmem:$0x1FB20]  }
0x2cc: {  	v23 =	vor.u32 v28, v50;
	v26 =	vor.u32 v31, v50;
	v31 =	vld [tilespmem:$0x1FB30]  }
0x2cd: {  	v27 =	vor.u32 v32, v50;
	v32 =	vld [tilespmem:$0x1FB40]  }
0x2ce: {  	v19 =	vld.idx.msk [tilespmem:v19+s18+$0x0], $0xffff  }
0x2cf: {  	v21 =	vld.idx.msk [tilespmem:v21+s18+$0x0], $0xffff  }
0x2d0: {  	v22 =	vld.idx.msk [tilespmem:v22+s18+$0x0], $0xffff  }
0x2d1: {  	v28 =	vor.u32 s13, v20;
	v23 =	vld.idx.msk [tilespmem:v23+s18+$0x0], $0xffff  }
0x2d2: {  	v24 =	vld.idx.msk [tilespmem:v24+s18+$0x0], $0xffff  }
0x2d3: {  	v29 =	vor.u32 s13, v29;
	v25 =	vld.idx.msk [tilespmem:v25+s18+$0x0], $0xffff  }
0x2d4: {  	v26 =	vld.idx.msk [tilespmem:v26+s18+$0x0], $0xffff  }
0x2d5: {  	v30 =	vor.u32 s13, v30;
	v27 =	vld.idx.msk [tilespmem:v27+s18+$0x0], $0xffff  }
0x2d6: {  	[tilespmem:v28+s26+$0x0] =	vst.idx.msk $0xffff, v19;
	v19 =	vld [tilespmem:$0x1FB50];
	_ =	sdelay $0x1  }
0x2d7: {  	[tilespmem:v29+s26+$0x0] =	vst.idx.msk $0xffff, v21;
	v21 =	vld [tilespmem:$0x1FB60]  }
0x2d8: {  	v31 =	vor.u32 s13, v31  }
0x2d9: {  	v32 =	vor.u32 s13, v32;
	[tilespmem:v30+s26+$0x0] =	vst.idx.msk $0xffff, v22;
	v22 =	vld [tilespmem:$0x1FB70]  }
0x2da: {  	v28 =	vld [tilespmem:$0x1FE10];
	v19 =	vor.u32 s13, v19  }
0x2db: {  	v29 =	vld [tilespmem:$0x1FE20]  }
0x2dc: {  	v30 =	vld [tilespmem:$0x1FE30];
	v21 =	vor.u32 s13, v21  }
0x2dd: {  	[tilespmem:v31+s26+$0x0] =	vst.idx.msk $0xffff, v23;
	v23 =	vld [tilespmem:$0x1FB80]  }
0x2de: {  	[tilespmem:v32+s26+$0x0] =	vst.idx.msk $0xffff, v24;
	v24 =	vld [tilespmem:$0x1FB90];
	v22 =	vor.u32 s13, v22  }
0x2df: {  	[tilespmem:v19+s26+$0x0] =	vst.idx.msk $0xffff, v25;
	v19 =	vld [tilespmem:$0x1FCB0]  }
0x2e0: {  	v25 =	vld [tilespmem:$0x1FDE0]  }
0x2e1: {  	[tilespmem:v21+s26+$0x0] =	vst.idx.msk $0xffff, v26;
	v21 =	vld [tilespmem:$0x1FDC0]  }
0x2e2: {  	v23 =	vor.u32 v23, v50;
	v26 =	vld [tilespmem:$0x1FDF0]  }
0x2e3: {  	v24 =	vor.u32 v24, v50;
	[tilespmem:v22+s26+$0x0] =	vst.idx.msk $0xffff, v27;
	v22 =	vld [tilespmem:$0x1FDD0]  }
0x2e4: {  	v27 =	vld [tilespmem:$0x1FE00];
	v19 =	vor.u32 v19, v50  }
0x2e5: {  	v31 =	vld [tilespmem:$0x1FE40];
	v25 =	vor.u32 v25, v50  }
0x2e6: {  	v32 =	vld [tilespmem:$0x1FE50];
	v21 =	vor.u32 v21, v50  }
0x2e7: {  	v23 =	vld.idx.msk [tilespmem:v23+s18+$0x0], $0xffff;
	v26 =	vor.u32 v26, v50  }
0x2e8: {  	v24 =	vld.idx.msk [tilespmem:v24+s18+$0x0], $0xffff;
	v22 =	vor.u32 v22, v50  }
0x2e9: {  	v27 =	vor.u32 v27, v50;
	v19 =	vld.idx.msk [tilespmem:v19+s18+$0x0], $0xffff  }
0x2ea: {  	v28 =	vor.u32 s13, v28;
	v25 =	vld.idx.msk [tilespmem:v25+s18+$0x0], $0xffff  }
0x2eb: {  	v21 =	vld.idx.msk [tilespmem:v21+s18+$0x0], $0xffff  }
0x2ec: {  	v29 =	vor.u32 s13, v29;
	v26 =	vld.idx.msk [tilespmem:v26+s18+$0x0], $0xffff  }
0x2ed: {  	v22 =	vld.idx.msk [tilespmem:v22+s18+$0x0], $0xffff  }
0x2ee: {  	v30 =	vor.u32 s13, v30;
	v27 =	vld.idx.msk [tilespmem:v27+s18+$0x0], $0xffff  }
0x2ef: {  	[tilespmem:v28+s26+$0x0] =	vst.idx.msk $0xffff, v23;
	v23 =	vld [tilespmem:$0x1FE60];
	_ =	sdelay $0x1  }
0x2f0: {  	[tilespmem:v29+s26+$0x0] =	vst.idx.msk $0xffff, v24;
	v24 =	vld [tilespmem:$0x1FE70]  }
0x2f1: {  	v31 =	vor.u32 s13, v31  }
0x2f2: {  	v32 =	vor.u32 s13, v32;
	[tilespmem:v30+s26+$0x0] =	vst.idx.msk $0xffff, v19;
	v19 =	vld [tilespmem:$0x1FE80]  }
0x2f3: {  	v28 =	vld [tilespmem:$0x1FF10];
	v23 =	vor.u32 s13, v23  }
0x2f4: {  	v29 =	vld [tilespmem:$0x1FF20]  }
0x2f5: {  	v30 =	vld [tilespmem:$0x1FF30];
	v24 =	vor.u32 s13, v24  }
0x2f6: {  	[tilespmem:v31+s26+$0x0] =	vst.idx.msk $0xffff, v21;
	v21 =	vld [tilespmem:$0x1FE90]  }
0x2f7: {  	[tilespmem:v32+s26+$0x0] =	vst.idx.msk $0xffff, v22;
	v22 =	vld [tilespmem:$0x1FEA0];
	v19 =	vor.u32 s13, v19  }
0x2f8: {  	[tilespmem:v23+s26+$0x0] =	vst.idx.msk $0xffff, v25;
	v23 =	vld [tilespmem:$0x1FEB0]  }
0x2f9: {  	v25 =	vld [tilespmem:$0x1FEE0]  }
0x2fa: {  	[tilespmem:v24+s26+$0x0] =	vst.idx.msk $0xffff, v26;
	v24 =	vld [tilespmem:$0x1FEC0]  }
0x2fb: {  	v21 =	vor.u32 v21, v50;
	v26 =	vld [tilespmem:$0x1FEF0]  }
0x2fc: {  	v22 =	vor.u32 v22, v50;
	[tilespmem:v19+s26+$0x0] =	vst.idx.msk $0xffff, v27;
	v19 =	vld [tilespmem:$0x1FED0]  }
0x2fd: {  	v27 =	vld [tilespmem:$0x1FF00];
	v23 =	vor.u32 v23, v50  }
0x2fe: {  	v31 =	vld [tilespmem:$0x1FF40];
	v25 =	vor.u32 v25, v50  }
0x2ff: {  	v32 =	vld [tilespmem:$0x1FF50];
	v24 =	vor.u32 v24, v50  }
0x300: {  	v21 =	vld.idx.msk [tilespmem:v21+s18+$0x0], $0xffff;
	v26 =	vor.u32 v26, v50  }
0x301: {  	v22 =	vld.idx.msk [tilespmem:v22+s18+$0x0], $0xffff;
	v19 =	vor.u32 v19, v50  }
0x302: {  	v27 =	vor.u32 v27, v50;
	v23 =	vld.idx.msk [tilespmem:v23+s18+$0x0], $0xffff  }
0x303: {  	v28 =	vor.u32 s13, v28;
	v25 =	vld.idx.msk [tilespmem:v25+s18+$0x0], $0xffff  }
0x304: {  	v24 =	vld.idx.msk [tilespmem:v24+s18+$0x0], $0xffff  }
0x305: {  	v29 =	vor.u32 s13, v29;
	v26 =	vld.idx.msk [tilespmem:v26+s18+$0x0], $0xffff  }
0x306: {  	v19 =	vld.idx.msk [tilespmem:v19+s18+$0x0], $0xffff  }
0x307: {  	v30 =	vor.u32 s13, v30;
	v27 =	vld.idx.msk [tilespmem:v27+s18+$0x0], $0xffff  }
0x308: {  	[tilespmem:v28+s26+$0x0] =	vst.idx.msk $0xffff, v21;
	v21 =	vld [tilespmem:$0x1FF60];
	_ =	sdelay $0x1  }
0x309: {  	[tilespmem:v29+s26+$0x0] =	vst.idx.msk $0xffff, v22;
	v22 =	vld [tilespmem:$0x1FF70]  }
0x30a: {  	v31 =	vor.u32 s13, v31  }
0x30b: {  	v32 =	vor.u32 s13, v32;
	[tilespmem:v30+s26+$0x0] =	vst.idx.msk $0xffff, v23;
	v23 =	vld [tilespmem:$0x1FF80]  }
0x30c: {  	v28 =	vld [tilespmem:$0x1F1F0];
	v21 =	vor.u32 s13, v21  }
0x30d: {  	v29 =	vld [tilespmem:$0x1F200]  }
0x30e: {  	v30 =	vld [tilespmem:$0x1F210];
	v22 =	vor.u32 s13, v22  }
0x30f: {  	[tilespmem:v31+s26+$0x0] =	vst.idx.msk $0xffff, v24;
	v24 =	vld [tilespmem:$0x1FF90]  }
0x310: {  	[tilespmem:v32+s26+$0x0] =	vst.idx.msk $0xffff, v19;
	v19 =	vld [tilespmem:$0x1FFA0];
	v23 =	vor.u32 s13, v23  }
0x311: {  	[tilespmem:v21+s26+$0x0] =	vst.idx.msk $0xffff, v25;
	v21 =	vld [tilespmem:$0x1FFB0]  }
0x312: {  	v25 =	vld [tilespmem:$0x1FFE0]  }
0x313: {  	[tilespmem:v22+s26+$0x0] =	vst.idx.msk $0xffff, v26;
	v22 =	vld [tilespmem:$0x1FFC0]  }
0x314: {  	v24 =	vor.u32 v24, v50;
	v26 =	vld [tilespmem:$0x1F1D0]  }
0x315: {  	v19 =	vor.u32 v19, v50;
	[tilespmem:v23+s26+$0x0] =	vst.idx.msk $0xffff, v27;
	v23 =	vld [tilespmem:$0x1FFD0]  }
0x316: {  	v27 =	vld [tilespmem:$0x1F1E0];
	v21 =	vor.u32 v21, v50  }
0x317: {  	v31 =	vld [tilespmem:$0x1F220];
	v25 =	vor.u32 v25, v50  }
0x318: {  	v32 =	vld [tilespmem:$0x1F230];
	v22 =	vor.u32 v22, v50  }
0x319: {  	v24 =	vld.idx.msk [tilespmem:v24+s18+$0x0], $0xffff;
	v26 =	vor.u32 v26, v50  }
0x31a: {  	v19 =	vld.idx.msk [tilespmem:v19+s18+$0x0], $0xffff;
	v23 =	vor.u32 v23, v50  }
0x31b: {  	v27 =	vor.u32 v27, v50;
	v21 =	vld.idx.msk [tilespmem:v21+s18+$0x0], $0xffff  }
0x31c: {  	v28 =	vor.u32 s13, v28;
	v25 =	vld.idx.msk [tilespmem:v25+s18+$0x0], $0xffff  }
0x31d: {  	v22 =	vld.idx.msk [tilespmem:v22+s18+$0x0], $0xffff  }
0x31e: {  	v29 =	vor.u32 s13, v29;
	v26 =	vld.idx.msk [tilespmem:v26+s18+$0x0], $0xffff  }
0x31f: {  	v23 =	vld.idx.msk [tilespmem:v23+s18+$0x0], $0xffff  }
0x320: {  	v30 =	vor.u32 s13, v30;
	v27 =	vld.idx.msk [tilespmem:v27+s18+$0x0], $0xffff  }
0x321: {  	[tilespmem:v28+s26+$0x0] =	vst.idx.msk $0xffff, v24;
	v24 =	vld [tilespmem:$0x1F240];
	_ =	sdelay $0x1  }
0x322: {  	[tilespmem:v29+s26+$0x0] =	vst.idx.msk $0xffff, v19;
	v19 =	vld [tilespmem:$0x1F250]  }
0x323: {  	v31 =	vor.u32 s13, v31  }
0x324: {  	v32 =	vor.u32 s13, v32;
	[tilespmem:v30+s26+$0x0] =	vst.idx.msk $0xffff, v21;
	v21 =	vld [tilespmem:$0x1F260]  }
0x325: {  	v28 =	vld [tilespmem:$0x1F2F0];
	v24 =	vor.u32 s13, v24  }
0x326: {  	v29 =	vld [tilespmem:$0x1F300]  }
0x327: {  	v30 =	vld [tilespmem:$0x1F310];
	v19 =	vor.u32 s13, v19  }
0x328: {  	[tilespmem:v31+s26+$0x0] =	vst.idx.msk $0xffff, v22;
	v22 =	vld [tilespmem:$0x1F270]  }
0x329: {  	[tilespmem:v32+s26+$0x0] =	vst.idx.msk $0xffff, v23;
	v23 =	vld [tilespmem:$0x1F280];
	v21 =	vor.u32 s13, v21  }
0x32a: {  	[tilespmem:v24+s26+$0x0] =	vst.idx.msk $0xffff, v25;
	v24 =	vld [tilespmem:$0x1F290]  }
0x32b: {  	v25 =	vld [tilespmem:$0x1F2C0]  }
0x32c: {  	[tilespmem:v19+s26+$0x0] =	vst.idx.msk $0xffff, v26;
	v19 =	vld [tilespmem:$0x1F2A0]  }
0x32d: {  	v22 =	vor.u32 v22, v50;
	v26 =	vld [tilespmem:$0x1F2D0]  }
0x32e: {  	v23 =	vor.u32 v23, v50;
	[tilespmem:v21+s26+$0x0] =	vst.idx.msk $0xffff, v27;
	v21 =	vld [tilespmem:$0x1F2B0]  }
0x32f: {  	v27 =	vld [tilespmem:$0x1F2E0];
	v24 =	vor.u32 v24, v50  }
0x330: {  	v31 =	vld [tilespmem:$0x1F320];
	v25 =	vor.u32 v25, v50  }
0x331: {  	v32 =	vld [tilespmem:$0x1F330];
	v19 =	vor.u32 v19, v50  }
0x332: {  	v22 =	vld.idx.msk [tilespmem:v22+s18+$0x0], $0xffff;
	v26 =	vor.u32 v26, v50  }
0x333: {  	v23 =	vld.idx.msk [tilespmem:v23+s18+$0x0], $0xffff;
	v21 =	vor.u32 v21, v50  }
0x334: {  	v27 =	vor.u32 v27, v50;
	v24 =	vld.idx.msk [tilespmem:v24+s18+$0x0], $0xffff  }
0x335: {  	v28 =	vor.u32 s13, v28;
	v25 =	vld.idx.msk [tilespmem:v25+s18+$0x0], $0xffff  }
0x336: {  	v19 =	vld.idx.msk [tilespmem:v19+s18+$0x0], $0xffff  }
0x337: {  	v29 =	vor.u32 s13, v29;
	v26 =	vld.idx.msk [tilespmem:v26+s18+$0x0], $0xffff  }
0x338: {  	v21 =	vld.idx.msk [tilespmem:v21+s18+$0x0], $0xffff  }
0x339: {  	v30 =	vor.u32 s13, v30;
	v27 =	vld.idx.msk [tilespmem:v27+s18+$0x0], $0xffff  }
0x33a: {  	[tilespmem:v28+s26+$0x0] =	vst.idx.msk $0xffff, v22;
	v22 =	vld [tilespmem:$0x1F340];
	_ =	sdelay $0x1  }
0x33b: {  	[tilespmem:v29+s26+$0x0] =	vst.idx.msk $0xffff, v23;
	v23 =	vld [tilespmem:$0x1F350]  }
0x33c: {  	v31 =	vor.u32 s13, v31  }
0x33d: {  	v32 =	vor.u32 s13, v32;
	[tilespmem:v30+s26+$0x0] =	vst.idx.msk $0xffff, v24;
	v24 =	vld [tilespmem:$0x1F360]  }
0x33e: {  	v28 =	vld [tilespmem:$0x1F3F0];
	v22 =	vor.u32 s13, v22  }
0x33f: {  	v29 =	vld [tilespmem:$0x1F400]  }
0x340: {  	v30 =	vld [tilespmem:$0x1F410];
	v23 =	vor.u32 s13, v23  }
0x341: {  	[tilespmem:v31+s26+$0x0] =	vst.idx.msk $0xffff, v19;
	v19 =	vld [tilespmem:$0x1F370]  }
0x342: {  	[tilespmem:v32+s26+$0x0] =	vst.idx.msk $0xffff, v21;
	v21 =	vld [tilespmem:$0x1F380];
	v24 =	vor.u32 s13, v24  }
0x343: {  	[tilespmem:v22+s26+$0x0] =	vst.idx.msk $0xffff, v25;
	v22 =	vld [tilespmem:$0x1F390]  }
0x344: {  	v25 =	vld [tilespmem:$0x1F3C0]  }
0x345: {  	[tilespmem:v23+s26+$0x0] =	vst.idx.msk $0xffff, v26;
	v23 =	vld [tilespmem:$0x1F3A0]  }
0x346: {  	v19 =	vor.u32 v19, v50;
	v26 =	vld [tilespmem:$0x1F3D0]  }
0x347: {  	v21 =	vor.u32 v21, v50;
	[tilespmem:v24+s26+$0x0] =	vst.idx.msk $0xffff, v27;
	v24 =	vld [tilespmem:$0x1F3B0]  }
0x348: {  	v27 =	vld [tilespmem:$0x1F3E0];
	v22 =	vor.u32 v22, v50  }
0x349: {  	v31 =	vld [tilespmem:$0x1F420];
	v25 =	vor.u32 v25, v50  }
0x34a: {  	v32 =	vld [tilespmem:$0x1F430];
	v23 =	vor.u32 v23, v50  }
0x34b: {  	v19 =	vld.idx.msk [tilespmem:v19+s18+$0x0], $0xffff;
	v26 =	vor.u32 v26, v50  }
0x34c: {  	v21 =	vld.idx.msk [tilespmem:v21+s18+$0x0], $0xffff;
	v24 =	vor.u32 v24, v50  }
0x34d: {  	v27 =	vor.u32 v27, v50;
	v22 =	vld.idx.msk [tilespmem:v22+s18+$0x0], $0xffff  }
0x34e: {  	v28 =	vor.u32 s13, v28;
	v25 =	vld.idx.msk [tilespmem:v25+s18+$0x0], $0xffff  }
0x34f: {  	v23 =	vld.idx.msk [tilespmem:v23+s18+$0x0], $0xffff  }
0x350: {  	v29 =	vor.u32 s13, v29;
	v26 =	vld.idx.msk [tilespmem:v26+s18+$0x0], $0xffff  }
0x351: {  	v24 =	vld.idx.msk [tilespmem:v24+s18+$0x0], $0xffff  }
0x352: {  	v30 =	vor.u32 s13, v30;
	v27 =	vld.idx.msk [tilespmem:v27+s18+$0x0], $0xffff  }
0x353: {  	[tilespmem:v28+s26+$0x0] =	vst.idx.msk $0xffff, v19;
	v19 =	vld [tilespmem:$0x1F440];
	_ =	sdelay $0x1  }
0x354: {  	[tilespmem:v29+s26+$0x0] =	vst.idx.msk $0xffff, v21;
	v21 =	vld [tilespmem:$0x1F450]  }
0x355: {  	v31 =	vor.u32 s13, v31  }
0x356: {  	v32 =	vor.u32 s13, v32;
	[tilespmem:v30+s26+$0x0] =	vst.idx.msk $0xffff, v22;
	v22 =	vld [tilespmem:$0x1F460]  }
0x357: {  	v28 =	vld [tilespmem:$0x1F4F0];
	v19 =	vor.u32 s13, v19  }
0x358: {  	v29 =	vld [tilespmem:$0x1F500]  }
0x359: {  	v30 =	vld [tilespmem:$0x1F510];
	v21 =	vor.u32 s13, v21  }
0x35a: {  	[tilespmem:v31+s26+$0x0] =	vst.idx.msk $0xffff, v23;
	v23 =	vld [tilespmem:$0x1F470]  }
0x35b: {  	[tilespmem:v32+s26+$0x0] =	vst.idx.msk $0xffff, v24;
	v24 =	vld [tilespmem:$0x1F480];
	v22 =	vor.u32 s13, v22  }
0x35c: {  	[tilespmem:v19+s26+$0x0] =	vst.idx.msk $0xffff, v25;
	v19 =	vld [tilespmem:$0x1F490]  }
0x35d: {  	v25 =	vld [tilespmem:$0x1F4C0]  }
0x35e: {  	[tilespmem:v21+s26+$0x0] =	vst.idx.msk $0xffff, v26;
	v21 =	vld [tilespmem:$0x1F4A0]  }
0x35f: {  	v23 =	vor.u32 v23, v50;
	v26 =	vld [tilespmem:$0x1F4D0]  }
0x360: {  	v24 =	vor.u32 v24, v50;
	[tilespmem:v22+s26+$0x0] =	vst.idx.msk $0xffff, v27;
	v22 =	vld [tilespmem:$0x1F4B0]  }
0x361: {  	v27 =	vld [tilespmem:$0x1F4E0];
	v19 =	vor.u32 v19, v50  }
0x362: {  	v31 =	vld [tilespmem:$0x1F520];
	v25 =	vor.u32 v25, v50  }
0x363: {  	v32 =	vld [tilespmem:$0x1F530];
	v21 =	vor.u32 v21, v50  }
0x364: {  	v23 =	vld.idx.msk [tilespmem:v23+s18+$0x0], $0xffff;
	v26 =	vor.u32 v26, v50  }
0x365: {  	v24 =	vld.idx.msk [tilespmem:v24+s18+$0x0], $0xffff;
	v22 =	vor.u32 v22, v50  }
0x366: {  	v27 =	vor.u32 v27, v50;
	v19 =	vld.idx.msk [tilespmem:v19+s18+$0x0], $0xffff  }
0x367: {  	v28 =	vor.u32 s13, v28;
	v25 =	vld.idx.msk [tilespmem:v25+s18+$0x0], $0xffff  }
0x368: {  	v21 =	vld.idx.msk [tilespmem:v21+s18+$0x0], $0xffff  }
0x369: {  	v29 =	vor.u32 s13, v29;
	v26 =	vld.idx.msk [tilespmem:v26+s18+$0x0], $0xffff  }
0x36a: {  	v22 =	vld.idx.msk [tilespmem:v22+s18+$0x0], $0xffff  }
0x36b: {  	v30 =	vor.u32 s13, v30;
	v27 =	vld.idx.msk [tilespmem:v27+s18+$0x0], $0xffff  }
0x36c: {  	[tilespmem:v28+s26+$0x0] =	vst.idx.msk $0xffff, v23;
	v23 =	vld [tilespmem:$0x1F540];
	_ =	sdelay $0x1  }
0x36d: {  	[tilespmem:v29+s26+$0x0] =	vst.idx.msk $0xffff, v24;
	v24 =	vld [tilespmem:$0x1F550]  }
0x36e: {  	v31 =	vor.u32 s13, v31  }
0x36f: {  	v32 =	vor.u32 s13, v32;
	[tilespmem:v30+s26+$0x0] =	vst.idx.msk $0xffff, v19;
	v19 =	vld [tilespmem:$0x1F560]  }
0x370: {  	v28 =	vld [tilespmem:$0x1F5F0];
	v23 =	vor.u32 s13, v23  }
0x371: {  	v29 =	vld [tilespmem:$0x1F600]  }
0x372: {  	v30 =	vld [tilespmem:$0x1F610];
	v24 =	vor.u32 s13, v24  }
0x373: {  	[tilespmem:v31+s26+$0x0] =	vst.idx.msk $0xffff, v21;
	v21 =	vld [tilespmem:$0x1F570]  }
0x374: {  	[tilespmem:v32+s26+$0x0] =	vst.idx.msk $0xffff, v22;
	v22 =	vld [tilespmem:$0x1F580];
	v19 =	vor.u32 s13, v19  }
0x375: {  	[tilespmem:v23+s26+$0x0] =	vst.idx.msk $0xffff, v25;
	v23 =	vld [tilespmem:$0x1F590]  }
0x376: {  	v25 =	vld [tilespmem:$0x1F5C0]  }
0x377: {  	[tilespmem:v24+s26+$0x0] =	vst.idx.msk $0xffff, v26;
	v24 =	vld [tilespmem:$0x1F5A0]  }
0x378: {  	v21 =	vor.u32 v21, v50;
	v26 =	vld [tilespmem:$0x1F5D0]  }
0x379: {  	v22 =	vor.u32 v22, v50;
	[tilespmem:v19+s26+$0x0] =	vst.idx.msk $0xffff, v27;
	v19 =	vld [tilespmem:$0x1F5B0]  }
0x37a: {  	v27 =	vld [tilespmem:$0x1F5E0];
	v23 =	vor.u32 v23, v50  }
0x37b: {  	v31 =	vld [tilespmem:$0x1F620];
	v25 =	vor.u32 v25, v50  }
0x37c: {  	v32 =	vld [tilespmem:$0x1F630];
	v24 =	vor.u32 v24, v50  }
0x37d: {  	v21 =	vld.idx.msk [tilespmem:v21+s18+$0x0], $0xffff;
	v26 =	vor.u32 v26, v50  }
0x37e: {  	v22 =	vld.idx.msk [tilespmem:v22+s18+$0x0], $0xffff;
	v19 =	vor.u32 v19, v50  }
0x37f: {  	v27 =	vor.u32 v27, v50;
	v23 =	vld.idx.msk [tilespmem:v23+s18+$0x0], $0xffff  }
0x380: {  	v28 =	vor.u32 s13, v28;
	v25 =	vld.idx.msk [tilespmem:v25+s18+$0x0], $0xffff  }
0x381: {  	v24 =	vld.idx.msk [tilespmem:v24+s18+$0x0], $0xffff  }
0x382: {  	v29 =	vor.u32 s13, v29;
	v26 =	vld.idx.msk [tilespmem:v26+s18+$0x0], $0xffff  }
0x383: {  	v19 =	vld.idx.msk [tilespmem:v19+s18+$0x0], $0xffff  }
0x384: {  	v30 =	vor.u32 s13, v30;
	v27 =	vld.idx.msk [tilespmem:v27+s18+$0x0], $0xffff  }
0x385: {  	[tilespmem:v28+s26+$0x0] =	vst.idx.msk $0xffff, v21;
	v21 =	vld [tilespmem:$0x1F640];
	_ =	sdelay $0x1  }
0x386: {  	[tilespmem:v29+s26+$0x0] =	vst.idx.msk $0xffff, v22;
	v22 =	vld [tilespmem:$0x1F650]  }
0x387: {  	v31 =	vor.u32 s13, v31  }
0x388: {  	v32 =	vor.u32 s13, v32;
	[tilespmem:v30+s26+$0x0] =	vst.idx.msk $0xffff, v23;
	v23 =	vld [tilespmem:$0x1F660]  }
0x389: {  	v28 =	vld [tilespmem:$0x1F6F0];
	v21 =	vor.u32 s13, v21  }
0x38a: {  	v29 =	vld [tilespmem:$0x1F700]  }
0x38b: {  	v30 =	vld [tilespmem:$0x1F710];
	v22 =	vor.u32 s13, v22  }
0x38c: {  	[tilespmem:v31+s26+$0x0] =	vst.idx.msk $0xffff, v24;
	v24 =	vld [tilespmem:$0x1F670]  }
0x38d: {  	[tilespmem:v32+s26+$0x0] =	vst.idx.msk $0xffff, v19;
	v19 =	vld [tilespmem:$0x1F680];
	v23 =	vor.u32 s13, v23  }
0x38e: {  	[tilespmem:v21+s26+$0x0] =	vst.idx.msk $0xffff, v25;
	v21 =	vld [tilespmem:$0x1F690]  }
0x38f: {  	v25 =	vld [tilespmem:$0x1F6C0]  }
0x390: {  	[tilespmem:v22+s26+$0x0] =	vst.idx.msk $0xffff, v26;
	v22 =	vld [tilespmem:$0x1F6A0]  }
0x391: {  	v24 =	vor.u32 v24, v50;
	v26 =	vld [tilespmem:$0x1F6D0]  }
0x392: {  	v19 =	vor.u32 v19, v50;
	[tilespmem:v23+s26+$0x0] =	vst.idx.msk $0xffff, v27;
	v23 =	vld [tilespmem:$0x1F6B0]  }
0x393: {  	v27 =	vld [tilespmem:$0x1F6E0];
	v21 =	vor.u32 v21, v50  }
0x394: {  	v31 =	vld [tilespmem:$0x1F720];
	v25 =	vor.u32 v25, v50  }
0x395: {  	v32 =	vld [tilespmem:$0x1F730];
	v22 =	vor.u32 v22, v50  }
0x396: {  	v24 =	vld.idx.msk [tilespmem:v24+s18+$0x0], $0xffff;
	v26 =	vor.u32 v26, v50  }
0x397: {  	v19 =	vld.idx.msk [tilespmem:v19+s18+$0x0], $0xffff;
	v23 =	vor.u32 v23, v50  }
0x398: {  	v27 =	vor.u32 v27, v50;
	v21 =	vld.idx.msk [tilespmem:v21+s18+$0x0], $0xffff  }
0x399: {  	v28 =	vor.u32 s13, v28;
	v25 =	vld.idx.msk [tilespmem:v25+s18+$0x0], $0xffff  }
0x39a: {  	v22 =	vld.idx.msk [tilespmem:v22+s18+$0x0], $0xffff  }
0x39b: {  	v29 =	vor.u32 s13, v29;
	v26 =	vld.idx.msk [tilespmem:v26+s18+$0x0], $0xffff  }
0x39c: {  	v23 =	vld.idx.msk [tilespmem:v23+s18+$0x0], $0xffff  }
0x39d: {  	v30 =	vor.u32 s13, v30;
	v27 =	vld.idx.msk [tilespmem:v27+s18+$0x0], $0xffff  }
0x39e: {  	[tilespmem:v28+s26+$0x0] =	vst.idx.msk $0xffff, v24;
	v24 =	vld [tilespmem:$0x1F740];
	_ =	sdelay $0x1  }
0x39f: {  	[tilespmem:v29+s26+$0x0] =	vst.idx.msk $0xffff, v19;
	v19 =	vld [tilespmem:$0x1F750]  }
0x3a0: {  	v31 =	vor.u32 s13, v31  }
0x3a1: {  	v32 =	vor.u32 s13, v32;
	[tilespmem:v30+s26+$0x0] =	vst.idx.msk $0xffff, v21;
	v21 =	vld [tilespmem:$0x1F760]  }
0x3a2: {  	v28 =	vld [tilespmem:$0x1F7F0];
	v24 =	vor.u32 s13, v24  }
0x3a3: {  	v29 =	vld [tilespmem:$0x1F800]  }
0x3a4: {  	v30 =	vld [tilespmem:$0x1F810];
	v19 =	vor.u32 s13, v19  }
0x3a5: {  	[tilespmem:v31+s26+$0x0] =	vst.idx.msk $0xffff, v22;
	v22 =	vld [tilespmem:$0x1F770]  }
0x3a6: {  	[tilespmem:v32+s26+$0x0] =	vst.idx.msk $0xffff, v23;
	v23 =	vld [tilespmem:$0x1F780];
	v21 =	vor.u32 s13, v21  }
0x3a7: {  	[tilespmem:v24+s26+$0x0] =	vst.idx.msk $0xffff, v25;
	v24 =	vld [tilespmem:$0x1F790]  }
0x3a8: {  	v25 =	vld [tilespmem:$0x1F7C0]  }
0x3a9: {  	[tilespmem:v19+s26+$0x0] =	vst.idx.msk $0xffff, v26;
	v19 =	vld [tilespmem:$0x1F7A0]  }
0x3aa: {  	v22 =	vor.u32 v22, v50;
	v26 =	vld [tilespmem:$0x1F7D0]  }
0x3ab: {  	v23 =	vor.u32 v23, v50;
	[tilespmem:v21+s26+$0x0] =	vst.idx.msk $0xffff, v27;
	v21 =	vld [tilespmem:$0x1F7B0]  }
0x3ac: {  	v27 =	vld [tilespmem:$0x1F7E0];
	v24 =	vor.u32 v24, v50  }
0x3ad: {  	v31 =	vld [tilespmem:$0x1F820];
	v25 =	vor.u32 v25, v50  }
0x3ae: {  	v32 =	vld [tilespmem:$0x1F830];
	v19 =	vor.u32 v19, v50  }
0x3af: {  	v22 =	vld.idx.msk [tilespmem:v22+s18+$0x0], $0xffff;
	v26 =	vor.u32 v26, v50  }
0x3b0: {  	v23 =	vld.idx.msk [tilespmem:v23+s18+$0x0], $0xffff;
	v21 =	vor.u32 v21, v50  }
0x3b1: {  	v27 =	vor.u32 v27, v50;
	v24 =	vld.idx.msk [tilespmem:v24+s18+$0x0], $0xffff  }
0x3b2: {  	v28 =	vor.u32 s13, v28;
	v25 =	vld.idx.msk [tilespmem:v25+s18+$0x0], $0xffff  }
0x3b3: {  	v19 =	vld.idx.msk [tilespmem:v19+s18+$0x0], $0xffff  }
0x3b4: {  	v29 =	vor.u32 s13, v29;
	v26 =	vld.idx.msk [tilespmem:v26+s18+$0x0], $0xffff  }
0x3b5: {  	v21 =	vld.idx.msk [tilespmem:v21+s18+$0x0], $0xffff  }
0x3b6: {  	v30 =	vor.u32 s13, v30;
	v27 =	vld.idx.msk [tilespmem:v27+s18+$0x0], $0xffff  }
0x3b7: {  	[tilespmem:v28+s26+$0x0] =	vst.idx.msk $0xffff, v22;
	v22 =	vld [tilespmem:$0x1F840];
	_ =	sdelay $0x1  }
0x3b8: {  	[tilespmem:v29+s26+$0x0] =	vst.idx.msk $0xffff, v23;
	v23 =	vld [tilespmem:$0x1F850]  }
0x3b9: {  	v31 =	vor.u32 s13, v31  }
0x3ba: {  	v32 =	vor.u32 s13, v32;
	[tilespmem:v30+s26+$0x0] =	vst.idx.msk $0xffff, v24;
	v24 =	vld [tilespmem:$0x1F860]  }
0x3bb: {  	v28 =	vld [tilespmem:$0x1F8F0];
	v22 =	vor.u32 s13, v22  }
0x3bc: {  	v29 =	vld [tilespmem:$0x1F900]  }
0x3bd: {  	v30 =	vld [tilespmem:$0x1F910];
	v23 =	vor.u32 s13, v23  }
0x3be: {  	[tilespmem:v31+s26+$0x0] =	vst.idx.msk $0xffff, v19;
	v19 =	vld [tilespmem:$0x1F870]  }
0x3bf: {  	[tilespmem:v32+s26+$0x0] =	vst.idx.msk $0xffff, v21;
	v21 =	vld [tilespmem:$0x1F880];
	v24 =	vor.u32 s13, v24  }
0x3c0: {  	[tilespmem:v22+s26+$0x0] =	vst.idx.msk $0xffff, v25;
	v22 =	vld [tilespmem:$0x1F890]  }
0x3c1: {  	v25 =	vld [tilespmem:$0x1F8C0]  }
0x3c2: {  	[tilespmem:v23+s26+$0x0] =	vst.idx.msk $0xffff, v26;
	v23 =	vld [tilespmem:$0x1F8A0]  }
0x3c3: {  	v19 =	vor.u32 v19, v50;
	v26 =	vld [tilespmem:$0x1F8D0]  }
0x3c4: {  	v21 =	vor.u32 v21, v50;
	[tilespmem:v24+s26+$0x0] =	vst.idx.msk $0xffff, v27;
	v24 =	vld [tilespmem:$0x1F8B0]  }
0x3c5: {  	v27 =	vld [tilespmem:$0x1F8E0];
	v22 =	vor.u32 v22, v50  }
0x3c6: {  	v31 =	vld [tilespmem:$0x1F920];
	v25 =	vor.u32 v25, v50  }
0x3c7: {  	v32 =	vld [tilespmem:$0x1F930];
	v23 =	vor.u32 v23, v50  }
0x3c8: {  	v19 =	vld.idx.msk [tilespmem:v19+s18+$0x0], $0xffff;
	v26 =	vor.u32 v26, v50  }
0x3c9: {  	v21 =	vld.idx.msk [tilespmem:v21+s18+$0x0], $0xffff;
	v24 =	vor.u32 v24, v50  }
0x3ca: {  	v27 =	vor.u32 v27, v50;
	v22 =	vld.idx.msk [tilespmem:v22+s18+$0x0], $0xffff  }
0x3cb: {  	v28 =	vor.u32 s13, v28;
	v25 =	vld.idx.msk [tilespmem:v25+s18+$0x0], $0xffff  }
0x3cc: {  	v23 =	vld.idx.msk [tilespmem:v23+s18+$0x0], $0xffff  }
0x3cd: {  	v29 =	vor.u32 s13, v29;
	v26 =	vld.idx.msk [tilespmem:v26+s18+$0x0], $0xffff  }
0x3ce: {  	v24 =	vld.idx.msk [tilespmem:v24+s18+$0x0], $0xffff  }
0x3cf: {  	v30 =	vor.u32 s13, v30;
	v27 =	vld.idx.msk [tilespmem:v27+s18+$0x0], $0xffff  }
0x3d0: {  	[tilespmem:v28+s26+$0x0] =	vst.idx.msk $0xffff, v19;
	v19 =	vld [tilespmem:$0x1F940];
	_ =	sdelay $0x1  }
0x3d1: {  	[tilespmem:v29+s26+$0x0] =	vst.idx.msk $0xffff, v21;
	v21 =	vld [tilespmem:$0x1F950]  }
0x3d2: {  	v31 =	vor.u32 s13, v31  }
0x3d3: {  	v32 =	vor.u32 s13, v32;
	[tilespmem:v30+s26+$0x0] =	vst.idx.msk $0xffff, v22;
	v22 =	vld [tilespmem:$0x1F960]  }
0x3d4: {  	v28 =	vld [tilespmem:$0x1F9F0];
	v19 =	vor.u32 s13, v19  }
0x3d5: {  	v29 =	vld [tilespmem:$0x1FA00]  }
0x3d6: {  	v30 =	vld [tilespmem:$0x1FA10];
	v21 =	vor.u32 s13, v21  }
0x3d7: {  	[tilespmem:v31+s26+$0x0] =	vst.idx.msk $0xffff, v23;
	v23 =	vld [tilespmem:$0x1F970]  }
0x3d8: {  	[tilespmem:v32+s26+$0x0] =	vst.idx.msk $0xffff, v24;
	v24 =	vld [tilespmem:$0x1F980];
	v22 =	vor.u32 s13, v22  }
0x3d9: {  	[tilespmem:v19+s26+$0x0] =	vst.idx.msk $0xffff, v25;
	v19 =	vld [tilespmem:$0x1F990]  }
0x3da: {  	v25 =	vld [tilespmem:$0x1F9C0]  }
0x3db: {  	[tilespmem:v21+s26+$0x0] =	vst.idx.msk $0xffff, v26;
	v21 =	vld [tilespmem:$0x1F9A0]  }
0x3dc: {  	v23 =	vor.u32 v23, v50;
	v26 =	vld [tilespmem:$0x1F9D0]  }
0x3dd: {  	v24 =	vor.u32 v24, v50;
	[tilespmem:v22+s26+$0x0] =	vst.idx.msk $0xffff, v27;
	v22 =	vld [tilespmem:$0x1F9B0]  }
0x3de: {  	v27 =	vld [tilespmem:$0x1F9E0];
	v19 =	vor.u32 v19, v50  }
0x3df: {  	v31 =	vld [tilespmem:$0x1FA20];
	v25 =	vor.u32 v25, v50  }
0x3e0: {  	v32 =	vld [tilespmem:$0x1FA30];
	v21 =	vor.u32 v21, v50  }
0x3e1: {  	v23 =	vld.idx.msk [tilespmem:v23+s18+$0x0], $0xffff;
	v26 =	vor.u32 v26, v50  }
0x3e2: {  	v24 =	vld.idx.msk [tilespmem:v24+s18+$0x0], $0xffff;
	v22 =	vor.u32 v22, v50  }
0x3e3: {  	v27 =	vor.u32 v27, v50;
	v19 =	vld.idx.msk [tilespmem:v19+s18+$0x0], $0xffff  }
0x3e4: {  	v28 =	vor.u32 s13, v28;
	v25 =	vld.idx.msk [tilespmem:v25+s18+$0x0], $0xffff  }
0x3e5: {  	v21 =	vld.idx.msk [tilespmem:v21+s18+$0x0], $0xffff  }
0x3e6: {  	v26 =	vld.idx.msk [tilespmem:v26+s18+$0x0], $0xffff  }
0x3e7: {  	v22 =	vld.idx.msk [tilespmem:v22+s18+$0x0], $0xffff  }
0x3e8: {  	v29 =	vor.u32 s13, v29;
	v27 =	vld.idx.msk [tilespmem:v27+s18+$0x0], $0xffff  }
0x3e9: {  	v30 =	vor.u32 s13, v30;
	[tilespmem:v28+s26+$0x0] =	vst.idx.msk $0xffff, v23;
	v23 =	vld [tilespmem:$0x1FA40]  }
0x3ea: {  	v31 =	vor.u32 s13, v31  }
0x3eb: {  	v32 =	vor.u32 s13, v32;
	_ =	sdelay $0x1  }
0x3ec: {  	[tilespmem:v29+s26+$0x0] =	vst.idx.msk $0xffff, v24;
	v24 =	vld [tilespmem:$0x1FA50]  }
0x3ed: {  	[tilespmem:v30+s26+$0x0] =	vst.idx.msk $0xffff, v19;
	v19 =	vld [tilespmem:$0x1FA60];
	v23 =	vor.u32 s13, v23  }
0x3ee: {  	[tilespmem:v31+s26+$0x0] =	vst.idx.msk $0xffff, v21;
	v21 =	vld [tilespmem:$0x1FA70]  }
0x3ef: {  	[tilespmem:v32+s26+$0x0] =	vst.idx.msk $0xffff, v22;
	v22 =	vld [tilespmem:$0x1FA80];
	_ =	sdelay $0x1  }
0x3f0: {  	v24 =	vor.u32 s13, v24  }
0x3f1: {  	v19 =	vor.u32 s13, v19;
	[tilespmem:v23+s26+$0x0] =	vst.idx.msk $0xffff, v25;
	v23 =	vld [tilespmem:$0x1FA90]  }
0x3f2: {  	v21 =	vor.u32 v21, v50  }
0x3f3: {  	v22 =	vor.u32 v22, v50  }
0x3f4: {  	v25 =	vor.u32 v42, v50  }
0x3f5: {  	[tilespmem:v24+s26+$0x0] =	vst.idx.msk $0xffff, v26;
	v24 =	vor.u32 v40, v50  }
0x3f6: {  	[tilespmem:v19+s26+$0x0] =	vst.idx.msk $0xffff, v27;
	v23 =	vor.u32 v23, v50  }
0x3f7: {  	v26 =	vor.u32 v43, v50;
	v21 =	vld.idx.msk [tilespmem:v21+s18+$0x0], $0xffff  }
0x3f8: {  	v19 =	vor.u32 v41, v50;
	v22 =	vld.idx.msk [tilespmem:v22+s18+$0x0], $0xffff  }
0x3f9: {  	v28 =	vor.u32 s13, v47;
	v27 =	vor.u32 v44, v50;
	v25 =	vld.idx.msk [tilespmem:v25+s18+$0x0], $0xffff  }
0x3fa: {  	v29 =	vor.u32 s13, v49;
	v24 =	vld.idx.msk [tilespmem:v24+s18+$0x0], $0xffff  }
0x3fb: {  	v30 =	vor.u32 s13, v51;
	v23 =	vld.idx.msk [tilespmem:v23+s18+$0x0], $0xffff  }
0x3fc: {  	v31 =	vor.u32 s13, v55;
	v26 =	vld.idx.msk [tilespmem:v26+s18+$0x0], $0xffff  }
0x3fd: {  	v32 =	vor.u32 s13, v56;
	v19 =	vld.idx.msk [tilespmem:v19+s18+$0x0], $0xffff  }
0x3fe: {  	v27 =	vld.idx.msk [tilespmem:v27+s18+$0x0], $0xffff;
	[tilespmem:v28+s26+$0x0] =	vst.idx.msk $0xffff, v21;
	v21 =	vor.u32 s13, v8  }
0x3ff: {  	[tilespmem:v29+s26+$0x0] =	vst.idx.msk $0xffff, v22;
	v22 =	vor.u32 s13, v9  }
0x400: {  	[tilespmem:v30+s26+$0x0] =	vst.idx.msk $0xffff, v23;
	v23 =	vor.u32 s13, v10  }
0x401: {  	[tilespmem:v31+s26+$0x0] =	vst.idx.msk $0xffff, v24;
	v24 =	vor.u32 v11, v50  }
0x402: {  	[tilespmem:v32+s26+$0x0] =	vst.idx.msk $0xffff, v19;
	v19 =	vor.u32 v0, v50  }
0x403: {  	[tilespmem:v21+s26+$0x0] =	vst.idx.msk $0xffff, v25;
	v21 =	vor.u32 v1, v50  }
0x404: {  	v25 =	vor.u32 v45, v50;
	[tilespmem:v22+s26+$0x0] =	vst.idx.msk $0xffff, v26  }
0x405: {  	v22 =	vor.u32 v2, v50;
	[tilespmem:v23+s26+$0x0] =	vst.idx.msk $0xffff, v27  }
0x406: {  	v26 =	vor.u32 v46, v50;
	v24 =	vld.idx.msk [tilespmem:v24+s18+$0x0], $0xffff  }
0x407: {  	v23 =	vor.u32 v3, v50;
	v19 =	vld.idx.msk [tilespmem:v19+s18+$0x0], $0xffff  }
0x408: {  	v28 =	vor.u32 s13, v52;
	v27 =	vor.u32 v48, v50;
	v21 =	vld.idx.msk [tilespmem:v21+s18+$0x0], $0xffff  }
0x409: {  	v29 =	vor.u32 s13, v53;
	v25 =	vld.idx.msk [tilespmem:v25+s18+$0x0], $0xffff  }
0x40a: {  	v30 =	vor.u32 s13, v54;
	v22 =	vld.idx.msk [tilespmem:v22+s18+$0x0], $0xffff  }
0x40b: {  	v31 =	vor.u32 s13, v57;
	v26 =	vld.idx.msk [tilespmem:v26+s18+$0x0], $0xffff  }
0x40c: {  	v32 =	vor.u32 s13, v58;
	v23 =	vld.idx.msk [tilespmem:v23+s18+$0x0], $0xffff  }
0x40d: {  	v27 =	vld.idx.msk [tilespmem:v27+s18+$0x0], $0xffff;
	[tilespmem:v28+s26+$0x0] =	vst.idx.msk $0xffff, v24;
	v24 =	vor.u32 s13, v59  }
0x40e: {  	[tilespmem:v29+s26+$0x0] =	vst.idx.msk $0xffff, v19;
	v19 =	vor.u32 s13, v60  }
0x40f: {  	[tilespmem:v30+s26+$0x0] =	vst.idx.msk $0xffff, v21;
	v21 =	vor.u32 s13, v61  }
0x410: {  	[tilespmem:v31+s26+$0x0] =	vst.idx.msk $0xffff, v22  }
0x411: {  	[tilespmem:v32+s26+$0x0] =	vst.idx.msk $0xffff, v23  }
0x412: {  	v29 =	vld [tilespmem:$0x1FBA0];
	v22 =	vor.u32 v62, v50;
	[tilespmem:v24+s26+$0x0] =	vst.idx.msk $0xffff, v25  }
0x413: {  	v30 =	vld [tilespmem:$0x1FBB0];
	v23 =	vor.u32 v63, v50;
	[tilespmem:v19+s26+$0x0] =	vst.idx.msk $0xffff, v26  }
0x414: {  	v24 =	vor.u32 v4, v50;
	[tilespmem:v21+s26+$0x0] =	vst.idx.msk $0xffff, v27;
	v21 =	vld [tilespmem:$0x1FD40]  }
0x415: {  	v31 =	vld [tilespmem:$0x1FBC0];
	v25 =	vor.u32 v6, v50  }
0x416: {  	v32 =	vld [tilespmem:$0x1FBD0];
	v19 =	vor.u32 v5, v50  }
0x417: {  	v26 =	vor.u32 v7, v50;
	v22 =	vld.idx.msk [tilespmem:v22+s18+$0x0], $0xffff  }
0x418: {  	v27 =	vor.u32 v13, v50;
	v23 =	vld.idx.msk [tilespmem:v23+s18+$0x0], $0xffff  }
0x419: {  	v24 =	vld.idx.msk [tilespmem:v24+s18+$0x0], $0xffff;
	v21 =	vor.u32 v21, v50  }
0x41a: {  	v28 =	vor.u32 s13, v14;
	v25 =	vld.idx.msk [tilespmem:v25+s18+$0x0], $0xffff  }
0x41b: {  	v29 =	vor.u32 s13, v29;
	v19 =	vld.idx.msk [tilespmem:v19+s18+$0x0], $0xffff  }
0x41c: {  	v30 =	vor.u32 s13, v30;
	v26 =	vld.idx.msk [tilespmem:v26+s18+$0x0], $0xffff  }
0x41d: {  	v27 =	vld.idx.msk [tilespmem:v27+s18+$0x0], $0xffff  }
0x41e: {  	v21 =	vld.idx.msk [tilespmem:v21+s18+$0x0], $0xffff  }
0x41f: {  	[tilespmem:v28+s26+$0x0] =	vst.idx.msk $0xffff, v22;
	v22 =	vld [tilespmem:$0x1FBE0]  }
0x420: {  	[tilespmem:v29+s26+$0x0] =	vst.idx.msk $0xffff, v23;
	v23 =	vld [tilespmem:$0x1FBF0]  }
0x421: {  	[tilespmem:v30+s26+$0x0] =	vst.idx.msk $0xffff, v24;
	v24 =	vld [tilespmem:$0x1FC00]  }
0x422: {  	v31 =	vor.u32 s13, v31  }
0x423: {  	v32 =	vor.u32 s13, v32  }
0x424: {  	v22 =	vor.u32 s13, v22  }
0x425: {  	v23 =	vor.u32 s13, v23  }
0x426: {  	v28 =	vld [tilespmem:$0x1FC10];
	v24 =	vor.u32 s13, v24  }
0x427: {  	v29 =	vld [tilespmem:$0x1FC20];
	[tilespmem:v31+s26+$0x0] =	vst.idx.msk $0xffff, v19  }
0x428: {  	v30 =	vld [tilespmem:$0x1FC30];
	[tilespmem:v32+s26+$0x0] =	vst.idx.msk $0xffff, v21  }
0x429: {  	v19 =	vor.u32 v15, v50;
	[tilespmem:v22+s26+$0x0] =	vst.idx.msk $0xffff, v25;
	v25 =	vld [tilespmem:$0x1FAF0]  }
0x42a: {  	v21 =	vor.u32 v16, v50;
	[tilespmem:v23+s26+$0x0] =	vst.idx.msk $0xffff, v26;
	v26 =	vld [tilespmem:$0x1FB00]  }
0x42b: {  	v22 =	vor.u32 v17, v50;
	[tilespmem:v24+s26+$0x0] =	vst.idx.msk $0xffff, v27;
	v24 =	vld [tilespmem:$0x1FAE0]  }
0x42c: {  	v23 =	vor.u32 v18, v50;
	v27 =	vld [tilespmem:$0x1FFF0]  }
0x42d: {  	v31 =	vld [tilespmem:$0x1FC40]  }
0x42e: {  	v19 =	vld.idx.msk [tilespmem:v19+s18+$0x0], $0xffff;
	v25 =	vor.u32 v25, v50  }
0x42f: {  	v21 =	vld.idx.msk [tilespmem:v21+s18+$0x0], $0xffff;
	v26 =	vor.u32 v26, v50  }
0x430: {  	v22 =	vld.idx.msk [tilespmem:v22+s18+$0x0], $0xffff;
	v24 =	vor.u32 v24, v50  }
0x431: {  	v23 =	vld.idx.msk [tilespmem:v23+s18+$0x0], $0xffff;
	v27 =	vor.u32 v27, v50  }
0x432: {  	v28 =	vor.u32 s13, v28;
	v50 =	vld [tilespmem:$0x1FC50]  }
0x433: {  	v29 =	vor.u32 s13, v29;
	v25 =	vld.idx.msk [tilespmem:v25+s18+$0x0], $0xffff  }
0x434: {  	v30 =	vor.u32 s13, v30;
	v26 =	vld.idx.msk [tilespmem:v26+s18+$0x0], $0xffff  }
0x435: {  	v24 =	vld.idx.msk [tilespmem:v24+s18+$0x0], $0xffff  }
0x436: {  	v27 =	vld.idx.msk [tilespmem:v27+s18+$0x0], $0xffff  }
0x437: {  	[tilespmem:v28+s26+$0x0] =	vst.idx.msk $0xffff, v19;
	v19 =	vld [tilespmem:$0x1FC60]  }
0x438: {  	[tilespmem:v29+s26+$0x0] =	vst.idx.msk $0xffff, v21;
	v21 =	vld [tilespmem:$0x1FC70]  }
0x439: {  	[tilespmem:v30+s26+$0x0] =	vst.idx.msk $0xffff, v22;
	v22 =	vld [tilespmem:$0x1FC80]  }
0x43a: {  	v31 =	vor.u32 s13, v31  }
0x43b: {  	v32 =	vor.u32 s13, v50  }
0x43c: {  	v19 =	vor.u32 s13, v19  }
0x43d: {  	v21 =	vor.u32 s13, v21  }
0x43e: {  	p0 =	sne.s32 s13, $0x70;
	v22 =	vor.u32 s13, v22  }
.Ltmp10:
0x43f: {  	[tilespmem:v31+s26+$0x0] =	vst.idx.msk $0xffff, v23;
	(pc) =	sbr.rel @p0 .LBB2_12-.Ltmp10, $4  }
0x440: {  	[tilespmem:v32+s26+$0x0] =	vst.idx.msk $0xffff, v24  }
0x441: {  	[tilespmem:v19+s26+$0x0] =	vst.idx.msk $0xffff, v25  }
0x442: {  	v28 =	vmov v35;
	v29 =	vmov v36;
	[tilespmem:v21+s26+$0x0] =	vst.idx.msk $0xffff, v26  }
0x443: {  	s20 =	sadd.s32 $0x10, s20;
	v30 =	vmovc v37;
	v31 =	vmovc v38;
	v32 =	vmov v39;
	s13 =	sadd.s32 $0x10, s13;
	v26 =	vmov v33;
	[tilespmem:v22+s26+$0x0] =	vst.idx.msk $0xffff, v27;
	v27 =	vmov v34  }
0x444: {  	p0 =	sgt.s32 s19, $0x1  }
.Ltmp11:
0x445: {  	_ = 	snop;
	(pc) =	sbr.rel @p0 .LBB2_16-.Ltmp11, $1  }
0x446: {  	_ =	sdelay $0x3  }
0x447: {  	p1 =	seq.s32 s19, $0x0  }
0x448: {  	p0 =	seq.s32 @!p1 s19, $0x1  }
0x449: {  	p0 =	por p1, p0  }
.Ltmp12:
0x44a: {  	_ = 	snop;
	(pc) =	sbr.rel @!p0 .LBB2_20-.Ltmp12, $3  }
0x44b: {  	_ =	sdelay $0x1  }
0x44c: {  	v22 =	vimm.s32 $0x1  }
0x44d: {  	v23 =	vimm.s32 $0x9;
	v24 =	vimm.s32 $0x28;
	v25 =	vimm.s32 $0x84  }
.Ltmp13:
0x44e: {  	(pc) =	sbr.rel .LBB2_19-.Ltmp13, $3  }
0x44f: {  	_ =	sdelay $0x1  }
0x450: {  	s13 =	smov.u32 s2;
	s20 =	smov.u32 s3  }
0x451: {  	s13 =	smov.u32 @p1 s0;
	s20 =	smov.u32 @p1 s15  }
.LBB2_16:
0x452: {  	p0 =	seq.s32 s19, $0x2  }
.Ltmp14:
0x453: {  	_ = 	snop;
	(pc) =	sbr.rel @p0 .LBB2_19-.Ltmp14, $3  }
0x454: {  	_ =	sdelay $0x1  }
0x455: {  	v22 =	vimm.s32 $0x1  }
0x456: {  	s13 =	smov.u32 s4;
	s20 =	smov.u32 s5;
	v23 =	vimm.s32 $0x9;
	v24 =	vimm.s32 $0x28;
	v25 =	vimm.s32 $0x84  }
0x457: {  	p0 =	seq.s32 s19, $0x3  }
.Ltmp15:
0x458: {  	_ = 	snop;
	(pc) =	sbr.rel @!p0 .LBB2_20-.Ltmp15, $1  }
0x459: {  	_ =	sdelay $0x3  }
.Ltmp16:
0x45a: {  	(pc) =	sbr.rel .LBB2_19-.Ltmp16, $2  }
0x45b: {  	_ =	sdelay $0x2  }
0x45c: {  	s13 =	smov.u32 s6;
	s20 =	smov.u32 s8  }
.LBB2_22:
0x45d: {  	_ =	sfence.sel $0x180000  }
0x45e: {  	[bflag:$0x0] =	sbarrier.arrive $0xFFFF  }
0x45f: {  	_ =	strace $0x90000047  }
0x460: {  	s0 =	stileid.u32;
	[bflag:$0x2] =	sbarrier.arrive $0xFFFF  }
0x461: {  	p0 =	sne.s32 s0, $0x0;
	s0 =	rddreg [dreg:$0xa]  }
0x462: {  	s0 =	sadd.s32 @!p0 $0x100000, s0  }
0x463: {  	[sflag:s0] =	ssyncadd.tile.s32 @!p0 $0x1;
	_ =	shalt  }
.Lfunc_end2:
_tile_overlayer_lowered:
.L_overlay_start_2:
0x464: {  	(tag) =	ssettag $0x2  }
0x465: {  	s0 =	rddreg [dreg:$0x0];
	s2 =	stileid.u32  }
0x466: {  	s1 =	rddreg [dreg:$0x1];
	p0 =	sne.s32 s2, $0x0  }
0x467: {  	s3 =	rddreg [dreg:$0x2];
	[bflag:$0x3] =	sbarrier.arrive $0xFFFF;
	s2 =	simm.s32 @!p0 $0x1C06  }
0x468: {  	[timem:s3], [sflag:s2] =	dma.local @!p0 [hbm:s0], s1  }
0x469: {  	s0 =	simm.s32 @!p0 $0x6  }
0x46a: {  	_ =	swait.ge @!p0 [sflag:s0], s1  }
0x46b: {  	s1 =	ssub.s32 @!p0 $0x0, s1;
	[sflag:s0] =	ssyncset.done @!p0 $0x0  }
0x46c: {  	[sflag:s0] =	ssyncadd.s32 @!p0 s1  }
0x46d: {  	[bflag:$0x3] =	sbarrier.arrive $0xFFFF  }
0x46e: {  	_ =	shalt  }

</sc_bundles>
